<compile_context>
chip_gen: v7x
topology: tpu7x:2x2x1
jax: 0.10.2.dev20260603
libtpu: 0.0.44.dev20260713+nightly
codegen_flags: <defaults>
</compile_context>

<pallas_src>
import functools

import jax
import jax.numpy as jnp
from jax import lax
from jax.experimental import pallas as pl
from jax.experimental.pallas import tpu as pltpu
from jax.experimental.pallas import tpu_sc as plsc

_DIM = 32
_NC, _NS = 2, 16
_NW = _NC * _NS
_SB = 8
_BB = 128

_mesh = plsc.VectorSubcoreMesh(
    core_axis_name="c", subcore_axis_name="s",
    num_cores=_NC, num_subcores=_NS)


_G = 7
_PER_W = 244
_NG = _PER_W // _G


def _transpose_group(slab_v, rows_v, slab_row0, rows_off0, n_slabs):
  iota = lax.iota(jnp.int32, 16)

  @plsc.parallel_loop(0, n_slabs * 16, unroll=2)
  def _(blk):
    jj = lax.shift_right_logical(blk, 4)
    rem = lax.bitwise_and(blk, 15)
    db = lax.bitwise_and(rem, 1)
    cb16 = lax.shift_right_logical(rem, 1) * 16
    r_vec = iota + (slab_row0 + jj * _DIM + db * 16)
    sbase = rows_off0 + (jj * _BB + cb16) * _DIM + db * 16
    s_vec = iota + sbase
    for k in range(16):
      rot = lax.bitwise_and(iota + k, 15)
      v = plsc.load_gather(slab_v, [r_vec, rot + cb16])
      plsc.store_scatter(rows_v, [lax.shift_left(rot, 5) + s_vec], v)


@jax.jit
def _linearize_table(table_t, tail_flat):
  v_total = table_t.shape[1]
  n_full = v_total // _BB
  n_tail = v_total - n_full * _BB

  @functools.partial(
      pl.kernel,
      out_type=jax.ShapeDtypeStruct((v_total * _DIM,), jnp.float32),
      mesh=_mesh,
      scratch_types=[
          pltpu.VMEM((2 * _G * _DIM, _BB), jnp.float32),
          pltpu.VMEM((2 * _G * _BB * _DIM,), jnp.float32),
          pltpu.SemaphoreType.DMA((2,)),
          pltpu.SemaphoreType.DMA((2,)),
      ],
      compiler_params=pltpu.CompilerParams(use_tc_tiling_on_sc=True,
                                           needs_layout_passes=False),
  )
  def linearize_kernel(tab_hbm, tail_hbm, out_hbm, slab_v, rows_v, rsem, ssem):
    wid = lax.axis_index("s") * _NC + lax.axis_index("c")
    base_j = wid * _PER_W
    n_grp = _G * _BB * _DIM

    def issue_reads(g, b):
      c0 = (base_j + g * _G) * _BB
      for jj in range(_G):
        pltpu.async_copy(
            tab_hbm.at[:, pl.ds(c0 + jj * _BB, _BB)],
            slab_v.at[pl.ds((b * _G + jj) * _DIM, _DIM), :], rsem.at[b])

    def wait_reads(b):
      for jj in range(_G):
        pltpu.make_async_copy(
            tab_hbm.at[:, pl.ds(0, _BB)],
            slab_v.at[pl.ds((b * _G + jj) * _DIM, _DIM), :],
            rsem.at[b]).wait()

    def issue_store(g, b):
      o0 = (base_j + g * _G) * _BB * _DIM
      pltpu.async_copy(rows_v.at[pl.ds(b * n_grp, n_grp)],
                       out_hbm.at[pl.ds(o0, n_grp)], ssem.at[b])

    def wait_store(b):
      pltpu.make_async_copy(rows_v.at[pl.ds(b * n_grp, n_grp)],
                            out_hbm.at[pl.ds(0, n_grp)], ssem.at[b]).wait()

    def half(t, b, g):
      wait_reads(b)

      @pl.when(g + 1 < _NG)
      def _():
        issue_reads(g + 1, 1 - b)

      @pl.when(t >= 1)
      def _():
        wait_store(b)

      _transpose_group(slab_v, rows_v, b * _G * _DIM, b * n_grp, _G)
      issue_store(g, b)

    issue_reads(0, 0)

    def pair(t, carry):
      half(t, 0, 2 * t)
      half(t, 1, 2 * t + 1)
      return carry

    lax.fori_loop(0, _NG // 2, pair, 0)
    wait_store(0)
    wait_store(1)

    rem = _PER_W - _NG * _G
    c0 = (base_j + _NG * _G) * _BB
    for jj in range(rem):
      pltpu.async_copy(tab_hbm.at[:, pl.ds(c0 + jj * _BB, _BB)],
                       slab_v.at[pl.ds(jj * _DIM, _DIM), :], rsem.at[0])
    for jj in range(rem):
      pltpu.make_async_copy(tab_hbm.at[:, pl.ds(0, _BB)],
                            slab_v.at[pl.ds(jj * _DIM, _DIM), :],
                            rsem.at[0]).wait()
    _transpose_group(slab_v, rows_v, 0, 0, rem)
    pltpu.sync_copy(rows_v.at[pl.ds(0, rem * _BB * _DIM)],
                    out_hbm.at[pl.ds(c0 * _DIM, rem * _BB * _DIM)])

    @pl.when(wid < n_full - _NW * _PER_W)
    def _():
      j = _NW * _PER_W + wid
      pltpu.sync_copy(tab_hbm.at[:, pl.ds(j * _BB, _BB)],
                      slab_v.at[pl.ds(0, _DIM), :])
      _transpose_group(slab_v, rows_v, 0, 0, 1)
      pltpu.sync_copy(rows_v.at[pl.ds(0, _BB * _DIM)],
                      out_hbm.at[pl.ds(j * _BB * _DIM, _BB * _DIM)])

    @pl.when(wid == n_full - _NW * _PER_W)
    def _():
      pltpu.sync_copy(tail_hbm, rows_v.at[pl.ds(0, n_tail * _DIM)])
      pltpu.sync_copy(rows_v.at[pl.ds(0, n_tail * _DIM)],
                      out_hbm.at[pl.ds(n_full * _BB * _DIM, n_tail * _DIM)])

  return linearize_kernel(table_t, tail_flat)


@functools.partial(jax.jit, static_argnums=(2, 3))
def _gather_rows(idx_t, table_lin, s_total, b_total):
  n_units = s_total // _SB
  n_bt = b_total // _BB

  @functools.partial(
      pl.kernel,
      out_type=jax.ShapeDtypeStruct((s_total, _DIM // 8, n_bt, 8, _BB),
                                    jnp.float32),
      mesh=_mesh,
      scratch_types=[
          pltpu.VMEM((2, _SB, _BB), jnp.int32),
          pltpu.VMEM((2, _SB, _BB, _DIM), jnp.float32),
          pltpu.VMEM((_SB, _DIM // 8, 8, _BB), jnp.float32),
          pltpu.SemaphoreType.DMA((2,)),
          pltpu.SemaphoreType.DMA,
      ],
      compiler_params=pltpu.CompilerParams(use_tc_tiling_on_sc=False,
                                           needs_layout_passes=False),
  )
  def gather_kernel(idx_hbm, table_hbm, out_hbm, idx_v, rows_v, slab_v,
                    gsem, ssem):
    wid = lax.axis_index("s") * _NC + lax.axis_index("c")
    b0 = wid * _BB
    iota = lax.iota(jnp.int32, 16)

    def issue_gather(k, b):
      pltpu.sync_copy(idx_hbm.at[pl.ds(k * _SB, _SB), pl.ds(b0, _BB)],
                      idx_v.at[b])
      return [
          pltpu.async_copy(table_hbm.at[idx_v.at[b, si]], rows_v.at[b, si],
                           gsem.at[b])
          for si in range(_SB)
      ]

    def transpose_unit(b):
      @plsc.parallel_loop(0, _SB * 2 * 8, unroll=2)
      def _(blk):
        s = lax.shift_right_logical(blk, 4)
        rem = lax.bitwise_and(blk, 15)
        d0 = lax.shift_right_logical(rem, 3) * 16
        bb0 = lax.bitwise_and(rem, 7) * 16
        s_vec = jnp.full((16,), s, jnp.int32)
        d_vec = iota + d0
        db_vec = lax.shift_right_logical(d_vec, 3)
        d8_vec = lax.bitwise_and(d_vec, 7)
        for k in range(16):
          rot = lax.bitwise_and(iota + k, 15)
          bb_vec = rot + bb0
          v = plsc.load_gather(rows_v.at[b], [s_vec, bb_vec, d_vec])
          plsc.store_scatter(slab_v, [s_vec, db_vec, d8_vec, bb_vec], v)

    def issue_store(k):
      pltpu.async_copy(slab_v, out_hbm.at[pl.ds(k * _SB, _SB), :,
                                          wid, :, :], ssem)

    def wait_gathers(b):
      for si in range(_SB):
        pltpu.make_async_copy(table_hbm.at[idx_v.at[b, si]],
                              rows_v.at[b, si], gsem.at[b]).wait()

    def wait_store():
      pltpu.make_async_copy(slab_v, out_hbm.at[pl.ds(0, _SB), :, wid, :, :],
                            ssem).wait()

    issue_gather(0, 0)

    def pair(t, carry):
      k0 = 2 * t
      issue_gather(k0 + 1, 1)
      wait_gathers(0)

      @pl.when(t >= 1)
      def _():
        wait_store()

      transpose_unit(0)
      issue_store(k0)

      issue_gather(k0 + 2, 0)
      wait_gathers(1)
      wait_store()
      transpose_unit(1)
      issue_store(k0 + 1)
      return carry

    lax.fori_loop(0, n_units // 2, pair, 0)

    wait_gathers(0)
    wait_store()
    transpose_unit(0)
    issue_store(n_units - 1)
    wait_store()

  return gather_kernel(idx_t, table_lin)


def kernel(i, table):
  b_total, s_total = i.shape
  n_full = (table.shape[0] // _BB) * _BB
  tail_flat = table[n_full:].reshape(-1)
  table_lin = _linearize_table(table.T, tail_flat).reshape(table.shape)
  out_p = _gather_rows(i.T, table_lin, s_total, b_total)
  return out_p.transpose(2, 4, 0, 1, 3).reshape(b_total, s_total, _DIM)

# --- scband reference (transcript-rebuilt; emitter-appended) ---
"""Pipeline reference for scband-embedding-89756226552075 (READ-ONLY COPY).

The authoritative reference and input builder live on the scoring server;
editing this copy changes nothing except your own understanding.
"""

import jax, jax.numpy as jnp
import numpy as np

VOCAB = 1000000
DIM = 32
PAD = 0

def setup_inputs(seed: int = 0) -> dict:
    key = jax.random.key(seed)
    k1, k2 = jax.random.split(key)
    i = jax.random.randint(k1, (4096, 200), 0, VOCAB, dtype=jnp.int32)
    table = jax.random.normal(k2, (VOCAB, DIM), dtype=jnp.float32)
    # nn.Embedding with padding_idx initializes the pad row to zeros
    table = table.at[PAD].set(0.0)
    return {"i": i, "table": table}

def reference(i, table):
    # Faithful translation of nn.Embedding forward: gather rows of the table
    return jnp.take(table, i, axis=0)

if __name__ == "__main__":
    import jax
    _d = setup_inputs()
    print(jax.jit(kernel)(*tuple(_d.values())))

</pallas_src>

<mosaic_0001>
#map = affine_map<(d0, d1) -> (0, 0)>
#map1 = affine_map<(d0, d1) -> (0)>
module attributes {stable_mosaic.version = 14 : i64} {
  func.func @linearize_kernel(%arg0: i32, %arg1: i32, %arg2: memref<32x1000000xf32, #tpu.memory_space<hbm>>, %arg3: memref<2048xf32, #tpu.memory_space<hbm>>, %arg4: memref<32000000xf32, #tpu.memory_space<hbm>>, %arg5: memref<448x128xf32, #tpu.memory_space<vmem>>, %arg6: memref<57344xf32, #tpu.memory_space<vmem>>, %arg7: memref<2x!tpu.dma_semaphore, #tpu.memory_space<semaphore_mem>>, %arg8: memref<2x!tpu.dma_semaphore, #tpu.memory_space<semaphore_mem>>) attributes {dimension_semantics = [#tpu.dimension_semantics<core_parallel>, #tpu.dimension_semantics<subcore_parallel>], iteration_bounds = array<i64: 2, 16>, scalar_prefetch = 0 : i64, scratch_operands = 4 : i64, tpu.core_type = #tpu.core_type<sc_vector_subcore>, window_params = [{transform_indices = #map}, {transform_indices = #map1}, {transform_indices = #map1}]} {
    %mul3A = arith.constant 2 : i32
    %mul3A_0 = arith.muli %arg1, %mul3A : i32
    %add3A = arith.addi %mul3A_0, %arg0 : i32
    %mul3A_1 = arith.constant 244 : i32
    %mul3A_2 = arith.muli %add3A, %mul3A_1 : i32
    %add3A_3 = arith.constant 0 : i32
    %add3A_4 = arith.addi %mul3A_2, %add3A_3 : i32
    %mul3A_5 = arith.constant 128 : i32
    %mul3A_6 = arith.muli %add3A_4, %mul3A_5 : i32
    %add3A_7 = arith.constant 0 : i32
    %add3A_8 = arith.addi %mul3A_6, %add3A_7 : i32
    %dma_start3A = arith.constant 0 : i32
    %dma_start3A_9 = arith.constant 0 : i32
    %dma_start3A_10 = arith.constant 0 : i32
    %dma_start3A_11 = tpu.memref_slice %arg5[%dma_start3A_9, %dma_start3A_10] : memref<448x128xf32, #tpu.memory_space<vmem>> -> memref<32x128xf32, #tpu.memory_space<vmem>>
    %dma_start3A_12 = arith.constant 0 : i32
    %dma_start3A_13 = tpu.memref_slice %arg2[%dma_start3A_12, %add3A_8] : memref<32x1000000xf32, #tpu.memory_space<hbm>> -> memref<32x128xf32, #tpu.memory_space<hbm>>
    %dma_start3A_14 = tpu.memref_slice %arg7[%dma_start3A] : memref<2x!tpu.dma_semaphore, #tpu.memory_space<semaphore_mem>> -> memref<1x!tpu.dma_semaphore, #tpu.memory_space<semaphore_mem>>
    %dma_start3A_15 = tpu.memref_squeeze %dma_start3A_14 : memref<1x!tpu.dma_semaphore, #tpu.memory_space<semaphore_mem>> -> memref<!tpu.dma_semaphore, #tpu.memory_space<semaphore_mem>>
    %dma_start3A_16 = arith.constant 0 : i32
    %dma_start3A_17 = arith.constant 0 : i32
    %dma_start3A_18 = tpu.memref_slice %arg5[%dma_start3A_16, %dma_start3A_17] : memref<448x128xf32, #tpu.memory_space<vmem>> -> memref<32x128xf32, #tpu.memory_space<vmem>>
    %dma_start3A_19 = arith.constant 0 : i32
    %dma_start3A_20 = tpu.memref_slice %arg2[%dma_start3A_19, %add3A_8] : memref<32x1000000xf32, #tpu.memory_space<hbm>> -> memref<32x128xf32, #tpu.memory_space<hbm>>
    tpu.enqueue_dma source(%dma_start3A_20 : memref<32x128xf32, #tpu.memory_space<hbm>>) target(%dma_start3A_18 : memref<32x128xf32, #tpu.memory_space<vmem>>) target_semaphore(%dma_start3A_15 : memref<!tpu.dma_semaphore, #tpu.memory_space<semaphore_mem>>)
    %add3A_21 = arith.constant 128 : i32
    %add3A_22 = arith.addi %mul3A_6, %add3A_21 : i32
    %dma_start3A_23 = arith.constant 0 : i32
    %dma_start3A_24 = arith.constant 32 : i32
    %dma_start3A_25 = arith.constant 0 : i32
    %dma_start3A_26 = tpu.memref_slice %arg5[%dma_start3A_24, %dma_start3A_25] : memref<448x128xf32, #tpu.memory_space<vmem>> -> memref<32x128xf32, #tpu.memory_space<vmem>>
    %dma_start3A_27 = arith.constant 0 : i32
    %dma_start3A_28 = tpu.memref_slice %arg2[%dma_start3A_27, %add3A_22] : memref<32x1000000xf32, #tpu.memory_space<hbm>> -> memref<32x128xf32, #tpu.memory_space<hbm>>
    %dma_start3A_29 = tpu.memref_slice %arg7[%dma_start3A_23] : memref<2x!tpu.dma_semaphore, #tpu.memory_space<semaphore_mem>> -> memref<1x!tpu.dma_semaphore, #tpu.memory_space<semaphore_mem>>
    %dma_start3A_30 = tpu.memref_squeeze %dma_start3A_29 : memref<1x!tpu.dma_semaphore, #tpu.memory_space<semaphore_mem>> -> memref<!tpu.dma_semaphore, #tpu.memory_space<semaphore_mem>>
    %dma_start3A_31 = arith.constant 32 : i32
    %dma_start3A_32 = arith.constant 0 : i32
    %dma_start3A_33 = tpu.memref_slice %arg5[%dma_start3A_31, %dma_start3A_32] : memref<448x128xf32, #tpu.memory_space<vmem>> -> memref<32x128xf32, #tpu.memory_space<vmem>>
    %dma_start3A_34 = arith.constant 0 : i32
    %dma_start3A_35 = tpu.memref_slice %arg2[%dma_start3A_34, %add3A_22] : memref<32x1000000xf32, #tpu.memory_space<hbm>> -> memref<32x128xf32, #tpu.memory_space<hbm>>
    tpu.enqueue_dma source(%dma_start3A_35 : memref<32x128xf32, #tpu.memory_space<hbm>>) target(%dma_start3A_33 : memref<32x128xf32, #tpu.memory_space<vmem>>) target_semaphore(%dma_start3A_30 : memref<!tpu.dma_semaphore, #tpu.memory_space<semaphore_mem>>)
    %add3A_36 = arith.constant 256 : i32
    %add3A_37 = arith.addi %mul3A_6, %add3A_36 : i32
    %dma_start3A_38 = arith.constant 0 : i32
    %dma_start3A_39 = arith.constant 64 : i32
    %dma_start3A_40 = arith.constant 0 : i32
    %dma_start3A_41 = tpu.memref_slice %arg5[%dma_start3A_39, %dma_start3A_40] : memref<448x128xf32, #tpu.memory_space<vmem>> -> memref<32x128xf32, #tpu.memory_space<vmem>>
    %dma_start3A_42 = arith.constant 0 : i32
    %dma_start3A_43 = tpu.memref_slice %arg2[%dma_start3A_42, %add3A_37] : memref<32x1000000xf32, #tpu.memory_space<hbm>> -> memref<32x128xf32, #tpu.memory_space<hbm>>
    %dma_start3A_44 = tpu.memref_slice %arg7[%dma_start3A_38] : memref<2x!tpu.dma_semaphore, #tpu.memory_space<semaphore_mem>> -> memref<1x!tpu.dma_semaphore, #tpu.memory_space<semaphore_mem>>
    %dma_start3A_45 = tpu.memref_squeeze %dma_start3A_44 : memref<1x!tpu.dma_semaphore, #tpu.memory_space<semaphore_mem>> -> memref<!tpu.dma_semaphore, #tpu.memory_space<semaphore_mem>>
    %dma_start3A_46 = arith.constant 64 : i32
    %dma_start3A_47 = arith.constant 0 : i32
    %dma_start3A_48 = tpu.memref_slice %arg5[%dma_start3A_46, %dma_start3A_47] : memref<448x128xf32, #tpu.memory_space<vmem>> -> memref<32x128xf32, #tpu.memory_space<vmem>>
    %dma_start3A_49 = arith.constant 0 : i32
    %dma_start3A_50 = tpu.memref_slice %arg2[%dma_start3A_49, %add3A_37] : memref<32x1000000xf32, #tpu.memory_space<hbm>> -> memref<32x128xf32, #tpu.memory_space<hbm>>
    tpu.enqueue_dma source(%dma_start3A_50 : memref<32x128xf32, #tpu.memory_space<hbm>>) target(%dma_start3A_48 : memref<32x128xf32, #tpu.memory_space<vmem>>) target_semaphore(%dma_start3A_45 : memref<!tpu.dma_semaphore, #tpu.memory_space<semaphore_mem>>)
    %add3A_51 = arith.constant 384 : i32
    %add3A_52 = arith.addi %mul3A_6, %add3A_51 : i32
    %dma_start3A_53 = arith.constant 0 : i32
    %dma_start3A_54 = arith.constant 96 : i32
    %dma_start3A_55 = arith.constant 0 : i32
    %dma_start3A_56 = tpu.memref_slice %arg5[%dma_start3A_54, %dma_start3A_55] : memref<448x128xf32, #tpu.memory_space<vmem>> -> memref<32x128xf32, #tpu.memory_space<vmem>>
    %dma_start3A_57 = arith.constant 0 : i32
    %dma_start3A_58 = tpu.memref_slice %arg2[%dma_start3A_57, %add3A_52] : memref<32x1000000xf32, #tpu.memory_space<hbm>> -> memref<32x128xf32, #tpu.memory_space<hbm>>
    %dma_start3A_59 = tpu.memref_slice %arg7[%dma_start3A_53] : memref<2x!tpu.dma_semaphore, #tpu.memory_space<semaphore_mem>> -> memref<1x!tpu.dma_semaphore, #tpu.memory_space<semaphore_mem>>
    %dma_start3A_60 = tpu.memref_squeeze %dma_start3A_59 : memref<1x!tpu.dma_semaphore, #tpu.memory_space<semaphore_mem>> -> memref<!tpu.dma_semaphore, #tpu.memory_space<semaphore_mem>>
    %dma_start3A_61 = arith.constant 96 : i32
    %dma_start3A_62 = arith.constant 0 : i32
    %dma_start3A_63 = tpu.memref_slice %arg5[%dma_start3A_61, %dma_start3A_62] : memref<448x128xf32, #tpu.memory_space<vmem>> -> memref<32x128xf32, #tpu.memory_space<vmem>>
    %dma_start3A_64 = arith.constant 0 : i32
    %dma_start3A_65 = tpu.memref_slice %arg2[%dma_start3A_64, %add3A_52] : memref<32x1000000xf32, #tpu.memory_space<hbm>> -> memref<32x128xf32, #tpu.memory_space<hbm>>
    tpu.enqueue_dma source(%dma_start3A_65 : memref<32x128xf32, #tpu.memory_space<hbm>>) target(%dma_start3A_63 : memref<32x128xf32, #tpu.memory_space<vmem>>) target_semaphore(%dma_start3A_60 : memref<!tpu.dma_semaphore, #tpu.memory_space<semaphore_mem>>)
    %add3A_66 = arith.constant 512 : i32
    %add3A_67 = arith.addi %mul3A_6, %add3A_66 : i32
    %dma_start3A_68 = arith.constant 0 : i32
    %dma_start3A_69 = arith.constant 128 : i32
    %dma_start3A_70 = arith.constant 0 : i32
    %dma_start3A_71 = tpu.memref_slice %arg5[%dma_start3A_69, %dma_start3A_70] : memref<448x128xf32, #tpu.memory_space<vmem>> -> memref<32x128xf32, #tpu.memory_space<vmem>>
    %dma_start3A_72 = arith.constant 0 : i32
    %dma_start3A_73 = tpu.memref_slice %arg2[%dma_start3A_72, %add3A_67] : memref<32x1000000xf32, #tpu.memory_space<hbm>> -> memref<32x128xf32, #tpu.memory_space<hbm>>
    %dma_start3A_74 = tpu.memref_slice %arg7[%dma_start3A_68] : memref<2x!tpu.dma_semaphore, #tpu.memory_space<semaphore_mem>> -> memref<1x!tpu.dma_semaphore, #tpu.memory_space<semaphore_mem>>
    %dma_start3A_75 = tpu.memref_squeeze %dma_start3A_74 : memref<1x!tpu.dma_semaphore, #tpu.memory_space<semaphore_mem>> -> memref<!tpu.dma_semaphore, #tpu.memory_space<semaphore_mem>>
    %dma_start3A_76 = arith.constant 128 : i32
    %dma_start3A_77 = arith.constant 0 : i32
    %dma_start3A_78 = tpu.memref_slice %arg5[%dma_start3A_76, %dma_start3A_77] : memref<448x128xf32, #tpu.memory_space<vmem>> -> memref<32x128xf32, #tpu.memory_space<vmem>>
    %dma_start3A_79 = arith.constant 0 : i32
    %dma_start3A_80 = tpu.memref_slice %arg2[%dma_start3A_79, %add3A_67] : memref<32x1000000xf32, #tpu.memory_space<hbm>> -> memref<32x128xf32, #tpu.memory_space<hbm>>
    tpu.enqueue_dma source(%dma_start3A_80 : memref<32x128xf32, #tpu.memory_space<hbm>>) target(%dma_start3A_78 : memref<32x128xf32, #tpu.memory_space<vmem>>) target_semaphore(%dma_start3A_75 : memref<!tpu.dma_semaphore, #tpu.memory_space<semaphore_mem>>)
    %add3A_81 = arith.constant 640 : i32
    %add3A_82 = arith.addi %mul3A_6, %add3A_81 : i32
    %dma_start3A_83 = arith.constant 0 : i32
    %dma_start3A_84 = arith.constant 160 : i32
    %dma_start3A_85 = arith.constant 0 : i32
    %dma_start3A_86 = tpu.memref_slice %arg5[%dma_start3A_84, %dma_start3A_85] : memref<448x128xf32, #tpu.memory_space<vmem>> -> memref<32x128xf32, #tpu.memory_space<vmem>>
    %dma_start3A_87 = arith.constant 0 : i32
    %dma_start3A_88 = tpu.memref_slice %arg2[%dma_start3A_87, %add3A_82] : memref<32x1000000xf32, #tpu.memory_space<hbm>> -> memref<32x128xf32, #tpu.memory_space<hbm>>
    %dma_start3A_89 = tpu.memref_slice %arg7[%dma_start3A_83] : memref<2x!tpu.dma_semaphore, #tpu.memory_space<semaphore_mem>> -> memref<1x!tpu.dma_semaphore, #tpu.memory_space<semaphore_mem>>
    %dma_start3A_90 = tpu.memref_squeeze %dma_start3A_89 : memref<1x!tpu.dma_semaphore, #tpu.memory_space<semaphore_mem>> -> memref<!tpu.dma_semaphore, #tpu.memory_space<semaphore_mem>>
    %dma_start3A_91 = arith.constant 160 : i32
    %dma_start3A_92 = arith.constant 0 : i32
    %dma_start3A_93 = tpu.memref_slice %arg5[%dma_start3A_91, %dma_start3A_92] : memref<448x128xf32, #tpu.memory_space<vmem>> -> memref<32x128xf32, #tpu.memory_space<vmem>>
    %dma_start3A_94 = arith.constant 0 : i32
    %dma_start3A_95 = tpu.memref_slice %arg2[%dma_start3A_94, %add3A_82] : memref<32x1000000xf32, #tpu.memory_space<hbm>> -> memref<32x128xf32, #tpu.memory_space<hbm>>
    tpu.enqueue_dma source(%dma_start3A_95 : memref<32x128xf32, #tpu.memory_space<hbm>>) target(%dma_start3A_93 : memref<32x128xf32, #tpu.memory_space<vmem>>) target_semaphore(%dma_start3A_90 : memref<!tpu.dma_semaphore, #tpu.memory_space<semaphore_mem>>)
    %add3A_96 = arith.constant 768 : i32
    %add3A_97 = arith.addi %mul3A_6, %add3A_96 : i32
    %dma_start3A_98 = arith.constant 0 : i32
    %dma_start3A_99 = arith.constant 192 : i32
    %dma_start3A_100 = arith.constant 0 : i32
    %dma_start3A_101 = tpu.memref_slice %arg5[%dma_start3A_99, %dma_start3A_100] : memref<448x128xf32, #tpu.memory_space<vmem>> -> memref<32x128xf32, #tpu.memory_space<vmem>>
    %dma_start3A_102 = arith.constant 0 : i32
    %dma_start3A_103 = tpu.memref_slice %arg2[%dma_start3A_102, %add3A_97] : memref<32x1000000xf32, #tpu.memory_space<hbm>> -> memref<32x128xf32, #tpu.memory_space<hbm>>
    %dma_start3A_104 = tpu.memref_slice %arg7[%dma_start3A_98] : memref<2x!tpu.dma_semaphore, #tpu.memory_space<semaphore_mem>> -> memref<1x!tpu.dma_semaphore, #tpu.memory_space<semaphore_mem>>
    %dma_start3A_105 = tpu.memref_squeeze %dma_start3A_104 : memref<1x!tpu.dma_semaphore, #tpu.memory_space<semaphore_mem>> -> memref<!tpu.dma_semaphore, #tpu.memory_space<semaphore_mem>>
    %dma_start3A_106 = arith.constant 192 : i32
    %dma_start3A_107 = arith.constant 0 : i32
    %dma_start3A_108 = tpu.memref_slice %arg5[%dma_start3A_106, %dma_start3A_107] : memref<448x128xf32, #tpu.memory_space<vmem>> -> memref<32x128xf32, #tpu.memory_space<vmem>>
    %dma_start3A_109 = arith.constant 0 : i32
    %dma_start3A_110 = tpu.memref_slice %arg2[%dma_start3A_109, %add3A_97] : memref<32x1000000xf32, #tpu.memory_space<hbm>> -> memref<32x128xf32, #tpu.memory_space<hbm>>
    tpu.enqueue_dma source(%dma_start3A_110 : memref<32x128xf32, #tpu.memory_space<hbm>>) target(%dma_start3A_108 : memref<32x128xf32, #tpu.memory_space<vmem>>) target_semaphore(%dma_start3A_105 : memref<!tpu.dma_semaphore, #tpu.memory_space<semaphore_mem>>)
    %scan3A = arith.constant 0 : i32
    %scan3A_111 = arith.constant 0 : i32
    %scan3A_112 = arith.constant 17 : i32
    %scan3A_113 = arith.addi %scan3A_111, %scan3A_112 : i32
    %scan3A_114 = arith.constant 1 : i32
    scf.for %scan3A_331 = %scan3A_111 to %scan3A_113 step %scan3A_114  : i32 {
      %mul3A_332 = arith.constant 2 : i32
      %mul3A_333 = arith.muli %mul3A_332, %scan3A_331 : i32
      %dma_wait3A_334 = arith.constant 0 : i32
      %dma_wait3A_335 = arith.constant 0 : i32
      %dma_wait3A_336 = arith.constant 0 : i32
      %dma_wait3A_337 = tpu.memref_slice %arg5[%dma_wait3A_335, %dma_wait3A_336] : memref<448x128xf32, #tpu.memory_space<vmem>> -> memref<32x128xf32, #tpu.memory_space<vmem>>
      %dma_wait3A_338 = arith.constant 0 : i32
      %dma_wait3A_339 = arith.constant 0 : i32
      %dma_wait3A_340 = tpu.memref_slice %arg2[%dma_wait3A_338, %dma_wait3A_339] : memref<32x1000000xf32, #tpu.memory_space<hbm>> -> memref<32x128xf32, #tpu.memory_space<hbm>>
      %dma_wait3A_341 = tpu.memref_slice %arg7[%dma_wait3A_334] : memref<2x!tpu.dma_semaphore, #tpu.memory_space<semaphore_mem>> -> memref<1x!tpu.dma_semaphore, #tpu.memory_space<semaphore_mem>>
      %dma_wait3A_342 = tpu.memref_squeeze %dma_wait3A_341 : memref<1x!tpu.dma_semaphore, #tpu.memory_space<semaphore_mem>> -> memref<!tpu.dma_semaphore, #tpu.memory_space<semaphore_mem>>
      %dma_wait3A_343 = arith.constant 0 : i32
      %dma_wait3A_344 = arith.constant 0 : i32
      %dma_wait3A_345 = tpu.memref_slice %arg5[%dma_wait3A_343, %dma_wait3A_344] : memref<448x128xf32, #tpu.memory_space<vmem>> -> memref<32x128xf32, #tpu.memory_space<vmem>>
      %dma_wait3A_346 = arith.constant 0 : i32
      %dma_wait3A_347 = arith.constant 0 : i32
      %dma_wait3A_348 = tpu.memref_slice %arg2[%dma_wait3A_346, %dma_wait3A_347] : memref<32x1000000xf32, #tpu.memory_space<hbm>> -> memref<32x128xf32, #tpu.memory_space<hbm>>
      tpu.wait_dma2 semaphore(%dma_wait3A_342 : memref<!tpu.dma_semaphore, #tpu.memory_space<semaphore_mem>>) src(%dma_wait3A_348 : memref<32x128xf32, #tpu.memory_space<hbm>>) dst(%dma_wait3A_345 : memref<32x128xf32, #tpu.memory_space<vmem>>)
      %dma_wait3A_349 = arith.constant 0 : i32
      %dma_wait3A_350 = arith.constant 32 : i32
      %dma_wait3A_351 = arith.constant 0 : i32
      %dma_wait3A_352 = tpu.memref_slice %arg5[%dma_wait3A_350, %dma_wait3A_351] : memref<448x128xf32, #tpu.memory_space<vmem>> -> memref<32x128xf32, #tpu.memory_space<vmem>>
      %dma_wait3A_353 = arith.constant 0 : i32
      %dma_wait3A_354 = arith.constant 0 : i32
      %dma_wait3A_355 = tpu.memref_slice %arg2[%dma_wait3A_353, %dma_wait3A_354] : memref<32x1000000xf32, #tpu.memory_space<hbm>> -> memref<32x128xf32, #tpu.memory_space<hbm>>
      %dma_wait3A_356 = tpu.memref_slice %arg7[%dma_wait3A_349] : memref<2x!tpu.dma_semaphore, #tpu.memory_space<semaphore_mem>> -> memref<1x!tpu.dma_semaphore, #tpu.memory_space<semaphore_mem>>
      %dma_wait3A_357 = tpu.memref_squeeze %dma_wait3A_356 : memref<1x!tpu.dma_semaphore, #tpu.memory_space<semaphore_mem>> -> memref<!tpu.dma_semaphore, #tpu.memory_space<semaphore_mem>>
      %dma_wait3A_358 = arith.constant 32 : i32
      %dma_wait3A_359 = arith.constant 0 : i32
      %dma_wait3A_360 = tpu.memref_slice %arg5[%dma_wait3A_358, %dma_wait3A_359] : memref<448x128xf32, #tpu.memory_space<vmem>> -> memref<32x128xf32, #tpu.memory_space<vmem>>
      %dma_wait3A_361 = arith.constant 0 : i32
      %dma_wait3A_362 = arith.constant 0 : i32
      %dma_wait3A_363 = tpu.memref_slice %arg2[%dma_wait3A_361, %dma_wait3A_362] : memref<32x1000000xf32, #tpu.memory_space<hbm>> -> memref<32x128xf32, #tpu.memory_space<hbm>>
      tpu.wait_dma2 semaphore(%dma_wait3A_357 : memref<!tpu.dma_semaphore, #tpu.memory_space<semaphore_mem>>) src(%dma_wait3A_363 : memref<32x128xf32, #tpu.memory_space<hbm>>) dst(%dma_wait3A_360 : memref<32x128xf32, #tpu.memory_space<vmem>>)
      %dma_wait3A_364 = arith.constant 0 : i32
      %dma_wait3A_365 = arith.constant 64 : i32
      %dma_wait3A_366 = arith.constant 0 : i32
      %dma_wait3A_367 = tpu.memref_slice %arg5[%dma_wait3A_365, %dma_wait3A_366] : memref<448x128xf32, #tpu.memory_space<vmem>> -> memref<32x128xf32, #tpu.memory_space<vmem>>
      %dma_wait3A_368 = arith.constant 0 : i32
      %dma_wait3A_369 = arith.constant 0 : i32
      %dma_wait3A_370 = tpu.memref_slice %arg2[%dma_wait3A_368, %dma_wait3A_369] : memref<32x1000000xf32, #tpu.memory_space<hbm>> -> memref<32x128xf32, #tpu.memory_space<hbm>>
      %dma_wait3A_371 = tpu.memref_slice %arg7[%dma_wait3A_364] : memref<2x!tpu.dma_semaphore, #tpu.memory_space<semaphore_mem>> -> memref<1x!tpu.dma_semaphore, #tpu.memory_space<semaphore_mem>>
      %dma_wait3A_372 = tpu.memref_squeeze %dma_wait3A_371 : memref<1x!tpu.dma_semaphore, #tpu.memory_space<semaphore_mem>> -> memref<!tpu.dma_semaphore, #tpu.memory_space<semaphore_mem>>
      %dma_wait3A_373 = arith.constant 64 : i32
      %dma_wait3A_374 = arith.constant 0 : i32
      %dma_wait3A_375 = tpu.memref_slice %arg5[%dma_wait3A_373, %dma_wait3A_374] : memref<448x128xf32, #tpu.memory_space<vmem>> -> memref<32x128xf32, #tpu.memory_space<vmem>>
      %dma_wait3A_376 = arith.constant 0 : i32
      %dma_wait3A_377 = arith.constant 0 : i32
      %dma_wait3A_378 = tpu.memref_slice %arg2[%dma_wait3A_376, %dma_wait3A_377] : memref<32x1000000xf32, #tpu.memory_space<hbm>> -> memref<32x128xf32, #tpu.memory_space<hbm>>
      tpu.wait_dma2 semaphore(%dma_wait3A_372 : memref<!tpu.dma_semaphore, #tpu.memory_space<semaphore_mem>>) src(%dma_wait3A_378 : memref<32x128xf32, #tpu.memory_space<hbm>>) dst(%dma_wait3A_375 : memref<32x128xf32, #tpu.memory_space<vmem>>)
      %dma_wait3A_379 = arith.constant 0 : i32
      %dma_wait3A_380 = arith.constant 96 : i32
      %dma_wait3A_381 = arith.constant 0 : i32
      %dma_wait3A_382 = tpu.memref_slice %arg5[%dma_wait3A_380, %dma_wait3A_381] : memref<448x128xf32, #tpu.memory_space<vmem>> -> memref<32x128xf32, #tpu.memory_space<vmem>>
      %dma_wait3A_383 = arith.constant 0 : i32
      %dma_wait3A_384 = arith.constant 0 : i32
      %dma_wait3A_385 = tpu.memref_slice %arg2[%dma_wait3A_383, %dma_wait3A_384] : memref<32x1000000xf32, #tpu.memory_space<hbm>> -> memref<32x128xf32, #tpu.memory_space<hbm>>
      %dma_wait3A_386 = tpu.memref_slice %arg7[%dma_wait3A_379] : memref<2x!tpu.dma_semaphore, #tpu.memory_space<semaphore_mem>> -> memref<1x!tpu.dma_semaphore, #tpu.memory_space<semaphore_mem>>
      %dma_wait3A_387 = tpu.memref_squeeze %dma_wait3A_386 : memref<1x!tpu.dma_semaphore, #tpu.memory_space<semaphore_mem>> -> memref<!tpu.dma_semaphore, #tpu.memory_space<semaphore_mem>>
      %dma_wait3A_388 = arith.constant 96 : i32
      %dma_wait3A_389 = arith.constant 0 : i32
      %dma_wait3A_390 = tpu.memref_slice %arg5[%dma_wait3A_388, %dma_wait3A_389] : memref<448x128xf32, #tpu.memory_space<vmem>> -> memref<32x128xf32, #tpu.memory_space<vmem>>
      %dma_wait3A_391 = arith.constant 0 : i32
      %dma_wait3A_392 = arith.constant 0 : i32
      %dma_wait3A_393 = tpu.memref_slice %arg2[%dma_wait3A_391, %dma_wait3A_392] : memref<32x1000000xf32, #tpu.memory_space<hbm>> -> memref<32x128xf32, #tpu.memory_space<hbm>>
      tpu.wait_dma2 semaphore(%dma_wait3A_387 : memref<!tpu.dma_semaphore, #tpu.memory_space<semaphore_mem>>) src(%dma_wait3A_393 : memref<32x128xf32, #tpu.memory_space<hbm>>) dst(%dma_wait3A_390 : memref<32x128xf32, #tpu.memory_space<vmem>>)
      %dma_wait3A_394 = arith.constant 0 : i32
      %dma_wait3A_395 = arith.constant 128 : i32
      %dma_wait3A_396 = arith.constant 0 : i32
      %dma_wait3A_397 = tpu.memref_slice %arg5[%dma_wait3A_395, %dma_wait3A_396] : memref<448x128xf32, #tpu.memory_space<vmem>> -> memref<32x128xf32, #tpu.memory_space<vmem>>
      %dma_wait3A_398 = arith.constant 0 : i32
      %dma_wait3A_399 = arith.constant 0 : i32
      %dma_wait3A_400 = tpu.memref_slice %arg2[%dma_wait3A_398, %dma_wait3A_399] : memref<32x1000000xf32, #tpu.memory_space<hbm>> -> memref<32x128xf32, #tpu.memory_space<hbm>>
      %dma_wait3A_401 = tpu.memref_slice %arg7[%dma_wait3A_394] : memref<2x!tpu.dma_semaphore, #tpu.memory_space<semaphore_mem>> -> memref<1x!tpu.dma_semaphore, #tpu.memory_space<semaphore_mem>>
      %dma_wait3A_402 = tpu.memref_squeeze %dma_wait3A_401 : memref<1x!tpu.dma_semaphore, #tpu.memory_space<semaphore_mem>> -> memref<!tpu.dma_semaphore, #tpu.memory_space<semaphore_mem>>
      %dma_wait3A_403 = arith.constant 128 : i32
      %dma_wait3A_404 = arith.constant 0 : i32
      %dma_wait3A_405 = tpu.memref_slice %arg5[%dma_wait3A_403, %dma_wait3A_404] : memref<448x128xf32, #tpu.memory_space<vmem>> -> memref<32x128xf32, #tpu.memory_space<vmem>>
      %dma_wait3A_406 = arith.constant 0 : i32
      %dma_wait3A_407 = arith.constant 0 : i32
      %dma_wait3A_408 = tpu.memref_slice %arg2[%dma_wait3A_406, %dma_wait3A_407] : memref<32x1000000xf32, #tpu.memory_space<hbm>> -> memref<32x128xf32, #tpu.memory_space<hbm>>
      tpu.wait_dma2 semaphore(%dma_wait3A_402 : memref<!tpu.dma_semaphore, #tpu.memory_space<semaphore_mem>>) src(%dma_wait3A_408 : memref<32x128xf32, #tpu.memory_space<hbm>>) dst(%dma_wait3A_405 : memref<32x128xf32, #tpu.memory_space<vmem>>)
      %dma_wait3A_409 = arith.constant 0 : i32
      %dma_wait3A_410 = arith.constant 160 : i32
      %dma_wait3A_411 = arith.constant 0 : i32
      %dma_wait3A_412 = tpu.memref_slice %arg5[%dma_wait3A_410, %dma_wait3A_411] : memref<448x128xf32, #tpu.memory_space<vmem>> -> memref<32x128xf32, #tpu.memory_space<vmem>>
      %dma_wait3A_413 = arith.constant 0 : i32
      %dma_wait3A_414 = arith.constant 0 : i32
      %dma_wait3A_415 = tpu.memref_slice %arg2[%dma_wait3A_413, %dma_wait3A_414] : memref<32x1000000xf32, #tpu.memory_space<hbm>> -> memref<32x128xf32, #tpu.memory_space<hbm>>
      %dma_wait3A_416 = tpu.memref_slice %arg7[%dma_wait3A_409] : memref<2x!tpu.dma_semaphore, #tpu.memory_space<semaphore_mem>> -> memref<1x!tpu.dma_semaphore, #tpu.memory_space<semaphore_mem>>
      %dma_wait3A_417 = tpu.memref_squeeze %dma_wait3A_416 : memref<1x!tpu.dma_semaphore, #tpu.memory_space<semaphore_mem>> -> memref<!tpu.dma_semaphore, #tpu.memory_space<semaphore_mem>>
      %dma_wait3A_418 = arith.constant 160 : i32
      %dma_wait3A_419 = arith.constant 0 : i32
      %dma_wait3A_420 = tpu.memref_slice %arg5[%dma_wait3A_418, %dma_wait3A_419] : memref<448x128xf32, #tpu.memory_space<vmem>> -> memref<32x128xf32, #tpu.memory_space<vmem>>
      %dma_wait3A_421 = arith.constant 0 : i32
      %dma_wait3A_422 = arith.constant 0 : i32
      %dma_wait3A_423 = tpu.memref_slice %arg2[%dma_wait3A_421, %dma_wait3A_422] : memref<32x1000000xf32, #tpu.memory_space<hbm>> -> memref<32x128xf32, #tpu.memory_space<hbm>>
      tpu.wait_dma2 semaphore(%dma_wait3A_417 : memref<!tpu.dma_semaphore, #tpu.memory_space<semaphore_mem>>) src(%dma_wait3A_423 : memref<32x128xf32, #tpu.memory_space<hbm>>) dst(%dma_wait3A_420 : memref<32x128xf32, #tpu.memory_space<vmem>>)
      %dma_wait3A_424 = arith.constant 0 : i32
      %dma_wait3A_425 = arith.constant 192 : i32
      %dma_wait3A_426 = arith.constant 0 : i32
      %dma_wait3A_427 = tpu.memref_slice %arg5[%dma_wait3A_425, %dma_wait3A_426] : memref<448x128xf32, #tpu.memory_space<vmem>> -> memref<32x128xf32, #tpu.memory_space<vmem>>
      %dma_wait3A_428 = arith.constant 0 : i32
      %dma_wait3A_429 = arith.constant 0 : i32
      %dma_wait3A_430 = tpu.memref_slice %arg2[%dma_wait3A_428, %dma_wait3A_429] : memref<32x1000000xf32, #tpu.memory_space<hbm>> -> memref<32x128xf32, #tpu.memory_space<hbm>>
      %dma_wait3A_431 = tpu.memref_slice %arg7[%dma_wait3A_424] : memref<2x!tpu.dma_semaphore, #tpu.memory_space<semaphore_mem>> -> memref<1x!tpu.dma_semaphore, #tpu.memory_space<semaphore_mem>>
      %dma_wait3A_432 = tpu.memref_squeeze %dma_wait3A_431 : memref<1x!tpu.dma_semaphore, #tpu.memory_space<semaphore_mem>> -> memref<!tpu.dma_semaphore, #tpu.memory_space<semaphore_mem>>
      %dma_wait3A_433 = arith.constant 192 : i32
      %dma_wait3A_434 = arith.constant 0 : i32
      %dma_wait3A_435 = tpu.memref_slice %arg5[%dma_wait3A_433, %dma_wait3A_434] : memref<448x128xf32, #tpu.memory_space<vmem>> -> memref<32x128xf32, #tpu.memory_space<vmem>>
      %dma_wait3A_436 = arith.constant 0 : i32
      %dma_wait3A_437 = arith.constant 0 : i32
      %dma_wait3A_438 = tpu.memref_slice %arg2[%dma_wait3A_436, %dma_wait3A_437] : memref<32x1000000xf32, #tpu.memory_space<hbm>> -> memref<32x128xf32, #tpu.memory_space<hbm>>
      tpu.wait_dma2 semaphore(%dma_wait3A_432 : memref<!tpu.dma_semaphore, #tpu.memory_space<semaphore_mem>>) src(%dma_wait3A_438 : memref<32x128xf32, #tpu.memory_space<hbm>>) dst(%dma_wait3A_435 : memref<32x128xf32, #tpu.memory_space<vmem>>)
      %add3A_439 = arith.constant 1 : i32
      %add3A_440 = arith.addi %mul3A_333, %add3A_439 : i32
      %lt3A_441 = arith.constant 34 : i32
      %lt3A_442 = arith.cmpi slt, %add3A_440, %lt3A_441 : i32
      %convert_element_type3A_443 = arith.extui %lt3A_442 : i1 to i32
      %cond3A_444 = arith.constant 0 : i32
      %cond3A_445 = arith.cmpi ne, %convert_element_type3A_443, %cond3A_444 : i32
      scf.if %cond3A_445 {
        %add3A_611 = arith.constant 1 : i32
        %add3A_612 = arith.addi %mul3A_333, %add3A_611 : i32
        %mul3A_613 = arith.constant 7 : i32
        %mul3A_614 = arith.muli %add3A_612, %mul3A_613 : i32
        %add3A_615 = arith.addi %mul3A_2, %mul3A_614 : i32
        %mul3A_616 = arith.constant 128 : i32
        %mul3A_617 = arith.muli %add3A_615, %mul3A_616 : i32
        %add3A_618 = arith.constant 0 : i32
        %add3A_619 = arith.addi %mul3A_617, %add3A_618 : i32
        %dma_start3A_620 = arith.constant 1 : i32
        %dma_start3A_621 = arith.constant 224 : i32
        %dma_start3A_622 = arith.constant 0 : i32
        %dma_start3A_623 = tpu.memref_slice %arg5[%dma_start3A_621, %dma_start3A_622] : memref<448x128xf32, #tpu.memory_space<vmem>> -> memref<32x128xf32, #tpu.memory_space<vmem>>
        %dma_start3A_624 = arith.constant 0 : i32
        %dma_start3A_625 = tpu.memref_slice %arg2[%dma_start3A_624, %add3A_619] : memref<32x1000000xf32, #tpu.memory_space<hbm>> -> memref<32x128xf32, #tpu.memory_space<hbm>>
        %dma_start3A_626 = tpu.memref_slice %arg7[%dma_start3A_620] : memref<2x!tpu.dma_semaphore, #tpu.memory_space<semaphore_mem>> -> memref<1x!tpu.dma_semaphore, #tpu.memory_space<semaphore_mem>>
        %dma_start3A_627 = tpu.memref_squeeze %dma_start3A_626 : memref<1x!tpu.dma_semaphore, #tpu.memory_space<semaphore_mem>> -> memref<!tpu.dma_semaphore, #tpu.memory_space<semaphore_mem>>
        %dma_start3A_628 = arith.constant 224 : i32
        %dma_start3A_629 = arith.constant 0 : i32
        %dma_start3A_630 = tpu.memref_slice %arg5[%dma_start3A_628, %dma_start3A_629] : memref<448x128xf32, #tpu.memory_space<vmem>> -> memref<32x128xf32, #tpu.memory_space<vmem>>
        %dma_start3A_631 = arith.constant 0 : i32
        %dma_start3A_632 = tpu.memref_slice %arg2[%dma_start3A_631, %add3A_619] : memref<32x1000000xf32, #tpu.memory_space<hbm>> -> memref<32x128xf32, #tpu.memory_space<hbm>>
        tpu.enqueue_dma source(%dma_start3A_632 : memref<32x128xf32, #tpu.memory_space<hbm>>) target(%dma_start3A_630 : memref<32x128xf32, #tpu.memory_space<vmem>>) target_semaphore(%dma_start3A_627 : memref<!tpu.dma_semaphore, #tpu.memory_space<semaphore_mem>>)
        %add3A_633 = arith.constant 128 : i32
        %add3A_634 = arith.addi %mul3A_617, %add3A_633 : i32
        %dma_start3A_635 = arith.constant 1 : i32
        %dma_start3A_636 = arith.constant 256 : i32
        %dma_start3A_637 = arith.constant 0 : i32
        %dma_start3A_638 = tpu.memref_slice %arg5[%dma_start3A_636, %dma_start3A_637] : memref<448x128xf32, #tpu.memory_space<vmem>> -> memref<32x128xf32, #tpu.memory_space<vmem>>
        %dma_start3A_639 = arith.constant 0 : i32
        %dma_start3A_640 = tpu.memref_slice %arg2[%dma_start3A_639, %add3A_634] : memref<32x1000000xf32, #tpu.memory_space<hbm>> -> memref<32x128xf32, #tpu.memory_space<hbm>>
        %dma_start3A_641 = tpu.memref_slice %arg7[%dma_start3A_635] : memref<2x!tpu.dma_semaphore, #tpu.memory_space<semaphore_mem>> -> memref<1x!tpu.dma_semaphore, #tpu.memory_space<semaphore_mem>>
        %dma_start3A_642 = tpu.memref_squeeze %dma_start3A_641 : memref<1x!tpu.dma_semaphore, #tpu.memory_space<semaphore_mem>> -> memref<!tpu.dma_semaphore, #tpu.memory_space<semaphore_mem>>
        %dma_start3A_643 = arith.constant 256 : i32
        %dma_start3A_644 = arith.constant 0 : i32
        %dma_start3A_645 = tpu.memref_slice %arg5[%dma_start3A_643, %dma_start3A_644] : memref<448x128xf32, #tpu.memory_space<vmem>> -> memref<32x128xf32, #tpu.memory_space<vmem>>
        %dma_start3A_646 = arith.constant 0 : i32
        %dma_start3A_647 = tpu.memref_slice %arg2[%dma_start3A_646, %add3A_634] : memref<32x1000000xf32, #tpu.memory_space<hbm>> -> memref<32x128xf32, #tpu.memory_space<hbm>>
        tpu.enqueue_dma source(%dma_start3A_647 : memref<32x128xf32, #tpu.memory_space<hbm>>) target(%dma_start3A_645 : memref<32x128xf32, #tpu.memory_space<vmem>>) target_semaphore(%dma_start3A_642 : memref<!tpu.dma_semaphore, #tpu.memory_space<semaphore_mem>>)
        %add3A_648 = arith.constant 256 : i32
        %add3A_649 = arith.addi %mul3A_617, %add3A_648 : i32
        %dma_start3A_650 = arith.constant 1 : i32
        %dma_start3A_651 = arith.constant 288 : i32
        %dma_start3A_652 = arith.constant 0 : i32
        %dma_start3A_653 = tpu.memref_slice %arg5[%dma_start3A_651, %dma_start3A_652] : memref<448x128xf32, #tpu.memory_space<vmem>> -> memref<32x128xf32, #tpu.memory_space<vmem>>
        %dma_start3A_654 = arith.constant 0 : i32
        %dma_start3A_655 = tpu.memref_slice %arg2[%dma_start3A_654, %add3A_649] : memref<32x1000000xf32, #tpu.memory_space<hbm>> -> memref<32x128xf32, #tpu.memory_space<hbm>>
        %dma_start3A_656 = tpu.memref_slice %arg7[%dma_start3A_650] : memref<2x!tpu.dma_semaphore, #tpu.memory_space<semaphore_mem>> -> memref<1x!tpu.dma_semaphore, #tpu.memory_space<semaphore_mem>>
        %dma_start3A_657 = tpu.memref_squeeze %dma_start3A_656 : memref<1x!tpu.dma_semaphore, #tpu.memory_space<semaphore_mem>> -> memref<!tpu.dma_semaphore, #tpu.memory_space<semaphore_mem>>
        %dma_start3A_658 = arith.constant 288 : i32
        %dma_start3A_659 = arith.constant 0 : i32
        %dma_start3A_660 = tpu.memref_slice %arg5[%dma_start3A_658, %dma_start3A_659] : memref<448x128xf32, #tpu.memory_space<vmem>> -> memref<32x128xf32, #tpu.memory_space<vmem>>
        %dma_start3A_661 = arith.constant 0 : i32
        %dma_start3A_662 = tpu.memref_slice %arg2[%dma_start3A_661, %add3A_649] : memref<32x1000000xf32, #tpu.memory_space<hbm>> -> memref<32x128xf32, #tpu.memory_space<hbm>>
        tpu.enqueue_dma source(%dma_start3A_662 : memref<32x128xf32, #tpu.memory_space<hbm>>) target(%dma_start3A_660 : memref<32x128xf32, #tpu.memory_space<vmem>>) target_semaphore(%dma_start3A_657 : memref<!tpu.dma_semaphore, #tpu.memory_space<semaphore_mem>>)
        %add3A_663 = arith.constant 384 : i32
        %add3A_664 = arith.addi %mul3A_617, %add3A_663 : i32
        %dma_start3A_665 = arith.constant 1 : i32
        %dma_start3A_666 = arith.constant 320 : i32
        %dma_start3A_667 = arith.constant 0 : i32
        %dma_start3A_668 = tpu.memref_slice %arg5[%dma_start3A_666, %dma_start3A_667] : memref<448x128xf32, #tpu.memory_space<vmem>> -> memref<32x128xf32, #tpu.memory_space<vmem>>
        %dma_start3A_669 = arith.constant 0 : i32
        %dma_start3A_670 = tpu.memref_slice %arg2[%dma_start3A_669, %add3A_664] : memref<32x1000000xf32, #tpu.memory_space<hbm>> -> memref<32x128xf32, #tpu.memory_space<hbm>>
        %dma_start3A_671 = tpu.memref_slice %arg7[%dma_start3A_665] : memref<2x!tpu.dma_semaphore, #tpu.memory_space<semaphore_mem>> -> memref<1x!tpu.dma_semaphore, #tpu.memory_space<semaphore_mem>>
        %dma_start3A_672 = tpu.memref_squeeze %dma_start3A_671 : memref<1x!tpu.dma_semaphore, #tpu.memory_space<semaphore_mem>> -> memref<!tpu.dma_semaphore, #tpu.memory_space<semaphore_mem>>
        %dma_start3A_673 = arith.constant 320 : i32
        %dma_start3A_674 = arith.constant 0 : i32
        %dma_start3A_675 = tpu.memref_slice %arg5[%dma_start3A_673, %dma_start3A_674] : memref<448x128xf32, #tpu.memory_space<vmem>> -> memref<32x128xf32, #tpu.memory_space<vmem>>
        %dma_start3A_676 = arith.constant 0 : i32
        %dma_start3A_677 = tpu.memref_slice %arg2[%dma_start3A_676, %add3A_664] : memref<32x1000000xf32, #tpu.memory_space<hbm>> -> memref<32x128xf32, #tpu.memory_space<hbm>>
        tpu.enqueue_dma source(%dma_start3A_677 : memref<32x128xf32, #tpu.memory_space<hbm>>) target(%dma_start3A_675 : memref<32x128xf32, #tpu.memory_space<vmem>>) target_semaphore(%dma_start3A_672 : memref<!tpu.dma_semaphore, #tpu.memory_space<semaphore_mem>>)
        %add3A_678 = arith.constant 512 : i32
        %add3A_679 = arith.addi %mul3A_617, %add3A_678 : i32
        %dma_start3A_680 = arith.constant 1 : i32
        %dma_start3A_681 = arith.constant 352 : i32
        %dma_start3A_682 = arith.constant 0 : i32
        %dma_start3A_683 = tpu.memref_slice %arg5[%dma_start3A_681, %dma_start3A_682] : memref<448x128xf32, #tpu.memory_space<vmem>> -> memref<32x128xf32, #tpu.memory_space<vmem>>
        %dma_start3A_684 = arith.constant 0 : i32
        %dma_start3A_685 = tpu.memref_slice %arg2[%dma_start3A_684, %add3A_679] : memref<32x1000000xf32, #tpu.memory_space<hbm>> -> memref<32x128xf32, #tpu.memory_space<hbm>>
        %dma_start3A_686 = tpu.memref_slice %arg7[%dma_start3A_680] : memref<2x!tpu.dma_semaphore, #tpu.memory_space<semaphore_mem>> -> memref<1x!tpu.dma_semaphore, #tpu.memory_space<semaphore_mem>>
        %dma_start3A_687 = tpu.memref_squeeze %dma_start3A_686 : memref<1x!tpu.dma_semaphore, #tpu.memory_space<semaphore_mem>> -> memref<!tpu.dma_semaphore, #tpu.memory_space<semaphore_mem>>
        %dma_start3A_688 = arith.constant 352 : i32
        %dma_start3A_689 = arith.constant 0 : i32
        %dma_start3A_690 = tpu.memref_slice %arg5[%dma_start3A_688, %dma_start3A_689] : memref<448x128xf32, #tpu.memory_space<vmem>> -> memref<32x128xf32, #tpu.memory_space<vmem>>
        %dma_start3A_691 = arith.constant 0 : i32
        %dma_start3A_692 = tpu.memref_slice %arg2[%dma_start3A_691, %add3A_679] : memref<32x1000000xf32, #tpu.memory_space<hbm>> -> memref<32x128xf32, #tpu.memory_space<hbm>>
        tpu.enqueue_dma source(%dma_start3A_692 : memref<32x128xf32, #tpu.memory_space<hbm>>) target(%dma_start3A_690 : memref<32x128xf32, #tpu.memory_space<vmem>>) target_semaphore(%dma_start3A_687 : memref<!tpu.dma_semaphore, #tpu.memory_space<semaphore_mem>>)
        %add3A_693 = arith.constant 640 : i32
        %add3A_694 = arith.addi %mul3A_617, %add3A_693 : i32
        %dma_start3A_695 = arith.constant 1 : i32
        %dma_start3A_696 = arith.constant 384 : i32
        %dma_start3A_697 = arith.constant 0 : i32
        %dma_start3A_698 = tpu.memref_slice %arg5[%dma_start3A_696, %dma_start3A_697] : memref<448x128xf32, #tpu.memory_space<vmem>> -> memref<32x128xf32, #tpu.memory_space<vmem>>
        %dma_start3A_699 = arith.constant 0 : i32
        %dma_start3A_700 = tpu.memref_slice %arg2[%dma_start3A_699, %add3A_694] : memref<32x1000000xf32, #tpu.memory_space<hbm>> -> memref<32x128xf32, #tpu.memory_space<hbm>>
        %dma_start3A_701 = tpu.memref_slice %arg7[%dma_start3A_695] : memref<2x!tpu.dma_semaphore, #tpu.memory_space<semaphore_mem>> -> memref<1x!tpu.dma_semaphore, #tpu.memory_space<semaphore_mem>>
        %dma_start3A_702 = tpu.memref_squeeze %dma_start3A_701 : memref<1x!tpu.dma_semaphore, #tpu.memory_space<semaphore_mem>> -> memref<!tpu.dma_semaphore, #tpu.memory_space<semaphore_mem>>
        %dma_start3A_703 = arith.constant 384 : i32
        %dma_start3A_704 = arith.constant 0 : i32
        %dma_start3A_705 = tpu.memref_slice %arg5[%dma_start3A_703, %dma_start3A_704] : memref<448x128xf32, #tpu.memory_space<vmem>> -> memref<32x128xf32, #tpu.memory_space<vmem>>
        %dma_start3A_706 = arith.constant 0 : i32
        %dma_start3A_707 = tpu.memref_slice %arg2[%dma_start3A_706, %add3A_694] : memref<32x1000000xf32, #tpu.memory_space<hbm>> -> memref<32x128xf32, #tpu.memory_space<hbm>>
        tpu.enqueue_dma source(%dma_start3A_707 : memref<32x128xf32, #tpu.memory_space<hbm>>) target(%dma_start3A_705 : memref<32x128xf32, #tpu.memory_space<vmem>>) target_semaphore(%dma_start3A_702 : memref<!tpu.dma_semaphore, #tpu.memory_space<semaphore_mem>>)
        %add3A_708 = arith.constant 768 : i32
        %add3A_709 = arith.addi %mul3A_617, %add3A_708 : i32
        %dma_start3A_710 = arith.constant 1 : i32
        %dma_start3A_711 = arith.constant 416 : i32
        %dma_start3A_712 = arith.constant 0 : i32
        %dma_start3A_713 = tpu.memref_slice %arg5[%dma_start3A_711, %dma_start3A_712] : memref<448x128xf32, #tpu.memory_space<vmem>> -> memref<32x128xf32, #tpu.memory_space<vmem>>
        %dma_start3A_714 = arith.constant 0 : i32
        %dma_start3A_715 = tpu.memref_slice %arg2[%dma_start3A_714, %add3A_709] : memref<32x1000000xf32, #tpu.memory_space<hbm>> -> memref<32x128xf32, #tpu.memory_space<hbm>>
        %dma_start3A_716 = tpu.memref_slice %arg7[%dma_start3A_710] : memref<2x!tpu.dma_semaphore, #tpu.memory_space<semaphore_mem>> -> memref<1x!tpu.dma_semaphore, #tpu.memory_space<semaphore_mem>>
        %dma_start3A_717 = tpu.memref_squeeze %dma_start3A_716 : memref<1x!tpu.dma_semaphore, #tpu.memory_space<semaphore_mem>> -> memref<!tpu.dma_semaphore, #tpu.memory_space<semaphore_mem>>
        %dma_start3A_718 = arith.constant 416 : i32
        %dma_start3A_719 = arith.constant 0 : i32
        %dma_start3A_720 = tpu.memref_slice %arg5[%dma_start3A_718, %dma_start3A_719] : memref<448x128xf32, #tpu.memory_space<vmem>> -> memref<32x128xf32, #tpu.memory_space<vmem>>
        %dma_start3A_721 = arith.constant 0 : i32
        %dma_start3A_722 = tpu.memref_slice %arg2[%dma_start3A_721, %add3A_709] : memref<32x1000000xf32, #tpu.memory_space<hbm>> -> memref<32x128xf32, #tpu.memory_space<hbm>>
        tpu.enqueue_dma source(%dma_start3A_722 : memref<32x128xf32, #tpu.memory_space<hbm>>) target(%dma_start3A_720 : memref<32x128xf32, #tpu.memory_space<vmem>>) target_semaphore(%dma_start3A_717 : memref<!tpu.dma_semaphore, #tpu.memory_space<semaphore_mem>>)
      } else {
      }
      %ge3A = arith.constant 1 : i32
      %ge3A_446 = arith.cmpi sge, %scan3A_331, %ge3A : i32
      %convert_element_type3A_447 = arith.extui %ge3A_446 : i1 to i32
      %cond3A_448 = arith.constant 0 : i32
      %cond3A_449 = arith.cmpi ne, %convert_element_type3A_447, %cond3A_448 : i32
      scf.if %cond3A_449 {
        %dma_wait3A_611 = arith.constant 0 : i32
        %dma_wait3A_612 = arith.constant 0 : i32
        %dma_wait3A_613 = tpu.memref_slice %arg6[%dma_wait3A_612] : memref<57344xf32, #tpu.memory_space<vmem>> -> memref<28672xf32, #tpu.memory_space<vmem>>
        %dma_wait3A_614 = arith.constant 0 : i32
        %dma_wait3A_615 = tpu.memref_slice %arg4[%dma_wait3A_614] : memref<32000000xf32, #tpu.memory_space<hbm>> -> memref<28672xf32, #tpu.memory_space<hbm>>
        %dma_wait3A_616 = tpu.memref_slice %arg8[%dma_wait3A_611] : memref<2x!tpu.dma_semaphore, #tpu.memory_space<semaphore_mem>> -> memref<1x!tpu.dma_semaphore, #tpu.memory_space<semaphore_mem>>
        %dma_wait3A_617 = tpu.memref_squeeze %dma_wait3A_616 : memref<1x!tpu.dma_semaphore, #tpu.memory_space<semaphore_mem>> -> memref<!tpu.dma_semaphore, #tpu.memory_space<semaphore_mem>>
        %dma_wait3A_618 = arith.constant 0 : i32
        %dma_wait3A_619 = tpu.memref_slice %arg4[%dma_wait3A_618] : memref<32000000xf32, #tpu.memory_space<hbm>> -> memref<28672xf32, #tpu.memory_space<hbm>>
        %dma_wait3A_620 = arith.constant 0 : i32
        %dma_wait3A_621 = tpu.memref_slice %arg6[%dma_wait3A_620] : memref<57344xf32, #tpu.memory_space<vmem>> -> memref<28672xf32, #tpu.memory_space<vmem>>
        tpu.wait_dma2 semaphore(%dma_wait3A_617 : memref<!tpu.dma_semaphore, #tpu.memory_space<semaphore_mem>>) src(%dma_wait3A_621 : memref<28672xf32, #tpu.memory_space<vmem>>) dst(%dma_wait3A_619 : memref<28672xf32, #tpu.memory_space<hbm>>)
      } else {
      }
      %iota3A_450 = tpu.iota {dimensions = array<i32: 0>} : vector<16xi32>
      %parallel_loop3A_451 = arith.constant 0 : i32
      %parallel_loop3A_452 = arith.constant 112 : i32
      %parallel_loop3A_453 = arith.constant 1 : i32
      scf.for %parallel_loop3A_611 = %parallel_loop3A_451 to %parallel_loop3A_452 step %parallel_loop3A_453  : i32 {
        %parallel_loop3A_612 = arith.constant 4 : i32
        %parallel_loop3A_613 = arith.shrui %parallel_loop3A_611, %parallel_loop3A_612 : i32
        %parallel_loop3A_614 = arith.constant 15 : i32
        %parallel_loop3A_615 = arith.andi %parallel_loop3A_611, %parallel_loop3A_614 : i32
        %parallel_loop3A_616 = arith.constant 1 : i32
        %parallel_loop3A_617 = arith.andi %parallel_loop3A_615, %parallel_loop3A_616 : i32
        %parallel_loop3A_618 = arith.constant 1 : i32
        %parallel_loop3A_619 = arith.shrui %parallel_loop3A_615, %parallel_loop3A_618 : i32
        %parallel_loop3A_620 = arith.constant 16 : i32
        %parallel_loop3A_621 = arith.muli %parallel_loop3A_619, %parallel_loop3A_620 : i32
        %parallel_loop3A_622 = arith.constant 32 : i32
        %parallel_loop3A_623 = arith.muli %parallel_loop3A_613, %parallel_loop3A_622 : i32
        %parallel_loop3A_624 = arith.constant 0 : i32
        %parallel_loop3A_625 = arith.addi %parallel_loop3A_624, %parallel_loop3A_623 : i32
        %parallel_loop3A_626 = arith.constant 16 : i32
        %parallel_loop3A_627 = arith.muli %parallel_loop3A_617, %parallel_loop3A_626 : i32
        %parallel_loop3A_628 = arith.addi %parallel_loop3A_625, %parallel_loop3A_627 : i32
        %parallel_loop3A_629 = vector.broadcast %parallel_loop3A_628 : i32 to vector<16xi32>
        %parallel_loop3A_630 = arith.addi %iota3A_450, %parallel_loop3A_629 : vector<16xi32>
        %parallel_loop3A_631 = arith.constant 128 : i32
        %parallel_loop3A_632 = arith.muli %parallel_loop3A_613, %parallel_loop3A_631 : i32
        %parallel_loop3A_633 = arith.addi %parallel_loop3A_632, %parallel_loop3A_621 : i32
        %parallel_loop3A_634 = arith.constant 32 : i32
        %parallel_loop3A_635 = arith.muli %parallel_loop3A_633, %parallel_loop3A_634 : i32
        %parallel_loop3A_636 = arith.constant 0 : i32
        %parallel_loop3A_637 = arith.addi %parallel_loop3A_636, %parallel_loop3A_635 : i32
        %parallel_loop3A_638 = arith.constant 16 : i32
        %parallel_loop3A_639 = arith.muli %parallel_loop3A_617, %parallel_loop3A_638 : i32
        %parallel_loop3A_640 = arith.addi %parallel_loop3A_637, %parallel_loop3A_639 : i32
        %parallel_loop3A_641 = vector.broadcast %parallel_loop3A_640 : i32 to vector<16xi32>
        %parallel_loop3A_642 = arith.addi %iota3A_450, %parallel_loop3A_641 : vector<16xi32>
        %parallel_loop3A_643 = arith.constant 0 : i32
        %parallel_loop3A_644 = vector.broadcast %parallel_loop3A_643 : i32 to vector<16xi32>
        %parallel_loop3A_645 = arith.addi %iota3A_450, %parallel_loop3A_644 : vector<16xi32>
        %parallel_loop3A_646 = arith.constant 15 : i32
        %parallel_loop3A_647 = vector.broadcast %parallel_loop3A_646 : i32 to vector<16xi32>
        %parallel_loop3A_648 = arith.andi %parallel_loop3A_645, %parallel_loop3A_647 : vector<16xi32>
        %parallel_loop3A_649 = vector.broadcast %parallel_loop3A_621 : i32 to vector<16xi32>
        %parallel_loop3A_650 = arith.addi %parallel_loop3A_648, %parallel_loop3A_649 : vector<16xi32>
        %parallel_loop3A_651 = tpu.vector_load_idx %arg5[%parallel_loop3A_630, %parallel_loop3A_650] : memref<448x128xf32, #tpu.memory_space<vmem>>[vector<16xi32>, vector<16xi32>], vector<16xf32>,
        %parallel_loop3A_652 = arith.constant 5 : i32
        %parallel_loop3A_653 = vector.broadcast %parallel_loop3A_652 : i32 to vector<16xi32>
        %parallel_loop3A_654 = arith.shli %parallel_loop3A_648, %parallel_loop3A_653 : vector<16xi32>
        %parallel_loop3A_655 = arith.addi %parallel_loop3A_654, %parallel_loop3A_642 : vector<16xi32>
        tpu.vector_store_idx %arg6[%parallel_loop3A_655], %parallel_loop3A_651 : memref<57344xf32, #tpu.memory_space<vmem>>[vector<16xi32>], vector<16xf32>,
        %parallel_loop3A_656 = arith.constant 1 : i32
        %parallel_loop3A_657 = vector.broadcast %parallel_loop3A_656 : i32 to vector<16xi32>
        %parallel_loop3A_658 = arith.addi %iota3A_450, %parallel_loop3A_657 : vector<16xi32>
        %parallel_loop3A_659 = arith.constant 15 : i32
        %parallel_loop3A_660 = vector.broadcast %parallel_loop3A_659 : i32 to vector<16xi32>
        %parallel_loop3A_661 = arith.andi %parallel_loop3A_658, %parallel_loop3A_660 : vector<16xi32>
        %parallel_loop3A_662 = vector.broadcast %parallel_loop3A_621 : i32 to vector<16xi32>
        %parallel_loop3A_663 = arith.addi %parallel_loop3A_661, %parallel_loop3A_662 : vector<16xi32>
        %parallel_loop3A_664 = tpu.vector_load_idx %arg5[%parallel_loop3A_630, %parallel_loop3A_663] : memref<448x128xf32, #tpu.memory_space<vmem>>[vector<16xi32>, vector<16xi32>], vector<16xf32>,
        %parallel_loop3A_665 = arith.constant 5 : i32
        %parallel_loop3A_666 = vector.broadcast %parallel_loop3A_665 : i32 to vector<16xi32>
        %parallel_loop3A_667 = arith.shli %parallel_loop3A_661, %parallel_loop3A_666 : vector<16xi32>
        %parallel_loop3A_668 = arith.addi %parallel_loop3A_667, %parallel_loop3A_642 : vector<16xi32>
        tpu.vector_store_idx %arg6[%parallel_loop3A_668], %parallel_loop3A_664 : memref<57344xf32, #tpu.memory_space<vmem>>[vector<16xi32>], vector<16xf32>,
        %parallel_loop3A_669 = arith.constant 2 : i32
        %parallel_loop3A_670 = vector.broadcast %parallel_loop3A_669 : i32 to vector<16xi32>
        %parallel_loop3A_671 = arith.addi %iota3A_450, %parallel_loop3A_670 : vector<16xi32>
        %parallel_loop3A_672 = arith.constant 15 : i32
        %parallel_loop3A_673 = vector.broadcast %parallel_loop3A_672 : i32 to vector<16xi32>
        %parallel_loop3A_674 = arith.andi %parallel_loop3A_671, %parallel_loop3A_673 : vector<16xi32>
        %parallel_loop3A_675 = vector.broadcast %parallel_loop3A_621 : i32 to vector<16xi32>
        %parallel_loop3A_676 = arith.addi %parallel_loop3A_674, %parallel_loop3A_675 : vector<16xi32>
        %parallel_loop3A_677 = tpu.vector_load_idx %arg5[%parallel_loop3A_630, %parallel_loop3A_676] : memref<448x128xf32, #tpu.memory_space<vmem>>[vector<16xi32>, vector<16xi32>], vector<16xf32>,
        %parallel_loop3A_678 = arith.constant 5 : i32
        %parallel_loop3A_679 = vector.broadcast %parallel_loop3A_678 : i32 to vector<16xi32>
        %parallel_loop3A_680 = arith.shli %parallel_loop3A_674, %parallel_loop3A_679 : vector<16xi32>
        %parallel_loop3A_681 = arith.addi %parallel_loop3A_680, %parallel_loop3A_642 : vector<16xi32>
        tpu.vector_store_idx %arg6[%parallel_loop3A_681], %parallel_loop3A_677 : memref<57344xf32, #tpu.memory_space<vmem>>[vector<16xi32>], vector<16xf32>,
        %parallel_loop3A_682 = arith.constant 3 : i32
        %parallel_loop3A_683 = vector.broadcast %parallel_loop3A_682 : i32 to vector<16xi32>
        %parallel_loop3A_684 = arith.addi %iota3A_450, %parallel_loop3A_683 : vector<16xi32>
        %parallel_loop3A_685 = arith.constant 15 : i32
        %parallel_loop3A_686 = vector.broadcast %parallel_loop3A_685 : i32 to vector<16xi32>
        %parallel_loop3A_687 = arith.andi %parallel_loop3A_684, %parallel_loop3A_686 : vector<16xi32>
        %parallel_loop3A_688 = vector.broadcast %parallel_loop3A_621 : i32 to vector<16xi32>
        %parallel_loop3A_689 = arith.addi %parallel_loop3A_687, %parallel_loop3A_688 : vector<16xi32>
        %parallel_loop3A_690 = tpu.vector_load_idx %arg5[%parallel_loop3A_630, %parallel_loop3A_689] : memref<448x128xf32, #tpu.memory_space<vmem>>[vector<16xi32>, vector<16xi32>], vector<16xf32>,
        %parallel_loop3A_691 = arith.constant 5 : i32
        %parallel_loop3A_692 = vector.broadcast %parallel_loop3A_691 : i32 to vector<16xi32>
        %parallel_loop3A_693 = arith.shli %parallel_loop3A_687, %parallel_loop3A_692 : vector<16xi32>
        %parallel_loop3A_694 = arith.addi %parallel_loop3A_693, %parallel_loop3A_642 : vector<16xi32>
        tpu.vector_store_idx %arg6[%parallel_loop3A_694], %parallel_loop3A_690 : memref<57344xf32, #tpu.memory_space<vmem>>[vector<16xi32>], vector<16xf32>,
        %parallel_loop3A_695 = arith.constant 4 : i32
        %parallel_loop3A_696 = vector.broadcast %parallel_loop3A_695 : i32 to vector<16xi32>
        %parallel_loop3A_697 = arith.addi %iota3A_450, %parallel_loop3A_696 : vector<16xi32>
        %parallel_loop3A_698 = arith.constant 15 : i32
        %parallel_loop3A_699 = vector.broadcast %parallel_loop3A_698 : i32 to vector<16xi32>
        %parallel_loop3A_700 = arith.andi %parallel_loop3A_697, %parallel_loop3A_699 : vector<16xi32>
        %parallel_loop3A_701 = vector.broadcast %parallel_loop3A_621 : i32 to vector<16xi32>
        %parallel_loop3A_702 = arith.addi %parallel_loop3A_700, %parallel_loop3A_701 : vector<16xi32>
        %parallel_loop3A_703 = tpu.vector_load_idx %arg5[%parallel_loop3A_630, %parallel_loop3A_702] : memref<448x128xf32, #tpu.memory_space<vmem>>[vector<16xi32>, vector<16xi32>], vector<16xf32>,
        %parallel_loop3A_704 = arith.constant 5 : i32
        %parallel_loop3A_705 = vector.broadcast %parallel_loop3A_704 : i32 to vector<16xi32>
        %parallel_loop3A_706 = arith.shli %parallel_loop3A_700, %parallel_loop3A_705 : vector<16xi32>
        %parallel_loop3A_707 = arith.addi %parallel_loop3A_706, %parallel_loop3A_642 : vector<16xi32>
        tpu.vector_store_idx %arg6[%parallel_loop3A_707], %parallel_loop3A_703 : memref<57344xf32, #tpu.memory_space<vmem>>[vector<16xi32>], vector<16xf32>,
        %parallel_loop3A_708 = arith.constant 5 : i32
        %parallel_loop3A_709 = vector.broadcast %parallel_loop3A_708 : i32 to vector<16xi32>
        %parallel_loop3A_710 = arith.addi %iota3A_450, %parallel_loop3A_709 : vector<16xi32>
        %parallel_loop3A_711 = arith.constant 15 : i32
        %parallel_loop3A_712 = vector.broadcast %parallel_loop3A_711 : i32 to vector<16xi32>
        %parallel_loop3A_713 = arith.andi %parallel_loop3A_710, %parallel_loop3A_712 : vector<16xi32>
        %parallel_loop3A_714 = vector.broadcast %parallel_loop3A_621 : i32 to vector<16xi32>
        %parallel_loop3A_715 = arith.addi %parallel_loop3A_713, %parallel_loop3A_714 : vector<16xi32>
        %parallel_loop3A_716 = tpu.vector_load_idx %arg5[%parallel_loop3A_630, %parallel_loop3A_715] : memref<448x128xf32, #tpu.memory_space<vmem>>[vector<16xi32>, vector<16xi32>], vector<16xf32>,
        %parallel_loop3A_717 = arith.constant 5 : i32
        %parallel_loop3A_718 = vector.broadcast %parallel_loop3A_717 : i32 to vector<16xi32>
        %parallel_loop3A_719 = arith.shli %parallel_loop3A_713, %parallel_loop3A_718 : vector<16xi32>
        %parallel_loop3A_720 = arith.addi %parallel_loop3A_719, %parallel_loop3A_642 : vector<16xi32>
        tpu.vector_store_idx %arg6[%parallel_loop3A_720], %parallel_loop3A_716 : memref<57344xf32, #tpu.memory_space<vmem>>[vector<16xi32>], vector<16xf32>,
        %parallel_loop3A_721 = arith.constant 6 : i32
        %parallel_loop3A_722 = vector.broadcast %parallel_loop3A_721 : i32 to vector<16xi32>
        %parallel_loop3A_723 = arith.addi %iota3A_450, %parallel_loop3A_722 : vector<16xi32>
        %parallel_loop3A_724 = arith.constant 15 : i32
        %parallel_loop3A_725 = vector.broadcast %parallel_loop3A_724 : i32 to vector<16xi32>
        %parallel_loop3A_726 = arith.andi %parallel_loop3A_723, %parallel_loop3A_725 : vector<16xi32>
        %parallel_loop3A_727 = vector.broadcast %parallel_loop3A_621 : i32 to vector<16xi32>
        %parallel_loop3A_728 = arith.addi %parallel_loop3A_726, %parallel_loop3A_727 : vector<16xi32>
        %parallel_loop3A_729 = tpu.vector_load_idx %arg5[%parallel_loop3A_630, %parallel_loop3A_728] : memref<448x128xf32, #tpu.memory_space<vmem>>[vector<16xi32>, vector<16xi32>], vector<16xf32>,
        %parallel_loop3A_730 = arith.constant 5 : i32
        %parallel_loop3A_731 = vector.broadcast %parallel_loop3A_730 : i32 to vector<16xi32>
        %parallel_loop3A_732 = arith.shli %parallel_loop3A_726, %parallel_loop3A_731 : vector<16xi32>
        %parallel_loop3A_733 = arith.addi %parallel_loop3A_732, %parallel_loop3A_642 : vector<16xi32>
        tpu.vector_store_idx %arg6[%parallel_loop3A_733], %parallel_loop3A_729 : memref<57344xf32, #tpu.memory_space<vmem>>[vector<16xi32>], vector<16xf32>,
        %parallel_loop3A_734 = arith.constant 7 : i32
        %parallel_loop3A_735 = vector.broadcast %parallel_loop3A_734 : i32 to vector<16xi32>
        %parallel_loop3A_736 = arith.addi %iota3A_450, %parallel_loop3A_735 : vector<16xi32>
        %parallel_loop3A_737 = arith.constant 15 : i32
        %parallel_loop3A_738 = vector.broadcast %parallel_loop3A_737 : i32 to vector<16xi32>
        %parallel_loop3A_739 = arith.andi %parallel_loop3A_736, %parallel_loop3A_738 : vector<16xi32>
        %parallel_loop3A_740 = vector.broadcast %parallel_loop3A_621 : i32 to vector<16xi32>
        %parallel_loop3A_741 = arith.addi %parallel_loop3A_739, %parallel_loop3A_740 : vector<16xi32>
        %parallel_loop3A_742 = tpu.vector_load_idx %arg5[%parallel_loop3A_630, %parallel_loop3A_741] : memref<448x128xf32, #tpu.memory_space<vmem>>[vector<16xi32>, vector<16xi32>], vector<16xf32>,
        %parallel_loop3A_743 = arith.constant 5 : i32
        %parallel_loop3A_744 = vector.broadcast %parallel_loop3A_743 : i32 to vector<16xi32>
        %parallel_loop3A_745 = arith.shli %parallel_loop3A_739, %parallel_loop3A_744 : vector<16xi32>
        %parallel_loop3A_746 = arith.addi %parallel_loop3A_745, %parallel_loop3A_642 : vector<16xi32>
        tpu.vector_store_idx %arg6[%parallel_loop3A_746], %parallel_loop3A_742 : memref<57344xf32, #tpu.memory_space<vmem>>[vector<16xi32>], vector<16xf32>,
        %parallel_loop3A_747 = arith.constant 8 : i32
        %parallel_loop3A_748 = vector.broadcast %parallel_loop3A_747 : i32 to vector<16xi32>
        %parallel_loop3A_749 = arith.addi %iota3A_450, %parallel_loop3A_748 : vector<16xi32>
        %parallel_loop3A_750 = arith.constant 15 : i32
        %parallel_loop3A_751 = vector.broadcast %parallel_loop3A_750 : i32 to vector<16xi32>
        %parallel_loop3A_752 = arith.andi %parallel_loop3A_749, %parallel_loop3A_751 : vector<16xi32>
        %parallel_loop3A_753 = vector.broadcast %parallel_loop3A_621 : i32 to vector<16xi32>
        %parallel_loop3A_754 = arith.addi %parallel_loop3A_752, %parallel_loop3A_753 : vector<16xi32>
        %parallel_loop3A_755 = tpu.vector_load_idx %arg5[%parallel_loop3A_630, %parallel_loop3A_754] : memref<448x128xf32, #tpu.memory_space<vmem>>[vector<16xi32>, vector<16xi32>], vector<16xf32>,
        %parallel_loop3A_756 = arith.constant 5 : i32
        %parallel_loop3A_757 = vector.broadcast %parallel_loop3A_756 : i32 to vector<16xi32>
        %parallel_loop3A_758 = arith.shli %parallel_loop3A_752, %parallel_loop3A_757 : vector<16xi32>
        %parallel_loop3A_759 = arith.addi %parallel_loop3A_758, %parallel_loop3A_642 : vector<16xi32>
        tpu.vector_store_idx %arg6[%parallel_loop3A_759], %parallel_loop3A_755 : memref<57344xf32, #tpu.memory_space<vmem>>[vector<16xi32>], vector<16xf32>,
        %parallel_loop3A_760 = arith.constant 9 : i32
        %parallel_loop3A_761 = vector.broadcast %parallel_loop3A_760 : i32 to vector<16xi32>
        %parallel_loop3A_762 = arith.addi %iota3A_450, %parallel_loop3A_761 : vector<16xi32>
        %parallel_loop3A_763 = arith.constant 15 : i32
        %parallel_loop3A_764 = vector.broadcast %parallel_loop3A_763 : i32 to vector<16xi32>
        %parallel_loop3A_765 = arith.andi %parallel_loop3A_762, %parallel_loop3A_764 : vector<16xi32>
        %parallel_loop3A_766 = vector.broadcast %parallel_loop3A_621 : i32 to vector<16xi32>
        %parallel_loop3A_767 = arith.addi %parallel_loop3A_765, %parallel_loop3A_766 : vector<16xi32>
        %parallel_loop3A_768 = tpu.vector_load_idx %arg5[%parallel_loop3A_630, %parallel_loop3A_767] : memref<448x128xf32, #tpu.memory_space<vmem>>[vector<16xi32>, vector<16xi32>], vector<16xf32>,
        %parallel_loop3A_769 = arith.constant 5 : i32
        %parallel_loop3A_770 = vector.broadcast %parallel_loop3A_769 : i32 to vector<16xi32>
        %parallel_loop3A_771 = arith.shli %parallel_loop3A_765, %parallel_loop3A_770 : vector<16xi32>
        %parallel_loop3A_772 = arith.addi %parallel_loop3A_771, %parallel_loop3A_642 : vector<16xi32>
        tpu.vector_store_idx %arg6[%parallel_loop3A_772], %parallel_loop3A_768 : memref<57344xf32, #tpu.memory_space<vmem>>[vector<16xi32>], vector<16xf32>,
        %parallel_loop3A_773 = arith.constant 10 : i32
        %parallel_loop3A_774 = vector.broadcast %parallel_loop3A_773 : i32 to vector<16xi32>
        %parallel_loop3A_775 = arith.addi %iota3A_450, %parallel_loop3A_774 : vector<16xi32>
        %parallel_loop3A_776 = arith.constant 15 : i32
        %parallel_loop3A_777 = vector.broadcast %parallel_loop3A_776 : i32 to vector<16xi32>
        %parallel_loop3A_778 = arith.andi %parallel_loop3A_775, %parallel_loop3A_777 : vector<16xi32>
        %parallel_loop3A_779 = vector.broadcast %parallel_loop3A_621 : i32 to vector<16xi32>
        %parallel_loop3A_780 = arith.addi %parallel_loop3A_778, %parallel_loop3A_779 : vector<16xi32>
        %parallel_loop3A_781 = tpu.vector_load_idx %arg5[%parallel_loop3A_630, %parallel_loop3A_780] : memref<448x128xf32, #tpu.memory_space<vmem>>[vector<16xi32>, vector<16xi32>], vector<16xf32>,
        %parallel_loop3A_782 = arith.constant 5 : i32
        %parallel_loop3A_783 = vector.broadcast %parallel_loop3A_782 : i32 to vector<16xi32>
        %parallel_loop3A_784 = arith.shli %parallel_loop3A_778, %parallel_loop3A_783 : vector<16xi32>
        %parallel_loop3A_785 = arith.addi %parallel_loop3A_784, %parallel_loop3A_642 : vector<16xi32>
        tpu.vector_store_idx %arg6[%parallel_loop3A_785], %parallel_loop3A_781 : memref<57344xf32, #tpu.memory_space<vmem>>[vector<16xi32>], vector<16xf32>,
        %parallel_loop3A_786 = arith.constant 11 : i32
        %parallel_loop3A_787 = vector.broadcast %parallel_loop3A_786 : i32 to vector<16xi32>
        %parallel_loop3A_788 = arith.addi %iota3A_450, %parallel_loop3A_787 : vector<16xi32>
        %parallel_loop3A_789 = arith.constant 15 : i32
        %parallel_loop3A_790 = vector.broadcast %parallel_loop3A_789 : i32 to vector<16xi32>
        %parallel_loop3A_791 = arith.andi %parallel_loop3A_788, %parallel_loop3A_790 : vector<16xi32>
        %parallel_loop3A_792 = vector.broadcast %parallel_loop3A_621 : i32 to vector<16xi32>
        %parallel_loop3A_793 = arith.addi %parallel_loop3A_791, %parallel_loop3A_792 : vector<16xi32>
        %parallel_loop3A_794 = tpu.vector_load_idx %arg5[%parallel_loop3A_630, %parallel_loop3A_793] : memref<448x128xf32, #tpu.memory_space<vmem>>[vector<16xi32>, vector<16xi32>], vector<16xf32>,
        %parallel_loop3A_795 = arith.constant 5 : i32
        %parallel_loop3A_796 = vector.broadcast %parallel_loop3A_795 : i32 to vector<16xi32>
        %parallel_loop3A_797 = arith.shli %parallel_loop3A_791, %parallel_loop3A_796 : vector<16xi32>
        %parallel_loop3A_798 = arith.addi %parallel_loop3A_797, %parallel_loop3A_642 : vector<16xi32>
        tpu.vector_store_idx %arg6[%parallel_loop3A_798], %parallel_loop3A_794 : memref<57344xf32, #tpu.memory_space<vmem>>[vector<16xi32>], vector<16xf32>,
        %parallel_loop3A_799 = arith.constant 12 : i32
        %parallel_loop3A_800 = vector.broadcast %parallel_loop3A_799 : i32 to vector<16xi32>
        %parallel_loop3A_801 = arith.addi %iota3A_450, %parallel_loop3A_800 : vector<16xi32>
        %parallel_loop3A_802 = arith.constant 15 : i32
        %parallel_loop3A_803 = vector.broadcast %parallel_loop3A_802 : i32 to vector<16xi32>
        %parallel_loop3A_804 = arith.andi %parallel_loop3A_801, %parallel_loop3A_803 : vector<16xi32>
        %parallel_loop3A_805 = vector.broadcast %parallel_loop3A_621 : i32 to vector<16xi32>
        %parallel_loop3A_806 = arith.addi %parallel_loop3A_804, %parallel_loop3A_805 : vector<16xi32>
        %parallel_loop3A_807 = tpu.vector_load_idx %arg5[%parallel_loop3A_630, %parallel_loop3A_806] : memref<448x128xf32, #tpu.memory_space<vmem>>[vector<16xi32>, vector<16xi32>], vector<16xf32>,
        %parallel_loop3A_808 = arith.constant 5 : i32
        %parallel_loop3A_809 = vector.broadcast %parallel_loop3A_808 : i32 to vector<16xi32>
        %parallel_loop3A_810 = arith.shli %parallel_loop3A_804, %parallel_loop3A_809 : vector<16xi32>
        %parallel_loop3A_811 = arith.addi %parallel_loop3A_810, %parallel_loop3A_642 : vector<16xi32>
        tpu.vector_store_idx %arg6[%parallel_loop3A_811], %parallel_loop3A_807 : memref<57344xf32, #tpu.memory_space<vmem>>[vector<16xi32>], vector<16xf32>,
        %parallel_loop3A_812 = arith.constant 13 : i32
        %parallel_loop3A_813 = vector.broadcast %parallel_loop3A_812 : i32 to vector<16xi32>
        %parallel_loop3A_814 = arith.addi %iota3A_450, %parallel_loop3A_813 : vector<16xi32>
        %parallel_loop3A_815 = arith.constant 15 : i32
        %parallel_loop3A_816 = vector.broadcast %parallel_loop3A_815 : i32 to vector<16xi32>
        %parallel_loop3A_817 = arith.andi %parallel_loop3A_814, %parallel_loop3A_816 : vector<16xi32>
        %parallel_loop3A_818 = vector.broadcast %parallel_loop3A_621 : i32 to vector<16xi32>
        %parallel_loop3A_819 = arith.addi %parallel_loop3A_817, %parallel_loop3A_818 : vector<16xi32>
        %parallel_loop3A_820 = tpu.vector_load_idx %arg5[%parallel_loop3A_630, %parallel_loop3A_819] : memref<448x128xf32, #tpu.memory_space<vmem>>[vector<16xi32>, vector<16xi32>], vector<16xf32>,
        %parallel_loop3A_821 = arith.constant 5 : i32
        %parallel_loop3A_822 = vector.broadcast %parallel_loop3A_821 : i32 to vector<16xi32>
        %parallel_loop3A_823 = arith.shli %parallel_loop3A_817, %parallel_loop3A_822 : vector<16xi32>
        %parallel_loop3A_824 = arith.addi %parallel_loop3A_823, %parallel_loop3A_642 : vector<16xi32>
        tpu.vector_store_idx %arg6[%parallel_loop3A_824], %parallel_loop3A_820 : memref<57344xf32, #tpu.memory_space<vmem>>[vector<16xi32>], vector<16xf32>,
        %parallel_loop3A_825 = arith.constant 14 : i32
        %parallel_loop3A_826 = vector.broadcast %parallel_loop3A_825 : i32 to vector<16xi32>
        %parallel_loop3A_827 = arith.addi %iota3A_450, %parallel_loop3A_826 : vector<16xi32>
        %parallel_loop3A_828 = arith.constant 15 : i32
        %parallel_loop3A_829 = vector.broadcast %parallel_loop3A_828 : i32 to vector<16xi32>
        %parallel_loop3A_830 = arith.andi %parallel_loop3A_827, %parallel_loop3A_829 : vector<16xi32>
        %parallel_loop3A_831 = vector.broadcast %parallel_loop3A_621 : i32 to vector<16xi32>
        %parallel_loop3A_832 = arith.addi %parallel_loop3A_830, %parallel_loop3A_831 : vector<16xi32>
        %parallel_loop3A_833 = tpu.vector_load_idx %arg5[%parallel_loop3A_630, %parallel_loop3A_832] : memref<448x128xf32, #tpu.memory_space<vmem>>[vector<16xi32>, vector<16xi32>], vector<16xf32>,
        %parallel_loop3A_834 = arith.constant 5 : i32
        %parallel_loop3A_835 = vector.broadcast %parallel_loop3A_834 : i32 to vector<16xi32>
        %parallel_loop3A_836 = arith.shli %parallel_loop3A_830, %parallel_loop3A_835 : vector<16xi32>
        %parallel_loop3A_837 = arith.addi %parallel_loop3A_836, %parallel_loop3A_642 : vector<16xi32>
        tpu.vector_store_idx %arg6[%parallel_loop3A_837], %parallel_loop3A_833 : memref<57344xf32, #tpu.memory_space<vmem>>[vector<16xi32>], vector<16xf32>,
        %parallel_loop3A_838 = arith.constant 15 : i32
        %parallel_loop3A_839 = vector.broadcast %parallel_loop3A_838 : i32 to vector<16xi32>
        %parallel_loop3A_840 = arith.addi %iota3A_450, %parallel_loop3A_839 : vector<16xi32>
        %parallel_loop3A_841 = arith.constant 15 : i32
        %parallel_loop3A_842 = vector.broadcast %parallel_loop3A_841 : i32 to vector<16xi32>
        %parallel_loop3A_843 = arith.andi %parallel_loop3A_840, %parallel_loop3A_842 : vector<16xi32>
        %parallel_loop3A_844 = vector.broadcast %parallel_loop3A_621 : i32 to vector<16xi32>
        %parallel_loop3A_845 = arith.addi %parallel_loop3A_843, %parallel_loop3A_844 : vector<16xi32>
        %parallel_loop3A_846 = tpu.vector_load_idx %arg5[%parallel_loop3A_630, %parallel_loop3A_845] : memref<448x128xf32, #tpu.memory_space<vmem>>[vector<16xi32>, vector<16xi32>], vector<16xf32>,
        %parallel_loop3A_847 = arith.constant 5 : i32
        %parallel_loop3A_848 = vector.broadcast %parallel_loop3A_847 : i32 to vector<16xi32>
        %parallel_loop3A_849 = arith.shli %parallel_loop3A_843, %parallel_loop3A_848 : vector<16xi32>
        %parallel_loop3A_850 = arith.addi %parallel_loop3A_849, %parallel_loop3A_642 : vector<16xi32>
        tpu.vector_store_idx %arg6[%parallel_loop3A_850], %parallel_loop3A_846 : memref<57344xf32, #tpu.memory_space<vmem>>[vector<16xi32>], vector<16xf32>,
      } {sc.loop_unroll_factor = 2 : i64, sc.parallel_access}
      %mul3A_454 = arith.constant 7 : i32
      %mul3A_455 = arith.muli %mul3A_333, %mul3A_454 : i32
      %add3A_456 = arith.addi %mul3A_2, %mul3A_455 : i32
      %mul3A_457 = arith.constant 128 : i32
      %mul3A_458 = arith.muli %add3A_456, %mul3A_457 : i32
      %mul3A_459 = arith.constant 32 : i32
      %mul3A_460 = arith.muli %mul3A_458, %mul3A_459 : i32
      %dma_start3A_461 = arith.constant 0 : i32
      %dma_start3A_462 = arith.constant 0 : i32
      %dma_start3A_463 = tpu.memref_slice %arg6[%dma_start3A_462] : memref<57344xf32, #tpu.memory_space<vmem>> -> memref<28672xf32, #tpu.memory_space<vmem>>
      %dma_start3A_464 = tpu.memref_slice %arg4[%mul3A_460] : memref<32000000xf32, #tpu.memory_space<hbm>> -> memref<28672xf32, #tpu.memory_space<hbm>>
      %dma_start3A_465 = tpu.memref_slice %arg8[%dma_start3A_461] : memref<2x!tpu.dma_semaphore, #tpu.memory_space<semaphore_mem>> -> memref<1x!tpu.dma_semaphore, #tpu.memory_space<semaphore_mem>>
      %dma_start3A_466 = tpu.memref_squeeze %dma_start3A_465 : memref<1x!tpu.dma_semaphore, #tpu.memory_space<semaphore_mem>> -> memref<!tpu.dma_semaphore, #tpu.memory_space<semaphore_mem>>
      %dma_start3A_467 = tpu.memref_slice %arg4[%mul3A_460] : memref<32000000xf32, #tpu.memory_space<hbm>> -> memref<28672xf32, #tpu.memory_space<hbm>>
      %dma_start3A_468 = arith.constant 0 : i32
      %dma_start3A_469 = tpu.memref_slice %arg6[%dma_start3A_468] : memref<57344xf32, #tpu.memory_space<vmem>> -> memref<28672xf32, #tpu.memory_space<vmem>>
      tpu.enqueue_dma source(%dma_start3A_469 : memref<28672xf32, #tpu.memory_space<vmem>>) target(%dma_start3A_467 : memref<28672xf32, #tpu.memory_space<hbm>>) target_semaphore(%dma_start3A_466 : memref<!tpu.dma_semaphore, #tpu.memory_space<semaphore_mem>>)
      %mul3A_470 = arith.constant 2 : i32
      %mul3A_471 = arith.muli %mul3A_470, %scan3A_331 : i32
      %add3A_472 = arith.constant 1 : i32
      %add3A_473 = arith.addi %mul3A_471, %add3A_472 : i32
      %dma_wait3A_474 = arith.constant 1 : i32
      %dma_wait3A_475 = arith.constant 224 : i32
      %dma_wait3A_476 = arith.constant 0 : i32
      %dma_wait3A_477 = tpu.memref_slice %arg5[%dma_wait3A_475, %dma_wait3A_476] : memref<448x128xf32, #tpu.memory_space<vmem>> -> memref<32x128xf32, #tpu.memory_space<vmem>>
      %dma_wait3A_478 = arith.constant 0 : i32
      %dma_wait3A_479 = arith.constant 0 : i32
      %dma_wait3A_480 = tpu.memref_slice %arg2[%dma_wait3A_478, %dma_wait3A_479] : memref<32x1000000xf32, #tpu.memory_space<hbm>> -> memref<32x128xf32, #tpu.memory_space<hbm>>
      %dma_wait3A_481 = tpu.memref_slice %arg7[%dma_wait3A_474] : memref<2x!tpu.dma_semaphore, #tpu.memory_space<semaphore_mem>> -> memref<1x!tpu.dma_semaphore, #tpu.memory_space<semaphore_mem>>
      %dma_wait3A_482 = tpu.memref_squeeze %dma_wait3A_481 : memref<1x!tpu.dma_semaphore, #tpu.memory_space<semaphore_mem>> -> memref<!tpu.dma_semaphore, #tpu.memory_space<semaphore_mem>>
      %dma_wait3A_483 = arith.constant 224 : i32
      %dma_wait3A_484 = arith.constant 0 : i32
      %dma_wait3A_485 = tpu.memref_slice %arg5[%dma_wait3A_483, %dma_wait3A_484] : memref<448x128xf32, #tpu.memory_space<vmem>> -> memref<32x128xf32, #tpu.memory_space<vmem>>
      %dma_wait3A_486 = arith.constant 0 : i32
      %dma_wait3A_487 = arith.constant 0 : i32
      %dma_wait3A_488 = tpu.memref_slice %arg2[%dma_wait3A_486, %dma_wait3A_487] : memref<32x1000000xf32, #tpu.memory_space<hbm>> -> memref<32x128xf32, #tpu.memory_space<hbm>>
      tpu.wait_dma2 semaphore(%dma_wait3A_482 : memref<!tpu.dma_semaphore, #tpu.memory_space<semaphore_mem>>) src(%dma_wait3A_488 : memref<32x128xf32, #tpu.memory_space<hbm>>) dst(%dma_wait3A_485 : memref<32x128xf32, #tpu.memory_space<vmem>>)
      %dma_wait3A_489 = arith.constant 1 : i32
      %dma_wait3A_490 = arith.constant 256 : i32
      %dma_wait3A_491 = arith.constant 0 : i32
      %dma_wait3A_492 = tpu.memref_slice %arg5[%dma_wait3A_490, %dma_wait3A_491] : memref<448x128xf32, #tpu.memory_space<vmem>> -> memref<32x128xf32, #tpu.memory_space<vmem>>
      %dma_wait3A_493 = arith.constant 0 : i32
      %dma_wait3A_494 = arith.constant 0 : i32
      %dma_wait3A_495 = tpu.memref_slice %arg2[%dma_wait3A_493, %dma_wait3A_494] : memref<32x1000000xf32, #tpu.memory_space<hbm>> -> memref<32x128xf32, #tpu.memory_space<hbm>>
      %dma_wait3A_496 = tpu.memref_slice %arg7[%dma_wait3A_489] : memref<2x!tpu.dma_semaphore, #tpu.memory_space<semaphore_mem>> -> memref<1x!tpu.dma_semaphore, #tpu.memory_space<semaphore_mem>>
      %dma_wait3A_497 = tpu.memref_squeeze %dma_wait3A_496 : memref<1x!tpu.dma_semaphore, #tpu.memory_space<semaphore_mem>> -> memref<!tpu.dma_semaphore, #tpu.memory_space<semaphore_mem>>
      %dma_wait3A_498 = arith.constant 256 : i32
      %dma_wait3A_499 = arith.constant 0 : i32
      %dma_wait3A_500 = tpu.memref_slice %arg5[%dma_wait3A_498, %dma_wait3A_499] : memref<448x128xf32, #tpu.memory_space<vmem>> -> memref<32x128xf32, #tpu.memory_space<vmem>>
      %dma_wait3A_501 = arith.constant 0 : i32
      %dma_wait3A_502 = arith.constant 0 : i32
      %dma_wait3A_503 = tpu.memref_slice %arg2[%dma_wait3A_501, %dma_wait3A_502] : memref<32x1000000xf32, #tpu.memory_space<hbm>> -> memref<32x128xf32, #tpu.memory_space<hbm>>
      tpu.wait_dma2 semaphore(%dma_wait3A_497 : memref<!tpu.dma_semaphore, #tpu.memory_space<semaphore_mem>>) src(%dma_wait3A_503 : memref<32x128xf32, #tpu.memory_space<hbm>>) dst(%dma_wait3A_500 : memref<32x128xf32, #tpu.memory_space<vmem>>)
      %dma_wait3A_504 = arith.constant 1 : i32
      %dma_wait3A_505 = arith.constant 288 : i32
      %dma_wait3A_506 = arith.constant 0 : i32
      %dma_wait3A_507 = tpu.memref_slice %arg5[%dma_wait3A_505, %dma_wait3A_506] : memref<448x128xf32, #tpu.memory_space<vmem>> -> memref<32x128xf32, #tpu.memory_space<vmem>>
      %dma_wait3A_508 = arith.constant 0 : i32
      %dma_wait3A_509 = arith.constant 0 : i32
      %dma_wait3A_510 = tpu.memref_slice %arg2[%dma_wait3A_508, %dma_wait3A_509] : memref<32x1000000xf32, #tpu.memory_space<hbm>> -> memref<32x128xf32, #tpu.memory_space<hbm>>
      %dma_wait3A_511 = tpu.memref_slice %arg7[%dma_wait3A_504] : memref<2x!tpu.dma_semaphore, #tpu.memory_space<semaphore_mem>> -> memref<1x!tpu.dma_semaphore, #tpu.memory_space<semaphore_mem>>
      %dma_wait3A_512 = tpu.memref_squeeze %dma_wait3A_511 : memref<1x!tpu.dma_semaphore, #tpu.memory_space<semaphore_mem>> -> memref<!tpu.dma_semaphore, #tpu.memory_space<semaphore_mem>>
      %dma_wait3A_513 = arith.constant 288 : i32
      %dma_wait3A_514 = arith.constant 0 : i32
      %dma_wait3A_515 = tpu.memref_slice %arg5[%dma_wait3A_513, %dma_wait3A_514] : memref<448x128xf32, #tpu.memory_space<vmem>> -> memref<32x128xf32, #tpu.memory_space<vmem>>
      %dma_wait3A_516 = arith.constant 0 : i32
      %dma_wait3A_517 = arith.constant 0 : i32
      %dma_wait3A_518 = tpu.memref_slice %arg2[%dma_wait3A_516, %dma_wait3A_517] : memref<32x1000000xf32, #tpu.memory_space<hbm>> -> memref<32x128xf32, #tpu.memory_space<hbm>>
      tpu.wait_dma2 semaphore(%dma_wait3A_512 : memref<!tpu.dma_semaphore, #tpu.memory_space<semaphore_mem>>) src(%dma_wait3A_518 : memref<32x128xf32, #tpu.memory_space<hbm>>) dst(%dma_wait3A_515 : memref<32x128xf32, #tpu.memory_space<vmem>>)
      %dma_wait3A_519 = arith.constant 1 : i32
      %dma_wait3A_520 = arith.constant 320 : i32
      %dma_wait3A_521 = arith.constant 0 : i32
      %dma_wait3A_522 = tpu.memref_slice %arg5[%dma_wait3A_520, %dma_wait3A_521] : memref<448x128xf32, #tpu.memory_space<vmem>> -> memref<32x128xf32, #tpu.memory_space<vmem>>
      %dma_wait3A_523 = arith.constant 0 : i32
      %dma_wait3A_524 = arith.constant 0 : i32
      %dma_wait3A_525 = tpu.memref_slice %arg2[%dma_wait3A_523, %dma_wait3A_524] : memref<32x1000000xf32, #tpu.memory_space<hbm>> -> memref<32x128xf32, #tpu.memory_space<hbm>>
      %dma_wait3A_526 = tpu.memref_slice %arg7[%dma_wait3A_519] : memref<2x!tpu.dma_semaphore, #tpu.memory_space<semaphore_mem>> -> memref<1x!tpu.dma_semaphore, #tpu.memory_space<semaphore_mem>>
      %dma_wait3A_527 = tpu.memref_squeeze %dma_wait3A_526 : memref<1x!tpu.dma_semaphore, #tpu.memory_space<semaphore_mem>> -> memref<!tpu.dma_semaphore, #tpu.memory_space<semaphore_mem>>
      %dma_wait3A_528 = arith.constant 320 : i32
      %dma_wait3A_529 = arith.constant 0 : i32
      %dma_wait3A_530 = tpu.memref_slice %arg5[%dma_wait3A_528, %dma_wait3A_529] : memref<448x128xf32, #tpu.memory_space<vmem>> -> memref<32x128xf32, #tpu.memory_space<vmem>>
      %dma_wait3A_531 = arith.constant 0 : i32
      %dma_wait3A_532 = arith.constant 0 : i32
      %dma_wait3A_533 = tpu.memref_slice %arg2[%dma_wait3A_531, %dma_wait3A_532] : memref<32x1000000xf32, #tpu.memory_space<hbm>> -> memref<32x128xf32, #tpu.memory_space<hbm>>
      tpu.wait_dma2 semaphore(%dma_wait3A_527 : memref<!tpu.dma_semaphore, #tpu.memory_space<semaphore_mem>>) src(%dma_wait3A_533 : memref<32x128xf32, #tpu.memory_space<hbm>>) dst(%dma_wait3A_530 : memref<32x128xf32, #tpu.memory_space<vmem>>)
      %dma_wait3A_534 = arith.constant 1 : i32
      %dma_wait3A_535 = arith.constant 352 : i32
      %dma_wait3A_536 = arith.constant 0 : i32
      %dma_wait3A_537 = tpu.memref_slice %arg5[%dma_wait3A_535, %dma_wait3A_536] : memref<448x128xf32, #tpu.memory_space<vmem>> -> memref<32x128xf32, #tpu.memory_space<vmem>>
      %dma_wait3A_538 = arith.constant 0 : i32
      %dma_wait3A_539 = arith.constant 0 : i32
      %dma_wait3A_540 = tpu.memref_slice %arg2[%dma_wait3A_538, %dma_wait3A_539] : memref<32x1000000xf32, #tpu.memory_space<hbm>> -> memref<32x128xf32, #tpu.memory_space<hbm>>
      %dma_wait3A_541 = tpu.memref_slice %arg7[%dma_wait3A_534] : memref<2x!tpu.dma_semaphore, #tpu.memory_space<semaphore_mem>> -> memref<1x!tpu.dma_semaphore, #tpu.memory_space<semaphore_mem>>
      %dma_wait3A_542 = tpu.memref_squeeze %dma_wait3A_541 : memref<1x!tpu.dma_semaphore, #tpu.memory_space<semaphore_mem>> -> memref<!tpu.dma_semaphore, #tpu.memory_space<semaphore_mem>>
      %dma_wait3A_543 = arith.constant 352 : i32
      %dma_wait3A_544 = arith.constant 0 : i32
      %dma_wait3A_545 = tpu.memref_slice %arg5[%dma_wait3A_543, %dma_wait3A_544] : memref<448x128xf32, #tpu.memory_space<vmem>> -> memref<32x128xf32, #tpu.memory_space<vmem>>
      %dma_wait3A_546 = arith.constant 0 : i32
      %dma_wait3A_547 = arith.constant 0 : i32
      %dma_wait3A_548 = tpu.memref_slice %arg2[%dma_wait3A_546, %dma_wait3A_547] : memref<32x1000000xf32, #tpu.memory_space<hbm>> -> memref<32x128xf32, #tpu.memory_space<hbm>>
      tpu.wait_dma2 semaphore(%dma_wait3A_542 : memref<!tpu.dma_semaphore, #tpu.memory_space<semaphore_mem>>) src(%dma_wait3A_548 : memref<32x128xf32, #tpu.memory_space<hbm>>) dst(%dma_wait3A_545 : memref<32x128xf32, #tpu.memory_space<vmem>>)
      %dma_wait3A_549 = arith.constant 1 : i32
      %dma_wait3A_550 = arith.constant 384 : i32
      %dma_wait3A_551 = arith.constant 0 : i32
      %dma_wait3A_552 = tpu.memref_slice %arg5[%dma_wait3A_550, %dma_wait3A_551] : memref<448x128xf32, #tpu.memory_space<vmem>> -> memref<32x128xf32, #tpu.memory_space<vmem>>
      %dma_wait3A_553 = arith.constant 0 : i32
      %dma_wait3A_554 = arith.constant 0 : i32
      %dma_wait3A_555 = tpu.memref_slice %arg2[%dma_wait3A_553, %dma_wait3A_554] : memref<32x1000000xf32, #tpu.memory_space<hbm>> -> memref<32x128xf32, #tpu.memory_space<hbm>>
      %dma_wait3A_556 = tpu.memref_slice %arg7[%dma_wait3A_549] : memref<2x!tpu.dma_semaphore, #tpu.memory_space<semaphore_mem>> -> memref<1x!tpu.dma_semaphore, #tpu.memory_space<semaphore_mem>>
      %dma_wait3A_557 = tpu.memref_squeeze %dma_wait3A_556 : memref<1x!tpu.dma_semaphore, #tpu.memory_space<semaphore_mem>> -> memref<!tpu.dma_semaphore, #tpu.memory_space<semaphore_mem>>
      %dma_wait3A_558 = arith.constant 384 : i32
      %dma_wait3A_559 = arith.constant 0 : i32
      %dma_wait3A_560 = tpu.memref_slice %arg5[%dma_wait3A_558, %dma_wait3A_559] : memref<448x128xf32, #tpu.memory_space<vmem>> -> memref<32x128xf32, #tpu.memory_space<vmem>>
      %dma_wait3A_561 = arith.constant 0 : i32
      %dma_wait3A_562 = arith.constant 0 : i32
      %dma_wait3A_563 = tpu.memref_slice %arg2[%dma_wait3A_561, %dma_wait3A_562] : memref<32x1000000xf32, #tpu.memory_space<hbm>> -> memref<32x128xf32, #tpu.memory_space<hbm>>
      tpu.wait_dma2 semaphore(%dma_wait3A_557 : memref<!tpu.dma_semaphore, #tpu.memory_space<semaphore_mem>>) src(%dma_wait3A_563 : memref<32x128xf32, #tpu.memory_space<hbm>>) dst(%dma_wait3A_560 : memref<32x128xf32, #tpu.memory_space<vmem>>)
      %dma_wait3A_564 = arith.constant 1 : i32
      %dma_wait3A_565 = arith.constant 416 : i32
      %dma_wait3A_566 = arith.constant 0 : i32
      %dma_wait3A_567 = tpu.memref_slice %arg5[%dma_wait3A_565, %dma_wait3A_566] : memref<448x128xf32, #tpu.memory_space<vmem>> -> memref<32x128xf32, #tpu.memory_space<vmem>>
      %dma_wait3A_568 = arith.constant 0 : i32
      %dma_wait3A_569 = arith.constant 0 : i32
      %dma_wait3A_570 = tpu.memref_slice %arg2[%dma_wait3A_568, %dma_wait3A_569] : memref<32x1000000xf32, #tpu.memory_space<hbm>> -> memref<32x128xf32, #tpu.memory_space<hbm>>
      %dma_wait3A_571 = tpu.memref_slice %arg7[%dma_wait3A_564] : memref<2x!tpu.dma_semaphore, #tpu.memory_space<semaphore_mem>> -> memref<1x!tpu.dma_semaphore, #tpu.memory_space<semaphore_mem>>
      %dma_wait3A_572 = tpu.memref_squeeze %dma_wait3A_571 : memref<1x!tpu.dma_semaphore, #tpu.memory_space<semaphore_mem>> -> memref<!tpu.dma_semaphore, #tpu.memory_space<semaphore_mem>>
      %dma_wait3A_573 = arith.constant 416 : i32
      %dma_wait3A_574 = arith.constant 0 : i32
      %dma_wait3A_575 = tpu.memref_slice %arg5[%dma_wait3A_573, %dma_wait3A_574] : memref<448x128xf32, #tpu.memory_space<vmem>> -> memref<32x128xf32, #tpu.memory_space<vmem>>
      %dma_wait3A_576 = arith.constant 0 : i32
      %dma_wait3A_577 = arith.constant 0 : i32
      %dma_wait3A_578 = tpu.memref_slice %arg2[%dma_wait3A_576, %dma_wait3A_577] : memref<32x1000000xf32, #tpu.memory_space<hbm>> -> memref<32x128xf32, #tpu.memory_space<hbm>>
      tpu.wait_dma2 semaphore(%dma_wait3A_572 : memref<!tpu.dma_semaphore, #tpu.memory_space<semaphore_mem>>) src(%dma_wait3A_578 : memref<32x128xf32, #tpu.memory_space<hbm>>) dst(%dma_wait3A_575 : memref<32x128xf32, #tpu.memory_space<vmem>>)
      %add3A_579 = arith.constant 1 : i32
      %add3A_580 = arith.addi %add3A_473, %add3A_579 : i32
      %lt3A_581 = arith.constant 34 : i32
      %lt3A_582 = arith.cmpi slt, %add3A_580, %lt3A_581 : i32
      %convert_element_type3A_583 = arith.extui %lt3A_582 : i1 to i32
      %cond3A_584 = arith.constant 0 : i32
      %cond3A_585 = arith.cmpi ne, %convert_element_type3A_583, %cond3A_584 : i32
      scf.if %cond3A_585 {
        %add3A_611 = arith.constant 1 : i32
        %add3A_612 = arith.addi %add3A_473, %add3A_611 : i32
        %mul3A_613 = arith.constant 7 : i32
        %mul3A_614 = arith.muli %add3A_612, %mul3A_613 : i32
        %add3A_615 = arith.addi %mul3A_2, %mul3A_614 : i32
        %mul3A_616 = arith.constant 128 : i32
        %mul3A_617 = arith.muli %add3A_615, %mul3A_616 : i32
        %add3A_618 = arith.constant 0 : i32
        %add3A_619 = arith.addi %mul3A_617, %add3A_618 : i32
        %dma_start3A_620 = arith.constant 0 : i32
        %dma_start3A_621 = arith.constant 0 : i32
        %dma_start3A_622 = arith.constant 0 : i32
        %dma_start3A_623 = tpu.memref_slice %arg5[%dma_start3A_621, %dma_start3A_622] : memref<448x128xf32, #tpu.memory_space<vmem>> -> memref<32x128xf32, #tpu.memory_space<vmem>>
        %dma_start3A_624 = arith.constant 0 : i32
        %dma_start3A_625 = tpu.memref_slice %arg2[%dma_start3A_624, %add3A_619] : memref<32x1000000xf32, #tpu.memory_space<hbm>> -> memref<32x128xf32, #tpu.memory_space<hbm>>
        %dma_start3A_626 = tpu.memref_slice %arg7[%dma_start3A_620] : memref<2x!tpu.dma_semaphore, #tpu.memory_space<semaphore_mem>> -> memref<1x!tpu.dma_semaphore, #tpu.memory_space<semaphore_mem>>
        %dma_start3A_627 = tpu.memref_squeeze %dma_start3A_626 : memref<1x!tpu.dma_semaphore, #tpu.memory_space<semaphore_mem>> -> memref<!tpu.dma_semaphore, #tpu.memory_space<semaphore_mem>>
        %dma_start3A_628 = arith.constant 0 : i32
        %dma_start3A_629 = arith.constant 0 : i32
        %dma_start3A_630 = tpu.memref_slice %arg5[%dma_start3A_628, %dma_start3A_629] : memref<448x128xf32, #tpu.memory_space<vmem>> -> memref<32x128xf32, #tpu.memory_space<vmem>>
        %dma_start3A_631 = arith.constant 0 : i32
        %dma_start3A_632 = tpu.memref_slice %arg2[%dma_start3A_631, %add3A_619] : memref<32x1000000xf32, #tpu.memory_space<hbm>> -> memref<32x128xf32, #tpu.memory_space<hbm>>
        tpu.enqueue_dma source(%dma_start3A_632 : memref<32x128xf32, #tpu.memory_space<hbm>>) target(%dma_start3A_630 : memref<32x128xf32, #tpu.memory_space<vmem>>) target_semaphore(%dma_start3A_627 : memref<!tpu.dma_semaphore, #tpu.memory_space<semaphore_mem>>)
        %add3A_633 = arith.constant 128 : i32
        %add3A_634 = arith.addi %mul3A_617, %add3A_633 : i32
        %dma_start3A_635 = arith.constant 0 : i32
        %dma_start3A_636 = arith.constant 32 : i32
        %dma_start3A_637 = arith.constant 0 : i32
        %dma_start3A_638 = tpu.memref_slice %arg5[%dma_start3A_636, %dma_start3A_637] : memref<448x128xf32, #tpu.memory_space<vmem>> -> memref<32x128xf32, #tpu.memory_space<vmem>>
        %dma_start3A_639 = arith.constant 0 : i32
        %dma_start3A_640 = tpu.memref_slice %arg2[%dma_start3A_639, %add3A_634] : memref<32x1000000xf32, #tpu.memory_space<hbm>> -> memref<32x128xf32, #tpu.memory_space<hbm>>
        %dma_start3A_641 = tpu.memref_slice %arg7[%dma_start3A_635] : memref<2x!tpu.dma_semaphore, #tpu.memory_space<semaphore_mem>> -> memref<1x!tpu.dma_semaphore, #tpu.memory_space<semaphore_mem>>
        %dma_start3A_642 = tpu.memref_squeeze %dma_start3A_641 : memref<1x!tpu.dma_semaphore, #tpu.memory_space<semaphore_mem>> -> memref<!tpu.dma_semaphore, #tpu.memory_space<semaphore_mem>>
        %dma_start3A_643 = arith.constant 32 : i32
        %dma_start3A_644 = arith.constant 0 : i32
        %dma_start3A_645 = tpu.memref_slice %arg5[%dma_start3A_643, %dma_start3A_644] : memref<448x128xf32, #tpu.memory_space<vmem>> -> memref<32x128xf32, #tpu.memory_space<vmem>>
        %dma_start3A_646 = arith.constant 0 : i32
        %dma_start3A_647 = tpu.memref_slice %arg2[%dma_start3A_646, %add3A_634] : memref<32x1000000xf32, #tpu.memory_space<hbm>> -> memref<32x128xf32, #tpu.memory_space<hbm>>
        tpu.enqueue_dma source(%dma_start3A_647 : memref<32x128xf32, #tpu.memory_space<hbm>>) target(%dma_start3A_645 : memref<32x128xf32, #tpu.memory_space<vmem>>) target_semaphore(%dma_start3A_642 : memref<!tpu.dma_semaphore, #tpu.memory_space<semaphore_mem>>)
        %add3A_648 = arith.constant 256 : i32
        %add3A_649 = arith.addi %mul3A_617, %add3A_648 : i32
        %dma_start3A_650 = arith.constant 0 : i32
        %dma_start3A_651 = arith.constant 64 : i32
        %dma_start3A_652 = arith.constant 0 : i32
        %dma_start3A_653 = tpu.memref_slice %arg5[%dma_start3A_651, %dma_start3A_652] : memref<448x128xf32, #tpu.memory_space<vmem>> -> memref<32x128xf32, #tpu.memory_space<vmem>>
        %dma_start3A_654 = arith.constant 0 : i32
        %dma_start3A_655 = tpu.memref_slice %arg2[%dma_start3A_654, %add3A_649] : memref<32x1000000xf32, #tpu.memory_space<hbm>> -> memref<32x128xf32, #tpu.memory_space<hbm>>
        %dma_start3A_656 = tpu.memref_slice %arg7[%dma_start3A_650] : memref<2x!tpu.dma_semaphore, #tpu.memory_space<semaphore_mem>> -> memref<1x!tpu.dma_semaphore, #tpu.memory_space<semaphore_mem>>
        %dma_start3A_657 = tpu.memref_squeeze %dma_start3A_656 : memref<1x!tpu.dma_semaphore, #tpu.memory_space<semaphore_mem>> -> memref<!tpu.dma_semaphore, #tpu.memory_space<semaphore_mem>>
        %dma_start3A_658 = arith.constant 64 : i32
        %dma_start3A_659 = arith.constant 0 : i32
        %dma_start3A_660 = tpu.memref_slice %arg5[%dma_start3A_658, %dma_start3A_659] : memref<448x128xf32, #tpu.memory_space<vmem>> -> memref<32x128xf32, #tpu.memory_space<vmem>>
        %dma_start3A_661 = arith.constant 0 : i32
        %dma_start3A_662 = tpu.memref_slice %arg2[%dma_start3A_661, %add3A_649] : memref<32x1000000xf32, #tpu.memory_space<hbm>> -> memref<32x128xf32, #tpu.memory_space<hbm>>
        tpu.enqueue_dma source(%dma_start3A_662 : memref<32x128xf32, #tpu.memory_space<hbm>>) target(%dma_start3A_660 : memref<32x128xf32, #tpu.memory_space<vmem>>) target_semaphore(%dma_start3A_657 : memref<!tpu.dma_semaphore, #tpu.memory_space<semaphore_mem>>)
        %add3A_663 = arith.constant 384 : i32
        %add3A_664 = arith.addi %mul3A_617, %add3A_663 : i32
        %dma_start3A_665 = arith.constant 0 : i32
        %dma_start3A_666 = arith.constant 96 : i32
        %dma_start3A_667 = arith.constant 0 : i32
        %dma_start3A_668 = tpu.memref_slice %arg5[%dma_start3A_666, %dma_start3A_667] : memref<448x128xf32, #tpu.memory_space<vmem>> -> memref<32x128xf32, #tpu.memory_space<vmem>>
        %dma_start3A_669 = arith.constant 0 : i32
        %dma_start3A_670 = tpu.memref_slice %arg2[%dma_start3A_669, %add3A_664] : memref<32x1000000xf32, #tpu.memory_space<hbm>> -> memref<32x128xf32, #tpu.memory_space<hbm>>
        %dma_start3A_671 = tpu.memref_slice %arg7[%dma_start3A_665] : memref<2x!tpu.dma_semaphore, #tpu.memory_space<semaphore_mem>> -> memref<1x!tpu.dma_semaphore, #tpu.memory_space<semaphore_mem>>
        %dma_start3A_672 = tpu.memref_squeeze %dma_start3A_671 : memref<1x!tpu.dma_semaphore, #tpu.memory_space<semaphore_mem>> -> memref<!tpu.dma_semaphore, #tpu.memory_space<semaphore_mem>>
        %dma_start3A_673 = arith.constant 96 : i32
        %dma_start3A_674 = arith.constant 0 : i32
        %dma_start3A_675 = tpu.memref_slice %arg5[%dma_start3A_673, %dma_start3A_674] : memref<448x128xf32, #tpu.memory_space<vmem>> -> memref<32x128xf32, #tpu.memory_space<vmem>>
        %dma_start3A_676 = arith.constant 0 : i32
        %dma_start3A_677 = tpu.memref_slice %arg2[%dma_start3A_676, %add3A_664] : memref<32x1000000xf32, #tpu.memory_space<hbm>> -> memref<32x128xf32, #tpu.memory_space<hbm>>
        tpu.enqueue_dma source(%dma_start3A_677 : memref<32x128xf32, #tpu.memory_space<hbm>>) target(%dma_start3A_675 : memref<32x128xf32, #tpu.memory_space<vmem>>) target_semaphore(%dma_start3A_672 : memref<!tpu.dma_semaphore, #tpu.memory_space<semaphore_mem>>)
        %add3A_678 = arith.constant 512 : i32
        %add3A_679 = arith.addi %mul3A_617, %add3A_678 : i32
        %dma_start3A_680 = arith.constant 0 : i32
        %dma_start3A_681 = arith.constant 128 : i32
        %dma_start3A_682 = arith.constant 0 : i32
        %dma_start3A_683 = tpu.memref_slice %arg5[%dma_start3A_681, %dma_start3A_682] : memref<448x128xf32, #tpu.memory_space<vmem>> -> memref<32x128xf32, #tpu.memory_space<vmem>>
        %dma_start3A_684 = arith.constant 0 : i32
        %dma_start3A_685 = tpu.memref_slice %arg2[%dma_start3A_684, %add3A_679] : memref<32x1000000xf32, #tpu.memory_space<hbm>> -> memref<32x128xf32, #tpu.memory_space<hbm>>
        %dma_start3A_686 = tpu.memref_slice %arg7[%dma_start3A_680] : memref<2x!tpu.dma_semaphore, #tpu.memory_space<semaphore_mem>> -> memref<1x!tpu.dma_semaphore, #tpu.memory_space<semaphore_mem>>
        %dma_start3A_687 = tpu.memref_squeeze %dma_start3A_686 : memref<1x!tpu.dma_semaphore, #tpu.memory_space<semaphore_mem>> -> memref<!tpu.dma_semaphore, #tpu.memory_space<semaphore_mem>>
        %dma_start3A_688 = arith.constant 128 : i32
        %dma_start3A_689 = arith.constant 0 : i32
        %dma_start3A_690 = tpu.memref_slice %arg5[%dma_start3A_688, %dma_start3A_689] : memref<448x128xf32, #tpu.memory_space<vmem>> -> memref<32x128xf32, #tpu.memory_space<vmem>>
        %dma_start3A_691 = arith.constant 0 : i32
        %dma_start3A_692 = tpu.memref_slice %arg2[%dma_start3A_691, %add3A_679] : memref<32x1000000xf32, #tpu.memory_space<hbm>> -> memref<32x128xf32, #tpu.memory_space<hbm>>
        tpu.enqueue_dma source(%dma_start3A_692 : memref<32x128xf32, #tpu.memory_space<hbm>>) target(%dma_start3A_690 : memref<32x128xf32, #tpu.memory_space<vmem>>) target_semaphore(%dma_start3A_687 : memref<!tpu.dma_semaphore, #tpu.memory_space<semaphore_mem>>)
        %add3A_693 = arith.constant 640 : i32
        %add3A_694 = arith.addi %mul3A_617, %add3A_693 : i32
        %dma_start3A_695 = arith.constant 0 : i32
        %dma_start3A_696 = arith.constant 160 : i32
        %dma_start3A_697 = arith.constant 0 : i32
        %dma_start3A_698 = tpu.memref_slice %arg5[%dma_start3A_696, %dma_start3A_697] : memref<448x128xf32, #tpu.memory_space<vmem>> -> memref<32x128xf32, #tpu.memory_space<vmem>>
        %dma_start3A_699 = arith.constant 0 : i32
        %dma_start3A_700 = tpu.memref_slice %arg2[%dma_start3A_699, %add3A_694] : memref<32x1000000xf32, #tpu.memory_space<hbm>> -> memref<32x128xf32, #tpu.memory_space<hbm>>
        %dma_start3A_701 = tpu.memref_slice %arg7[%dma_start3A_695] : memref<2x!tpu.dma_semaphore, #tpu.memory_space<semaphore_mem>> -> memref<1x!tpu.dma_semaphore, #tpu.memory_space<semaphore_mem>>
        %dma_start3A_702 = tpu.memref_squeeze %dma_start3A_701 : memref<1x!tpu.dma_semaphore, #tpu.memory_space<semaphore_mem>> -> memref<!tpu.dma_semaphore, #tpu.memory_space<semaphore_mem>>
        %dma_start3A_703 = arith.constant 160 : i32
        %dma_start3A_704 = arith.constant 0 : i32
        %dma_start3A_705 = tpu.memref_slice %arg5[%dma_start3A_703, %dma_start3A_704] : memref<448x128xf32, #tpu.memory_space<vmem>> -> memref<32x128xf32, #tpu.memory_space<vmem>>
        %dma_start3A_706 = arith.constant 0 : i32
        %dma_start3A_707 = tpu.memref_slice %arg2[%dma_start3A_706, %add3A_694] : memref<32x1000000xf32, #tpu.memory_space<hbm>> -> memref<32x128xf32, #tpu.memory_space<hbm>>
        tpu.enqueue_dma source(%dma_start3A_707 : memref<32x128xf32, #tpu.memory_space<hbm>>) target(%dma_start3A_705 : memref<32x128xf32, #tpu.memory_space<vmem>>) target_semaphore(%dma_start3A_702 : memref<!tpu.dma_semaphore, #tpu.memory_space<semaphore_mem>>)
        %add3A_708 = arith.constant 768 : i32
        %add3A_709 = arith.addi %mul3A_617, %add3A_708 : i32
        %dma_start3A_710 = arith.constant 0 : i32
        %dma_start3A_711 = arith.constant 192 : i32
        %dma_start3A_712 = arith.constant 0 : i32
        %dma_start3A_713 = tpu.memref_slice %arg5[%dma_start3A_711, %dma_start3A_712] : memref<448x128xf32, #tpu.memory_space<vmem>> -> memref<32x128xf32, #tpu.memory_space<vmem>>
        %dma_start3A_714 = arith.constant 0 : i32
        %dma_start3A_715 = tpu.memref_slice %arg2[%dma_start3A_714, %add3A_709] : memref<32x1000000xf32, #tpu.memory_space<hbm>> -> memref<32x128xf32, #tpu.memory_space<hbm>>
        %dma_start3A_716 = tpu.memref_slice %arg7[%dma_start3A_710] : memref<2x!tpu.dma_semaphore, #tpu.memory_space<semaphore_mem>> -> memref<1x!tpu.dma_semaphore, #tpu.memory_space<semaphore_mem>>
        %dma_start3A_717 = tpu.memref_squeeze %dma_start3A_716 : memref<1x!tpu.dma_semaphore, #tpu.memory_space<semaphore_mem>> -> memref<!tpu.dma_semaphore, #tpu.memory_space<semaphore_mem>>
        %dma_start3A_718 = arith.constant 192 : i32
        %dma_start3A_719 = arith.constant 0 : i32
        %dma_start3A_720 = tpu.memref_slice %arg5[%dma_start3A_718, %dma_start3A_719] : memref<448x128xf32, #tpu.memory_space<vmem>> -> memref<32x128xf32, #tpu.memory_space<vmem>>
        %dma_start3A_721 = arith.constant 0 : i32
        %dma_start3A_722 = tpu.memref_slice %arg2[%dma_start3A_721, %add3A_709] : memref<32x1000000xf32, #tpu.memory_space<hbm>> -> memref<32x128xf32, #tpu.memory_space<hbm>>
        tpu.enqueue_dma source(%dma_start3A_722 : memref<32x128xf32, #tpu.memory_space<hbm>>) target(%dma_start3A_720 : memref<32x128xf32, #tpu.memory_space<vmem>>) target_semaphore(%dma_start3A_717 : memref<!tpu.dma_semaphore, #tpu.memory_space<semaphore_mem>>)
      } else {
      }
      %ge3A_586 = arith.constant 1 : i32
      %ge3A_587 = arith.cmpi sge, %scan3A_331, %ge3A_586 : i32
      %convert_element_type3A_588 = arith.extui %ge3A_587 : i1 to i32
      %cond3A_589 = arith.constant 0 : i32
      %cond3A_590 = arith.cmpi ne, %convert_element_type3A_588, %cond3A_589 : i32
      scf.if %cond3A_590 {
        %dma_wait3A_611 = arith.constant 1 : i32
        %dma_wait3A_612 = arith.constant 28672 : i32
        %dma_wait3A_613 = tpu.memref_slice %arg6[%dma_wait3A_612] : memref<57344xf32, #tpu.memory_space<vmem>> -> memref<28672xf32, #tpu.memory_space<vmem>>
        %dma_wait3A_614 = arith.constant 0 : i32
        %dma_wait3A_615 = tpu.memref_slice %arg4[%dma_wait3A_614] : memref<32000000xf32, #tpu.memory_space<hbm>> -> memref<28672xf32, #tpu.memory_space<hbm>>
        %dma_wait3A_616 = tpu.memref_slice %arg8[%dma_wait3A_611] : memref<2x!tpu.dma_semaphore, #tpu.memory_space<semaphore_mem>> -> memref<1x!tpu.dma_semaphore, #tpu.memory_space<semaphore_mem>>
        %dma_wait3A_617 = tpu.memref_squeeze %dma_wait3A_616 : memref<1x!tpu.dma_semaphore, #tpu.memory_space<semaphore_mem>> -> memref<!tpu.dma_semaphore, #tpu.memory_space<semaphore_mem>>
        %dma_wait3A_618 = arith.constant 0 : i32
        %dma_wait3A_619 = tpu.memref_slice %arg4[%dma_wait3A_618] : memref<32000000xf32, #tpu.memory_space<hbm>> -> memref<28672xf32, #tpu.memory_space<hbm>>
        %dma_wait3A_620 = arith.constant 28672 : i32
        %dma_wait3A_621 = tpu.memref_slice %arg6[%dma_wait3A_620] : memref<57344xf32, #tpu.memory_space<vmem>> -> memref<28672xf32, #tpu.memory_space<vmem>>
        tpu.wait_dma2 semaphore(%dma_wait3A_617 : memref<!tpu.dma_semaphore, #tpu.memory_space<semaphore_mem>>) src(%dma_wait3A_621 : memref<28672xf32, #tpu.memory_space<vmem>>) dst(%dma_wait3A_619 : memref<28672xf32, #tpu.memory_space<hbm>>)
      } else {
      }
      %iota3A_591 = tpu.iota {dimensions = array<i32: 0>} : vector<16xi32>
      %parallel_loop3A_592 = arith.constant 0 : i32
      %parallel_loop3A_593 = arith.constant 112 : i32
      %parallel_loop3A_594 = arith.constant 1 : i32
      scf.for %parallel_loop3A_611 = %parallel_loop3A_592 to %parallel_loop3A_593 step %parallel_loop3A_594  : i32 {
        %parallel_loop3A_612 = arith.constant 4 : i32
        %parallel_loop3A_613 = arith.shrui %parallel_loop3A_611, %parallel_loop3A_612 : i32
        %parallel_loop3A_614 = arith.constant 15 : i32
        %parallel_loop3A_615 = arith.andi %parallel_loop3A_611, %parallel_loop3A_614 : i32
        %parallel_loop3A_616 = arith.constant 1 : i32
        %parallel_loop3A_617 = arith.andi %parallel_loop3A_615, %parallel_loop3A_616 : i32
        %parallel_loop3A_618 = arith.constant 1 : i32
        %parallel_loop3A_619 = arith.shrui %parallel_loop3A_615, %parallel_loop3A_618 : i32
        %parallel_loop3A_620 = arith.constant 16 : i32
        %parallel_loop3A_621 = arith.muli %parallel_loop3A_619, %parallel_loop3A_620 : i32
        %parallel_loop3A_622 = arith.constant 32 : i32
        %parallel_loop3A_623 = arith.muli %parallel_loop3A_613, %parallel_loop3A_622 : i32
        %parallel_loop3A_624 = arith.constant 224 : i32
        %parallel_loop3A_625 = arith.addi %parallel_loop3A_624, %parallel_loop3A_623 : i32
        %parallel_loop3A_626 = arith.constant 16 : i32
        %parallel_loop3A_627 = arith.muli %parallel_loop3A_617, %parallel_loop3A_626 : i32
        %parallel_loop3A_628 = arith.addi %parallel_loop3A_625, %parallel_loop3A_627 : i32
        %parallel_loop3A_629 = vector.broadcast %parallel_loop3A_628 : i32 to vector<16xi32>
        %parallel_loop3A_630 = arith.addi %iota3A_591, %parallel_loop3A_629 : vector<16xi32>
        %parallel_loop3A_631 = arith.constant 128 : i32
        %parallel_loop3A_632 = arith.muli %parallel_loop3A_613, %parallel_loop3A_631 : i32
        %parallel_loop3A_633 = arith.addi %parallel_loop3A_632, %parallel_loop3A_621 : i32
        %parallel_loop3A_634 = arith.constant 32 : i32
        %parallel_loop3A_635 = arith.muli %parallel_loop3A_633, %parallel_loop3A_634 : i32
        %parallel_loop3A_636 = arith.constant 28672 : i32
        %parallel_loop3A_637 = arith.addi %parallel_loop3A_636, %parallel_loop3A_635 : i32
        %parallel_loop3A_638 = arith.constant 16 : i32
        %parallel_loop3A_639 = arith.muli %parallel_loop3A_617, %parallel_loop3A_638 : i32
        %parallel_loop3A_640 = arith.addi %parallel_loop3A_637, %parallel_loop3A_639 : i32
        %parallel_loop3A_641 = vector.broadcast %parallel_loop3A_640 : i32 to vector<16xi32>
        %parallel_loop3A_642 = arith.addi %iota3A_591, %parallel_loop3A_641 : vector<16xi32>
        %parallel_loop3A_643 = arith.constant 0 : i32
        %parallel_loop3A_644 = vector.broadcast %parallel_loop3A_643 : i32 to vector<16xi32>
        %parallel_loop3A_645 = arith.addi %iota3A_591, %parallel_loop3A_644 : vector<16xi32>
        %parallel_loop3A_646 = arith.constant 15 : i32
        %parallel_loop3A_647 = vector.broadcast %parallel_loop3A_646 : i32 to vector<16xi32>
        %parallel_loop3A_648 = arith.andi %parallel_loop3A_645, %parallel_loop3A_647 : vector<16xi32>
        %parallel_loop3A_649 = vector.broadcast %parallel_loop3A_621 : i32 to vector<16xi32>
        %parallel_loop3A_650 = arith.addi %parallel_loop3A_648, %parallel_loop3A_649 : vector<16xi32>
        %parallel_loop3A_651 = tpu.vector_load_idx %arg5[%parallel_loop3A_630, %parallel_loop3A_650] : memref<448x128xf32, #tpu.memory_space<vmem>>[vector<16xi32>, vector<16xi32>], vector<16xf32>,
        %parallel_loop3A_652 = arith.constant 5 : i32
        %parallel_loop3A_653 = vector.broadcast %parallel_loop3A_652 : i32 to vector<16xi32>
        %parallel_loop3A_654 = arith.shli %parallel_loop3A_648, %parallel_loop3A_653 : vector<16xi32>
        %parallel_loop3A_655 = arith.addi %parallel_loop3A_654, %parallel_loop3A_642 : vector<16xi32>
        tpu.vector_store_idx %arg6[%parallel_loop3A_655], %parallel_loop3A_651 : memref<57344xf32, #tpu.memory_space<vmem>>[vector<16xi32>], vector<16xf32>,
        %parallel_loop3A_656 = arith.constant 1 : i32
        %parallel_loop3A_657 = vector.broadcast %parallel_loop3A_656 : i32 to vector<16xi32>
        %parallel_loop3A_658 = arith.addi %iota3A_591, %parallel_loop3A_657 : vector<16xi32>
        %parallel_loop3A_659 = arith.constant 15 : i32
        %parallel_loop3A_660 = vector.broadcast %parallel_loop3A_659 : i32 to vector<16xi32>
        %parallel_loop3A_661 = arith.andi %parallel_loop3A_658, %parallel_loop3A_660 : vector<16xi32>
        %parallel_loop3A_662 = vector.broadcast %parallel_loop3A_621 : i32 to vector<16xi32>
        %parallel_loop3A_663 = arith.addi %parallel_loop3A_661, %parallel_loop3A_662 : vector<16xi32>
        %parallel_loop3A_664 = tpu.vector_load_idx %arg5[%parallel_loop3A_630, %parallel_loop3A_663] : memref<448x128xf32, #tpu.memory_space<vmem>>[vector<16xi32>, vector<16xi32>], vector<16xf32>,
        %parallel_loop3A_665 = arith.constant 5 : i32
        %parallel_loop3A_666 = vector.broadcast %parallel_loop3A_665 : i32 to vector<16xi32>
        %parallel_loop3A_667 = arith.shli %parallel_loop3A_661, %parallel_loop3A_666 : vector<16xi32>
        %parallel_loop3A_668 = arith.addi %parallel_loop3A_667, %parallel_loop3A_642 : vector<16xi32>
        tpu.vector_store_idx %arg6[%parallel_loop3A_668], %parallel_loop3A_664 : memref<57344xf32, #tpu.memory_space<vmem>>[vector<16xi32>], vector<16xf32>,
        %parallel_loop3A_669 = arith.constant 2 : i32
        %parallel_loop3A_670 = vector.broadcast %parallel_loop3A_669 : i32 to vector<16xi32>
        %parallel_loop3A_671 = arith.addi %iota3A_591, %parallel_loop3A_670 : vector<16xi32>
        %parallel_loop3A_672 = arith.constant 15 : i32
        %parallel_loop3A_673 = vector.broadcast %parallel_loop3A_672 : i32 to vector<16xi32>
        %parallel_loop3A_674 = arith.andi %parallel_loop3A_671, %parallel_loop3A_673 : vector<16xi32>
        %parallel_loop3A_675 = vector.broadcast %parallel_loop3A_621 : i32 to vector<16xi32>
        %parallel_loop3A_676 = arith.addi %parallel_loop3A_674, %parallel_loop3A_675 : vector<16xi32>
        %parallel_loop3A_677 = tpu.vector_load_idx %arg5[%parallel_loop3A_630, %parallel_loop3A_676] : memref<448x128xf32, #tpu.memory_space<vmem>>[vector<16xi32>, vector<16xi32>], vector<16xf32>,
        %parallel_loop3A_678 = arith.constant 5 : i32
        %parallel_loop3A_679 = vector.broadcast %parallel_loop3A_678 : i32 to vector<16xi32>
        %parallel_loop3A_680 = arith.shli %parallel_loop3A_674, %parallel_loop3A_679 : vector<16xi32>
        %parallel_loop3A_681 = arith.addi %parallel_loop3A_680, %parallel_loop3A_642 : vector<16xi32>
        tpu.vector_store_idx %arg6[%parallel_loop3A_681], %parallel_loop3A_677 : memref<57344xf32, #tpu.memory_space<vmem>>[vector<16xi32>], vector<16xf32>,
        %parallel_loop3A_682 = arith.constant 3 : i32
        %parallel_loop3A_683 = vector.broadcast %parallel_loop3A_682 : i32 to vector<16xi32>
        %parallel_loop3A_684 = arith.addi %iota3A_591, %parallel_loop3A_683 : vector<16xi32>
        %parallel_loop3A_685 = arith.constant 15 : i32
        %parallel_loop3A_686 = vector.broadcast %parallel_loop3A_685 : i32 to vector<16xi32>
        %parallel_loop3A_687 = arith.andi %parallel_loop3A_684, %parallel_loop3A_686 : vector<16xi32>
        %parallel_loop3A_688 = vector.broadcast %parallel_loop3A_621 : i32 to vector<16xi32>
        %parallel_loop3A_689 = arith.addi %parallel_loop3A_687, %parallel_loop3A_688 : vector<16xi32>
        %parallel_loop3A_690 = tpu.vector_load_idx %arg5[%parallel_loop3A_630, %parallel_loop3A_689] : memref<448x128xf32, #tpu.memory_space<vmem>>[vector<16xi32>, vector<16xi32>], vector<16xf32>,
        %parallel_loop3A_691 = arith.constant 5 : i32
        %parallel_loop3A_692 = vector.broadcast %parallel_loop3A_691 : i32 to vector<16xi32>
        %parallel_loop3A_693 = arith.shli %parallel_loop3A_687, %parallel_loop3A_692 : vector<16xi32>
        %parallel_loop3A_694 = arith.addi %parallel_loop3A_693, %parallel_loop3A_642 : vector<16xi32>
        tpu.vector_store_idx %arg6[%parallel_loop3A_694], %parallel_loop3A_690 : memref<57344xf32, #tpu.memory_space<vmem>>[vector<16xi32>], vector<16xf32>,
        %parallel_loop3A_695 = arith.constant 4 : i32
        %parallel_loop3A_696 = vector.broadcast %parallel_loop3A_695 : i32 to vector<16xi32>
        %parallel_loop3A_697 = arith.addi %iota3A_591, %parallel_loop3A_696 : vector<16xi32>
        %parallel_loop3A_698 = arith.constant 15 : i32
        %parallel_loop3A_699 = vector.broadcast %parallel_loop3A_698 : i32 to vector<16xi32>
        %parallel_loop3A_700 = arith.andi %parallel_loop3A_697, %parallel_loop3A_699 : vector<16xi32>
        %parallel_loop3A_701 = vector.broadcast %parallel_loop3A_621 : i32 to vector<16xi32>
        %parallel_loop3A_702 = arith.addi %parallel_loop3A_700, %parallel_loop3A_701 : vector<16xi32>
        %parallel_loop3A_703 = tpu.vector_load_idx %arg5[%parallel_loop3A_630, %parallel_loop3A_702] : memref<448x128xf32, #tpu.memory_space<vmem>>[vector<16xi32>, vector<16xi32>], vector<16xf32>,
        %parallel_loop3A_704 = arith.constant 5 : i32
        %parallel_loop3A_705 = vector.broadcast %parallel_loop3A_704 : i32 to vector<16xi32>
        %parallel_loop3A_706 = arith.shli %parallel_loop3A_700, %parallel_loop3A_705 : vector<16xi32>
        %parallel_loop3A_707 = arith.addi %parallel_loop3A_706, %parallel_loop3A_642 : vector<16xi32>
        tpu.vector_store_idx %arg6[%parallel_loop3A_707], %parallel_loop3A_703 : memref<57344xf32, #tpu.memory_space<vmem>>[vector<16xi32>], vector<16xf32>,
        %parallel_loop3A_708 = arith.constant 5 : i32
        %parallel_loop3A_709 = vector.broadcast %parallel_loop3A_708 : i32 to vector<16xi32>
        %parallel_loop3A_710 = arith.addi %iota3A_591, %parallel_loop3A_709 : vector<16xi32>
        %parallel_loop3A_711 = arith.constant 15 : i32
        %parallel_loop3A_712 = vector.broadcast %parallel_loop3A_711 : i32 to vector<16xi32>
        %parallel_loop3A_713 = arith.andi %parallel_loop3A_710, %parallel_loop3A_712 : vector<16xi32>
        %parallel_loop3A_714 = vector.broadcast %parallel_loop3A_621 : i32 to vector<16xi32>
        %parallel_loop3A_715 = arith.addi %parallel_loop3A_713, %parallel_loop3A_714 : vector<16xi32>
        %parallel_loop3A_716 = tpu.vector_load_idx %arg5[%parallel_loop3A_630, %parallel_loop3A_715] : memref<448x128xf32, #tpu.memory_space<vmem>>[vector<16xi32>, vector<16xi32>], vector<16xf32>,
        %parallel_loop3A_717 = arith.constant 5 : i32
        %parallel_loop3A_718 = vector.broadcast %parallel_loop3A_717 : i32 to vector<16xi32>
        %parallel_loop3A_719 = arith.shli %parallel_loop3A_713, %parallel_loop3A_718 : vector<16xi32>
        %parallel_loop3A_720 = arith.addi %parallel_loop3A_719, %parallel_loop3A_642 : vector<16xi32>
        tpu.vector_store_idx %arg6[%parallel_loop3A_720], %parallel_loop3A_716 : memref<57344xf32, #tpu.memory_space<vmem>>[vector<16xi32>], vector<16xf32>,
        %parallel_loop3A_721 = arith.constant 6 : i32
        %parallel_loop3A_722 = vector.broadcast %parallel_loop3A_721 : i32 to vector<16xi32>
        %parallel_loop3A_723 = arith.addi %iota3A_591, %parallel_loop3A_722 : vector<16xi32>
        %parallel_loop3A_724 = arith.constant 15 : i32
        %parallel_loop3A_725 = vector.broadcast %parallel_loop3A_724 : i32 to vector<16xi32>
        %parallel_loop3A_726 = arith.andi %parallel_loop3A_723, %parallel_loop3A_725 : vector<16xi32>
        %parallel_loop3A_727 = vector.broadcast %parallel_loop3A_621 : i32 to vector<16xi32>
        %parallel_loop3A_728 = arith.addi %parallel_loop3A_726, %parallel_loop3A_727 : vector<16xi32>
        %parallel_loop3A_729 = tpu.vector_load_idx %arg5[%parallel_loop3A_630, %parallel_loop3A_728] : memref<448x128xf32, #tpu.memory_space<vmem>>[vector<16xi32>, vector<16xi32>], vector<16xf32>,
        %parallel_loop3A_730 = arith.constant 5 : i32
        %parallel_loop3A_731 = vector.broadcast %parallel_loop3A_730 : i32 to vector<16xi32>
        %parallel_loop3A_732 = arith.shli %parallel_loop3A_726, %parallel_loop3A_731 : vector<16xi32>
        %parallel_loop3A_733 = arith.addi %parallel_loop3A_732, %parallel_loop3A_642 : vector<16xi32>
        tpu.vector_store_idx %arg6[%parallel_loop3A_733], %parallel_loop3A_729 : memref<57344xf32, #tpu.memory_space<vmem>>[vector<16xi32>], vector<16xf32>,
        %parallel_loop3A_734 = arith.constant 7 : i32
        %parallel_loop3A_735 = vector.broadcast %parallel_loop3A_734 : i32 to vector<16xi32>
        %parallel_loop3A_736 = arith.addi %iota3A_591, %parallel_loop3A_735 : vector<16xi32>
        %parallel_loop3A_737 = arith.constant 15 : i32
        %parallel_loop3A_738 = vector.broadcast %parallel_loop3A_737 : i32 to vector<16xi32>
        %parallel_loop3A_739 = arith.andi %parallel_loop3A_736, %parallel_loop3A_738 : vector<16xi32>
        %parallel_loop3A_740 = vector.broadcast %parallel_loop3A_621 : i32 to vector<16xi32>
        %parallel_loop3A_741 = arith.addi %parallel_loop3A_739, %parallel_loop3A_740 : vector<16xi32>
        %parallel_loop3A_742 = tpu.vector_load_idx %arg5[%parallel_loop3A_630, %parallel_loop3A_741] : memref<448x128xf32, #tpu.memory_space<vmem>>[vector<16xi32>, vector<16xi32>], vector<16xf32>,
        %parallel_loop3A_743 = arith.constant 5 : i32
        %parallel_loop3A_744 = vector.broadcast %parallel_loop3A_743 : i32 to vector<16xi32>
        %parallel_loop3A_745 = arith.shli %parallel_loop3A_739, %parallel_loop3A_744 : vector<16xi32>
        %parallel_loop3A_746 = arith.addi %parallel_loop3A_745, %parallel_loop3A_642 : vector<16xi32>
        tpu.vector_store_idx %arg6[%parallel_loop3A_746], %parallel_loop3A_742 : memref<57344xf32, #tpu.memory_space<vmem>>[vector<16xi32>], vector<16xf32>,
        %parallel_loop3A_747 = arith.constant 8 : i32
        %parallel_loop3A_748 = vector.broadcast %parallel_loop3A_747 : i32 to vector<16xi32>
        %parallel_loop3A_749 = arith.addi %iota3A_591, %parallel_loop3A_748 : vector<16xi32>
        %parallel_loop3A_750 = arith.constant 15 : i32
        %parallel_loop3A_751 = vector.broadcast %parallel_loop3A_750 : i32 to vector<16xi32>
        %parallel_loop3A_752 = arith.andi %parallel_loop3A_749, %parallel_loop3A_751 : vector<16xi32>
        %parallel_loop3A_753 = vector.broadcast %parallel_loop3A_621 : i32 to vector<16xi32>
        %parallel_loop3A_754 = arith.addi %parallel_loop3A_752, %parallel_loop3A_753 : vector<16xi32>
        %parallel_loop3A_755 = tpu.vector_load_idx %arg5[%parallel_loop3A_630, %parallel_loop3A_754] : memref<448x128xf32, #tpu.memory_space<vmem>>[vector<16xi32>, vector<16xi32>], vector<16xf32>,
        %parallel_loop3A_756 = arith.constant 5 : i32
        %parallel_loop3A_757 = vector.broadcast %parallel_loop3A_756 : i32 to vector<16xi32>
        %parallel_loop3A_758 = arith.shli %parallel_loop3A_752, %parallel_loop3A_757 : vector<16xi32>
        %parallel_loop3A_759 = arith.addi %parallel_loop3A_758, %parallel_loop3A_642 : vector<16xi32>
        tpu.vector_store_idx %arg6[%parallel_loop3A_759], %parallel_loop3A_755 : memref<57344xf32, #tpu.memory_space<vmem>>[vector<16xi32>], vector<16xf32>,
        %parallel_loop3A_760 = arith.constant 9 : i32
        %parallel_loop3A_761 = vector.broadcast %parallel_loop3A_760 : i32 to vector<16xi32>
        %parallel_loop3A_762 = arith.addi %iota3A_591, %parallel_loop3A_761 : vector<16xi32>
        %parallel_loop3A_763 = arith.constant 15 : i32
        %parallel_loop3A_764 = vector.broadcast %parallel_loop3A_763 : i32 to vector<16xi32>
        %parallel_loop3A_765 = arith.andi %parallel_loop3A_762, %parallel_loop3A_764 : vector<16xi32>
        %parallel_loop3A_766 = vector.broadcast %parallel_loop3A_621 : i32 to vector<16xi32>
        %parallel_loop3A_767 = arith.addi %parallel_loop3A_765, %parallel_loop3A_766 : vector<16xi32>
        %parallel_loop3A_768 = tpu.vector_load_idx %arg5[%parallel_loop3A_630, %parallel_loop3A_767] : memref<448x128xf32, #tpu.memory_space<vmem>>[vector<16xi32>, vector<16xi32>], vector<16xf32>,
        %parallel_loop3A_769 = arith.constant 5 : i32
        %parallel_loop3A_770 = vector.broadcast %parallel_loop3A_769 : i32 to vector<16xi32>
        %parallel_loop3A_771 = arith.shli %parallel_loop3A_765, %parallel_loop3A_770 : vector<16xi32>
        %parallel_loop3A_772 = arith.addi %parallel_loop3A_771, %parallel_loop3A_642 : vector<16xi32>
        tpu.vector_store_idx %arg6[%parallel_loop3A_772], %parallel_loop3A_768 : memref<57344xf32, #tpu.memory_space<vmem>>[vector<16xi32>], vector<16xf32>,
        %parallel_loop3A_773 = arith.constant 10 : i32
        %parallel_loop3A_774 = vector.broadcast %parallel_loop3A_773 : i32 to vector<16xi32>
        %parallel_loop3A_775 = arith.addi %iota3A_591, %parallel_loop3A_774 : vector<16xi32>
        %parallel_loop3A_776 = arith.constant 15 : i32
        %parallel_loop3A_777 = vector.broadcast %parallel_loop3A_776 : i32 to vector<16xi32>
        %parallel_loop3A_778 = arith.andi %parallel_loop3A_775, %parallel_loop3A_777 : vector<16xi32>
        %parallel_loop3A_779 = vector.broadcast %parallel_loop3A_621 : i32 to vector<16xi32>
        %parallel_loop3A_780 = arith.addi %parallel_loop3A_778, %parallel_loop3A_779 : vector<16xi32>
        %parallel_loop3A_781 = tpu.vector_load_idx %arg5[%parallel_loop3A_630, %parallel_loop3A_780] : memref<448x128xf32, #tpu.memory_space<vmem>>[vector<16xi32>, vector<16xi32>], vector<16xf32>,
        %parallel_loop3A_782 = arith.constant 5 : i32
        %parallel_loop3A_783 = vector.broadcast %parallel_loop3A_782 : i32 to vector<16xi32>
        %parallel_loop3A_784 = arith.shli %parallel_loop3A_778, %parallel_loop3A_783 : vector<16xi32>
        %parallel_loop3A_785 = arith.addi %parallel_loop3A_784, %parallel_loop3A_642 : vector<16xi32>
        tpu.vector_store_idx %arg6[%parallel_loop3A_785], %parallel_loop3A_781 : memref<57344xf32, #tpu.memory_space<vmem>>[vector<16xi32>], vector<16xf32>,
        %parallel_loop3A_786 = arith.constant 11 : i32
        %parallel_loop3A_787 = vector.broadcast %parallel_loop3A_786 : i32 to vector<16xi32>
        %parallel_loop3A_788 = arith.addi %iota3A_591, %parallel_loop3A_787 : vector<16xi32>
        %parallel_loop3A_789 = arith.constant 15 : i32
        %parallel_loop3A_790 = vector.broadcast %parallel_loop3A_789 : i32 to vector<16xi32>
        %parallel_loop3A_791 = arith.andi %parallel_loop3A_788, %parallel_loop3A_790 : vector<16xi32>
        %parallel_loop3A_792 = vector.broadcast %parallel_loop3A_621 : i32 to vector<16xi32>
        %parallel_loop3A_793 = arith.addi %parallel_loop3A_791, %parallel_loop3A_792 : vector<16xi32>
        %parallel_loop3A_794 = tpu.vector_load_idx %arg5[%parallel_loop3A_630, %parallel_loop3A_793] : memref<448x128xf32, #tpu.memory_space<vmem>>[vector<16xi32>, vector<16xi32>], vector<16xf32>,
        %parallel_loop3A_795 = arith.constant 5 : i32
        %parallel_loop3A_796 = vector.broadcast %parallel_loop3A_795 : i32 to vector<16xi32>
        %parallel_loop3A_797 = arith.shli %parallel_loop3A_791, %parallel_loop3A_796 : vector<16xi32>
        %parallel_loop3A_798 = arith.addi %parallel_loop3A_797, %parallel_loop3A_642 : vector<16xi32>
        tpu.vector_store_idx %arg6[%parallel_loop3A_798], %parallel_loop3A_794 : memref<57344xf32, #tpu.memory_space<vmem>>[vector<16xi32>], vector<16xf32>,
        %parallel_loop3A_799 = arith.constant 12 : i32
        %parallel_loop3A_800 = vector.broadcast %parallel_loop3A_799 : i32 to vector<16xi32>
        %parallel_loop3A_801 = arith.addi %iota3A_591, %parallel_loop3A_800 : vector<16xi32>
        %parallel_loop3A_802 = arith.constant 15 : i32
        %parallel_loop3A_803 = vector.broadcast %parallel_loop3A_802 : i32 to vector<16xi32>
        %parallel_loop3A_804 = arith.andi %parallel_loop3A_801, %parallel_loop3A_803 : vector<16xi32>
        %parallel_loop3A_805 = vector.broadcast %parallel_loop3A_621 : i32 to vector<16xi32>
        %parallel_loop3A_806 = arith.addi %parallel_loop3A_804, %parallel_loop3A_805 : vector<16xi32>
        %parallel_loop3A_807 = tpu.vector_load_idx %arg5[%parallel_loop3A_630, %parallel_loop3A_806] : memref<448x128xf32, #tpu.memory_space<vmem>>[vector<16xi32>, vector<16xi32>], vector<16xf32>,
        %parallel_loop3A_808 = arith.constant 5 : i32
        %parallel_loop3A_809 = vector.broadcast %parallel_loop3A_808 : i32 to vector<16xi32>
        %parallel_loop3A_810 = arith.shli %parallel_loop3A_804, %parallel_loop3A_809 : vector<16xi32>
        %parallel_loop3A_811 = arith.addi %parallel_loop3A_810, %parallel_loop3A_642 : vector<16xi32>
        tpu.vector_store_idx %arg6[%parallel_loop3A_811], %parallel_loop3A_807 : memref<57344xf32, #tpu.memory_space<vmem>>[vector<16xi32>], vector<16xf32>,
        %parallel_loop3A_812 = arith.constant 13 : i32
        %parallel_loop3A_813 = vector.broadcast %parallel_loop3A_812 : i32 to vector<16xi32>
        %parallel_loop3A_814 = arith.addi %iota3A_591, %parallel_loop3A_813 : vector<16xi32>
        %parallel_loop3A_815 = arith.constant 15 : i32
        %parallel_loop3A_816 = vector.broadcast %parallel_loop3A_815 : i32 to vector<16xi32>
        %parallel_loop3A_817 = arith.andi %parallel_loop3A_814, %parallel_loop3A_816 : vector<16xi32>
        %parallel_loop3A_818 = vector.broadcast %parallel_loop3A_621 : i32 to vector<16xi32>
        %parallel_loop3A_819 = arith.addi %parallel_loop3A_817, %parallel_loop3A_818 : vector<16xi32>
        %parallel_loop3A_820 = tpu.vector_load_idx %arg5[%parallel_loop3A_630, %parallel_loop3A_819] : memref<448x128xf32, #tpu.memory_space<vmem>>[vector<16xi32>, vector<16xi32>], vector<16xf32>,
        %parallel_loop3A_821 = arith.constant 5 : i32
        %parallel_loop3A_822 = vector.broadcast %parallel_loop3A_821 : i32 to vector<16xi32>
        %parallel_loop3A_823 = arith.shli %parallel_loop3A_817, %parallel_loop3A_822 : vector<16xi32>
        %parallel_loop3A_824 = arith.addi %parallel_loop3A_823, %parallel_loop3A_642 : vector<16xi32>
        tpu.vector_store_idx %arg6[%parallel_loop3A_824], %parallel_loop3A_820 : memref<57344xf32, #tpu.memory_space<vmem>>[vector<16xi32>], vector<16xf32>,
        %parallel_loop3A_825 = arith.constant 14 : i32
        %parallel_loop3A_826 = vector.broadcast %parallel_loop3A_825 : i32 to vector<16xi32>
        %parallel_loop3A_827 = arith.addi %iota3A_591, %parallel_loop3A_826 : vector<16xi32>
        %parallel_loop3A_828 = arith.constant 15 : i32
        %parallel_loop3A_829 = vector.broadcast %parallel_loop3A_828 : i32 to vector<16xi32>
        %parallel_loop3A_830 = arith.andi %parallel_loop3A_827, %parallel_loop3A_829 : vector<16xi32>
        %parallel_loop3A_831 = vector.broadcast %parallel_loop3A_621 : i32 to vector<16xi32>
        %parallel_loop3A_832 = arith.addi %parallel_loop3A_830, %parallel_loop3A_831 : vector<16xi32>
        %parallel_loop3A_833 = tpu.vector_load_idx %arg5[%parallel_loop3A_630, %parallel_loop3A_832] : memref<448x128xf32, #tpu.memory_space<vmem>>[vector<16xi32>, vector<16xi32>], vector<16xf32>,
        %parallel_loop3A_834 = arith.constant 5 : i32
        %parallel_loop3A_835 = vector.broadcast %parallel_loop3A_834 : i32 to vector<16xi32>
        %parallel_loop3A_836 = arith.shli %parallel_loop3A_830, %parallel_loop3A_835 : vector<16xi32>
        %parallel_loop3A_837 = arith.addi %parallel_loop3A_836, %parallel_loop3A_642 : vector<16xi32>
        tpu.vector_store_idx %arg6[%parallel_loop3A_837], %parallel_loop3A_833 : memref<57344xf32, #tpu.memory_space<vmem>>[vector<16xi32>], vector<16xf32>,
        %parallel_loop3A_838 = arith.constant 15 : i32
        %parallel_loop3A_839 = vector.broadcast %parallel_loop3A_838 : i32 to vector<16xi32>
        %parallel_loop3A_840 = arith.addi %iota3A_591, %parallel_loop3A_839 : vector<16xi32>
        %parallel_loop3A_841 = arith.constant 15 : i32
        %parallel_loop3A_842 = vector.broadcast %parallel_loop3A_841 : i32 to vector<16xi32>
        %parallel_loop3A_843 = arith.andi %parallel_loop3A_840, %parallel_loop3A_842 : vector<16xi32>
        %parallel_loop3A_844 = vector.broadcast %parallel_loop3A_621 : i32 to vector<16xi32>
        %parallel_loop3A_845 = arith.addi %parallel_loop3A_843, %parallel_loop3A_844 : vector<16xi32>
        %parallel_loop3A_846 = tpu.vector_load_idx %arg5[%parallel_loop3A_630, %parallel_loop3A_845] : memref<448x128xf32, #tpu.memory_space<vmem>>[vector<16xi32>, vector<16xi32>], vector<16xf32>,
        %parallel_loop3A_847 = arith.constant 5 : i32
        %parallel_loop3A_848 = vector.broadcast %parallel_loop3A_847 : i32 to vector<16xi32>
        %parallel_loop3A_849 = arith.shli %parallel_loop3A_843, %parallel_loop3A_848 : vector<16xi32>
        %parallel_loop3A_850 = arith.addi %parallel_loop3A_849, %parallel_loop3A_642 : vector<16xi32>
        tpu.vector_store_idx %arg6[%parallel_loop3A_850], %parallel_loop3A_846 : memref<57344xf32, #tpu.memory_space<vmem>>[vector<16xi32>], vector<16xf32>,
      } {sc.loop_unroll_factor = 2 : i64, sc.parallel_access}
      %mul3A_595 = arith.constant 7 : i32
      %mul3A_596 = arith.muli %add3A_473, %mul3A_595 : i32
      %add3A_597 = arith.addi %mul3A_2, %mul3A_596 : i32
      %mul3A_598 = arith.constant 128 : i32
      %mul3A_599 = arith.muli %add3A_597, %mul3A_598 : i32
      %mul3A_600 = arith.constant 32 : i32
      %mul3A_601 = arith.muli %mul3A_599, %mul3A_600 : i32
      %dma_start3A_602 = arith.constant 1 : i32
      %dma_start3A_603 = arith.constant 28672 : i32
      %dma_start3A_604 = tpu.memref_slice %arg6[%dma_start3A_603] : memref<57344xf32, #tpu.memory_space<vmem>> -> memref<28672xf32, #tpu.memory_space<vmem>>
      %dma_start3A_605 = tpu.memref_slice %arg4[%mul3A_601] : memref<32000000xf32, #tpu.memory_space<hbm>> -> memref<28672xf32, #tpu.memory_space<hbm>>
      %dma_start3A_606 = tpu.memref_slice %arg8[%dma_start3A_602] : memref<2x!tpu.dma_semaphore, #tpu.memory_space<semaphore_mem>> -> memref<1x!tpu.dma_semaphore, #tpu.memory_space<semaphore_mem>>
      %dma_start3A_607 = tpu.memref_squeeze %dma_start3A_606 : memref<1x!tpu.dma_semaphore, #tpu.memory_space<semaphore_mem>> -> memref<!tpu.dma_semaphore, #tpu.memory_space<semaphore_mem>>
      %dma_start3A_608 = tpu.memref_slice %arg4[%mul3A_601] : memref<32000000xf32, #tpu.memory_space<hbm>> -> memref<28672xf32, #tpu.memory_space<hbm>>
      %dma_start3A_609 = arith.constant 28672 : i32
      %dma_start3A_610 = tpu.memref_slice %arg6[%dma_start3A_609] : memref<57344xf32, #tpu.memory_space<vmem>> -> memref<28672xf32, #tpu.memory_space<vmem>>
      tpu.enqueue_dma source(%dma_start3A_610 : memref<28672xf32, #tpu.memory_space<vmem>>) target(%dma_start3A_608 : memref<28672xf32, #tpu.memory_space<hbm>>) target_semaphore(%dma_start3A_607 : memref<!tpu.dma_semaphore, #tpu.memory_space<semaphore_mem>>)
    }
    %scan3A_115 = arith.constant 17 : i32
    %dma_wait3A = arith.constant 0 : i32
    %dma_wait3A_116 = arith.constant 0 : i32
    %dma_wait3A_117 = tpu.memref_slice %arg6[%dma_wait3A_116] : memref<57344xf32, #tpu.memory_space<vmem>> -> memref<28672xf32, #tpu.memory_space<vmem>>
    %dma_wait3A_118 = arith.constant 0 : i32
    %dma_wait3A_119 = tpu.memref_slice %arg4[%dma_wait3A_118] : memref<32000000xf32, #tpu.memory_space<hbm>> -> memref<28672xf32, #tpu.memory_space<hbm>>
    %dma_wait3A_120 = tpu.memref_slice %arg8[%dma_wait3A] : memref<2x!tpu.dma_semaphore, #tpu.memory_space<semaphore_mem>> -> memref<1x!tpu.dma_semaphore, #tpu.memory_space<semaphore_mem>>
    %dma_wait3A_121 = tpu.memref_squeeze %dma_wait3A_120 : memref<1x!tpu.dma_semaphore, #tpu.memory_space<semaphore_mem>> -> memref<!tpu.dma_semaphore, #tpu.memory_space<semaphore_mem>>
    %dma_wait3A_122 = arith.constant 0 : i32
    %dma_wait3A_123 = tpu.memref_slice %arg4[%dma_wait3A_122] : memref<32000000xf32, #tpu.memory_space<hbm>> -> memref<28672xf32, #tpu.memory_space<hbm>>
    %dma_wait3A_124 = arith.constant 0 : i32
    %dma_wait3A_125 = tpu.memref_slice %arg6[%dma_wait3A_124] : memref<57344xf32, #tpu.memory_space<vmem>> -> memref<28672xf32, #tpu.memory_space<vmem>>
    tpu.wait_dma2 semaphore(%dma_wait3A_121 : memref<!tpu.dma_semaphore, #tpu.memory_space<semaphore_mem>>) src(%dma_wait3A_125 : memref<28672xf32, #tpu.memory_space<vmem>>) dst(%dma_wait3A_123 : memref<28672xf32, #tpu.memory_space<hbm>>)
    %dma_wait3A_126 = arith.constant 1 : i32
    %dma_wait3A_127 = arith.constant 28672 : i32
    %dma_wait3A_128 = tpu.memref_slice %arg6[%dma_wait3A_127] : memref<57344xf32, #tpu.memory_space<vmem>> -> memref<28672xf32, #tpu.memory_space<vmem>>
    %dma_wait3A_129 = arith.constant 0 : i32
    %dma_wait3A_130 = tpu.memref_slice %arg4[%dma_wait3A_129] : memref<32000000xf32, #tpu.memory_space<hbm>> -> memref<28672xf32, #tpu.memory_space<hbm>>
    %dma_wait3A_131 = tpu.memref_slice %arg8[%dma_wait3A_126] : memref<2x!tpu.dma_semaphore, #tpu.memory_space<semaphore_mem>> -> memref<1x!tpu.dma_semaphore, #tpu.memory_space<semaphore_mem>>
    %dma_wait3A_132 = tpu.memref_squeeze %dma_wait3A_131 : memref<1x!tpu.dma_semaphore, #tpu.memory_space<semaphore_mem>> -> memref<!tpu.dma_semaphore, #tpu.memory_space<semaphore_mem>>
    %dma_wait3A_133 = arith.constant 0 : i32
    %dma_wait3A_134 = tpu.memref_slice %arg4[%dma_wait3A_133] : memref<32000000xf32, #tpu.memory_space<hbm>> -> memref<28672xf32, #tpu.memory_space<hbm>>
    %dma_wait3A_135 = arith.constant 28672 : i32
    %dma_wait3A_136 = tpu.memref_slice %arg6[%dma_wait3A_135] : memref<57344xf32, #tpu.memory_space<vmem>> -> memref<28672xf32, #tpu.memory_space<vmem>>
    tpu.wait_dma2 semaphore(%dma_wait3A_132 : memref<!tpu.dma_semaphore, #tpu.memory_space<semaphore_mem>>) src(%dma_wait3A_136 : memref<28672xf32, #tpu.memory_space<vmem>>) dst(%dma_wait3A_134 : memref<28672xf32, #tpu.memory_space<hbm>>)
    %add3A_137 = arith.constant 238 : i32
    %add3A_138 = arith.addi %mul3A_2, %add3A_137 : i32
    %mul3A_139 = arith.constant 128 : i32
    %mul3A_140 = arith.muli %add3A_138, %mul3A_139 : i32
    %add3A_141 = arith.constant 0 : i32
    %add3A_142 = arith.addi %mul3A_140, %add3A_141 : i32
    %dma_start3A_143 = arith.constant 0 : i32
    %dma_start3A_144 = arith.constant 0 : i32
    %dma_start3A_145 = arith.constant 0 : i32
    %dma_start3A_146 = tpu.memref_slice %arg5[%dma_start3A_144, %dma_start3A_145] : memref<448x128xf32, #tpu.memory_space<vmem>> -> memref<32x128xf32, #tpu.memory_space<vmem>>
    %dma_start3A_147 = arith.constant 0 : i32
    %dma_start3A_148 = tpu.memref_slice %arg2[%dma_start3A_147, %add3A_142] : memref<32x1000000xf32, #tpu.memory_space<hbm>> -> memref<32x128xf32, #tpu.memory_space<hbm>>
    %dma_start3A_149 = tpu.memref_slice %arg7[%dma_start3A_143] : memref<2x!tpu.dma_semaphore, #tpu.memory_space<semaphore_mem>> -> memref<1x!tpu.dma_semaphore, #tpu.memory_space<semaphore_mem>>
    %dma_start3A_150 = tpu.memref_squeeze %dma_start3A_149 : memref<1x!tpu.dma_semaphore, #tpu.memory_space<semaphore_mem>> -> memref<!tpu.dma_semaphore, #tpu.memory_space<semaphore_mem>>
    %dma_start3A_151 = arith.constant 0 : i32
    %dma_start3A_152 = arith.constant 0 : i32
    %dma_start3A_153 = tpu.memref_slice %arg5[%dma_start3A_151, %dma_start3A_152] : memref<448x128xf32, #tpu.memory_space<vmem>> -> memref<32x128xf32, #tpu.memory_space<vmem>>
    %dma_start3A_154 = arith.constant 0 : i32
    %dma_start3A_155 = tpu.memref_slice %arg2[%dma_start3A_154, %add3A_142] : memref<32x1000000xf32, #tpu.memory_space<hbm>> -> memref<32x128xf32, #tpu.memory_space<hbm>>
    tpu.enqueue_dma source(%dma_start3A_155 : memref<32x128xf32, #tpu.memory_space<hbm>>) target(%dma_start3A_153 : memref<32x128xf32, #tpu.memory_space<vmem>>) target_semaphore(%dma_start3A_150 : memref<!tpu.dma_semaphore, #tpu.memory_space<semaphore_mem>>)
    %add3A_156 = arith.constant 128 : i32
    %add3A_157 = arith.addi %mul3A_140, %add3A_156 : i32
    %dma_start3A_158 = arith.constant 0 : i32
    %dma_start3A_159 = arith.constant 32 : i32
    %dma_start3A_160 = arith.constant 0 : i32
    %dma_start3A_161 = tpu.memref_slice %arg5[%dma_start3A_159, %dma_start3A_160] : memref<448x128xf32, #tpu.memory_space<vmem>> -> memref<32x128xf32, #tpu.memory_space<vmem>>
    %dma_start3A_162 = arith.constant 0 : i32
    %dma_start3A_163 = tpu.memref_slice %arg2[%dma_start3A_162, %add3A_157] : memref<32x1000000xf32, #tpu.memory_space<hbm>> -> memref<32x128xf32, #tpu.memory_space<hbm>>
    %dma_start3A_164 = tpu.memref_slice %arg7[%dma_start3A_158] : memref<2x!tpu.dma_semaphore, #tpu.memory_space<semaphore_mem>> -> memref<1x!tpu.dma_semaphore, #tpu.memory_space<semaphore_mem>>
    %dma_start3A_165 = tpu.memref_squeeze %dma_start3A_164 : memref<1x!tpu.dma_semaphore, #tpu.memory_space<semaphore_mem>> -> memref<!tpu.dma_semaphore, #tpu.memory_space<semaphore_mem>>
    %dma_start3A_166 = arith.constant 32 : i32
    %dma_start3A_167 = arith.constant 0 : i32
    %dma_start3A_168 = tpu.memref_slice %arg5[%dma_start3A_166, %dma_start3A_167] : memref<448x128xf32, #tpu.memory_space<vmem>> -> memref<32x128xf32, #tpu.memory_space<vmem>>
    %dma_start3A_169 = arith.constant 0 : i32
    %dma_start3A_170 = tpu.memref_slice %arg2[%dma_start3A_169, %add3A_157] : memref<32x1000000xf32, #tpu.memory_space<hbm>> -> memref<32x128xf32, #tpu.memory_space<hbm>>
    tpu.enqueue_dma source(%dma_start3A_170 : memref<32x128xf32, #tpu.memory_space<hbm>>) target(%dma_start3A_168 : memref<32x128xf32, #tpu.memory_space<vmem>>) target_semaphore(%dma_start3A_165 : memref<!tpu.dma_semaphore, #tpu.memory_space<semaphore_mem>>)
    %add3A_171 = arith.constant 256 : i32
    %add3A_172 = arith.addi %mul3A_140, %add3A_171 : i32
    %dma_start3A_173 = arith.constant 0 : i32
    %dma_start3A_174 = arith.constant 64 : i32
    %dma_start3A_175 = arith.constant 0 : i32
    %dma_start3A_176 = tpu.memref_slice %arg5[%dma_start3A_174, %dma_start3A_175] : memref<448x128xf32, #tpu.memory_space<vmem>> -> memref<32x128xf32, #tpu.memory_space<vmem>>
    %dma_start3A_177 = arith.constant 0 : i32
    %dma_start3A_178 = tpu.memref_slice %arg2[%dma_start3A_177, %add3A_172] : memref<32x1000000xf32, #tpu.memory_space<hbm>> -> memref<32x128xf32, #tpu.memory_space<hbm>>
    %dma_start3A_179 = tpu.memref_slice %arg7[%dma_start3A_173] : memref<2x!tpu.dma_semaphore, #tpu.memory_space<semaphore_mem>> -> memref<1x!tpu.dma_semaphore, #tpu.memory_space<semaphore_mem>>
    %dma_start3A_180 = tpu.memref_squeeze %dma_start3A_179 : memref<1x!tpu.dma_semaphore, #tpu.memory_space<semaphore_mem>> -> memref<!tpu.dma_semaphore, #tpu.memory_space<semaphore_mem>>
    %dma_start3A_181 = arith.constant 64 : i32
    %dma_start3A_182 = arith.constant 0 : i32
    %dma_start3A_183 = tpu.memref_slice %arg5[%dma_start3A_181, %dma_start3A_182] : memref<448x128xf32, #tpu.memory_space<vmem>> -> memref<32x128xf32, #tpu.memory_space<vmem>>
    %dma_start3A_184 = arith.constant 0 : i32
    %dma_start3A_185 = tpu.memref_slice %arg2[%dma_start3A_184, %add3A_172] : memref<32x1000000xf32, #tpu.memory_space<hbm>> -> memref<32x128xf32, #tpu.memory_space<hbm>>
    tpu.enqueue_dma source(%dma_start3A_185 : memref<32x128xf32, #tpu.memory_space<hbm>>) target(%dma_start3A_183 : memref<32x128xf32, #tpu.memory_space<vmem>>) target_semaphore(%dma_start3A_180 : memref<!tpu.dma_semaphore, #tpu.memory_space<semaphore_mem>>)
    %add3A_186 = arith.constant 384 : i32
    %add3A_187 = arith.addi %mul3A_140, %add3A_186 : i32
    %dma_start3A_188 = arith.constant 0 : i32
    %dma_start3A_189 = arith.constant 96 : i32
    %dma_start3A_190 = arith.constant 0 : i32
    %dma_start3A_191 = tpu.memref_slice %arg5[%dma_start3A_189, %dma_start3A_190] : memref<448x128xf32, #tpu.memory_space<vmem>> -> memref<32x128xf32, #tpu.memory_space<vmem>>
    %dma_start3A_192 = arith.constant 0 : i32
    %dma_start3A_193 = tpu.memref_slice %arg2[%dma_start3A_192, %add3A_187] : memref<32x1000000xf32, #tpu.memory_space<hbm>> -> memref<32x128xf32, #tpu.memory_space<hbm>>
    %dma_start3A_194 = tpu.memref_slice %arg7[%dma_start3A_188] : memref<2x!tpu.dma_semaphore, #tpu.memory_space<semaphore_mem>> -> memref<1x!tpu.dma_semaphore, #tpu.memory_space<semaphore_mem>>
    %dma_start3A_195 = tpu.memref_squeeze %dma_start3A_194 : memref<1x!tpu.dma_semaphore, #tpu.memory_space<semaphore_mem>> -> memref<!tpu.dma_semaphore, #tpu.memory_space<semaphore_mem>>
    %dma_start3A_196 = arith.constant 96 : i32
    %dma_start3A_197 = arith.constant 0 : i32
    %dma_start3A_198 = tpu.memref_slice %arg5[%dma_start3A_196, %dma_start3A_197] : memref<448x128xf32, #tpu.memory_space<vmem>> -> memref<32x128xf32, #tpu.memory_space<vmem>>
    %dma_start3A_199 = arith.constant 0 : i32
    %dma_start3A_200 = tpu.memref_slice %arg2[%dma_start3A_199, %add3A_187] : memref<32x1000000xf32, #tpu.memory_space<hbm>> -> memref<32x128xf32, #tpu.memory_space<hbm>>
    tpu.enqueue_dma source(%dma_start3A_200 : memref<32x128xf32, #tpu.memory_space<hbm>>) target(%dma_start3A_198 : memref<32x128xf32, #tpu.memory_space<vmem>>) target_semaphore(%dma_start3A_195 : memref<!tpu.dma_semaphore, #tpu.memory_space<semaphore_mem>>)
    %add3A_201 = arith.constant 512 : i32
    %add3A_202 = arith.addi %mul3A_140, %add3A_201 : i32
    %dma_start3A_203 = arith.constant 0 : i32
    %dma_start3A_204 = arith.constant 128 : i32
    %dma_start3A_205 = arith.constant 0 : i32
    %dma_start3A_206 = tpu.memref_slice %arg5[%dma_start3A_204, %dma_start3A_205] : memref<448x128xf32, #tpu.memory_space<vmem>> -> memref<32x128xf32, #tpu.memory_space<vmem>>
    %dma_start3A_207 = arith.constant 0 : i32
    %dma_start3A_208 = tpu.memref_slice %arg2[%dma_start3A_207, %add3A_202] : memref<32x1000000xf32, #tpu.memory_space<hbm>> -> memref<32x128xf32, #tpu.memory_space<hbm>>
    %dma_start3A_209 = tpu.memref_slice %arg7[%dma_start3A_203] : memref<2x!tpu.dma_semaphore, #tpu.memory_space<semaphore_mem>> -> memref<1x!tpu.dma_semaphore, #tpu.memory_space<semaphore_mem>>
    %dma_start3A_210 = tpu.memref_squeeze %dma_start3A_209 : memref<1x!tpu.dma_semaphore, #tpu.memory_space<semaphore_mem>> -> memref<!tpu.dma_semaphore, #tpu.memory_space<semaphore_mem>>
    %dma_start3A_211 = arith.constant 128 : i32
    %dma_start3A_212 = arith.constant 0 : i32
    %dma_start3A_213 = tpu.memref_slice %arg5[%dma_start3A_211, %dma_start3A_212] : memref<448x128xf32, #tpu.memory_space<vmem>> -> memref<32x128xf32, #tpu.memory_space<vmem>>
    %dma_start3A_214 = arith.constant 0 : i32
    %dma_start3A_215 = tpu.memref_slice %arg2[%dma_start3A_214, %add3A_202] : memref<32x1000000xf32, #tpu.memory_space<hbm>> -> memref<32x128xf32, #tpu.memory_space<hbm>>
    tpu.enqueue_dma source(%dma_start3A_215 : memref<32x128xf32, #tpu.memory_space<hbm>>) target(%dma_start3A_213 : memref<32x128xf32, #tpu.memory_space<vmem>>) target_semaphore(%dma_start3A_210 : memref<!tpu.dma_semaphore, #tpu.memory_space<semaphore_mem>>)
    %add3A_216 = arith.constant 640 : i32
    %add3A_217 = arith.addi %mul3A_140, %add3A_216 : i32
    %dma_start3A_218 = arith.constant 0 : i32
    %dma_start3A_219 = arith.constant 160 : i32
    %dma_start3A_220 = arith.constant 0 : i32
    %dma_start3A_221 = tpu.memref_slice %arg5[%dma_start3A_219, %dma_start3A_220] : memref<448x128xf32, #tpu.memory_space<vmem>> -> memref<32x128xf32, #tpu.memory_space<vmem>>
    %dma_start3A_222 = arith.constant 0 : i32
    %dma_start3A_223 = tpu.memref_slice %arg2[%dma_start3A_222, %add3A_217] : memref<32x1000000xf32, #tpu.memory_space<hbm>> -> memref<32x128xf32, #tpu.memory_space<hbm>>
    %dma_start3A_224 = tpu.memref_slice %arg7[%dma_start3A_218] : memref<2x!tpu.dma_semaphore, #tpu.memory_space<semaphore_mem>> -> memref<1x!tpu.dma_semaphore, #tpu.memory_space<semaphore_mem>>
    %dma_start3A_225 = tpu.memref_squeeze %dma_start3A_224 : memref<1x!tpu.dma_semaphore, #tpu.memory_space<semaphore_mem>> -> memref<!tpu.dma_semaphore, #tpu.memory_space<semaphore_mem>>
    %dma_start3A_226 = arith.constant 160 : i32
    %dma_start3A_227 = arith.constant 0 : i32
    %dma_start3A_228 = tpu.memref_slice %arg5[%dma_start3A_226, %dma_start3A_227] : memref<448x128xf32, #tpu.memory_space<vmem>> -> memref<32x128xf32, #tpu.memory_space<vmem>>
    %dma_start3A_229 = arith.constant 0 : i32
    %dma_start3A_230 = tpu.memref_slice %arg2[%dma_start3A_229, %add3A_217] : memref<32x1000000xf32, #tpu.memory_space<hbm>> -> memref<32x128xf32, #tpu.memory_space<hbm>>
    tpu.enqueue_dma source(%dma_start3A_230 : memref<32x128xf32, #tpu.memory_space<hbm>>) target(%dma_start3A_228 : memref<32x128xf32, #tpu.memory_space<vmem>>) target_semaphore(%dma_start3A_225 : memref<!tpu.dma_semaphore, #tpu.memory_space<semaphore_mem>>)
    %dma_wait3A_231 = arith.constant 0 : i32
    %dma_wait3A_232 = arith.constant 0 : i32
    %dma_wait3A_233 = arith.constant 0 : i32
    %dma_wait3A_234 = tpu.memref_slice %arg5[%dma_wait3A_232, %dma_wait3A_233] : memref<448x128xf32, #tpu.memory_space<vmem>> -> memref<32x128xf32, #tpu.memory_space<vmem>>
    %dma_wait3A_235 = arith.constant 0 : i32
    %dma_wait3A_236 = arith.constant 0 : i32
    %dma_wait3A_237 = tpu.memref_slice %arg2[%dma_wait3A_235, %dma_wait3A_236] : memref<32x1000000xf32, #tpu.memory_space<hbm>> -> memref<32x128xf32, #tpu.memory_space<hbm>>
    %dma_wait3A_238 = tpu.memref_slice %arg7[%dma_wait3A_231] : memref<2x!tpu.dma_semaphore, #tpu.memory_space<semaphore_mem>> -> memref<1x!tpu.dma_semaphore, #tpu.memory_space<semaphore_mem>>
    %dma_wait3A_239 = tpu.memref_squeeze %dma_wait3A_238 : memref<1x!tpu.dma_semaphore, #tpu.memory_space<semaphore_mem>> -> memref<!tpu.dma_semaphore, #tpu.memory_space<semaphore_mem>>
    %dma_wait3A_240 = arith.constant 0 : i32
    %dma_wait3A_241 = arith.constant 0 : i32
    %dma_wait3A_242 = tpu.memref_slice %arg5[%dma_wait3A_240, %dma_wait3A_241] : memref<448x128xf32, #tpu.memory_space<vmem>> -> memref<32x128xf32, #tpu.memory_space<vmem>>
    %dma_wait3A_243 = arith.constant 0 : i32
    %dma_wait3A_244 = arith.constant 0 : i32
    %dma_wait3A_245 = tpu.memref_slice %arg2[%dma_wait3A_243, %dma_wait3A_244] : memref<32x1000000xf32, #tpu.memory_space<hbm>> -> memref<32x128xf32, #tpu.memory_space<hbm>>
    tpu.wait_dma2 semaphore(%dma_wait3A_239 : memref<!tpu.dma_semaphore, #tpu.memory_space<semaphore_mem>>) src(%dma_wait3A_245 : memref<32x128xf32, #tpu.memory_space<hbm>>) dst(%dma_wait3A_242 : memref<32x128xf32, #tpu.memory_space<vmem>>)
    %dma_wait3A_246 = arith.constant 0 : i32
    %dma_wait3A_247 = arith.constant 32 : i32
    %dma_wait3A_248 = arith.constant 0 : i32
    %dma_wait3A_249 = tpu.memref_slice %arg5[%dma_wait3A_247, %dma_wait3A_248] : memref<448x128xf32, #tpu.memory_space<vmem>> -> memref<32x128xf32, #tpu.memory_space<vmem>>
    %dma_wait3A_250 = arith.constant 0 : i32
    %dma_wait3A_251 = arith.constant 0 : i32
    %dma_wait3A_252 = tpu.memref_slice %arg2[%dma_wait3A_250, %dma_wait3A_251] : memref<32x1000000xf32, #tpu.memory_space<hbm>> -> memref<32x128xf32, #tpu.memory_space<hbm>>
    %dma_wait3A_253 = tpu.memref_slice %arg7[%dma_wait3A_246] : memref<2x!tpu.dma_semaphore, #tpu.memory_space<semaphore_mem>> -> memref<1x!tpu.dma_semaphore, #tpu.memory_space<semaphore_mem>>
    %dma_wait3A_254 = tpu.memref_squeeze %dma_wait3A_253 : memref<1x!tpu.dma_semaphore, #tpu.memory_space<semaphore_mem>> -> memref<!tpu.dma_semaphore, #tpu.memory_space<semaphore_mem>>
    %dma_wait3A_255 = arith.constant 32 : i32
    %dma_wait3A_256 = arith.constant 0 : i32
    %dma_wait3A_257 = tpu.memref_slice %arg5[%dma_wait3A_255, %dma_wait3A_256] : memref<448x128xf32, #tpu.memory_space<vmem>> -> memref<32x128xf32, #tpu.memory_space<vmem>>
    %dma_wait3A_258 = arith.constant 0 : i32
    %dma_wait3A_259 = arith.constant 0 : i32
    %dma_wait3A_260 = tpu.memref_slice %arg2[%dma_wait3A_258, %dma_wait3A_259] : memref<32x1000000xf32, #tpu.memory_space<hbm>> -> memref<32x128xf32, #tpu.memory_space<hbm>>
    tpu.wait_dma2 semaphore(%dma_wait3A_254 : memref<!tpu.dma_semaphore, #tpu.memory_space<semaphore_mem>>) src(%dma_wait3A_260 : memref<32x128xf32, #tpu.memory_space<hbm>>) dst(%dma_wait3A_257 : memref<32x128xf32, #tpu.memory_space<vmem>>)
    %dma_wait3A_261 = arith.constant 0 : i32
    %dma_wait3A_262 = arith.constant 64 : i32
    %dma_wait3A_263 = arith.constant 0 : i32
    %dma_wait3A_264 = tpu.memref_slice %arg5[%dma_wait3A_262, %dma_wait3A_263] : memref<448x128xf32, #tpu.memory_space<vmem>> -> memref<32x128xf32, #tpu.memory_space<vmem>>
    %dma_wait3A_265 = arith.constant 0 : i32
    %dma_wait3A_266 = arith.constant 0 : i32
    %dma_wait3A_267 = tpu.memref_slice %arg2[%dma_wait3A_265, %dma_wait3A_266] : memref<32x1000000xf32, #tpu.memory_space<hbm>> -> memref<32x128xf32, #tpu.memory_space<hbm>>
    %dma_wait3A_268 = tpu.memref_slice %arg7[%dma_wait3A_261] : memref<2x!tpu.dma_semaphore, #tpu.memory_space<semaphore_mem>> -> memref<1x!tpu.dma_semaphore, #tpu.memory_space<semaphore_mem>>
    %dma_wait3A_269 = tpu.memref_squeeze %dma_wait3A_268 : memref<1x!tpu.dma_semaphore, #tpu.memory_space<semaphore_mem>> -> memref<!tpu.dma_semaphore, #tpu.memory_space<semaphore_mem>>
    %dma_wait3A_270 = arith.constant 64 : i32
    %dma_wait3A_271 = arith.constant 0 : i32
    %dma_wait3A_272 = tpu.memref_slice %arg5[%dma_wait3A_270, %dma_wait3A_271] : memref<448x128xf32, #tpu.memory_space<vmem>> -> memref<32x128xf32, #tpu.memory_space<vmem>>
    %dma_wait3A_273 = arith.constant 0 : i32
    %dma_wait3A_274 = arith.constant 0 : i32
    %dma_wait3A_275 = tpu.memref_slice %arg2[%dma_wait3A_273, %dma_wait3A_274] : memref<32x1000000xf32, #tpu.memory_space<hbm>> -> memref<32x128xf32, #tpu.memory_space<hbm>>
    tpu.wait_dma2 semaphore(%dma_wait3A_269 : memref<!tpu.dma_semaphore, #tpu.memory_space<semaphore_mem>>) src(%dma_wait3A_275 : memref<32x128xf32, #tpu.memory_space<hbm>>) dst(%dma_wait3A_272 : memref<32x128xf32, #tpu.memory_space<vmem>>)
    %dma_wait3A_276 = arith.constant 0 : i32
    %dma_wait3A_277 = arith.constant 96 : i32
    %dma_wait3A_278 = arith.constant 0 : i32
    %dma_wait3A_279 = tpu.memref_slice %arg5[%dma_wait3A_277, %dma_wait3A_278] : memref<448x128xf32, #tpu.memory_space<vmem>> -> memref<32x128xf32, #tpu.memory_space<vmem>>
    %dma_wait3A_280 = arith.constant 0 : i32
    %dma_wait3A_281 = arith.constant 0 : i32
    %dma_wait3A_282 = tpu.memref_slice %arg2[%dma_wait3A_280, %dma_wait3A_281] : memref<32x1000000xf32, #tpu.memory_space<hbm>> -> memref<32x128xf32, #tpu.memory_space<hbm>>
    %dma_wait3A_283 = tpu.memref_slice %arg7[%dma_wait3A_276] : memref<2x!tpu.dma_semaphore, #tpu.memory_space<semaphore_mem>> -> memref<1x!tpu.dma_semaphore, #tpu.memory_space<semaphore_mem>>
    %dma_wait3A_284 = tpu.memref_squeeze %dma_wait3A_283 : memref<1x!tpu.dma_semaphore, #tpu.memory_space<semaphore_mem>> -> memref<!tpu.dma_semaphore, #tpu.memory_space<semaphore_mem>>
    %dma_wait3A_285 = arith.constant 96 : i32
    %dma_wait3A_286 = arith.constant 0 : i32
    %dma_wait3A_287 = tpu.memref_slice %arg5[%dma_wait3A_285, %dma_wait3A_286] : memref<448x128xf32, #tpu.memory_space<vmem>> -> memref<32x128xf32, #tpu.memory_space<vmem>>
    %dma_wait3A_288 = arith.constant 0 : i32
    %dma_wait3A_289 = arith.constant 0 : i32
    %dma_wait3A_290 = tpu.memref_slice %arg2[%dma_wait3A_288, %dma_wait3A_289] : memref<32x1000000xf32, #tpu.memory_space<hbm>> -> memref<32x128xf32, #tpu.memory_space<hbm>>
    tpu.wait_dma2 semaphore(%dma_wait3A_284 : memref<!tpu.dma_semaphore, #tpu.memory_space<semaphore_mem>>) src(%dma_wait3A_290 : memref<32x128xf32, #tpu.memory_space<hbm>>) dst(%dma_wait3A_287 : memref<32x128xf32, #tpu.memory_space<vmem>>)
    %dma_wait3A_291 = arith.constant 0 : i32
    %dma_wait3A_292 = arith.constant 128 : i32
    %dma_wait3A_293 = arith.constant 0 : i32
    %dma_wait3A_294 = tpu.memref_slice %arg5[%dma_wait3A_292, %dma_wait3A_293] : memref<448x128xf32, #tpu.memory_space<vmem>> -> memref<32x128xf32, #tpu.memory_space<vmem>>
    %dma_wait3A_295 = arith.constant 0 : i32
    %dma_wait3A_296 = arith.constant 0 : i32
    %dma_wait3A_297 = tpu.memref_slice %arg2[%dma_wait3A_295, %dma_wait3A_296] : memref<32x1000000xf32, #tpu.memory_space<hbm>> -> memref<32x128xf32, #tpu.memory_space<hbm>>
    %dma_wait3A_298 = tpu.memref_slice %arg7[%dma_wait3A_291] : memref<2x!tpu.dma_semaphore, #tpu.memory_space<semaphore_mem>> -> memref<1x!tpu.dma_semaphore, #tpu.memory_space<semaphore_mem>>
    %dma_wait3A_299 = tpu.memref_squeeze %dma_wait3A_298 : memref<1x!tpu.dma_semaphore, #tpu.memory_space<semaphore_mem>> -> memref<!tpu.dma_semaphore, #tpu.memory_space<semaphore_mem>>
    %dma_wait3A_300 = arith.constant 128 : i32
    %dma_wait3A_301 = arith.constant 0 : i32
    %dma_wait3A_302 = tpu.memref_slice %arg5[%dma_wait3A_300, %dma_wait3A_301] : memref<448x128xf32, #tpu.memory_space<vmem>> -> memref<32x128xf32, #tpu.memory_space<vmem>>
    %dma_wait3A_303 = arith.constant 0 : i32
    %dma_wait3A_304 = arith.constant 0 : i32
    %dma_wait3A_305 = tpu.memref_slice %arg2[%dma_wait3A_303, %dma_wait3A_304] : memref<32x1000000xf32, #tpu.memory_space<hbm>> -> memref<32x128xf32, #tpu.memory_space<hbm>>
    tpu.wait_dma2 semaphore(%dma_wait3A_299 : memref<!tpu.dma_semaphore, #tpu.memory_space<semaphore_mem>>) src(%dma_wait3A_305 : memref<32x128xf32, #tpu.memory_space<hbm>>) dst(%dma_wait3A_302 : memref<32x128xf32, #tpu.memory_space<vmem>>)
    %dma_wait3A_306 = arith.constant 0 : i32
    %dma_wait3A_307 = arith.constant 160 : i32
    %dma_wait3A_308 = arith.constant 0 : i32
    %dma_wait3A_309 = tpu.memref_slice %arg5[%dma_wait3A_307, %dma_wait3A_308] : memref<448x128xf32, #tpu.memory_space<vmem>> -> memref<32x128xf32, #tpu.memory_space<vmem>>
    %dma_wait3A_310 = arith.constant 0 : i32
    %dma_wait3A_311 = arith.constant 0 : i32
    %dma_wait3A_312 = tpu.memref_slice %arg2[%dma_wait3A_310, %dma_wait3A_311] : memref<32x1000000xf32, #tpu.memory_space<hbm>> -> memref<32x128xf32, #tpu.memory_space<hbm>>
    %dma_wait3A_313 = tpu.memref_slice %arg7[%dma_wait3A_306] : memref<2x!tpu.dma_semaphore, #tpu.memory_space<semaphore_mem>> -> memref<1x!tpu.dma_semaphore, #tpu.memory_space<semaphore_mem>>
    %dma_wait3A_314 = tpu.memref_squeeze %dma_wait3A_313 : memref<1x!tpu.dma_semaphore, #tpu.memory_space<semaphore_mem>> -> memref<!tpu.dma_semaphore, #tpu.memory_space<semaphore_mem>>
    %dma_wait3A_315 = arith.constant 160 : i32
    %dma_wait3A_316 = arith.constant 0 : i32
    %dma_wait3A_317 = tpu.memref_slice %arg5[%dma_wait3A_315, %dma_wait3A_316] : memref<448x128xf32, #tpu.memory_space<vmem>> -> memref<32x128xf32, #tpu.memory_space<vmem>>
    %dma_wait3A_318 = arith.constant 0 : i32
    %dma_wait3A_319 = arith.constant 0 : i32
    %dma_wait3A_320 = tpu.memref_slice %arg2[%dma_wait3A_318, %dma_wait3A_319] : memref<32x1000000xf32, #tpu.memory_space<hbm>> -> memref<32x128xf32, #tpu.memory_space<hbm>>
    tpu.wait_dma2 semaphore(%dma_wait3A_314 : memref<!tpu.dma_semaphore, #tpu.memory_space<semaphore_mem>>) src(%dma_wait3A_320 : memref<32x128xf32, #tpu.memory_space<hbm>>) dst(%dma_wait3A_317 : memref<32x128xf32, #tpu.memory_space<vmem>>)
    %iota3A = tpu.iota {dimensions = array<i32: 0>} : vector<16xi32>
    %parallel_loop3A = arith.constant 0 : i32
    %parallel_loop3A_321 = arith.constant 96 : i32
    %parallel_loop3A_322 = arith.constant 1 : i32
    scf.for %parallel_loop3A_331 = %parallel_loop3A to %parallel_loop3A_321 step %parallel_loop3A_322  : i32 {
      %parallel_loop3A_332 = arith.constant 4 : i32
      %parallel_loop3A_333 = arith.shrui %parallel_loop3A_331, %parallel_loop3A_332 : i32
      %parallel_loop3A_334 = arith.constant 15 : i32
      %parallel_loop3A_335 = arith.andi %parallel_loop3A_331, %parallel_loop3A_334 : i32
      %parallel_loop3A_336 = arith.constant 1 : i32
      %parallel_loop3A_337 = arith.andi %parallel_loop3A_335, %parallel_loop3A_336 : i32
      %parallel_loop3A_338 = arith.constant 1 : i32
      %parallel_loop3A_339 = arith.shrui %parallel_loop3A_335, %parallel_loop3A_338 : i32
      %parallel_loop3A_340 = arith.constant 16 : i32
      %parallel_loop3A_341 = arith.muli %parallel_loop3A_339, %parallel_loop3A_340 : i32
      %parallel_loop3A_342 = arith.constant 32 : i32
      %parallel_loop3A_343 = arith.muli %parallel_loop3A_333, %parallel_loop3A_342 : i32
      %parallel_loop3A_344 = arith.constant 0 : i32
      %parallel_loop3A_345 = arith.addi %parallel_loop3A_344, %parallel_loop3A_343 : i32
      %parallel_loop3A_346 = arith.constant 16 : i32
      %parallel_loop3A_347 = arith.muli %parallel_loop3A_337, %parallel_loop3A_346 : i32
      %parallel_loop3A_348 = arith.addi %parallel_loop3A_345, %parallel_loop3A_347 : i32
      %parallel_loop3A_349 = vector.broadcast %parallel_loop3A_348 : i32 to vector<16xi32>
      %parallel_loop3A_350 = arith.addi %iota3A, %parallel_loop3A_349 : vector<16xi32>
      %parallel_loop3A_351 = arith.constant 128 : i32
      %parallel_loop3A_352 = arith.muli %parallel_loop3A_333, %parallel_loop3A_351 : i32
      %parallel_loop3A_353 = arith.addi %parallel_loop3A_352, %parallel_loop3A_341 : i32
      %parallel_loop3A_354 = arith.constant 32 : i32
      %parallel_loop3A_355 = arith.muli %parallel_loop3A_353, %parallel_loop3A_354 : i32
      %parallel_loop3A_356 = arith.constant 0 : i32
      %parallel_loop3A_357 = arith.addi %parallel_loop3A_356, %parallel_loop3A_355 : i32
      %parallel_loop3A_358 = arith.constant 16 : i32
      %parallel_loop3A_359 = arith.muli %parallel_loop3A_337, %parallel_loop3A_358 : i32
      %parallel_loop3A_360 = arith.addi %parallel_loop3A_357, %parallel_loop3A_359 : i32
      %parallel_loop3A_361 = vector.broadcast %parallel_loop3A_360 : i32 to vector<16xi32>
      %parallel_loop3A_362 = arith.addi %iota3A, %parallel_loop3A_361 : vector<16xi32>
      %parallel_loop3A_363 = arith.constant 0 : i32
      %parallel_loop3A_364 = vector.broadcast %parallel_loop3A_363 : i32 to vector<16xi32>
      %parallel_loop3A_365 = arith.addi %iota3A, %parallel_loop3A_364 : vector<16xi32>
      %parallel_loop3A_366 = arith.constant 15 : i32
      %parallel_loop3A_367 = vector.broadcast %parallel_loop3A_366 : i32 to vector<16xi32>
      %parallel_loop3A_368 = arith.andi %parallel_loop3A_365, %parallel_loop3A_367 : vector<16xi32>
      %parallel_loop3A_369 = vector.broadcast %parallel_loop3A_341 : i32 to vector<16xi32>
      %parallel_loop3A_370 = arith.addi %parallel_loop3A_368, %parallel_loop3A_369 : vector<16xi32>
      %parallel_loop3A_371 = tpu.vector_load_idx %arg5[%parallel_loop3A_350, %parallel_loop3A_370] : memref<448x128xf32, #tpu.memory_space<vmem>>[vector<16xi32>, vector<16xi32>], vector<16xf32>,
      %parallel_loop3A_372 = arith.constant 5 : i32
      %parallel_loop3A_373 = vector.broadcast %parallel_loop3A_372 : i32 to vector<16xi32>
      %parallel_loop3A_374 = arith.shli %parallel_loop3A_368, %parallel_loop3A_373 : vector<16xi32>
      %parallel_loop3A_375 = arith.addi %parallel_loop3A_374, %parallel_loop3A_362 : vector<16xi32>
      tpu.vector_store_idx %arg6[%parallel_loop3A_375], %parallel_loop3A_371 : memref<57344xf32, #tpu.memory_space<vmem>>[vector<16xi32>], vector<16xf32>,
      %parallel_loop3A_376 = arith.constant 1 : i32
      %parallel_loop3A_377 = vector.broadcast %parallel_loop3A_376 : i32 to vector<16xi32>
      %parallel_loop3A_378 = arith.addi %iota3A, %parallel_loop3A_377 : vector<16xi32>
      %parallel_loop3A_379 = arith.constant 15 : i32
      %parallel_loop3A_380 = vector.broadcast %parallel_loop3A_379 : i32 to vector<16xi32>
      %parallel_loop3A_381 = arith.andi %parallel_loop3A_378, %parallel_loop3A_380 : vector<16xi32>
      %parallel_loop3A_382 = vector.broadcast %parallel_loop3A_341 : i32 to vector<16xi32>
      %parallel_loop3A_383 = arith.addi %parallel_loop3A_381, %parallel_loop3A_382 : vector<16xi32>
      %parallel_loop3A_384 = tpu.vector_load_idx %arg5[%parallel_loop3A_350, %parallel_loop3A_383] : memref<448x128xf32, #tpu.memory_space<vmem>>[vector<16xi32>, vector<16xi32>], vector<16xf32>,
      %parallel_loop3A_385 = arith.constant 5 : i32
      %parallel_loop3A_386 = vector.broadcast %parallel_loop3A_385 : i32 to vector<16xi32>
      %parallel_loop3A_387 = arith.shli %parallel_loop3A_381, %parallel_loop3A_386 : vector<16xi32>
      %parallel_loop3A_388 = arith.addi %parallel_loop3A_387, %parallel_loop3A_362 : vector<16xi32>
      tpu.vector_store_idx %arg6[%parallel_loop3A_388], %parallel_loop3A_384 : memref<57344xf32, #tpu.memory_space<vmem>>[vector<16xi32>], vector<16xf32>,
      %parallel_loop3A_389 = arith.constant 2 : i32
      %parallel_loop3A_390 = vector.broadcast %parallel_loop3A_389 : i32 to vector<16xi32>
      %parallel_loop3A_391 = arith.addi %iota3A, %parallel_loop3A_390 : vector<16xi32>
      %parallel_loop3A_392 = arith.constant 15 : i32
      %parallel_loop3A_393 = vector.broadcast %parallel_loop3A_392 : i32 to vector<16xi32>
      %parallel_loop3A_394 = arith.andi %parallel_loop3A_391, %parallel_loop3A_393 : vector<16xi32>
      %parallel_loop3A_395 = vector.broadcast %parallel_loop3A_341 : i32 to vector<16xi32>
      %parallel_loop3A_396 = arith.addi %parallel_loop3A_394, %parallel_loop3A_395 : vector<16xi32>
      %parallel_loop3A_397 = tpu.vector_load_idx %arg5[%parallel_loop3A_350, %parallel_loop3A_396] : memref<448x128xf32, #tpu.memory_space<vmem>>[vector<16xi32>, vector<16xi32>], vector<16xf32>,
      %parallel_loop3A_398 = arith.constant 5 : i32
      %parallel_loop3A_399 = vector.broadcast %parallel_loop3A_398 : i32 to vector<16xi32>
      %parallel_loop3A_400 = arith.shli %parallel_loop3A_394, %parallel_loop3A_399 : vector<16xi32>
      %parallel_loop3A_401 = arith.addi %parallel_loop3A_400, %parallel_loop3A_362 : vector<16xi32>
      tpu.vector_store_idx %arg6[%parallel_loop3A_401], %parallel_loop3A_397 : memref<57344xf32, #tpu.memory_space<vmem>>[vector<16xi32>], vector<16xf32>,
      %parallel_loop3A_402 = arith.constant 3 : i32
      %parallel_loop3A_403 = vector.broadcast %parallel_loop3A_402 : i32 to vector<16xi32>
      %parallel_loop3A_404 = arith.addi %iota3A, %parallel_loop3A_403 : vector<16xi32>
      %parallel_loop3A_405 = arith.constant 15 : i32
      %parallel_loop3A_406 = vector.broadcast %parallel_loop3A_405 : i32 to vector<16xi32>
      %parallel_loop3A_407 = arith.andi %parallel_loop3A_404, %parallel_loop3A_406 : vector<16xi32>
      %parallel_loop3A_408 = vector.broadcast %parallel_loop3A_341 : i32 to vector<16xi32>
      %parallel_loop3A_409 = arith.addi %parallel_loop3A_407, %parallel_loop3A_408 : vector<16xi32>
      %parallel_loop3A_410 = tpu.vector_load_idx %arg5[%parallel_loop3A_350, %parallel_loop3A_409] : memref<448x128xf32, #tpu.memory_space<vmem>>[vector<16xi32>, vector<16xi32>], vector<16xf32>,
      %parallel_loop3A_411 = arith.constant 5 : i32
      %parallel_loop3A_412 = vector.broadcast %parallel_loop3A_411 : i32 to vector<16xi32>
      %parallel_loop3A_413 = arith.shli %parallel_loop3A_407, %parallel_loop3A_412 : vector<16xi32>
      %parallel_loop3A_414 = arith.addi %parallel_loop3A_413, %parallel_loop3A_362 : vector<16xi32>
      tpu.vector_store_idx %arg6[%parallel_loop3A_414], %parallel_loop3A_410 : memref<57344xf32, #tpu.memory_space<vmem>>[vector<16xi32>], vector<16xf32>,
      %parallel_loop3A_415 = arith.constant 4 : i32
      %parallel_loop3A_416 = vector.broadcast %parallel_loop3A_415 : i32 to vector<16xi32>
      %parallel_loop3A_417 = arith.addi %iota3A, %parallel_loop3A_416 : vector<16xi32>
      %parallel_loop3A_418 = arith.constant 15 : i32
      %parallel_loop3A_419 = vector.broadcast %parallel_loop3A_418 : i32 to vector<16xi32>
      %parallel_loop3A_420 = arith.andi %parallel_loop3A_417, %parallel_loop3A_419 : vector<16xi32>
      %parallel_loop3A_421 = vector.broadcast %parallel_loop3A_341 : i32 to vector<16xi32>
      %parallel_loop3A_422 = arith.addi %parallel_loop3A_420, %parallel_loop3A_421 : vector<16xi32>
      %parallel_loop3A_423 = tpu.vector_load_idx %arg5[%parallel_loop3A_350, %parallel_loop3A_422] : memref<448x128xf32, #tpu.memory_space<vmem>>[vector<16xi32>, vector<16xi32>], vector<16xf32>,
      %parallel_loop3A_424 = arith.constant 5 : i32
      %parallel_loop3A_425 = vector.broadcast %parallel_loop3A_424 : i32 to vector<16xi32>
      %parallel_loop3A_426 = arith.shli %parallel_loop3A_420, %parallel_loop3A_425 : vector<16xi32>
      %parallel_loop3A_427 = arith.addi %parallel_loop3A_426, %parallel_loop3A_362 : vector<16xi32>
      tpu.vector_store_idx %arg6[%parallel_loop3A_427], %parallel_loop3A_423 : memref<57344xf32, #tpu.memory_space<vmem>>[vector<16xi32>], vector<16xf32>,
      %parallel_loop3A_428 = arith.constant 5 : i32
      %parallel_loop3A_429 = vector.broadcast %parallel_loop3A_428 : i32 to vector<16xi32>
      %parallel_loop3A_430 = arith.addi %iota3A, %parallel_loop3A_429 : vector<16xi32>
      %parallel_loop3A_431 = arith.constant 15 : i32
      %parallel_loop3A_432 = vector.broadcast %parallel_loop3A_431 : i32 to vector<16xi32>
      %parallel_loop3A_433 = arith.andi %parallel_loop3A_430, %parallel_loop3A_432 : vector<16xi32>
      %parallel_loop3A_434 = vector.broadcast %parallel_loop3A_341 : i32 to vector<16xi32>
      %parallel_loop3A_435 = arith.addi %parallel_loop3A_433, %parallel_loop3A_434 : vector<16xi32>
      %parallel_loop3A_436 = tpu.vector_load_idx %arg5[%parallel_loop3A_350, %parallel_loop3A_435] : memref<448x128xf32, #tpu.memory_space<vmem>>[vector<16xi32>, vector<16xi32>], vector<16xf32>,
      %parallel_loop3A_437 = arith.constant 5 : i32
      %parallel_loop3A_438 = vector.broadcast %parallel_loop3A_437 : i32 to vector<16xi32>
      %parallel_loop3A_439 = arith.shli %parallel_loop3A_433, %parallel_loop3A_438 : vector<16xi32>
      %parallel_loop3A_440 = arith.addi %parallel_loop3A_439, %parallel_loop3A_362 : vector<16xi32>
      tpu.vector_store_idx %arg6[%parallel_loop3A_440], %parallel_loop3A_436 : memref<57344xf32, #tpu.memory_space<vmem>>[vector<16xi32>], vector<16xf32>,
      %parallel_loop3A_441 = arith.constant 6 : i32
      %parallel_loop3A_442 = vector.broadcast %parallel_loop3A_441 : i32 to vector<16xi32>
      %parallel_loop3A_443 = arith.addi %iota3A, %parallel_loop3A_442 : vector<16xi32>
      %parallel_loop3A_444 = arith.constant 15 : i32
      %parallel_loop3A_445 = vector.broadcast %parallel_loop3A_444 : i32 to vector<16xi32>
      %parallel_loop3A_446 = arith.andi %parallel_loop3A_443, %parallel_loop3A_445 : vector<16xi32>
      %parallel_loop3A_447 = vector.broadcast %parallel_loop3A_341 : i32 to vector<16xi32>
      %parallel_loop3A_448 = arith.addi %parallel_loop3A_446, %parallel_loop3A_447 : vector<16xi32>
      %parallel_loop3A_449 = tpu.vector_load_idx %arg5[%parallel_loop3A_350, %parallel_loop3A_448] : memref<448x128xf32, #tpu.memory_space<vmem>>[vector<16xi32>, vector<16xi32>], vector<16xf32>,
      %parallel_loop3A_450 = arith.constant 5 : i32
      %parallel_loop3A_451 = vector.broadcast %parallel_loop3A_450 : i32 to vector<16xi32>
      %parallel_loop3A_452 = arith.shli %parallel_loop3A_446, %parallel_loop3A_451 : vector<16xi32>
      %parallel_loop3A_453 = arith.addi %parallel_loop3A_452, %parallel_loop3A_362 : vector<16xi32>
      tpu.vector_store_idx %arg6[%parallel_loop3A_453], %parallel_loop3A_449 : memref<57344xf32, #tpu.memory_space<vmem>>[vector<16xi32>], vector<16xf32>,
      %parallel_loop3A_454 = arith.constant 7 : i32
      %parallel_loop3A_455 = vector.broadcast %parallel_loop3A_454 : i32 to vector<16xi32>
      %parallel_loop3A_456 = arith.addi %iota3A, %parallel_loop3A_455 : vector<16xi32>
      %parallel_loop3A_457 = arith.constant 15 : i32
      %parallel_loop3A_458 = vector.broadcast %parallel_loop3A_457 : i32 to vector<16xi32>
      %parallel_loop3A_459 = arith.andi %parallel_loop3A_456, %parallel_loop3A_458 : vector<16xi32>
      %parallel_loop3A_460 = vector.broadcast %parallel_loop3A_341 : i32 to vector<16xi32>
      %parallel_loop3A_461 = arith.addi %parallel_loop3A_459, %parallel_loop3A_460 : vector<16xi32>
      %parallel_loop3A_462 = tpu.vector_load_idx %arg5[%parallel_loop3A_350, %parallel_loop3A_461] : memref<448x128xf32, #tpu.memory_space<vmem>>[vector<16xi32>, vector<16xi32>], vector<16xf32>,
      %parallel_loop3A_463 = arith.constant 5 : i32
      %parallel_loop3A_464 = vector.broadcast %parallel_loop3A_463 : i32 to vector<16xi32>
      %parallel_loop3A_465 = arith.shli %parallel_loop3A_459, %parallel_loop3A_464 : vector<16xi32>
      %parallel_loop3A_466 = arith.addi %parallel_loop3A_465, %parallel_loop3A_362 : vector<16xi32>
      tpu.vector_store_idx %arg6[%parallel_loop3A_466], %parallel_loop3A_462 : memref<57344xf32, #tpu.memory_space<vmem>>[vector<16xi32>], vector<16xf32>,
      %parallel_loop3A_467 = arith.constant 8 : i32
      %parallel_loop3A_468 = vector.broadcast %parallel_loop3A_467 : i32 to vector<16xi32>
      %parallel_loop3A_469 = arith.addi %iota3A, %parallel_loop3A_468 : vector<16xi32>
      %parallel_loop3A_470 = arith.constant 15 : i32
      %parallel_loop3A_471 = vector.broadcast %parallel_loop3A_470 : i32 to vector<16xi32>
      %parallel_loop3A_472 = arith.andi %parallel_loop3A_469, %parallel_loop3A_471 : vector<16xi32>
      %parallel_loop3A_473 = vector.broadcast %parallel_loop3A_341 : i32 to vector<16xi32>
      %parallel_loop3A_474 = arith.addi %parallel_loop3A_472, %parallel_loop3A_473 : vector<16xi32>
      %parallel_loop3A_475 = tpu.vector_load_idx %arg5[%parallel_loop3A_350, %parallel_loop3A_474] : memref<448x128xf32, #tpu.memory_space<vmem>>[vector<16xi32>, vector<16xi32>], vector<16xf32>,
      %parallel_loop3A_476 = arith.constant 5 : i32
      %parallel_loop3A_477 = vector.broadcast %parallel_loop3A_476 : i32 to vector<16xi32>
      %parallel_loop3A_478 = arith.shli %parallel_loop3A_472, %parallel_loop3A_477 : vector<16xi32>
      %parallel_loop3A_479 = arith.addi %parallel_loop3A_478, %parallel_loop3A_362 : vector<16xi32>
      tpu.vector_store_idx %arg6[%parallel_loop3A_479], %parallel_loop3A_475 : memref<57344xf32, #tpu.memory_space<vmem>>[vector<16xi32>], vector<16xf32>,
      %parallel_loop3A_480 = arith.constant 9 : i32
      %parallel_loop3A_481 = vector.broadcast %parallel_loop3A_480 : i32 to vector<16xi32>
      %parallel_loop3A_482 = arith.addi %iota3A, %parallel_loop3A_481 : vector<16xi32>
      %parallel_loop3A_483 = arith.constant 15 : i32
      %parallel_loop3A_484 = vector.broadcast %parallel_loop3A_483 : i32 to vector<16xi32>
      %parallel_loop3A_485 = arith.andi %parallel_loop3A_482, %parallel_loop3A_484 : vector<16xi32>
      %parallel_loop3A_486 = vector.broadcast %parallel_loop3A_341 : i32 to vector<16xi32>
      %parallel_loop3A_487 = arith.addi %parallel_loop3A_485, %parallel_loop3A_486 : vector<16xi32>
      %parallel_loop3A_488 = tpu.vector_load_idx %arg5[%parallel_loop3A_350, %parallel_loop3A_487] : memref<448x128xf32, #tpu.memory_space<vmem>>[vector<16xi32>, vector<16xi32>], vector<16xf32>,
      %parallel_loop3A_489 = arith.constant 5 : i32
      %parallel_loop3A_490 = vector.broadcast %parallel_loop3A_489 : i32 to vector<16xi32>
      %parallel_loop3A_491 = arith.shli %parallel_loop3A_485, %parallel_loop3A_490 : vector<16xi32>
      %parallel_loop3A_492 = arith.addi %parallel_loop3A_491, %parallel_loop3A_362 : vector<16xi32>
      tpu.vector_store_idx %arg6[%parallel_loop3A_492], %parallel_loop3A_488 : memref<57344xf32, #tpu.memory_space<vmem>>[vector<16xi32>], vector<16xf32>,
      %parallel_loop3A_493 = arith.constant 10 : i32
      %parallel_loop3A_494 = vector.broadcast %parallel_loop3A_493 : i32 to vector<16xi32>
      %parallel_loop3A_495 = arith.addi %iota3A, %parallel_loop3A_494 : vector<16xi32>
      %parallel_loop3A_496 = arith.constant 15 : i32
      %parallel_loop3A_497 = vector.broadcast %parallel_loop3A_496 : i32 to vector<16xi32>
      %parallel_loop3A_498 = arith.andi %parallel_loop3A_495, %parallel_loop3A_497 : vector<16xi32>
      %parallel_loop3A_499 = vector.broadcast %parallel_loop3A_341 : i32 to vector<16xi32>
      %parallel_loop3A_500 = arith.addi %parallel_loop3A_498, %parallel_loop3A_499 : vector<16xi32>
      %parallel_loop3A_501 = tpu.vector_load_idx %arg5[%parallel_loop3A_350, %parallel_loop3A_500] : memref<448x128xf32, #tpu.memory_space<vmem>>[vector<16xi32>, vector<16xi32>], vector<16xf32>,
      %parallel_loop3A_502 = arith.constant 5 : i32
      %parallel_loop3A_503 = vector.broadcast %parallel_loop3A_502 : i32 to vector<16xi32>
      %parallel_loop3A_504 = arith.shli %parallel_loop3A_498, %parallel_loop3A_503 : vector<16xi32>
      %parallel_loop3A_505 = arith.addi %parallel_loop3A_504, %parallel_loop3A_362 : vector<16xi32>
      tpu.vector_store_idx %arg6[%parallel_loop3A_505], %parallel_loop3A_501 : memref<57344xf32, #tpu.memory_space<vmem>>[vector<16xi32>], vector<16xf32>,
      %parallel_loop3A_506 = arith.constant 11 : i32
      %parallel_loop3A_507 = vector.broadcast %parallel_loop3A_506 : i32 to vector<16xi32>
      %parallel_loop3A_508 = arith.addi %iota3A, %parallel_loop3A_507 : vector<16xi32>
      %parallel_loop3A_509 = arith.constant 15 : i32
      %parallel_loop3A_510 = vector.broadcast %parallel_loop3A_509 : i32 to vector<16xi32>
      %parallel_loop3A_511 = arith.andi %parallel_loop3A_508, %parallel_loop3A_510 : vector<16xi32>
      %parallel_loop3A_512 = vector.broadcast %parallel_loop3A_341 : i32 to vector<16xi32>
      %parallel_loop3A_513 = arith.addi %parallel_loop3A_511, %parallel_loop3A_512 : vector<16xi32>
      %parallel_loop3A_514 = tpu.vector_load_idx %arg5[%parallel_loop3A_350, %parallel_loop3A_513] : memref<448x128xf32, #tpu.memory_space<vmem>>[vector<16xi32>, vector<16xi32>], vector<16xf32>,
      %parallel_loop3A_515 = arith.constant 5 : i32
      %parallel_loop3A_516 = vector.broadcast %parallel_loop3A_515 : i32 to vector<16xi32>
      %parallel_loop3A_517 = arith.shli %parallel_loop3A_511, %parallel_loop3A_516 : vector<16xi32>
      %parallel_loop3A_518 = arith.addi %parallel_loop3A_517, %parallel_loop3A_362 : vector<16xi32>
      tpu.vector_store_idx %arg6[%parallel_loop3A_518], %parallel_loop3A_514 : memref<57344xf32, #tpu.memory_space<vmem>>[vector<16xi32>], vector<16xf32>,
      %parallel_loop3A_519 = arith.constant 12 : i32
      %parallel_loop3A_520 = vector.broadcast %parallel_loop3A_519 : i32 to vector<16xi32>
      %parallel_loop3A_521 = arith.addi %iota3A, %parallel_loop3A_520 : vector<16xi32>
      %parallel_loop3A_522 = arith.constant 15 : i32
      %parallel_loop3A_523 = vector.broadcast %parallel_loop3A_522 : i32 to vector<16xi32>
      %parallel_loop3A_524 = arith.andi %parallel_loop3A_521, %parallel_loop3A_523 : vector<16xi32>
      %parallel_loop3A_525 = vector.broadcast %parallel_loop3A_341 : i32 to vector<16xi32>
      %parallel_loop3A_526 = arith.addi %parallel_loop3A_524, %parallel_loop3A_525 : vector<16xi32>
      %parallel_loop3A_527 = tpu.vector_load_idx %arg5[%parallel_loop3A_350, %parallel_loop3A_526] : memref<448x128xf32, #tpu.memory_space<vmem>>[vector<16xi32>, vector<16xi32>], vector<16xf32>,
      %parallel_loop3A_528 = arith.constant 5 : i32
      %parallel_loop3A_529 = vector.broadcast %parallel_loop3A_528 : i32 to vector<16xi32>
      %parallel_loop3A_530 = arith.shli %parallel_loop3A_524, %parallel_loop3A_529 : vector<16xi32>
      %parallel_loop3A_531 = arith.addi %parallel_loop3A_530, %parallel_loop3A_362 : vector<16xi32>
      tpu.vector_store_idx %arg6[%parallel_loop3A_531], %parallel_loop3A_527 : memref<57344xf32, #tpu.memory_space<vmem>>[vector<16xi32>], vector<16xf32>,
      %parallel_loop3A_532 = arith.constant 13 : i32
      %parallel_loop3A_533 = vector.broadcast %parallel_loop3A_532 : i32 to vector<16xi32>
      %parallel_loop3A_534 = arith.addi %iota3A, %parallel_loop3A_533 : vector<16xi32>
      %parallel_loop3A_535 = arith.constant 15 : i32
      %parallel_loop3A_536 = vector.broadcast %parallel_loop3A_535 : i32 to vector<16xi32>
      %parallel_loop3A_537 = arith.andi %parallel_loop3A_534, %parallel_loop3A_536 : vector<16xi32>
      %parallel_loop3A_538 = vector.broadcast %parallel_loop3A_341 : i32 to vector<16xi32>
      %parallel_loop3A_539 = arith.addi %parallel_loop3A_537, %parallel_loop3A_538 : vector<16xi32>
      %parallel_loop3A_540 = tpu.vector_load_idx %arg5[%parallel_loop3A_350, %parallel_loop3A_539] : memref<448x128xf32, #tpu.memory_space<vmem>>[vector<16xi32>, vector<16xi32>], vector<16xf32>,
      %parallel_loop3A_541 = arith.constant 5 : i32
      %parallel_loop3A_542 = vector.broadcast %parallel_loop3A_541 : i32 to vector<16xi32>
      %parallel_loop3A_543 = arith.shli %parallel_loop3A_537, %parallel_loop3A_542 : vector<16xi32>
      %parallel_loop3A_544 = arith.addi %parallel_loop3A_543, %parallel_loop3A_362 : vector<16xi32>
      tpu.vector_store_idx %arg6[%parallel_loop3A_544], %parallel_loop3A_540 : memref<57344xf32, #tpu.memory_space<vmem>>[vector<16xi32>], vector<16xf32>,
      %parallel_loop3A_545 = arith.constant 14 : i32
      %parallel_loop3A_546 = vector.broadcast %parallel_loop3A_545 : i32 to vector<16xi32>
      %parallel_loop3A_547 = arith.addi %iota3A, %parallel_loop3A_546 : vector<16xi32>
      %parallel_loop3A_548 = arith.constant 15 : i32
      %parallel_loop3A_549 = vector.broadcast %parallel_loop3A_548 : i32 to vector<16xi32>
      %parallel_loop3A_550 = arith.andi %parallel_loop3A_547, %parallel_loop3A_549 : vector<16xi32>
      %parallel_loop3A_551 = vector.broadcast %parallel_loop3A_341 : i32 to vector<16xi32>
      %parallel_loop3A_552 = arith.addi %parallel_loop3A_550, %parallel_loop3A_551 : vector<16xi32>
      %parallel_loop3A_553 = tpu.vector_load_idx %arg5[%parallel_loop3A_350, %parallel_loop3A_552] : memref<448x128xf32, #tpu.memory_space<vmem>>[vector<16xi32>, vector<16xi32>], vector<16xf32>,
      %parallel_loop3A_554 = arith.constant 5 : i32
      %parallel_loop3A_555 = vector.broadcast %parallel_loop3A_554 : i32 to vector<16xi32>
      %parallel_loop3A_556 = arith.shli %parallel_loop3A_550, %parallel_loop3A_555 : vector<16xi32>
      %parallel_loop3A_557 = arith.addi %parallel_loop3A_556, %parallel_loop3A_362 : vector<16xi32>
      tpu.vector_store_idx %arg6[%parallel_loop3A_557], %parallel_loop3A_553 : memref<57344xf32, #tpu.memory_space<vmem>>[vector<16xi32>], vector<16xf32>,
      %parallel_loop3A_558 = arith.constant 15 : i32
      %parallel_loop3A_559 = vector.broadcast %parallel_loop3A_558 : i32 to vector<16xi32>
      %parallel_loop3A_560 = arith.addi %iota3A, %parallel_loop3A_559 : vector<16xi32>
      %parallel_loop3A_561 = arith.constant 15 : i32
      %parallel_loop3A_562 = vector.broadcast %parallel_loop3A_561 : i32 to vector<16xi32>
      %parallel_loop3A_563 = arith.andi %parallel_loop3A_560, %parallel_loop3A_562 : vector<16xi32>
      %parallel_loop3A_564 = vector.broadcast %parallel_loop3A_341 : i32 to vector<16xi32>
      %parallel_loop3A_565 = arith.addi %parallel_loop3A_563, %parallel_loop3A_564 : vector<16xi32>
      %parallel_loop3A_566 = tpu.vector_load_idx %arg5[%parallel_loop3A_350, %parallel_loop3A_565] : memref<448x128xf32, #tpu.memory_space<vmem>>[vector<16xi32>, vector<16xi32>], vector<16xf32>,
      %parallel_loop3A_567 = arith.constant 5 : i32
      %parallel_loop3A_568 = vector.broadcast %parallel_loop3A_567 : i32 to vector<16xi32>
      %parallel_loop3A_569 = arith.shli %parallel_loop3A_563, %parallel_loop3A_568 : vector<16xi32>
      %parallel_loop3A_570 = arith.addi %parallel_loop3A_569, %parallel_loop3A_362 : vector<16xi32>
      tpu.vector_store_idx %arg6[%parallel_loop3A_570], %parallel_loop3A_566 : memref<57344xf32, #tpu.memory_space<vmem>>[vector<16xi32>], vector<16xf32>,
    } {sc.loop_unroll_factor = 2 : i64, sc.parallel_access}
    %mul3A_323 = arith.constant 32 : i32
    %mul3A_324 = arith.muli %mul3A_140, %mul3A_323 : i32
    "tpu.region"() ({
      %run_scoped3A = tpu.sem_alloc : memref<!tpu.dma_semaphore, #tpu.memory_space<semaphore_mem>>
      %dma_start3A_331 = arith.constant 0 : i32
      %dma_start3A_332 = tpu.memref_slice %arg6[%dma_start3A_331] : memref<57344xf32, #tpu.memory_space<vmem>> -> memref<24576xf32, #tpu.memory_space<vmem>>
      %dma_start3A_333 = tpu.memref_slice %arg4[%mul3A_324] : memref<32000000xf32, #tpu.memory_space<hbm>> -> memref<24576xf32, #tpu.memory_space<hbm>>
      %dma_start3A_334 = tpu.memref_slice %arg4[%mul3A_324] : memref<32000000xf32, #tpu.memory_space<hbm>> -> memref<24576xf32, #tpu.memory_space<hbm>>
      %dma_start3A_335 = arith.constant 0 : i32
      %dma_start3A_336 = tpu.memref_slice %arg6[%dma_start3A_335] : memref<57344xf32, #tpu.memory_space<vmem>> -> memref<24576xf32, #tpu.memory_space<vmem>>
      tpu.enqueue_dma source(%dma_start3A_336 : memref<24576xf32, #tpu.memory_space<vmem>>) target(%dma_start3A_334 : memref<24576xf32, #tpu.memory_space<hbm>>) target_semaphore(%run_scoped3A : memref<!tpu.dma_semaphore, #tpu.memory_space<semaphore_mem>>)
      %dma_wait3A_337 = arith.constant 0 : i32
      %dma_wait3A_338 = tpu.memref_slice %arg6[%dma_wait3A_337] : memref<57344xf32, #tpu.memory_space<vmem>> -> memref<24576xf32, #tpu.memory_space<vmem>>
      %dma_wait3A_339 = tpu.memref_slice %arg4[%mul3A_324] : memref<32000000xf32, #tpu.memory_space<hbm>> -> memref<24576xf32, #tpu.memory_space<hbm>>
      %dma_wait3A_340 = tpu.memref_slice %arg4[%mul3A_324] : memref<32000000xf32, #tpu.memory_space<hbm>> -> memref<24576xf32, #tpu.memory_space<hbm>>
      %dma_wait3A_341 = arith.constant 0 : i32
      %dma_wait3A_342 = tpu.memref_slice %arg6[%dma_wait3A_341] : memref<57344xf32, #tpu.memory_space<vmem>> -> memref<24576xf32, #tpu.memory_space<vmem>>
      tpu.wait_dma2 semaphore(%run_scoped3A : memref<!tpu.dma_semaphore, #tpu.memory_space<semaphore_mem>>) src(%dma_wait3A_342 : memref<24576xf32, #tpu.memory_space<vmem>>) dst(%dma_wait3A_340 : memref<24576xf32, #tpu.memory_space<hbm>>)
      tpu.yield
    }) : () -> ()
    %lt3A = arith.constant 4 : i32
    %lt3A_325 = arith.cmpi slt, %add3A, %lt3A : i32
    %convert_element_type3A = arith.extui %lt3A_325 : i1 to i32
    %cond3A = arith.constant 0 : i32
    %cond3A_326 = arith.cmpi ne, %convert_element_type3A, %cond3A : i32
    scf.if %cond3A_326 {
      %add3A_331 = arith.constant 7808 : i32
      %add3A_332 = arith.addi %add3A_331, %add3A : i32
      %mul3A_333 = arith.constant 128 : i32
      %mul3A_334 = arith.muli %add3A_332, %mul3A_333 : i32
      "tpu.region"() ({
        %run_scoped3A = tpu.sem_alloc : memref<!tpu.dma_semaphore, #tpu.memory_space<semaphore_mem>>
        %dma_start3A_343 = arith.constant 0 : i32
        %dma_start3A_344 = arith.constant 0 : i32
        %dma_start3A_345 = tpu.memref_slice %arg5[%dma_start3A_343, %dma_start3A_344] : memref<448x128xf32, #tpu.memory_space<vmem>> -> memref<32x128xf32, #tpu.memory_space<vmem>>
        %dma_start3A_346 = arith.constant 0 : i32
        %dma_start3A_347 = tpu.memref_slice %arg2[%dma_start3A_346, %mul3A_334] : memref<32x1000000xf32, #tpu.memory_space<hbm>> -> memref<32x128xf32, #tpu.memory_space<hbm>>
        %dma_start3A_348 = arith.constant 0 : i32
        %dma_start3A_349 = arith.constant 0 : i32
        %dma_start3A_350 = tpu.memref_slice %arg5[%dma_start3A_348, %dma_start3A_349] : memref<448x128xf32, #tpu.memory_space<vmem>> -> memref<32x128xf32, #tpu.memory_space<vmem>>
        %dma_start3A_351 = arith.constant 0 : i32
        %dma_start3A_352 = tpu.memref_slice %arg2[%dma_start3A_351, %mul3A_334] : memref<32x1000000xf32, #tpu.memory_space<hbm>> -> memref<32x128xf32, #tpu.memory_space<hbm>>
        tpu.enqueue_dma source(%dma_start3A_352 : memref<32x128xf32, #tpu.memory_space<hbm>>) target(%dma_start3A_350 : memref<32x128xf32, #tpu.memory_space<vmem>>) target_semaphore(%run_scoped3A : memref<!tpu.dma_semaphore, #tpu.memory_space<semaphore_mem>>)
        %dma_wait3A_353 = arith.constant 0 : i32
        %dma_wait3A_354 = arith.constant 0 : i32
        %dma_wait3A_355 = tpu.memref_slice %arg5[%dma_wait3A_353, %dma_wait3A_354] : memref<448x128xf32, #tpu.memory_space<vmem>> -> memref<32x128xf32, #tpu.memory_space<vmem>>
        %dma_wait3A_356 = arith.constant 0 : i32
        %dma_wait3A_357 = tpu.memref_slice %arg2[%dma_wait3A_356, %mul3A_334] : memref<32x1000000xf32, #tpu.memory_space<hbm>> -> memref<32x128xf32, #tpu.memory_space<hbm>>
        %dma_wait3A_358 = arith.constant 0 : i32
        %dma_wait3A_359 = arith.constant 0 : i32
        %dma_wait3A_360 = tpu.memref_slice %arg5[%dma_wait3A_358, %dma_wait3A_359] : memref<448x128xf32, #tpu.memory_space<vmem>> -> memref<32x128xf32, #tpu.memory_space<vmem>>
        %dma_wait3A_361 = arith.constant 0 : i32
        %dma_wait3A_362 = tpu.memref_slice %arg2[%dma_wait3A_361, %mul3A_334] : memref<32x1000000xf32, #tpu.memory_space<hbm>> -> memref<32x128xf32, #tpu.memory_space<hbm>>
        tpu.wait_dma2 semaphore(%run_scoped3A : memref<!tpu.dma_semaphore, #tpu.memory_space<semaphore_mem>>) src(%dma_wait3A_362 : memref<32x128xf32, #tpu.memory_space<hbm>>) dst(%dma_wait3A_360 : memref<32x128xf32, #tpu.memory_space<vmem>>)
        tpu.yield
      }) : () -> ()
      %iota3A_335 = tpu.iota {dimensions = array<i32: 0>} : vector<16xi32>
      %parallel_loop3A_336 = arith.constant 0 : i32
      %parallel_loop3A_337 = arith.constant 16 : i32
      %parallel_loop3A_338 = arith.constant 1 : i32
      scf.for %parallel_loop3A_343 = %parallel_loop3A_336 to %parallel_loop3A_337 step %parallel_loop3A_338  : i32 {
        %parallel_loop3A_344 = arith.constant 4 : i32
        %parallel_loop3A_345 = arith.shrui %parallel_loop3A_343, %parallel_loop3A_344 : i32
        %parallel_loop3A_346 = arith.constant 15 : i32
        %parallel_loop3A_347 = arith.andi %parallel_loop3A_343, %parallel_loop3A_346 : i32
        %parallel_loop3A_348 = arith.constant 1 : i32
        %parallel_loop3A_349 = arith.andi %parallel_loop3A_347, %parallel_loop3A_348 : i32
        %parallel_loop3A_350 = arith.constant 1 : i32
        %parallel_loop3A_351 = arith.shrui %parallel_loop3A_347, %parallel_loop3A_350 : i32
        %parallel_loop3A_352 = arith.constant 16 : i32
        %parallel_loop3A_353 = arith.muli %parallel_loop3A_351, %parallel_loop3A_352 : i32
        %parallel_loop3A_354 = arith.constant 32 : i32
        %parallel_loop3A_355 = arith.muli %parallel_loop3A_345, %parallel_loop3A_354 : i32
        %parallel_loop3A_356 = arith.constant 0 : i32
        %parallel_loop3A_357 = arith.addi %parallel_loop3A_356, %parallel_loop3A_355 : i32
        %parallel_loop3A_358 = arith.constant 16 : i32
        %parallel_loop3A_359 = arith.muli %parallel_loop3A_349, %parallel_loop3A_358 : i32
        %parallel_loop3A_360 = arith.addi %parallel_loop3A_357, %parallel_loop3A_359 : i32
        %parallel_loop3A_361 = vector.broadcast %parallel_loop3A_360 : i32 to vector<16xi32>
        %parallel_loop3A_362 = arith.addi %iota3A_335, %parallel_loop3A_361 : vector<16xi32>
        %parallel_loop3A_363 = arith.constant 128 : i32
        %parallel_loop3A_364 = arith.muli %parallel_loop3A_345, %parallel_loop3A_363 : i32
        %parallel_loop3A_365 = arith.addi %parallel_loop3A_364, %parallel_loop3A_353 : i32
        %parallel_loop3A_366 = arith.constant 32 : i32
        %parallel_loop3A_367 = arith.muli %parallel_loop3A_365, %parallel_loop3A_366 : i32
        %parallel_loop3A_368 = arith.constant 0 : i32
        %parallel_loop3A_369 = arith.addi %parallel_loop3A_368, %parallel_loop3A_367 : i32
        %parallel_loop3A_370 = arith.constant 16 : i32
        %parallel_loop3A_371 = arith.muli %parallel_loop3A_349, %parallel_loop3A_370 : i32
        %parallel_loop3A_372 = arith.addi %parallel_loop3A_369, %parallel_loop3A_371 : i32
        %parallel_loop3A_373 = vector.broadcast %parallel_loop3A_372 : i32 to vector<16xi32>
        %parallel_loop3A_374 = arith.addi %iota3A_335, %parallel_loop3A_373 : vector<16xi32>
        %parallel_loop3A_375 = arith.constant 0 : i32
        %parallel_loop3A_376 = vector.broadcast %parallel_loop3A_375 : i32 to vector<16xi32>
        %parallel_loop3A_377 = arith.addi %iota3A_335, %parallel_loop3A_376 : vector<16xi32>
        %parallel_loop3A_378 = arith.constant 15 : i32
        %parallel_loop3A_379 = vector.broadcast %parallel_loop3A_378 : i32 to vector<16xi32>
        %parallel_loop3A_380 = arith.andi %parallel_loop3A_377, %parallel_loop3A_379 : vector<16xi32>
        %parallel_loop3A_381 = vector.broadcast %parallel_loop3A_353 : i32 to vector<16xi32>
        %parallel_loop3A_382 = arith.addi %parallel_loop3A_380, %parallel_loop3A_381 : vector<16xi32>
        %parallel_loop3A_383 = tpu.vector_load_idx %arg5[%parallel_loop3A_362, %parallel_loop3A_382] : memref<448x128xf32, #tpu.memory_space<vmem>>[vector<16xi32>, vector<16xi32>], vector<16xf32>,
        %parallel_loop3A_384 = arith.constant 5 : i32
        %parallel_loop3A_385 = vector.broadcast %parallel_loop3A_384 : i32 to vector<16xi32>
        %parallel_loop3A_386 = arith.shli %parallel_loop3A_380, %parallel_loop3A_385 : vector<16xi32>
        %parallel_loop3A_387 = arith.addi %parallel_loop3A_386, %parallel_loop3A_374 : vector<16xi32>
        tpu.vector_store_idx %arg6[%parallel_loop3A_387], %parallel_loop3A_383 : memref<57344xf32, #tpu.memory_space<vmem>>[vector<16xi32>], vector<16xf32>,
        %parallel_loop3A_388 = arith.constant 1 : i32
        %parallel_loop3A_389 = vector.broadcast %parallel_loop3A_388 : i32 to vector<16xi32>
        %parallel_loop3A_390 = arith.addi %iota3A_335, %parallel_loop3A_389 : vector<16xi32>
        %parallel_loop3A_391 = arith.constant 15 : i32
        %parallel_loop3A_392 = vector.broadcast %parallel_loop3A_391 : i32 to vector<16xi32>
        %parallel_loop3A_393 = arith.andi %parallel_loop3A_390, %parallel_loop3A_392 : vector<16xi32>
        %parallel_loop3A_394 = vector.broadcast %parallel_loop3A_353 : i32 to vector<16xi32>
        %parallel_loop3A_395 = arith.addi %parallel_loop3A_393, %parallel_loop3A_394 : vector<16xi32>
        %parallel_loop3A_396 = tpu.vector_load_idx %arg5[%parallel_loop3A_362, %parallel_loop3A_395] : memref<448x128xf32, #tpu.memory_space<vmem>>[vector<16xi32>, vector<16xi32>], vector<16xf32>,
        %parallel_loop3A_397 = arith.constant 5 : i32
        %parallel_loop3A_398 = vector.broadcast %parallel_loop3A_397 : i32 to vector<16xi32>
        %parallel_loop3A_399 = arith.shli %parallel_loop3A_393, %parallel_loop3A_398 : vector<16xi32>
        %parallel_loop3A_400 = arith.addi %parallel_loop3A_399, %parallel_loop3A_374 : vector<16xi32>
        tpu.vector_store_idx %arg6[%parallel_loop3A_400], %parallel_loop3A_396 : memref<57344xf32, #tpu.memory_space<vmem>>[vector<16xi32>], vector<16xf32>,
        %parallel_loop3A_401 = arith.constant 2 : i32
        %parallel_loop3A_402 = vector.broadcast %parallel_loop3A_401 : i32 to vector<16xi32>
        %parallel_loop3A_403 = arith.addi %iota3A_335, %parallel_loop3A_402 : vector<16xi32>
        %parallel_loop3A_404 = arith.constant 15 : i32
        %parallel_loop3A_405 = vector.broadcast %parallel_loop3A_404 : i32 to vector<16xi32>
        %parallel_loop3A_406 = arith.andi %parallel_loop3A_403, %parallel_loop3A_405 : vector<16xi32>
        %parallel_loop3A_407 = vector.broadcast %parallel_loop3A_353 : i32 to vector<16xi32>
        %parallel_loop3A_408 = arith.addi %parallel_loop3A_406, %parallel_loop3A_407 : vector<16xi32>
        %parallel_loop3A_409 = tpu.vector_load_idx %arg5[%parallel_loop3A_362, %parallel_loop3A_408] : memref<448x128xf32, #tpu.memory_space<vmem>>[vector<16xi32>, vector<16xi32>], vector<16xf32>,
        %parallel_loop3A_410 = arith.constant 5 : i32
        %parallel_loop3A_411 = vector.broadcast %parallel_loop3A_410 : i32 to vector<16xi32>
        %parallel_loop3A_412 = arith.shli %parallel_loop3A_406, %parallel_loop3A_411 : vector<16xi32>
        %parallel_loop3A_413 = arith.addi %parallel_loop3A_412, %parallel_loop3A_374 : vector<16xi32>
        tpu.vector_store_idx %arg6[%parallel_loop3A_413], %parallel_loop3A_409 : memref<57344xf32, #tpu.memory_space<vmem>>[vector<16xi32>], vector<16xf32>,
        %parallel_loop3A_414 = arith.constant 3 : i32
        %parallel_loop3A_415 = vector.broadcast %parallel_loop3A_414 : i32 to vector<16xi32>
        %parallel_loop3A_416 = arith.addi %iota3A_335, %parallel_loop3A_415 : vector<16xi32>
        %parallel_loop3A_417 = arith.constant 15 : i32
        %parallel_loop3A_418 = vector.broadcast %parallel_loop3A_417 : i32 to vector<16xi32>
        %parallel_loop3A_419 = arith.andi %parallel_loop3A_416, %parallel_loop3A_418 : vector<16xi32>
        %parallel_loop3A_420 = vector.broadcast %parallel_loop3A_353 : i32 to vector<16xi32>
        %parallel_loop3A_421 = arith.addi %parallel_loop3A_419, %parallel_loop3A_420 : vector<16xi32>
        %parallel_loop3A_422 = tpu.vector_load_idx %arg5[%parallel_loop3A_362, %parallel_loop3A_421] : memref<448x128xf32, #tpu.memory_space<vmem>>[vector<16xi32>, vector<16xi32>], vector<16xf32>,
        %parallel_loop3A_423 = arith.constant 5 : i32
        %parallel_loop3A_424 = vector.broadcast %parallel_loop3A_423 : i32 to vector<16xi32>
        %parallel_loop3A_425 = arith.shli %parallel_loop3A_419, %parallel_loop3A_424 : vector<16xi32>
        %parallel_loop3A_426 = arith.addi %parallel_loop3A_425, %parallel_loop3A_374 : vector<16xi32>
        tpu.vector_store_idx %arg6[%parallel_loop3A_426], %parallel_loop3A_422 : memref<57344xf32, #tpu.memory_space<vmem>>[vector<16xi32>], vector<16xf32>,
        %parallel_loop3A_427 = arith.constant 4 : i32
        %parallel_loop3A_428 = vector.broadcast %parallel_loop3A_427 : i32 to vector<16xi32>
        %parallel_loop3A_429 = arith.addi %iota3A_335, %parallel_loop3A_428 : vector<16xi32>
        %parallel_loop3A_430 = arith.constant 15 : i32
        %parallel_loop3A_431 = vector.broadcast %parallel_loop3A_430 : i32 to vector<16xi32>
        %parallel_loop3A_432 = arith.andi %parallel_loop3A_429, %parallel_loop3A_431 : vector<16xi32>
        %parallel_loop3A_433 = vector.broadcast %parallel_loop3A_353 : i32 to vector<16xi32>
        %parallel_loop3A_434 = arith.addi %parallel_loop3A_432, %parallel_loop3A_433 : vector<16xi32>
        %parallel_loop3A_435 = tpu.vector_load_idx %arg5[%parallel_loop3A_362, %parallel_loop3A_434] : memref<448x128xf32, #tpu.memory_space<vmem>>[vector<16xi32>, vector<16xi32>], vector<16xf32>,
        %parallel_loop3A_436 = arith.constant 5 : i32
        %parallel_loop3A_437 = vector.broadcast %parallel_loop3A_436 : i32 to vector<16xi32>
        %parallel_loop3A_438 = arith.shli %parallel_loop3A_432, %parallel_loop3A_437 : vector<16xi32>
        %parallel_loop3A_439 = arith.addi %parallel_loop3A_438, %parallel_loop3A_374 : vector<16xi32>
        tpu.vector_store_idx %arg6[%parallel_loop3A_439], %parallel_loop3A_435 : memref<57344xf32, #tpu.memory_space<vmem>>[vector<16xi32>], vector<16xf32>,
        %parallel_loop3A_440 = arith.constant 5 : i32
        %parallel_loop3A_441 = vector.broadcast %parallel_loop3A_440 : i32 to vector<16xi32>
        %parallel_loop3A_442 = arith.addi %iota3A_335, %parallel_loop3A_441 : vector<16xi32>
        %parallel_loop3A_443 = arith.constant 15 : i32
        %parallel_loop3A_444 = vector.broadcast %parallel_loop3A_443 : i32 to vector<16xi32>
        %parallel_loop3A_445 = arith.andi %parallel_loop3A_442, %parallel_loop3A_444 : vector<16xi32>
        %parallel_loop3A_446 = vector.broadcast %parallel_loop3A_353 : i32 to vector<16xi32>
        %parallel_loop3A_447 = arith.addi %parallel_loop3A_445, %parallel_loop3A_446 : vector<16xi32>
        %parallel_loop3A_448 = tpu.vector_load_idx %arg5[%parallel_loop3A_362, %parallel_loop3A_447] : memref<448x128xf32, #tpu.memory_space<vmem>>[vector<16xi32>, vector<16xi32>], vector<16xf32>,
        %parallel_loop3A_449 = arith.constant 5 : i32
        %parallel_loop3A_450 = vector.broadcast %parallel_loop3A_449 : i32 to vector<16xi32>
        %parallel_loop3A_451 = arith.shli %parallel_loop3A_445, %parallel_loop3A_450 : vector<16xi32>
        %parallel_loop3A_452 = arith.addi %parallel_loop3A_451, %parallel_loop3A_374 : vector<16xi32>
        tpu.vector_store_idx %arg6[%parallel_loop3A_452], %parallel_loop3A_448 : memref<57344xf32, #tpu.memory_space<vmem>>[vector<16xi32>], vector<16xf32>,
        %parallel_loop3A_453 = arith.constant 6 : i32
        %parallel_loop3A_454 = vector.broadcast %parallel_loop3A_453 : i32 to vector<16xi32>
        %parallel_loop3A_455 = arith.addi %iota3A_335, %parallel_loop3A_454 : vector<16xi32>
        %parallel_loop3A_456 = arith.constant 15 : i32
        %parallel_loop3A_457 = vector.broadcast %parallel_loop3A_456 : i32 to vector<16xi32>
        %parallel_loop3A_458 = arith.andi %parallel_loop3A_455, %parallel_loop3A_457 : vector<16xi32>
        %parallel_loop3A_459 = vector.broadcast %parallel_loop3A_353 : i32 to vector<16xi32>
        %parallel_loop3A_460 = arith.addi %parallel_loop3A_458, %parallel_loop3A_459 : vector<16xi32>
        %parallel_loop3A_461 = tpu.vector_load_idx %arg5[%parallel_loop3A_362, %parallel_loop3A_460] : memref<448x128xf32, #tpu.memory_space<vmem>>[vector<16xi32>, vector<16xi32>], vector<16xf32>,
        %parallel_loop3A_462 = arith.constant 5 : i32
        %parallel_loop3A_463 = vector.broadcast %parallel_loop3A_462 : i32 to vector<16xi32>
        %parallel_loop3A_464 = arith.shli %parallel_loop3A_458, %parallel_loop3A_463 : vector<16xi32>
        %parallel_loop3A_465 = arith.addi %parallel_loop3A_464, %parallel_loop3A_374 : vector<16xi32>
        tpu.vector_store_idx %arg6[%parallel_loop3A_465], %parallel_loop3A_461 : memref<57344xf32, #tpu.memory_space<vmem>>[vector<16xi32>], vector<16xf32>,
        %parallel_loop3A_466 = arith.constant 7 : i32
        %parallel_loop3A_467 = vector.broadcast %parallel_loop3A_466 : i32 to vector<16xi32>
        %parallel_loop3A_468 = arith.addi %iota3A_335, %parallel_loop3A_467 : vector<16xi32>
        %parallel_loop3A_469 = arith.constant 15 : i32
        %parallel_loop3A_470 = vector.broadcast %parallel_loop3A_469 : i32 to vector<16xi32>
        %parallel_loop3A_471 = arith.andi %parallel_loop3A_468, %parallel_loop3A_470 : vector<16xi32>
        %parallel_loop3A_472 = vector.broadcast %parallel_loop3A_353 : i32 to vector<16xi32>
        %parallel_loop3A_473 = arith.addi %parallel_loop3A_471, %parallel_loop3A_472 : vector<16xi32>
        %parallel_loop3A_474 = tpu.vector_load_idx %arg5[%parallel_loop3A_362, %parallel_loop3A_473] : memref<448x128xf32, #tpu.memory_space<vmem>>[vector<16xi32>, vector<16xi32>], vector<16xf32>,
        %parallel_loop3A_475 = arith.constant 5 : i32
        %parallel_loop3A_476 = vector.broadcast %parallel_loop3A_475 : i32 to vector<16xi32>
        %parallel_loop3A_477 = arith.shli %parallel_loop3A_471, %parallel_loop3A_476 : vector<16xi32>
        %parallel_loop3A_478 = arith.addi %parallel_loop3A_477, %parallel_loop3A_374 : vector<16xi32>
        tpu.vector_store_idx %arg6[%parallel_loop3A_478], %parallel_loop3A_474 : memref<57344xf32, #tpu.memory_space<vmem>>[vector<16xi32>], vector<16xf32>,
        %parallel_loop3A_479 = arith.constant 8 : i32
        %parallel_loop3A_480 = vector.broadcast %parallel_loop3A_479 : i32 to vector<16xi32>
        %parallel_loop3A_481 = arith.addi %iota3A_335, %parallel_loop3A_480 : vector<16xi32>
        %parallel_loop3A_482 = arith.constant 15 : i32
        %parallel_loop3A_483 = vector.broadcast %parallel_loop3A_482 : i32 to vector<16xi32>
        %parallel_loop3A_484 = arith.andi %parallel_loop3A_481, %parallel_loop3A_483 : vector<16xi32>
        %parallel_loop3A_485 = vector.broadcast %parallel_loop3A_353 : i32 to vector<16xi32>
        %parallel_loop3A_486 = arith.addi %parallel_loop3A_484, %parallel_loop3A_485 : vector<16xi32>
        %parallel_loop3A_487 = tpu.vector_load_idx %arg5[%parallel_loop3A_362, %parallel_loop3A_486] : memref<448x128xf32, #tpu.memory_space<vmem>>[vector<16xi32>, vector<16xi32>], vector<16xf32>,
        %parallel_loop3A_488 = arith.constant 5 : i32
        %parallel_loop3A_489 = vector.broadcast %parallel_loop3A_488 : i32 to vector<16xi32>
        %parallel_loop3A_490 = arith.shli %parallel_loop3A_484, %parallel_loop3A_489 : vector<16xi32>
        %parallel_loop3A_491 = arith.addi %parallel_loop3A_490, %parallel_loop3A_374 : vector<16xi32>
        tpu.vector_store_idx %arg6[%parallel_loop3A_491], %parallel_loop3A_487 : memref<57344xf32, #tpu.memory_space<vmem>>[vector<16xi32>], vector<16xf32>,
        %parallel_loop3A_492 = arith.constant 9 : i32
        %parallel_loop3A_493 = vector.broadcast %parallel_loop3A_492 : i32 to vector<16xi32>
        %parallel_loop3A_494 = arith.addi %iota3A_335, %parallel_loop3A_493 : vector<16xi32>
        %parallel_loop3A_495 = arith.constant 15 : i32
        %parallel_loop3A_496 = vector.broadcast %parallel_loop3A_495 : i32 to vector<16xi32>
        %parallel_loop3A_497 = arith.andi %parallel_loop3A_494, %parallel_loop3A_496 : vector<16xi32>
        %parallel_loop3A_498 = vector.broadcast %parallel_loop3A_353 : i32 to vector<16xi32>
        %parallel_loop3A_499 = arith.addi %parallel_loop3A_497, %parallel_loop3A_498 : vector<16xi32>
        %parallel_loop3A_500 = tpu.vector_load_idx %arg5[%parallel_loop3A_362, %parallel_loop3A_499] : memref<448x128xf32, #tpu.memory_space<vmem>>[vector<16xi32>, vector<16xi32>], vector<16xf32>,
        %parallel_loop3A_501 = arith.constant 5 : i32
        %parallel_loop3A_502 = vector.broadcast %parallel_loop3A_501 : i32 to vector<16xi32>
        %parallel_loop3A_503 = arith.shli %parallel_loop3A_497, %parallel_loop3A_502 : vector<16xi32>
        %parallel_loop3A_504 = arith.addi %parallel_loop3A_503, %parallel_loop3A_374 : vector<16xi32>
        tpu.vector_store_idx %arg6[%parallel_loop3A_504], %parallel_loop3A_500 : memref<57344xf32, #tpu.memory_space<vmem>>[vector<16xi32>], vector<16xf32>,
        %parallel_loop3A_505 = arith.constant 10 : i32
        %parallel_loop3A_506 = vector.broadcast %parallel_loop3A_505 : i32 to vector<16xi32>
        %parallel_loop3A_507 = arith.addi %iota3A_335, %parallel_loop3A_506 : vector<16xi32>
        %parallel_loop3A_508 = arith.constant 15 : i32
        %parallel_loop3A_509 = vector.broadcast %parallel_loop3A_508 : i32 to vector<16xi32>
        %parallel_loop3A_510 = arith.andi %parallel_loop3A_507, %parallel_loop3A_509 : vector<16xi32>
        %parallel_loop3A_511 = vector.broadcast %parallel_loop3A_353 : i32 to vector<16xi32>
        %parallel_loop3A_512 = arith.addi %parallel_loop3A_510, %parallel_loop3A_511 : vector<16xi32>
        %parallel_loop3A_513 = tpu.vector_load_idx %arg5[%parallel_loop3A_362, %parallel_loop3A_512] : memref<448x128xf32, #tpu.memory_space<vmem>>[vector<16xi32>, vector<16xi32>], vector<16xf32>,
        %parallel_loop3A_514 = arith.constant 5 : i32
        %parallel_loop3A_515 = vector.broadcast %parallel_loop3A_514 : i32 to vector<16xi32>
        %parallel_loop3A_516 = arith.shli %parallel_loop3A_510, %parallel_loop3A_515 : vector<16xi32>
        %parallel_loop3A_517 = arith.addi %parallel_loop3A_516, %parallel_loop3A_374 : vector<16xi32>
        tpu.vector_store_idx %arg6[%parallel_loop3A_517], %parallel_loop3A_513 : memref<57344xf32, #tpu.memory_space<vmem>>[vector<16xi32>], vector<16xf32>,
        %parallel_loop3A_518 = arith.constant 11 : i32
        %parallel_loop3A_519 = vector.broadcast %parallel_loop3A_518 : i32 to vector<16xi32>
        %parallel_loop3A_520 = arith.addi %iota3A_335, %parallel_loop3A_519 : vector<16xi32>
        %parallel_loop3A_521 = arith.constant 15 : i32
        %parallel_loop3A_522 = vector.broadcast %parallel_loop3A_521 : i32 to vector<16xi32>
        %parallel_loop3A_523 = arith.andi %parallel_loop3A_520, %parallel_loop3A_522 : vector<16xi32>
        %parallel_loop3A_524 = vector.broadcast %parallel_loop3A_353 : i32 to vector<16xi32>
        %parallel_loop3A_525 = arith.addi %parallel_loop3A_523, %parallel_loop3A_524 : vector<16xi32>
        %parallel_loop3A_526 = tpu.vector_load_idx %arg5[%parallel_loop3A_362, %parallel_loop3A_525] : memref<448x128xf32, #tpu.memory_space<vmem>>[vector<16xi32>, vector<16xi32>], vector<16xf32>,
        %parallel_loop3A_527 = arith.constant 5 : i32
        %parallel_loop3A_528 = vector.broadcast %parallel_loop3A_527 : i32 to vector<16xi32>
        %parallel_loop3A_529 = arith.shli %parallel_loop3A_523, %parallel_loop3A_528 : vector<16xi32>
        %parallel_loop3A_530 = arith.addi %parallel_loop3A_529, %parallel_loop3A_374 : vector<16xi32>
        tpu.vector_store_idx %arg6[%parallel_loop3A_530], %parallel_loop3A_526 : memref<57344xf32, #tpu.memory_space<vmem>>[vector<16xi32>], vector<16xf32>,
        %parallel_loop3A_531 = arith.constant 12 : i32
        %parallel_loop3A_532 = vector.broadcast %parallel_loop3A_531 : i32 to vector<16xi32>
        %parallel_loop3A_533 = arith.addi %iota3A_335, %parallel_loop3A_532 : vector<16xi32>
        %parallel_loop3A_534 = arith.constant 15 : i32
        %parallel_loop3A_535 = vector.broadcast %parallel_loop3A_534 : i32 to vector<16xi32>
        %parallel_loop3A_536 = arith.andi %parallel_loop3A_533, %parallel_loop3A_535 : vector<16xi32>
        %parallel_loop3A_537 = vector.broadcast %parallel_loop3A_353 : i32 to vector<16xi32>
        %parallel_loop3A_538 = arith.addi %parallel_loop3A_536, %parallel_loop3A_537 : vector<16xi32>
        %parallel_loop3A_539 = tpu.vector_load_idx %arg5[%parallel_loop3A_362, %parallel_loop3A_538] : memref<448x128xf32, #tpu.memory_space<vmem>>[vector<16xi32>, vector<16xi32>], vector<16xf32>,
        %parallel_loop3A_540 = arith.constant 5 : i32
        %parallel_loop3A_541 = vector.broadcast %parallel_loop3A_540 : i32 to vector<16xi32>
        %parallel_loop3A_542 = arith.shli %parallel_loop3A_536, %parallel_loop3A_541 : vector<16xi32>
        %parallel_loop3A_543 = arith.addi %parallel_loop3A_542, %parallel_loop3A_374 : vector<16xi32>
        tpu.vector_store_idx %arg6[%parallel_loop3A_543], %parallel_loop3A_539 : memref<57344xf32, #tpu.memory_space<vmem>>[vector<16xi32>], vector<16xf32>,
        %parallel_loop3A_544 = arith.constant 13 : i32
        %parallel_loop3A_545 = vector.broadcast %parallel_loop3A_544 : i32 to vector<16xi32>
        %parallel_loop3A_546 = arith.addi %iota3A_335, %parallel_loop3A_545 : vector<16xi32>
        %parallel_loop3A_547 = arith.constant 15 : i32
        %parallel_loop3A_548 = vector.broadcast %parallel_loop3A_547 : i32 to vector<16xi32>
        %parallel_loop3A_549 = arith.andi %parallel_loop3A_546, %parallel_loop3A_548 : vector<16xi32>
        %parallel_loop3A_550 = vector.broadcast %parallel_loop3A_353 : i32 to vector<16xi32>
        %parallel_loop3A_551 = arith.addi %parallel_loop3A_549, %parallel_loop3A_550 : vector<16xi32>
        %parallel_loop3A_552 = tpu.vector_load_idx %arg5[%parallel_loop3A_362, %parallel_loop3A_551] : memref<448x128xf32, #tpu.memory_space<vmem>>[vector<16xi32>, vector<16xi32>], vector<16xf32>,
        %parallel_loop3A_553 = arith.constant 5 : i32
        %parallel_loop3A_554 = vector.broadcast %parallel_loop3A_553 : i32 to vector<16xi32>
        %parallel_loop3A_555 = arith.shli %parallel_loop3A_549, %parallel_loop3A_554 : vector<16xi32>
        %parallel_loop3A_556 = arith.addi %parallel_loop3A_555, %parallel_loop3A_374 : vector<16xi32>
        tpu.vector_store_idx %arg6[%parallel_loop3A_556], %parallel_loop3A_552 : memref<57344xf32, #tpu.memory_space<vmem>>[vector<16xi32>], vector<16xf32>,
        %parallel_loop3A_557 = arith.constant 14 : i32
        %parallel_loop3A_558 = vector.broadcast %parallel_loop3A_557 : i32 to vector<16xi32>
        %parallel_loop3A_559 = arith.addi %iota3A_335, %parallel_loop3A_558 : vector<16xi32>
        %parallel_loop3A_560 = arith.constant 15 : i32
        %parallel_loop3A_561 = vector.broadcast %parallel_loop3A_560 : i32 to vector<16xi32>
        %parallel_loop3A_562 = arith.andi %parallel_loop3A_559, %parallel_loop3A_561 : vector<16xi32>
        %parallel_loop3A_563 = vector.broadcast %parallel_loop3A_353 : i32 to vector<16xi32>
        %parallel_loop3A_564 = arith.addi %parallel_loop3A_562, %parallel_loop3A_563 : vector<16xi32>
        %parallel_loop3A_565 = tpu.vector_load_idx %arg5[%parallel_loop3A_362, %parallel_loop3A_564] : memref<448x128xf32, #tpu.memory_space<vmem>>[vector<16xi32>, vector<16xi32>], vector<16xf32>,
        %parallel_loop3A_566 = arith.constant 5 : i32
        %parallel_loop3A_567 = vector.broadcast %parallel_loop3A_566 : i32 to vector<16xi32>
        %parallel_loop3A_568 = arith.shli %parallel_loop3A_562, %parallel_loop3A_567 : vector<16xi32>
        %parallel_loop3A_569 = arith.addi %parallel_loop3A_568, %parallel_loop3A_374 : vector<16xi32>
        tpu.vector_store_idx %arg6[%parallel_loop3A_569], %parallel_loop3A_565 : memref<57344xf32, #tpu.memory_space<vmem>>[vector<16xi32>], vector<16xf32>,
        %parallel_loop3A_570 = arith.constant 15 : i32
        %parallel_loop3A_571 = vector.broadcast %parallel_loop3A_570 : i32 to vector<16xi32>
        %parallel_loop3A_572 = arith.addi %iota3A_335, %parallel_loop3A_571 : vector<16xi32>
        %parallel_loop3A_573 = arith.constant 15 : i32
        %parallel_loop3A_574 = vector.broadcast %parallel_loop3A_573 : i32 to vector<16xi32>
        %parallel_loop3A_575 = arith.andi %parallel_loop3A_572, %parallel_loop3A_574 : vector<16xi32>
        %parallel_loop3A_576 = vector.broadcast %parallel_loop3A_353 : i32 to vector<16xi32>
        %parallel_loop3A_577 = arith.addi %parallel_loop3A_575, %parallel_loop3A_576 : vector<16xi32>
        %parallel_loop3A_578 = tpu.vector_load_idx %arg5[%parallel_loop3A_362, %parallel_loop3A_577] : memref<448x128xf32, #tpu.memory_space<vmem>>[vector<16xi32>, vector<16xi32>], vector<16xf32>,
        %parallel_loop3A_579 = arith.constant 5 : i32
        %parallel_loop3A_580 = vector.broadcast %parallel_loop3A_579 : i32 to vector<16xi32>
        %parallel_loop3A_581 = arith.shli %parallel_loop3A_575, %parallel_loop3A_580 : vector<16xi32>
        %parallel_loop3A_582 = arith.addi %parallel_loop3A_581, %parallel_loop3A_374 : vector<16xi32>
        tpu.vector_store_idx %arg6[%parallel_loop3A_582], %parallel_loop3A_578 : memref<57344xf32, #tpu.memory_space<vmem>>[vector<16xi32>], vector<16xf32>,
      } {sc.loop_unroll_factor = 2 : i64, sc.parallel_access}
      %mul3A_339 = arith.constant 128 : i32
      %mul3A_340 = arith.muli %add3A_332, %mul3A_339 : i32
      %mul3A_341 = arith.constant 32 : i32
      %mul3A_342 = arith.muli %mul3A_340, %mul3A_341 : i32
      "tpu.region"() ({
        %run_scoped3A = tpu.sem_alloc : memref<!tpu.dma_semaphore, #tpu.memory_space<semaphore_mem>>
        %dma_start3A_343 = arith.constant 0 : i32
        %dma_start3A_344 = tpu.memref_slice %arg6[%dma_start3A_343] : memref<57344xf32, #tpu.memory_space<vmem>> -> memref<4096xf32, #tpu.memory_space<vmem>>
        %dma_start3A_345 = tpu.memref_slice %arg4[%mul3A_342] : memref<32000000xf32, #tpu.memory_space<hbm>> -> memref<4096xf32, #tpu.memory_space<hbm>>
        %dma_start3A_346 = tpu.memref_slice %arg4[%mul3A_342] : memref<32000000xf32, #tpu.memory_space<hbm>> -> memref<4096xf32, #tpu.memory_space<hbm>>
        %dma_start3A_347 = arith.constant 0 : i32
        %dma_start3A_348 = tpu.memref_slice %arg6[%dma_start3A_347] : memref<57344xf32, #tpu.memory_space<vmem>> -> memref<4096xf32, #tpu.memory_space<vmem>>
        tpu.enqueue_dma source(%dma_start3A_348 : memref<4096xf32, #tpu.memory_space<vmem>>) target(%dma_start3A_346 : memref<4096xf32, #tpu.memory_space<hbm>>) target_semaphore(%run_scoped3A : memref<!tpu.dma_semaphore, #tpu.memory_space<semaphore_mem>>)
        %dma_wait3A_349 = arith.constant 0 : i32
        %dma_wait3A_350 = tpu.memref_slice %arg6[%dma_wait3A_349] : memref<57344xf32, #tpu.memory_space<vmem>> -> memref<4096xf32, #tpu.memory_space<vmem>>
        %dma_wait3A_351 = tpu.memref_slice %arg4[%mul3A_342] : memref<32000000xf32, #tpu.memory_space<hbm>> -> memref<4096xf32, #tpu.memory_space<hbm>>
        %dma_wait3A_352 = tpu.memref_slice %arg4[%mul3A_342] : memref<32000000xf32, #tpu.memory_space<hbm>> -> memref<4096xf32, #tpu.memory_space<hbm>>
        %dma_wait3A_353 = arith.constant 0 : i32
        %dma_wait3A_354 = tpu.memref_slice %arg6[%dma_wait3A_353] : memref<57344xf32, #tpu.memory_space<vmem>> -> memref<4096xf32, #tpu.memory_space<vmem>>
        tpu.wait_dma2 semaphore(%run_scoped3A : memref<!tpu.dma_semaphore, #tpu.memory_space<semaphore_mem>>) src(%dma_wait3A_354 : memref<4096xf32, #tpu.memory_space<vmem>>) dst(%dma_wait3A_352 : memref<4096xf32, #tpu.memory_space<hbm>>)
        tpu.yield
      }) : () -> ()
    } else {
    }
    %eq3A = arith.constant 4 : i32
    %eq3A_327 = arith.cmpi eq, %add3A, %eq3A : i32
    %convert_element_type3A_328 = arith.extui %eq3A_327 : i1 to i32
    %cond3A_329 = arith.constant 0 : i32
    %cond3A_330 = arith.cmpi ne, %convert_element_type3A_328, %cond3A_329 : i32
    scf.if %cond3A_330 {
      "tpu.region"() ({
        %run_scoped3A = tpu.sem_alloc : memref<!tpu.dma_semaphore, #tpu.memory_space<semaphore_mem>>
        %dma_start3A_331 = arith.constant 0 : i32
        %dma_start3A_332 = tpu.memref_slice %arg6[%dma_start3A_331] : memref<57344xf32, #tpu.memory_space<vmem>> -> memref<2048xf32, #tpu.memory_space<vmem>>
        %dma_start3A_333 = arith.constant 0 : i32
        %dma_start3A_334 = tpu.memref_slice %arg6[%dma_start3A_333] : memref<57344xf32, #tpu.memory_space<vmem>> -> memref<2048xf32, #tpu.memory_space<vmem>>
        tpu.enqueue_dma source(%arg3 : memref<2048xf32, #tpu.memory_space<hbm>>) target(%dma_start3A_334 : memref<2048xf32, #tpu.memory_space<vmem>>) target_semaphore(%run_scoped3A : memref<!tpu.dma_semaphore, #tpu.memory_space<semaphore_mem>>)
        %dma_wait3A_335 = arith.constant 0 : i32
        %dma_wait3A_336 = tpu.memref_slice %arg6[%dma_wait3A_335] : memref<57344xf32, #tpu.memory_space<vmem>> -> memref<2048xf32, #tpu.memory_space<vmem>>
        %dma_wait3A_337 = arith.constant 0 : i32
        %dma_wait3A_338 = tpu.memref_slice %arg6[%dma_wait3A_337] : memref<57344xf32, #tpu.memory_space<vmem>> -> memref<2048xf32, #tpu.memory_space<vmem>>
        tpu.wait_dma2 semaphore(%run_scoped3A : memref<!tpu.dma_semaphore, #tpu.memory_space<semaphore_mem>>) src(%arg3 : memref<2048xf32, #tpu.memory_space<hbm>>) dst(%dma_wait3A_338 : memref<2048xf32, #tpu.memory_space<vmem>>)
        tpu.yield
      }) : () -> ()
      "tpu.region"() ({
        %run_scoped3A = tpu.sem_alloc : memref<!tpu.dma_semaphore, #tpu.memory_space<semaphore_mem>>
        %dma_start3A_331 = arith.constant 0 : i32
        %dma_start3A_332 = tpu.memref_slice %arg6[%dma_start3A_331] : memref<57344xf32, #tpu.memory_space<vmem>> -> memref<2048xf32, #tpu.memory_space<vmem>>
        %dma_start3A_333 = arith.constant 31997952 : i32
        %dma_start3A_334 = tpu.memref_slice %arg4[%dma_start3A_333] : memref<32000000xf32, #tpu.memory_space<hbm>> -> memref<2048xf32, #tpu.memory_space<hbm>>
        %dma_start3A_335 = arith.constant 31997952 : i32
        %dma_start3A_336 = tpu.memref_slice %arg4[%dma_start3A_335] : memref<32000000xf32, #tpu.memory_space<hbm>> -> memref<2048xf32, #tpu.memory_space<hbm>>
        %dma_start3A_337 = arith.constant 0 : i32
        %dma_start3A_338 = tpu.memref_slice %arg6[%dma_start3A_337] : memref<57344xf32, #tpu.memory_space<vmem>> -> memref<2048xf32, #tpu.memory_space<vmem>>
        tpu.enqueue_dma source(%dma_start3A_338 : memref<2048xf32, #tpu.memory_space<vmem>>) target(%dma_start3A_336 : memref<2048xf32, #tpu.memory_space<hbm>>) target_semaphore(%run_scoped3A : memref<!tpu.dma_semaphore, #tpu.memory_space<semaphore_mem>>)
        %dma_wait3A_339 = arith.constant 0 : i32
        %dma_wait3A_340 = tpu.memref_slice %arg6[%dma_wait3A_339] : memref<57344xf32, #tpu.memory_space<vmem>> -> memref<2048xf32, #tpu.memory_space<vmem>>
        %dma_wait3A_341 = arith.constant 31997952 : i32
        %dma_wait3A_342 = tpu.memref_slice %arg4[%dma_wait3A_341] : memref<32000000xf32, #tpu.memory_space<hbm>> -> memref<2048xf32, #tpu.memory_space<hbm>>
        %dma_wait3A_343 = arith.constant 31997952 : i32
        %dma_wait3A_344 = tpu.memref_slice %arg4[%dma_wait3A_343] : memref<32000000xf32, #tpu.memory_space<hbm>> -> memref<2048xf32, #tpu.memory_space<hbm>>
        %dma_wait3A_345 = arith.constant 0 : i32
        %dma_wait3A_346 = tpu.memref_slice %arg6[%dma_wait3A_345] : memref<57344xf32, #tpu.memory_space<vmem>> -> memref<2048xf32, #tpu.memory_space<vmem>>
        tpu.wait_dma2 semaphore(%run_scoped3A : memref<!tpu.dma_semaphore, #tpu.memory_space<semaphore_mem>>) src(%dma_wait3A_346 : memref<2048xf32, #tpu.memory_space<vmem>>) dst(%dma_wait3A_344 : memref<2048xf32, #tpu.memory_space<hbm>>)
        tpu.yield
      }) : () -> ()
    } else {
    }
    return
  }
}

</mosaic_0001>

<sc_bundles>
// kernel: _linearize_table.3.cloned.1.call-start
scs
__scs_entry_jumppad:
0x0: {  	(pc) =	sbr.rel $0x88, $3  }
0x1: {  	(tag) =	ssettag $0x0;
	lr =	simm.s32 $0x1  }
0x2: {  	[smem:$0x3F9F] =	sst lr;
	_ =	strace $0xD0000000  }
0x3: {  	_ = 	snop  }
0x4: {  	_ = 	snop  }
0x5: {  	_ = 	snop  }
0x6: {  	_ = 	snop  }
0x7: {  	_ = 	snop  }
__scs_overlays_trampoline_lowered:
0x8: {  	[smem:$0x3FAE] =	sst s0  }
0x9: {  	[smem:$0x3FAF] =	sst s1  }
0xa: {  	[smem:$0x3FB0] =	sst s2  }
0xb: {  	[smem:$0x3FB1] =	sst s3  }
0xc: {  	[smem:$0x3FB2] =	sst s4  }
0xd: {  	[smem:$0x3FB3] =	sst s5  }
0xe: {  	[smem:$0x3FB4] =	sst s6  }
0xf: {  	[smem:$0x3FB5] =	sst s7  }
0x10: {  	[smem:$0x3FB6] =	sst s8  }
0x11: {  	[smem:$0x3FB7] =	sst s9;
	s0 =	simm.s32 @!p0 $0x0  }
0x12: {  	s1 =	sld [smem:$0x3F9D];
	s0 =	simm.s32 @p0 $0x1  }
0x13: {  	[smem:$0x3FB8] =	sst s0;
	s0 =	simm.s32 @!p1 $0x0  }
0x14: {  	s2 =	sld [smem:$0x3F9C];
	s0 =	simm.s32 @p1 $0x1  }
0x15: {  	[smem:$0x3FB9] =	sst s0;
	s0 =	simm.s32 @!p2 $0x0  }
0x16: {  	s3 =	sld [smem:$0x3FDB];
	s0 =	simm.s32 @p2 $0x1  }
0x17: {  	s4 =	simm.s32 $0x1BF5;
	[smem:$0x3FBB] =	sst s0  }
0x18: {  	s0 =	sld [smem:$0x3F9E];
	_ =	swait.ge [sflag:s4], $0x0  }
0x19: {  	s7 =	sld [smem:$0x3F9F]  }
0x1a: {  	s8 =	sadd.s32 $0xFFFFE003, lr  }
0x1b: {  	s9 =	sadd.s32 $0xFFFFFEF7, lr;
	s5 =	simm.s32 $0xFFFFFFFF;
	p2 =	slt.u32 s8, $0xFFFFF086  }
0x1c: {  	p1 =	slt.u32 s9, $0xF7A;
	s5 =	simm.s32 @!p2 $0x0  }
0x1d: {  	s5 =	simm.s32 @p1 $0x1;
	p0 =	seq.s32 s7, s2  }
0x1e: {  	s7 =	smul.u32 @!p0 $0xF7A, s2;
	p2 =	seq.s32 @!p0 s5, $0x0  }
0x1f: {  	s9 =	smul.u32 $0xF7A, s1;
	s8 =	simm.s32 @!p0 $0x1BF5;
	p2 =	por !p2, p0  }
0x20: {  	[sflag:s8] =	ssyncset.s32 @!p0 $0xFFFFF086;
	s6 =	sadd.s32 @!p0 s3, s7;
	s7 =	simm.s32 @!p0 $0x108  }
0x21: {  	s3 =	sadd.s32 s3, s9;
	s6 =	sadd.s32 @!p0 $0x88, s6;
	s7 =	simm.s32 @p2 $0x1082  }
0x22: {  	[simem:s7], [sflag:s8] =	dma.local @!p0 [hbm:s6], $0xF7A  }
0x23: {  	s9 =	sor.u32 $0xD0000000, s2;
	s6 =	simm.s32 $0x108;
	_ =	swait.ge @!p0 [sflag:s8], $0x0  }
0x24: {  	s3 =	sadd.s32 $0x88, s3;
	s6 =	simm.s32 @!p1 $0x1082;
	[sflag:s4] =	ssyncset.s32 $0xFFFFF086  }
0x25: {  	[simem:s6], [sflag:s4] =	dma.local [hbm:s3], $0xF7A  }
0x26: {  	[smem:$0x3F9F] =	sst s1;
	(tag) =	ssettag s2;
	_ =	strace s9  }
0x27: {  	s1 =	sld [smem:$0x3FAF]  }
0x28: {  	s2 =	sld [smem:$0x3FB0]  }
0x29: {  	s4 =	sld [smem:$0x3FB2]  }
0x2a: {  	p0 =	seq.s32 s5, $0x0;
	s5 =	sld [smem:$0x3FB3]  }
0x2b: {  	s6 =	sld [smem:$0x3FB4]  }
0x2c: {  	s7 =	sld [smem:$0x3FB5]  }
0x2d: {  	s3 =	simm.s32 $0x108;
	s8 =	sld [smem:$0x3FB6]  }
0x2e: {  	s3 =	simm.s32 @!p0 $0x1082;
	s9 =	sld [smem:$0x3FB7]  }
0x2f: {  	lr =	sadd.s32 s0, s3;
	s0 =	sld [smem:$0x3FAE]  }
0x30: {  	s3 =	sld [smem:$0x3FB1]  }
0x31: {  	[smem:$0x3FBA] =	sst s10  }
0x32: {  	s10 =	sld [smem:$0x3FB8];
	_ =	sdelay $0x3  }
0x33: {  	p0 =	seq.s32 s10, $0x1;
	s10 =	sld [smem:$0x3FBA];
	_ =	sdelay $0x3  }
0x34: {  	[smem:$0x3FBA] =	sst s10  }
0x35: {  	s10 =	sld [smem:$0x3FB9];
	_ =	sdelay $0x3  }
0x36: {  	p1 =	seq.s32 s10, $0x1;
	s10 =	sld [smem:$0x3FBA];
	_ =	sdelay $0x3  }
0x37: {  	[smem:$0x3FBA] =	sst s10  }
0x38: {  	s10 =	sld [smem:$0x3FBB]  }
0x39: {  	_ = 	snop;
	(pc) =	sbr.ind lr, $3  }
0x3a: {  	_ = 	snop  }
0x3b: {  	_ = 	snop  }
0x3c: {  	p2 =	seq.s32 s10, $0x1;
	s10 =	sld [smem:$0x3FBA]  }
0x3d: {  	_ =	shalt  }
0x3e: {  	_ =	shalt  }
0x3f: {  	_ =	shalt  }
0x40: {  	_ =	shalt  }
0x41: {  	_ =	shalt  }
0x42: {  	_ =	shalt  }
0x43: {  	_ =	shalt  }
0x44: {  	_ =	shalt  }
0x45: {  	_ =	shalt  }
0x46: {  	_ =	shalt  }
0x47: {  	_ =	shalt  }
0x48: {  	_ =	shalt  }
0x49: {  	_ =	shalt  }
0x4a: {  	_ =	shalt  }
0x4b: {  	_ =	shalt  }
0x4c: {  	_ =	shalt  }
0x4d: {  	_ =	shalt  }
0x4e: {  	_ =	shalt  }
0x4f: {  	_ =	shalt  }
0x50: {  	_ =	shalt  }
0x51: {  	_ =	shalt  }
0x52: {  	_ =	shalt  }
0x53: {  	_ =	shalt  }
0x54: {  	_ =	shalt  }
0x55: {  	_ =	shalt  }
0x56: {  	_ =	shalt  }
0x57: {  	_ =	shalt  }
0x58: {  	_ =	shalt  }
0x59: {  	_ =	shalt  }
0x5a: {  	_ =	shalt  }
0x5b: {  	_ =	shalt  }
0x5c: {  	_ =	shalt  }
0x5d: {  	_ =	shalt  }
0x5e: {  	_ =	shalt  }
0x5f: {  	_ =	shalt  }
0x60: {  	_ =	shalt  }
0x61: {  	_ =	shalt  }
0x62: {  	_ =	shalt  }
0x63: {  	_ =	shalt  }
0x64: {  	_ =	shalt  }
0x65: {  	_ =	shalt  }
0x66: {  	_ =	shalt  }
0x67: {  	_ =	shalt  }
0x68: {  	_ =	shalt  }
0x69: {  	_ =	shalt  }
0x6a: {  	_ =	shalt  }
0x6b: {  	_ =	shalt  }
0x6c: {  	_ =	shalt  }
0x6d: {  	_ =	shalt  }
0x6e: {  	_ =	shalt  }
0x6f: {  	_ =	shalt  }
0x70: {  	_ =	shalt  }
0x71: {  	_ =	shalt  }
0x72: {  	_ =	shalt  }
0x73: {  	_ =	shalt  }
0x74: {  	_ =	shalt  }
0x75: {  	_ =	shalt  }
0x76: {  	_ =	shalt  }
0x77: {  	_ =	shalt  }
0x78: {  	_ =	shalt  }
0x79: {  	_ =	shalt  }
0x7a: {  	_ =	shalt  }
0x7b: {  	_ =	shalt  }
0x7c: {  	_ =	shalt  }
0x7d: {  	_ =	shalt  }
0x7e: {  	_ =	shalt  }
0x7f: {  	_ =	shalt  }
0x80: {  	_ =	shalt  }
0x81: {  	_ =	shalt  }
0x82: {  	_ =	shalt  }
0x83: {  	_ =	shalt  }
0x84: {  	_ =	shalt  }
0x85: {  	_ =	shalt  }
0x86: {  	_ =	shalt  }
0x87: {  	_ =	shalt  }
.Lfunc_end0:
.L_simem_size_0:
called_computation_lowered:
.L_overlay_start_0:
0x88: {  	s2 =	sld [smem:$0x3FD9]  }
0x89: {  	s3 =	sld [smem:$0x3FFE];
	_ =	sdelay $0x1  }
0x8a: {  	s1 =	srdreg.scid  }
0x8b: {  	s0 =	sand.u32 $0x1, s1  }
0x8c: {  	s18 =	sshll.u32 s0, $0xA;
	s2 =	sadd.s32 s3, s2  }
0x8d: {  	s2 =	sadd.s32 s2, s18  }
0x8e: {  	[smem:$0x3FC6] =	sst s2  }
0x8f: {  	_ = 	snop  }
0x90: {  	s2 =	sld [smem:$0x3FC9]  }
0x91: {  	s19 =	sld [smem:$0x3FC8]  }
0x92: {  	s4 =	sld [smem:$0x3FD0];
	(tm) =	ssettm $0x1  }
0x93: {  	s5 =	sld [smem:$0x3FFB];
	_ =	sdelay $0x3  }
0x94: {  	_ =	strace s5  }
0x95: {  	s5 =	sld [smem:$0x3FFC];
	_ =	sdelay $0x3  }
0x96: {  	_ =	strace s5  }
0x97: {  	s5 =	sld [smem:$0x3FFD];
	_ =	sdelay $0x3  }
0x98: {  	_ =	strace s5  }
0x99: {  	_ =	strace $0x8FFFFFFF  }
0x9a: {  	s20 =	sld [smem:$0x3FDB];
	_ =	sdelay $0x1  }
0x9b: {  	s6 =	simm.s32 $_scs_section_size  }
0x9c: {  	s7 =	simm.s32 $_size__tile_overlayer_lowered;
	s8 =	simm.s32 $_tile_overlayer_lowered  }
0x9d: {  	s23 =	simm.s32 $0x1BFF;
	s22 =	sshll.u32 s8, $0x1;
	s5 =	sadd.s32 s6, s20  }
0x9e: {  	s9 =	simm.s32 $0x0;
	s21 =	sshll.u32 s7, $0x1;
	s7 =	sadd.s32 s22, s5  }
0x9f: {  	[timem:s9], [sflag:s23] =	dma.local [hbm:s7], s21  }
0xa0: {  	_ =	swait.ge [sflag:s23], s21  }
0xa1: {  	s6 =	ssub.s32 $0x0, s21;
	[sflag:s23] =	ssyncset.done $0x0  }
0xa2: {  	[sflag:s23] =	ssyncadd.s32 s6;
	_ =	sdelay $0x1  }
0xa3: {  	s24 =	simm.s32 $0x1B8B  }
0xa4: {  	_ =	swait.ge [sflag:s24], $0x1  }
0xa5: {  	[sflag:s24] =	ssyncset.done $0x0  }
0xa6: {  	s25 =	simm.s32 $0x1B8E;
	[sflag:s24] =	ssyncadd.s32 $0xFFFFFFFF  }
0xa7: {  	s26 =	simm.s32 $execute0_lowered;
	[smem:$0x3FD2] =	sst s25  }
0xa8: {  	s6 =	sshll.u32 s26, $0x1;
	_ =	strace $0x80000046;
	[dreg:$0x1] =	wrdreg $0xFFFFFFFF  }
0xa9: {  	s28 =	simm.s32 $_size_execute0_lowered;
	s5 =	sadd.s32 s5, s6;
	[dreg:$0x0] =	wrdreg $0x0  }
0xaa: {  	s6 =	sshll.u32 s28, $0x1;
	[dreg:$0x2] =	wrdreg s5  }
0xab: {  	[dreg:$0x3] =	wrdreg s6  }
0xac: {  	[dreg:$0x4] =	wrdreg $0xC0  }
0xad: {  	_ =	task [dreg:s9], $0x5FFFF  }
0xae: {  	[dreg:$0x1] =	wrdreg $0xFFFFFFFF  }
0xaf: {  	[dreg:$0x0] =	wrdreg $0x60  }
0xb0: {  	[dreg:$0x2] =	wrdreg s2  }
0xb1: {  	[dreg:$0x3] =	wrdreg s19  }
0xb2: {  	[dreg:$0x4] =	wrdreg s4  }
0xb3: {  	[dreg:$0x5] =	wrdreg $0x9  }
0xb4: {  	_ =	task.clear_ibuf [dreg:s9], $0x6FFFF;
	_ =	strace $0x90000046  }
0xb5: {  	s29 =	simm.s32 $0x9;
	_ =	strace $0x80000048  }
0xb6: {  	_ =	swait.ge [sflag:s29], $0x1  }
0xb7: {  	[sflag:s29] =	ssyncadd.s32 $0xFFFFFFFF  }
0xb8: {  	_ =	strace $0x90000048  }
0xb9: {  	_ =	sfence  }
0xba: {  	s30 =	sld [smem:$0x0];
	_ =	sdelay $0x2  }
0xbb: {  	s31 =	sshll.u32 s1, $0xD;
	s1 =	sshrl.u32 s1, $0x2  }
0xbc: {  	s3 =	sand.u32 $0x4000, s31;
	s1 =	sadd.s32 s1, s30  }
0xbd: {  	s0 =	sor.u32 s3, s0;
	s1 =	sshll.u32 s1, $0x11  }
0xbe: {  	s0 =	sor.u32 s1, s0  }
0xbf: {  	s0 =	sadd.s32 $0x8F2B, s0  }
0xc0: {  	[sflag:s0] =	ssyncadd.remote.s32 $0x1  }
0xc1: {  	_ =	sfence.sel $0xFFFF  }
0xc2: {  	[dreg:$0x0] =	wrdreg $0xFFFFFFFF;
	(pc) =	sbr.abs _section_cstart, $3  }
0xc3: {  	[dreg:$0x1] =	wrdreg $0xFFFFFFFF  }
0xc4: {  	_ =	task.clear_ibuf [dreg:s9], $0x2FFFF;
	_ =	strace $0x9FFFFFFF  }
0xc5: {  	(tm) =	ssettm $0x7FFFFFFF  }
tec
execute0_lowered:
.L_overlay_start_1:
0x0: {  	(tag) =	ssettag $0x1  }
0x1: {  	v0 =	vimm.s32 $0x83624120  }
0x2: {  	v1 =	vimm.s32 $0xE6C5A4;
	vm4 =	vcmask $0xF00;
	vm0 =	vcmask $0x1B10  }
0x3: {  	v2 =	vimm.s32 $0xA3826140;
	vm3 =	vcmask $0x1F1C;
	vm2 =	vcmask $0x2320  }
0x4: {  	vm1 =	vcmask $0x2724;
	vm12 =	vcmask $0x2B28;
	v22 =	vimm.s32 $0x168  }
0x5: {  	vm9 =	vcmask $0x704;
	vm8 =	vcmask $0xB08;
	vm7 =	vcmask $0xF0C  }
0x6: {  	v28 =	vimm.s32 $0xE2C1A0;
	vm6 =	vcmask $0x1310;
	vm5 =	vcmask $0x1714  }
0x7: {  	v29 =	vimm.s32 $0x4F2E0D00;
	vm10 =	vcmask $0xB00;
	v3 =	vimm.s32 $0x188  }
0x8: {  	vm15 =	vcmask $0x1F14;
	v31 =	vimm.s32 $0x6F4E2D0C;
	vm11 =	vcmask $0x1F10  }
0x9: {  	v5 =	vimm.s32 $0xAF;
	v34 =	vimm.s32 $0xB6E4D2C;
	v35 =	vimm.s32 $0xCF  }
0xa: {  	vm14 =	vcmask $0x3B2C;
	v37 =	vimm.s32 $0x2B0A6D4C;
	v6 =	vimm.s32 $0x4B2A096C  }
0xb: {  	v7 =	vimm.s32 $0x10F;
	v8 =	vimm.s32 $0x6B4A2908;
	vm13 =	vcmask $0x3324  }
0xc: {  	v41 =	vimm.s32 $0xEFCEAD8C;
	v42 =	vimm.s32 $0x76A4928;
	v11 =	vimm.s32 $0x8BEECDAC  }
0xd: {  	v12 =	vimm.s32 $0xAB8AEDCC;
	v49 =	vimm.s32 $0xCBAA89EC;
	v50 =	vimm.s32 $0xEBCAA988  }
0xe: {  	v15 =	vimm.s32 $0x3664524;
	v52 =	vimm.s32 $0x1AF;
	v53 =	vimm.s32 $0x23026544  }
0xf: {  	v16 =	vimm.s32 $0x87EAC9A8;
	v17 =	vimm.s32 $0x43220164;
	v18 =	vimm.s32 $0xA786E9C8  }
0x10: {  	v19 =	vimm.s32 $0x1CF;
	v20 =	vimm.s32 $0xC7A685E8;
	v60 =	vimm.s32 $0x100  }
0x11: {  	v61 =	vimm.s32 $0x780;
	v62 =	vimm.s32 $0x781;
	v63 =	vimm.s32 $0x782  }
0x12: {  	v24 =	vimm.s32 $0x788;
	v25 =	vimm.s32 $0x789;
	v26 =	vimm.s32 $0x78A  }
0x13: {  	v27 =	vimm.s32 $0x78B;
	v0 =	vunpack.c.0.s8.s32 v0;
	v1 =	vunpack.c.0.s8.s32 v1  }
0x14: {  	v21 =	vunpack.c.0.s8.s32 v2;
	v23 =	vsel vm9, $0x189, v22;
	v2 =	vunpack.c.0.s8.s32 v29  }
0x15: {  	v4 =	vsel vm9, $0x1A9, v3;
	v6 =	vunpack.c.0.s8.s32 v6;
	v10 =	vunpack.c.0.s8.s32 v8  }
0x16: {  	v11 =	vunpack.c.0.s8.s32 v11;
	v12 =	vunpack.c.0.s8.s32 v12;
	v15 =	vunpack.c.0.s8.s32 v15  }
0x17: {  	v16 =	vunpack.c.0.s8.s32 v16;
	v17 =	vunpack.c.0.s8.s32 v17;
	v18 =	vunpack.c.0.s8.s32 v18  }
0x18: {  	v20 =	vunpack.c.0.s8.s32 v20;
	v22 =	vimm.s32 $0x786;
	v29 =	vimm.s32 $0x78D  }
0x19: {  	v30 =	vsel vm8, $0x1CA, v4;
	v0 =	vand.u32 $0xFF, v0;
	v1 =	vand.u32 $0xFF, v1  }
0x1a: {  	v6 =	vand.u32 $0xFF, v6;
	v40 =	vand.u32 $0xFF, v10;
	v10 =	vimm.s32 $0x12F  }
0x1b: {  	v11 =	vand.u32 $0xFF, v11;
	v12 =	vand.u32 $0xFF, v12;
	v51 =	vand.u32 $0xFF, v15  }
0x1c: {  	v15 =	vunpack.c.0.s8.s32 v53;
	v17 =	vand.u32 $0xFF, v17;
	v56 =	vand.u32 $0xFF, v16  }
0x1d: {  	v58 =	vand.u32 $0xFF, v18;
	v59 =	vand.u32 $0xFF, v20;
	v0 =	vnsel vm4, $0xF, v0  }
0x1e: {  	v9 =	vsel vm0, v1, v0;
	v0 =	vand.u32 $0xFF, v21;
	v1 =	vunpack.c.0.s8.s32 v28  }
0x1f: {  	vm0 =	vcmask $0x2B1C;
	v15 =	vand.u32 $0xFF, v15;
	v21 =	vimm.s32 $0x785  }
0x20: {  	v28 =	vimm.s32 $0x78C;
	v14 =	vnsel vm4, $0x2F, v0;
	v0 =	vsel vm8, $0x1AA, v23  }
0x21: {  	vm4 =	vcmask $0x1B18;
	v23 =	vimm.s32 $0x787;
	v0 =	vsel vm7, $0x1CB, v0  }
0x22: {  	v1 =	vand.u32 $0xFF, v1;
	v14 =	vsel vm6, $0xC4, v14;
	v0 =	vsel vm6, $0x1EC, v0  }
0x23: {  	v1 =	vnsel vm10, $0x8F, v1;
	vm10 =	vcmask $0x300;
	v14 =	vsel vm5, $0xE5, v14  }
0x24: {  	v1 =	vsel vm7, $0x103, v1;
	v0 =	vsel vm15, v2, v0;
	v2 =	vunpack.c.0.s8.s32 v31  }
0x25: {  	v33 =	vsel vm10, $0xC0, v5;
	v5 =	vsel vm10, $0xE0, v35;
	vm15 =	vcmask $0x3728  }
0x26: {  	v7 =	vsel vm10, $0x120, v7;
	v10 =	vsel vm10, $0x140, v10;
	v19 =	vsel vm10, $0x1E0, v19  }
0x27: {  	v16 =	vsel vm10, $0x1, v61;
	v18 =	vsel vm10, $0x3, v63;
	v21 =	vsel vm10, $0x6, v21  }
0x28: {  	v22 =	vsel vm10, $0x7, v22;
	v23 =	vsel vm10, $0x8, v23;
	v24 =	vsel vm10, $0x9, v24  }
0x29: {  	v25 =	vsel vm10, $0xA, v25;
	v26 =	vsel vm10, $0xB, v26;
	v27 =	vsel vm10, $0xC, v27  }
0x2a: {  	v28 =	vsel vm10, $0xD, v28;
	v29 =	vsel vm10, $0xE, v29;
	v31 =	vimm.s32 $0xF80  }
0x2b: {  	v35 =	vimm.s32 $0xF84;
	v14 =	vsel vm4, $0x106, v14;
	v1 =	vsel vm6, $0x124, v1  }
0x2c: {  	[tilespmem:$0x1FC30] =	vst v0;
	v0 =	vsel vm7, $0x1EB, v30;
	v5 =	vsel vm9, $0x101, v5;
	v7 =	vsel vm9, $0x141, v7  }
0x2d: {  	v10 =	vsel vm9, $0x161, v10;
	v30 =	vimm.s32 $0x78E;
	v31 =	vsel vm10, $0x801, v31  }
0x2e: {  	v35 =	vsel vm10, $0x805, v35;
	v16 =	vsel vm9, $0x82, v16;
	v18 =	vsel vm9, $0x84, v18  }
0x2f: {  	v21 =	vsel vm9, $0x87, v21;
	v22 =	vsel vm9, $0x88, v22;
	v23 =	vsel vm9, $0x89, v23  }
0x30: {  	v24 =	vsel vm9, $0x8A, v24;
	v25 =	vsel vm9, $0x8B, v25;
	v26 =	vsel vm9, $0x8C, v26  }
0x31: {  	v27 =	vsel vm9, $0x8D, v27;
	v28 =	vsel vm9, $0x8E, v28;
	v29 =	vsel vm9, $0x8F, v29  }
0x32: {  	v1 =	vsel vm5, $0x145, v1;
	v4 =	vsel vm11, v2, v0;
	v2 =	vunpack.c.0.s8.s32 v34  }
0x33: {  	v5 =	vsel vm8, $0x122, v5;
	v39 =	vsel vm8, $0x162, v7;
	v7 =	vunpack.c.0.s8.s32 v42  }
0x34: {  	v10 =	vsel vm8, $0x182, v10;
	v30 =	vsel vm10, $0xF, v30;
	v34 =	vimm.s32 $0xF83  }
0x35: {  	v42 =	vimm.s32 $0xF8B;
	v31 =	vsel vm9, $0x882, v31;
	v35 =	vsel vm9, $0x886, v35  }
0x36: {  	v16 =	vsel vm8, $0x103, v16;
	v18 =	vsel vm8, $0x105, v18;
	v21 =	vsel vm8, $0x108, v21  }
0x37: {  	v22 =	vsel vm8, $0x109, v22;
	v23 =	vsel vm8, $0x10A, v23;
	v24 =	vsel vm8, $0x10B, v24  }
0x38: {  	v25 =	vsel vm8, $0x10C, v25;
	v26 =	vsel vm8, $0x10D, v26;
	v27 =	vsel vm8, $0x10E, v27  }
0x39: {  	v28 =	vsel vm8, $0x10F, v28;
	v29 =	vsel vm8, $0x100, v29;
	v1 =	vsel vm4, $0x166, v1  }
0x3a: {  	v36 =	vsel vm7, $0x143, v5;
	v5 =	vunpack.c.0.s8.s32 v37;
	v43 =	vsel vm7, $0x1A3, v10  }
0x3b: {  	v10 =	vimm.s32 $0x27066948;
	v34 =	vsel vm10, $0x804, v34;
	v37 =	vimm.s32 $0xF86  }
0x3c: {  	v42 =	vsel vm10, $0x80C, v42;
	v30 =	vsel vm9, $0x80, v30;
	v31 =	vsel vm8, $0x903, v31  }
0x3d: {  	v35 =	vsel vm8, $0x907, v35;
	v16 =	vsel vm7, $0x184, v16;
	v18 =	vsel vm7, $0x186, v18  }
0x3e: {  	v21 =	vsel vm7, $0x189, v21;
	v22 =	vsel vm7, $0x18A, v22;
	v23 =	vsel vm7, $0x18B, v23  }
0x3f: {  	v24 =	vsel vm7, $0x18C, v24;
	v25 =	vsel vm7, $0x18D, v25;
	v26 =	vsel vm7, $0x18E, v26  }
0x40: {  	v27 =	vsel vm7, $0x18F, v27;
	v28 =	vsel vm7, $0x180, v28;
	v29 =	vsel vm7, $0x181, v29  }
0x41: {  	v1 =	vsel vm3, $0x187, v1;
	v2 =	vand.u32 $0xFF, v2;
	v7 =	vand.u32 $0xFF, v7  }
0x42: {  	v10 =	vunpack.c.0.s8.s32 v10;
	v37 =	vsel vm10, $0x807, v37;
	v34 =	vsel vm9, $0x885, v34  }
0x43: {  	v42 =	vsel vm9, $0x88D, v42;
	v30 =	vsel vm8, $0x101, v30;
	v31 =	vsel vm7, $0x984, v31  }
0x44: {  	v35 =	vsel vm7, $0x988, v35;
	v16 =	vsel vm6, $0x205, v16;
	v18 =	vsel vm6, $0x207, v18  }
0x45: {  	v21 =	vsel vm6, $0x20A, v21;
	v22 =	vsel vm6, $0x20B, v22;
	v23 =	vsel vm6, $0x20C, v23  }
0x46: {  	v24 =	vsel vm6, $0x20D, v24;
	v25 =	vsel vm6, $0x20E, v25;
	v26 =	vsel vm6, $0x20F, v26  }
0x47: {  	v27 =	vsel vm6, $0x200, v27;
	v28 =	vsel vm6, $0x201, v28;
	v29 =	vsel vm6, $0x202, v29  }
0x48: {  	v32 =	vsel vm2, $0x1A8, v1;
	v1 =	vsel vm9, $0xE1, v33;
	v5 =	vand.u32 $0xFF, v5  }
0x49: {  	v33 =	vimm.s32 $0xF82;
	v37 =	vsel vm9, $0x888, v37;
	v34 =	vsel vm8, $0x906, v34  }
0x4a: {  	v42 =	vsel vm8, $0x90E, v42;
	v30 =	vsel vm7, $0x182, v30;
	v31 =	vsel vm6, $0xA05, v31  }
0x4b: {  	v35 =	vsel vm6, $0xA09, v35;
	v16 =	vsel vm5, $0x286, v16;
	v18 =	vsel vm5, $0x288, v18  }
0x4c: {  	v21 =	vsel vm5, $0x28B, v21;
	v22 =	vsel vm5, $0x28C, v22;
	v23 =	vsel vm5, $0x28D, v23  }
0x4d: {  	v24 =	vsel vm5, $0x28E, v24;
	v25 =	vsel vm5, $0x28F, v25;
	v26 =	vsel vm5, $0x280, v26  }
0x4e: {  	v27 =	vsel vm5, $0x281, v27;
	v28 =	vsel vm5, $0x282, v28;
	v29 =	vsel vm5, $0x283, v29  }
0x4f: {  	v0 =	vsel vm1, $0x1C9, v32;
	v1 =	vsel vm8, $0x102, v1;
	v10 =	vand.u32 $0xFF, v10  }
0x50: {  	v32 =	vimm.s32 $0xF81;
	v33 =	vsel vm10, $0x803, v33;
	v37 =	vsel vm8, $0x909, v37  }
0x51: {  	v34 =	vsel vm7, $0x987, v34;
	v42 =	vsel vm7, $0x98F, v42;
	v30 =	vsel vm6, $0x203, v30  }
0x52: {  	v31 =	vsel vm5, $0xA86, v31;
	v35 =	vsel vm5, $0xA8A, v35;
	v16 =	vsel vm4, $0x307, v16  }
0x53: {  	v18 =	vsel vm4, $0x309, v18;
	v21 =	vsel vm4, $0x30C, v21;
	v22 =	vsel vm4, $0x30D, v22  }
0x54: {  	v23 =	vsel vm4, $0x30E, v23;
	v24 =	vsel vm4, $0x30F, v24;
	v25 =	vsel vm4, $0x300, v25  }
0x55: {  	v26 =	vsel vm4, $0x301, v26;
	v27 =	vsel vm4, $0x302, v27;
	v28 =	vsel vm4, $0x303, v28  }
0x56: {  	v29 =	vsel vm4, $0x304, v29;
	v0 =	vsel vm12, $0x1EA, v0;
	v1 =	vsel vm7, $0x123, v1  }
0x57: {  	v32 =	vsel vm10, $0x802, v32;
	v33 =	vsel vm9, $0x884, v33;
	v37 =	vsel vm7, $0x98A, v37  }
0x58: {  	v34 =	vsel vm6, $0xA08, v34;
	v42 =	vsel vm6, $0xA00, v42;
	v30 =	vsel vm5, $0x284, v30  }
0x59: {  	v31 =	vsel vm4, $0xB07, v31;
	v35 =	vsel vm4, $0xB0B, v35;
	v16 =	vsel vm3, $0x388, v16  }
0x5a: {  	v18 =	vsel vm3, $0x38A, v18;
	v21 =	vsel vm3, $0x38D, v21;
	v22 =	vsel vm3, $0x38E, v22  }
0x5b: {  	v23 =	vsel vm3, $0x38F, v23;
	v24 =	vsel vm3, $0x380, v24;
	v25 =	vsel vm3, $0x381, v25  }
0x5c: {  	v26 =	vsel vm3, $0x382, v26;
	v27 =	vsel vm3, $0x383, v27;
	v28 =	vsel vm3, $0x384, v28  }
0x5d: {  	v29 =	vsel vm3, $0x385, v29;
	v1 =	vsel vm6, $0x144, v1;
	v0 =	vsel vm14, v2, v0  }
0x5e: {  	v2 =	vsel vm6, $0x164, v36;
	v36 =	vimm.s32 $0xF85;
	v32 =	vsel vm9, $0x883, v32  }
0x5f: {  	v33 =	vsel vm8, $0x905, v33;
	v37 =	vsel vm6, $0xA0B, v37;
	v34 =	vsel vm5, $0xA89, v34  }
0x60: {  	v42 =	vsel vm5, $0xA81, v42;
	v30 =	vsel vm4, $0x305, v30;
	v31 =	vsel vm3, $0xB88, v31  }
0x61: {  	v35 =	vsel vm3, $0xB8C, v35;
	v16 =	vsel vm2, $0x409, v16;
	v18 =	vsel vm2, $0x40B, v18  }
0x62: {  	v21 =	vsel vm2, $0x40E, v21;
	v22 =	vsel vm2, $0x40F, v22;
	v23 =	vsel vm2, $0x400, v23  }
0x63: {  	v24 =	vsel vm2, $0x401, v24;
	v25 =	vsel vm2, $0x402, v25;
	v26 =	vsel vm2, $0x403, v26  }
0x64: {  	v27 =	vsel vm2, $0x404, v27;
	v28 =	vsel vm2, $0x405, v28;
	v29 =	vsel vm2, $0x406, v29  }
0x65: {  	v1 =	vsel vm5, $0x165, v1;
	[tilespmem:$0x1FC00] =	vst v0;
	v2 =	vsel vm5, $0x185, v2;
	v0 =	vimm.s32 $0x783  }
0x66: {  	v36 =	vsel vm10, $0x806, v36;
	v32 =	vsel vm8, $0x904, v32;
	v33 =	vsel vm7, $0x986, v33  }
0x67: {  	v37 =	vsel vm5, $0xA8C, v37;
	v34 =	vsel vm4, $0xB0A, v34;
	v42 =	vsel vm4, $0xB02, v42  }
0x68: {  	v30 =	vsel vm3, $0x386, v30;
	v31 =	vsel vm2, $0xC09, v31;
	v35 =	vsel vm2, $0xC0D, v35  }
0x69: {  	v16 =	vsel vm1, $0x48A, v16;
	v18 =	vsel vm1, $0x48C, v18;
	v21 =	vsel vm1, $0x48F, v21  }
0x6a: {  	v22 =	vsel vm1, $0x480, v22;
	v23 =	vsel vm1, $0x481, v23;
	v24 =	vsel vm1, $0x482, v24  }
0x6b: {  	v25 =	vsel vm1, $0x483, v25;
	v26 =	vsel vm1, $0x484, v26;
	v27 =	vsel vm1, $0x485, v27  }
0x6c: {  	v28 =	vsel vm1, $0x486, v28;
	v29 =	vsel vm1, $0x487, v29;
	v1 =	vsel vm4, $0x186, v1  }
0x6d: {  	v2 =	vsel vm4, $0x1A6, v2;
	v36 =	vsel vm9, $0x887, v36;
	v32 =	vsel vm7, $0x985, v32  }
0x6e: {  	v33 =	vsel vm6, $0xA07, v33;
	v37 =	vsel vm4, $0xB0D, v37;
	v34 =	vsel vm3, $0xB8B, v34  }
0x6f: {  	v42 =	vsel vm3, $0xB83, v42;
	v30 =	vsel vm2, $0x407, v30;
	v31 =	vsel vm1, $0xC8A, v31  }
0x70: {  	v35 =	vsel vm1, $0xC8E, v35;
	v16 =	vsel vm12, $0x50B, v16;
	v18 =	vsel vm12, $0x50D, v18  }
0x71: {  	v21 =	vsel vm12, $0x500, v21;
	v22 =	vsel vm12, $0x501, v22;
	v23 =	vsel vm12, $0x502, v23  }
0x72: {  	v24 =	vsel vm12, $0x503, v24;
	v25 =	vsel vm12, $0x504, v25;
	v26 =	vsel vm12, $0x505, v26  }
0x73: {  	v27 =	vsel vm12, $0x506, v27;
	v28 =	vsel vm12, $0x507, v28;
	v29 =	vsel vm12, $0x508, v29  }
0x74: {  	v1 =	vsel vm3, $0x1A7, v1;
	v2 =	vsel vm3, $0x1C7, v2;
	v36 =	vsel vm8, $0x908, v36  }
0x75: {  	v32 =	vsel vm6, $0xA06, v32;
	v33 =	vsel vm5, $0xA88, v33;
	v37 =	vsel vm3, $0xB8E, v37  }
0x76: {  	v34 =	vsel vm2, $0xC0C, v34;
	v42 =	vsel vm2, $0xC04, v42;
	v30 =	vsel vm1, $0x488, v30  }
0x77: {  	v31 =	vsel vm12, $0xD0B, v31;
	v35 =	vsel vm12, $0xD0F, v35;
	v1 =	vsel vm2, $0x1C8, v1  }
0x78: {  	v2 =	vsel vm2, $0x1E8, v2;
	v36 =	vsel vm7, $0x989, v36;
	v32 =	vsel vm5, $0xA87, v32  }
0x79: {  	v33 =	vsel vm4, $0xB09, v33;
	v37 =	vsel vm2, $0xC0F, v37;
	v34 =	vsel vm1, $0xC8D, v34  }
0x7a: {  	v42 =	vsel vm1, $0xC85, v42;
	v30 =	vsel vm12, $0x509, v30;
	v1 =	vsel vm1, $0x1E9, v1  }
0x7b: {  	v2 =	vsel vm13, v6, v2;
	v6 =	vunpack.c.0.s8.s32 v41;
	v41 =	vimm.s32 $0xF8A  }
0x7c: {  	v36 =	vsel vm6, $0xA0A, v36;
	v32 =	vsel vm4, $0xB08, v32;
	v33 =	vsel vm3, $0xB8A, v33  }
0x7d: {  	v37 =	vsel vm1, $0xC80, v37;
	v34 =	vsel vm12, $0xD0E, v34;
	v42 =	vsel vm12, $0xD06, v42  }
0x7e: {  	v38 =	vsel vm15, v5, v1;
	v1 =	vsel vm7, $0x183, v39;
	v39 =	vimm.s32 $0xF88  }
0x7f: {  	v41 =	vsel vm10, $0x80B, v41;
	v36 =	vsel vm5, $0xA8B, v36;
	v32 =	vsel vm3, $0xB89, v32  }
0x80: {  	v33 =	vsel vm2, $0xC0B, v33;
	v37 =	vsel vm12, $0xD01, v37;
	v1 =	vsel vm6, $0x1A4, v1  }
0x81: {  	[tilespmem:$0x1FC70] =	vst v38;
	v6 =	vand.u32 $0xFF, v6;
	v38 =	vimm.s32 $0xF87;
	v39 =	vsel vm10, $0x809, v39  }
0x82: {  	v41 =	vsel vm9, $0x88C, v41;
	v36 =	vsel vm4, $0xB0C, v36;
	v32 =	vsel vm2, $0xC0A, v32  }
0x83: {  	v33 =	vsel vm1, $0xC8C, v33;
	v1 =	vsel vm5, $0x1C5, v1;
	v38 =	vsel vm10, $0x808, v38  }
0x84: {  	v39 =	vsel vm9, $0x88A, v39;
	v41 =	vsel vm8, $0x90D, v41;
	v36 =	vsel vm3, $0xB8D, v36  }
0x85: {  	v32 =	vsel vm1, $0xC8B, v32;
	v33 =	vsel vm12, $0xD0D, v33;
	v1 =	vsel vm4, $0x1E6, v1  }
0x86: {  	v38 =	vsel vm9, $0x889, v38;
	v39 =	vsel vm8, $0x90B, v39;
	v41 =	vsel vm7, $0x98E, v41  }
0x87: {  	v36 =	vsel vm2, $0xC0E, v36;
	v32 =	vsel vm12, $0xD0C, v32;
	v1 =	vsel vm0, v7, v1  }
0x88: {  	v7 =	vsel vm6, $0x1C4, v43;
	vm0 =	vcmask $0x2F20;
	v43 =	vimm.s32 $0xF8C  }
0x89: {  	v38 =	vsel vm8, $0x90A, v38;
	v39 =	vsel vm7, $0x98C, v39;
	v41 =	vsel vm6, $0xA0F, v41  }
0x8a: {  	v36 =	vsel vm1, $0xC8F, v36;
	v44 =	vsel vm14, v11, v1;
	v7 =	vsel vm5, $0x1E5, v7  }
0x8b: {  	v11 =	vimm.s32 $0x14F;
	vm14 =	vcmask $0x2718;
	v1 =	vimm.s32 $0x784  }
0x8c: {  	v43 =	vsel vm10, $0x80D, v43;
	v38 =	vsel vm7, $0x98B, v38;
	v39 =	vsel vm6, $0xA0D, v39  }
0x8d: {  	v41 =	vsel vm5, $0xA80, v41;
	v36 =	vsel vm12, $0xD00, v36;
	v11 =	vsel vm10, $0x160, v11  }
0x8e: {  	v10 =	vsel vm14, v10, v7;
	v7 =	vsel vm11, v6, v40;
	v20 =	vsel vm10, $0x5, v1  }
0x8f: {  	[tilespmem:$0x1FC10] =	vst v44;
	v40 =	vimm.s32 $0xF89;
	v44 =	vimm.s32 $0xF8D;
	v43 =	vsel vm9, $0x88E, v43  }
0x90: {  	v38 =	vsel vm6, $0xA0C, v38;
	v39 =	vsel vm5, $0xA8E, v39;
	v41 =	vsel vm4, $0xB01, v41  }
0x91: {  	v1 =	vimm.s32 $0x10FEDCBA;
	v11 =	vsel vm9, $0x181, v11;
	v10 =	vsel vm15, v12, v10  }
0x92: {  	vm15 =	vcmask $0x2314;
	v12 =	vunpack.c.0.s8.s32 v49;
	v40 =	vsel vm10, $0x80A, v40  }
0x93: {  	v44 =	vsel vm10, $0x80E, v44;
	v20 =	vsel vm9, $0x86, v20;
	v43 =	vsel vm8, $0x90F, v43  }
0x94: {  	v38 =	vsel vm5, $0xA8D, v38;
	v39 =	vsel vm4, $0xB0F, v39;
	v49 =	vimm.s32 $0xFEDCBA9  }
0x95: {  	v41 =	vsel vm3, $0xB82, v41;
	v45 =	vsel vm8, $0x1A2, v11;
	v11 =	vimm.s32 $0x47260568  }
0x96: {  	v40 =	vsel vm9, $0x88B, v40;
	v44 =	vsel vm9, $0x88F, v44;
	v20 =	vsel vm8, $0x107, v20  }
0x97: {  	v43 =	vsel vm7, $0x980, v43;
	v38 =	vsel vm4, $0xB0E, v38;
	v39 =	vsel vm3, $0xB80, v39  }
0x98: {  	v3 =	vunpack.c.l.s4.s8 v49;
	v41 =	vsel vm2, $0xC03, v41;
	v13 =	vsel vm7, $0x1C3, v45  }
0x99: {  	v11 =	vunpack.c.0.s8.s32 v11;
	v12 =	vand.u32 $0xFF, v12;
	v45 =	vimm.s32 $0xF8E  }
0x9a: {  	v40 =	vsel vm8, $0x90C, v40;
	v44 =	vsel vm8, $0x900, v44;
	v20 =	vsel vm7, $0x188, v20  }
0x9b: {  	v43 =	vsel vm6, $0xA01, v43;
	v38 =	vsel vm3, $0xB8F, v38;
	v39 =	vsel vm2, $0xC01, v39  }
0x9c: {  	v41 =	vsel vm1, $0xC84, v41;
	v46 =	vsel vm6, $0x1E4, v13;
	v13 =	vunpack.c.0.s8.s32 v50  }
0x9d: {  	v45 =	vsel vm10, $0x80F, v45;
	v40 =	vsel vm7, $0x98D, v40;
	v44 =	vsel vm7, $0x981, v44  }
0x9e: {  	v20 =	vsel vm6, $0x209, v20;
	v43 =	vsel vm5, $0xA82, v43;
	v50 =	vsel vm3, $0x107, v9  }
0x9f: {  	v38 =	vsel vm2, $0xC00, v38;
	v9 =	vunpack.c.0.s8.s32 v3;
	v39 =	vsel vm1, $0xC82, v39  }
0xa0: {  	v41 =	vsel vm12, $0xD05, v41;
	v3 =	vunpack.c.l.s4.s8 v1;
	v1 =	vimm.s32 $0x43210FED  }
0xa1: {  	v47 =	vand.u32 $0xFF, v11;
	v11 =	vimm.s32 $0x16F;
	v45 =	vsel vm9, $0x880, v45  }
0xa2: {  	v40 =	vsel vm6, $0xA0E, v40;
	v44 =	vsel vm6, $0xA02, v44;
	v20 =	vsel vm5, $0x28A, v20  }
0xa3: {  	v43 =	vsel vm4, $0xB03, v43;
	v38 =	vsel vm1, $0xC81, v38;
	v39 =	vsel vm12, $0xD03, v39  }
0xa4: {  	v5 =	vsel vm15, v47, v46;
	v48 =	vsel vm10, $0x180, v11;
	v11 =	vimm.s32 $0x67462504  }
0xa5: {  	v13 =	vand.u32 $0xFF, v13;
	v46 =	vimm.s32 $0xC3A28160;
	v45 =	vsel vm8, $0x901, v45  }
0xa6: {  	v47 =	vimm.s32 $0xE3C2A180;
	v40 =	vsel vm5, $0xA8F, v40;
	v44 =	vsel vm5, $0xA83, v44  }
0xa7: {  	v20 =	vsel vm4, $0x30B, v20;
	v43 =	vsel vm3, $0xB84, v43;
	v38 =	vsel vm12, $0xD02, v38  }
0xa8: {  	v6 =	vsel vm9, $0x1A1, v48;
	v11 =	vunpack.c.0.s8.s32 v11;
	v57 =	vsel vm13, v12, v5  }
0xa9: {  	vm13 =	vcmask $0x1708;
	v46 =	vunpack.c.0.s8.s32 v46;
	v47 =	vunpack.c.0.s8.s32 v47  }
0xaa: {  	v45 =	vsel vm7, $0x982, v45;
	v40 =	vsel vm4, $0xB00, v40;
	v44 =	vsel vm4, $0xB04, v44  }
0xab: {  	v20 =	vsel vm3, $0x38C, v20;
	v43 =	vsel vm2, $0xC05, v43;
	v6 =	vsel vm8, $0x1C2, v6  }
0xac: {  	v45 =	vsel vm6, $0xA03, v45;
	v40 =	vsel vm3, $0xB81, v40;
	v44 =	vsel vm3, $0xB85, v44  }
0xad: {  	v20 =	vsel vm2, $0x40D, v20;
	v43 =	vsel vm1, $0xC86, v43;
	v6 =	vsel vm7, $0x1E3, v6  }
0xae: {  	v11 =	vand.u32 $0xFF, v11;
	v46 =	vand.u32 $0xFF, v46;
	v47 =	vand.u32 $0xFF, v47  }
0xaf: {  	v45 =	vsel vm5, $0xA84, v45;
	v40 =	vsel vm2, $0xC02, v40;
	v44 =	vsel vm2, $0xC06, v44  }
0xb0: {  	v20 =	vsel vm1, $0x48E, v20;
	v43 =	vsel vm12, $0xD07, v43;
	v6 =	vsel vm11, v11, v6  }
0xb1: {  	v11 =	vimm.s32 $0x18F;
	vm11 =	vcmask $0x1B0C;
	v46 =	vsel vm6, $0xE4, v46  }
0xb2: {  	v47 =	vsel vm6, $0x104, v47;
	v45 =	vsel vm4, $0xB05, v45;
	v40 =	vsel vm1, $0xC83, v40  }
0xb3: {  	v44 =	vsel vm1, $0xC87, v44;
	v20 =	vsel vm12, $0x50F, v20;
	v11 =	vsel vm10, $0x1A0, v11  }
0xb4: {  	v6 =	vsel vm0, v13, v6;
	v13 =	vsel vm10, $0x1C0, v52;
	vm0 =	vcmask $0x1304  }
0xb5: {  	v46 =	vsel vm5, $0x105, v46;
	v47 =	vsel vm5, $0x125, v47;
	v45 =	vsel vm3, $0xB86, v45  }
0xb6: {  	v52 =	vsel vm2, $0x128, v50;
	v40 =	vsel vm12, $0xD04, v40;
	v44 =	vsel vm12, $0xD08, v44  }
0xb7: {  	v11 =	vsel vm9, $0x1C1, v11;
	v13 =	vsel vm9, $0x1E1, v13;
	v55 =	vsel vm0, v17, v19  }
0xb8: {  	v17 =	vsel vm10, $0x2, v62;
	v19 =	vsel vm10, $0x4, v0;
	v46 =	vsel vm4, $0x126, v46  }
0xb9: {  	v47 =	vsel vm4, $0x146, v47;
	v45 =	vsel vm2, $0xC07, v45;
	v11 =	vsel vm8, $0x1E2, v11  }
0xba: {  	v54 =	vsel vm13, v15, v13;
	vm13 =	vcmask $0x2B1C;
	v13 =	vsel vm15, v59, v55  }
0xbb: {  	v15 =	vsel vm9, $0x121, v60;
	v17 =	vsel vm9, $0x83, v17;
	v19 =	vsel vm9, $0x85, v19  }
0xbc: {  	v55 =	vimm.s32 $0x87654321;
	v45 =	vsel vm1, $0xC88, v45;
	vm15 =	vcmask $0x3B38  }
0xbd: {  	v11 =	vsel vm11, v51, v11;
	v12 =	vsel vm14, v58, v54;
	v15 =	vsel vm8, $0x142, v15  }
0xbe: {  	v17 =	vsel vm8, $0x104, v17;
	v19 =	vsel vm8, $0x106, v19;
	v51 =	vsel vm3, $0x127, v14  }
0xbf: {  	v14 =	vsel vm3, $0x167, v47;
	v47 =	vsel vm1, $0x149, v52;
	v58 =	vsel vm1, $0x109, v13  }
0xc0: {  	vm11 =	vcmask $0x2F2C;
	v45 =	vsel vm12, $0xD09, v45;
	vm14 =	vcmask $0x3734  }
0xc1: {  	v13 =	vimm.s32 $0x98765432;
	v10 =	vsel vm15, $0x10E, v10;
	v11 =	vsel vm13, v56, v11  }
0xc2: {  	v15 =	vsel vm7, $0x163, v15;
	v17 =	vsel vm7, $0x185, v17;
	v19 =	vsel vm7, $0x187, v19  }
0xc3: {  	v53 =	vsel vm2, $0x148, v51;
	v56 =	vunpack.c.l.s4.s8 v55;
	v47 =	vsel vm12, $0x16A, v47  }
0xc4: {  	v12 =	vsel vm12, $0x10A, v12;
	v61 =	vsel vm12, $0x12A, v58;
	vm13 =	vcmask $0x3330  }
0xc5: {  	v62 =	vsel vm11, $0x58C, v16;
	v18 =	vsel vm11, $0x58E, v18;
	v20 =	vsel vm11, $0x580, v20  }
0xc6: {  	v21 =	vsel vm11, $0x581, v21;
	v22 =	vsel vm11, $0x582, v22;
	v23 =	vsel vm11, $0x583, v23  }
0xc7: {  	v24 =	vsel vm11, $0x584, v24;
	v25 =	vsel vm11, $0x585, v25;
	v26 =	vsel vm11, $0x586, v26  }
0xc8: {  	v27 =	vsel vm11, $0x587, v27;
	v28 =	vsel vm11, $0x588, v28;
	v29 =	vsel vm11, $0x589, v29  }
0xc9: {  	v30 =	vsel vm11, $0x58A, v30;
	v31 =	vsel vm11, $0xD8C, v31;
	v32 =	vsel vm11, $0xD8D, v32  }
0xca: {  	v33 =	vsel vm11, $0xD8E, v33;
	v35 =	vsel vm11, $0xD80, v35;
	v36 =	vsel vm11, $0xD81, v36  }
0xcb: {  	v38 =	vsel vm11, $0xD83, v38;
	v43 =	vsel vm11, $0xD88, v43;
	v45 =	vsel vm11, $0xD8A, v45  }
0xcc: {  	v55 =	vunpack.c.0.s8.s32 v3;
	v15 =	vsel vm6, $0x184, v15;
	v17 =	vsel vm6, $0x206, v17  }
0xcd: {  	v19 =	vsel vm6, $0x208, v19;
	v59 =	vsel vm11, $0x18B, v47;
	v11 =	vsel vm11, $0x10B, v11  }
0xce: {  	v12 =	vsel vm11, $0x12B, v12;
	v6 =	vsel vm13, $0x10C, v6;
	v50 =	vsel vm13, $0x60D, v62  }
0xcf: {  	v52 =	vsel vm13, $0x60F, v18;
	v20 =	vsel vm13, $0x601, v20;
	v21 =	vsel vm13, $0x602, v21  }
0xd0: {  	v22 =	vsel vm13, $0x603, v22;
	v24 =	vsel vm13, $0x605, v24;
	v43 =	vsel vm13, $0xE09, v43  }
0xd1: {  	v45 =	vsel vm13, $0xE0B, v45;
	v15 =	vsel vm5, $0x1A5, v15;
	v17 =	vsel vm5, $0x287, v17  }
0xd2: {  	v19 =	vsel vm5, $0x289, v19;
	v8 =	vunpack.c.0.s8.s32 v56;
	v11 =	vsel vm13, $0x12C, v11  }
0xd3: {  	v12 =	vsel vm13, $0x14C, v12;
	v50 =	vsel vm14, $0x68E, v50;
	v52 =	vsel vm14, $0x680, v52  }
0xd4: {  	v62 =	vsel vm14, $0x684, v22;
	v16 =	vsel vm14, $0x686, v24;
	v3 =	vsel vm14, $0xE8A, v43  }
0xd5: {  	v24 =	vsel vm14, $0xE8C, v45;
	v48 =	vsel vm4, $0x1C6, v15;
	v17 =	vsel vm4, $0x308, v17  }
0xd6: {  	v19 =	vsel vm4, $0x30A, v19;
	v15 =	vsel vm3, $0x147, v46;
	v46 =	vsel vm13, $0x1AC, v59  }
0xd7: {  	v58 =	vsel vm14, $0x14D, v11;
	v59 =	vsel vm14, $0x16D, v12;
	v11 =	vimm.s32 $0xFEDCBA98  }
0xd8: {  	v5 =	vsel vm3, $0x1E7, v48;
	v17 =	vsel vm3, $0x389, v17;
	v19 =	vsel vm3, $0x38B, v19  }
0xd9: {  	v48 =	vsel vm1, $0x169, v53;
	v63 =	vcombine.low v8, v9;
	v46 =	vsel vm14, $0x1CD, v46  }
0xda: {  	v11 =	vunpack.c.l.s4.s8 v11;
	v54 =	vsel vm2, $0x40A, v17;
	v19 =	vsel vm2, $0x40C, v19  }
0xdb: {  	v60 =	vsel vm12, $0x18A, v48;
	v48 =	vsel vm11, $0x14B, v61;
	v17 =	vimm.s32 $0x210FEDCB  }
0xdc: {  	v61 =	vsel vm14, $0x683, v21;
	v43 =	vsel vm15, $0x1EE, v46;
	v49 =	vsel vm1, $0x48B, v54  }
0xdd: {  	v46 =	vld [tilespmem:$0x1FC30];
	v19 =	vsel vm1, $0x48D, v19;
	v47 =	vsel vm11, $0x1AB, v60;
	v54 =	vimm.s32 $0xA9876543  }
0xde: {  	v51 =	vunpack.c.l.s4.s8 v17;
	v60 =	vsel vm14, $0x682, v20;
	v11 =	vunpack.c.0.s8.s32 v11  }
0xdf: {  	[tilespmem:$0x1FC20] =	vst v43;
	v20 =	vcombine.low v14, v4;
	v43 =	vimm.s32 $0x543210FE;
	v19 =	vsel vm12, $0x50E, v19  }
0xe0: {  	v49 =	vsel vm12, $0x50C, v49;
	v47 =	vsel vm13, $0x1CC, v47;
	v19 =	vsel vm11, $0x58F, v19  }
0xe1: {  	v54 =	vunpack.c.l.s4.s8 v54;
	v49 =	vsel vm11, $0x58D, v49;
	v53 =	vsel vm13, $0x600, v19  }
0xe2: {  	v19 =	vunpack.c.l.s4.s8 v13;
	v0 =	vcombine.low v15, v46;
	v15 =	vunpack.c.l.s4.s8 v1  }
0xe3: {  	v47 =	vsel vm14, $0x1ED, v47;
	v18 =	vunpack.c.0.s8.s32 v51;
	v11 =	vand.u32 $0xF, v11  }
0xe4: {  	v56 =	vunpack.c.0.s8.s32 v19;
	[tilespmem:$0x1FC40] =	vst v0;
	v0 =	vimm.s32 $0x76543210;
	v46 =	vunpack.c.0.s8.s32 v15;
	v15 =	vld [tilespmem:$0x1FC70]  }
0xe5: {  	[tilespmem:$0x1FC50] =	vst v20;
	v20 =	vcombine.low v9, v8;
	v19 =	vunpack.c.0.s8.s32 v54;
	v12 =	vunpack.c.l.s4.s8 v0  }
0xe6: {  	[tilespmem:$0x1FD50] =	vst v63;
	v9 =	vimm.s32 $0x6543210F;
	v14 =	vsel vm15, $0xE, v47;
	v22 =	vcombine.low v56, v55  }
0xe7: {  	v8 =	vsel vm15, $0x16E, v58;
	[tilespmem:$0x1FC60] =	vst v14;
	v45 =	vcombine.low v19, v18;
	v21 =	vunpack.c.0.s8.s32 v12  }
0xe8: {  	v49 =	vsel vm13, $0x60E, v49;
	v13 =	vsel vm14, $0x10D, v57;
	v57 =	vsel vm14, $0x12D, v6;
	[tilespmem:$0x1FD70] =	vst v22  }
0xe9: {  	s6 =	rddreg [dreg:$0x0];
	s5 =	simm.s32 $0x0;
	[tilespmem:$0x1FD90] =	vst v45;
	v0 =	vcombine.low v11, v21;
	v11 =	vunpack.c.l.s4.s8 v43;
	v43 =	vsel vm15, $0x8E, v15  }
0xea: {  	[smem:$0x7FF] =	sst s5;
	v49 =	vsel vm14, $0x68F, v49;
	v14 =	vcombine.low v5, v7;
	v54 =	vsel vm14, $0x8D, v2;
	[tilespmem:$0x1FC80] =	vst v43  }
0xeb: {  	s7 =	rddreg [dreg:$0x2];
	v7 =	vsel vm15, $0xAE, v54;
	v54 =	vsel vm15, $0x70F, v50;
	v17 =	vcombine.low v55, v56;
	_ =	strace $0x80000047;
	[tilespmem:$0x1FC90] =	vst v8  }
0xec: {  	v55 =	vunpack.c.l.s4.s8 v9;
	v9 =	vsel vm15, $0x14E, v57;
	v57 =	vsel vm15, $0x700, v49;
	[tilespmem:$0x1FCB0] =	vst v54  }
0xed: {  	v39 =	vsel vm11, $0xD84, v39;
	v40 =	vsel vm11, $0xD85, v40;
	v58 =	vsel vm15, $0x701, v52;
	[tilespmem:$0x1FCC0] =	vst v57  }
0xee: {  	v44 =	vsel vm11, $0xD89, v44;
	v26 =	vsel vm13, $0x607, v26;
	v60 =	vsel vm15, $0x703, v60;
	[tilespmem:$0x1FCD0] =	vst v58  }
0xef: {  	v29 =	vsel vm13, $0x60A, v29;
	v61 =	vsel vm15, $0x704, v61;
	v45 =	vimm.s32 $0xDCBA9876;
	[tilespmem:$0x1FCF0] =	vst v60  }
0xf0: {  	v32 =	vsel vm13, $0xE0E, v32;
	v62 =	vsel vm15, $0x705, v62;
	v1 =	vunpack.c.l.s4.s8 v45;
	[tilespmem:$0x1FD00] =	vst v61  }
0xf1: {  	v30 =	vsel vm13, $0x60B, v30;
	v32 =	vsel vm14, $0xE8F, v32;
	v16 =	vsel vm15, $0x707, v16;
	[tilespmem:$0x1FD10] =	vst v62  }
0xf2: {  	v26 =	vsel vm14, $0x688, v26;
	v5 =	vunpack.c.0.s8.s32 v1;
	v1 =	vsel vm15, $0xF00, v32;
	[tilespmem:$0x1FD30] =	vst v16  }
0xf3: {  	v29 =	vsel vm14, $0x68B, v29;
	v45 =	vsel vm15, $0x12E, v13;
	v13 =	vsel vm15, $0x709, v26;
	[tilespmem:$0x1FD40] =	vst v1  }
0xf4: {  	v35 =	vsel vm13, $0xE01, v35;
	v30 =	vsel vm14, $0x68C, v30;
	v50 =	vsel vm15, $0x70C, v29;
	[tilespmem:$0x1FDC0] =	vst v13  }
0xf5: {  	v36 =	vsel vm13, $0xE02, v36;
	v35 =	vsel vm14, $0xE82, v35;
	v4 =	vsel vm15, $0x70D, v30;
	[tilespmem:$0x1FDF0] =	vst v50  }
0xf6: {  	v38 =	vsel vm13, $0xE04, v38;
	v36 =	vsel vm14, $0xE83, v36;
	v30 =	vsel vm15, $0xF03, v35;
	[tilespmem:$0x1FE00] =	vst v4  }
0xf7: {  	v39 =	vsel vm13, $0xE05, v39;
	v38 =	vsel vm14, $0xE85, v38;
	v32 =	vsel vm15, $0xF04, v36;
	[tilespmem:$0x1FE40] =	vst v30  }
0xf8: {  	v40 =	vsel vm13, $0xE06, v40;
	v39 =	vsel vm14, $0xE86, v39;
	v29 =	vsel vm15, $0xF06, v38;
	[tilespmem:$0x1FE50] =	vst v32  }
0xf9: {  	v44 =	vsel vm13, $0xE0A, v44;
	v40 =	vsel vm14, $0xE87, v40;
	v39 =	vsel vm15, $0xF07, v39;
	[tilespmem:$0x1FE70] =	vst v29  }
0xfa: {  	v34 =	vsel vm11, $0xD8F, v34;
	v44 =	vsel vm14, $0xE8B, v44;
	v43 =	vsel vm15, $0xF08, v40;
	[tilespmem:$0x1FE80] =	vst v39  }
0xfb: {  	v37 =	vsel vm11, $0xD82, v37;
	v41 =	vsel vm11, $0xD86, v41;
	v12 =	vsel vm15, $0xF0C, v44;
	[tilespmem:$0x1FE90] =	vst v43  }
0xfc: {  	v42 =	vsel vm11, $0xD87, v42;
	v23 =	vsel vm13, $0x604, v23;
	v49 =	vmovc v14;
	v14 =	vsel vm15, $0xF0D, v24;
	[tilespmem:$0x1FED0] =	vst v12  }
0xfd: {  	v25 =	vsel vm13, $0x606, v25;
	v27 =	vsel vm13, $0x608, v27;
	v28 =	vsel vm13, $0x609, v28;
	[tilespmem:$0x1FEE0] =	vst v14  }
0xfe: {  	v31 =	vsel vm13, $0xE0D, v31;
	v33 =	vsel vm13, $0xE0F, v33;
	v44 =	vand.u32 $0xF, v17;
	[tilespmem:$0x1FF30] =	vst v10  }
0xff: {  	v34 =	vsel vm13, $0xE00, v34;
	v37 =	vsel vm13, $0xE03, v37;
	v42 =	vsel vm13, $0xE08, v42;
	[tilespmem:$0x1FF40] =	vst v44  }
0x100: {  	v25 =	vsel vm14, $0x687, v25;
	v53 =	vsel vm14, $0x681, v53;
	v8 =	vsel vm15, $0x18E, v59;
	[tilespmem:$0x1FFD0] =	vst v9  }
0x101: {  	v27 =	vsel vm14, $0x689, v27;
	v63 =	vsel vm14, $0x685, v23;
	v59 =	vsel vm15, $0x702, v53;
	[tilespmem:$0x1FCA0] =	vst v8  }
0x102: {  	v28 =	vsel vm14, $0x68A, v28;
	v51 =	vimm.s32 $0x3210FEDC;
	v62 =	vmovc v0;
	v0 =	vsel vm15, $0x706, v63;
	[tilespmem:$0x1FCE0] =	vst v59  }
0x103: {  	v31 =	vsel vm14, $0xE8E, v31;
	v23 =	vunpack.c.l.s4.s8 v51;
	v63 =	vsel vm15, $0x708, v25;
	[tilespmem:$0x1FD20] =	vst v0  }
0x104: {  	v34 =	vsel vm14, $0xE81, v34;
	v2 =	vimm.s32 $0xCBA98765;
	v60 =	vsel vm15, $0x70B, v28;
	[tilespmem:$0x1FDB0] =	vst v63  }
0x105: {  	s0 =	srdreg.scid;
	s9 =	stileid.u32;
	s28 =	simm.s32 $0x2000;
	v22 =	vunpack.c.0.s8.s32 v23;
	v23 =	vunpack.c.l.s4.s8 v2;
	v54 =	vsel vm15, $0xF0F, v31;
	[tilespmem:$0x1FDE0] =	vst v60  }
0x106: {  	s29 =	simm.s32 $0x3000;
	s0 =	sand.u32 $0x1, s0;
	s1 =	sshll.u32 s9, $0x1;
	v37 =	vsel vm14, $0xE84, v37;
	v51 =	vimm.s32 $0xBA987654;
	v28 =	vsel vm15, $0xF02, v34;
	[tilespmem:$0x1FE10] =	vst v54  }
0x107: {  	s8 =	sadd.s32 $0x80, s6;
	s12 =	sadd.s32 $0x180, s6;
	s1 =	sor.u32 s0, s1;
	v6 =	vunpack.c.l.s4.s8 v51;
	v51 =	vunpack.c.0.s8.s32 v23;
	v31 =	vsel vm15, $0xF05, v37;
	[tilespmem:$0x1FE30] =	vst v28  }
0x108: {  	s10 =	sadd.s32 $0x100, s6;
	s16 =	sadd.s32 $0x200, s6;
	s3 =	smul.u32 $0x7A00, s1;
	v33 =	vsel vm14, $0xE80, v33;
	v42 =	vsel vm14, $0xE89, v42;
	v37 =	vsel vm15, $0xF0B, v3;
	[tilespmem:$0x1FE60] =	vst v31  }
0x109: {  	p1 =	sgt.u32 s9, $0x1;
	s2 =	ssub.s32 $0x2, s0;
	s22 =	smul.u32 $0x3D000, s1;
	v21 =	vcombine.low v51, v46;
	v25 =	vcombine.low v46, v51;
	v46 =	vand.u32 $0xF, v20;
	[tilespmem:$0x1FEC0] =	vst v37  }
0x10a: {  	s21 =	sshrl.u32 s2, $0x1;
	s11 =	smul.u32 $0xF4, s1;
	s4 =	sadd.s32 s6, s3;
	v48 =	vsel vm13, $0x16C, v48;
	v47 =	vunpack.c.0.s8.s32 v11;
	v11 =	vimm.s32 $0xEDCBA987;
	[tilespmem:$0x1FF50] =	vst v46  }
0x10b: {  	s0 =	ssub.s32 s2, s21;
	s23 =	sadd.s32 s3, s8;
	[dreg:$0x4] =	wrdreg s4;
	v56 =	vunpack.c.l.s4.s8 v11;
	v11 =	vsel vm15, $0x70A, v27;
	v27 =	vsel vm15, $0xF01, v33;
	[tilespmem:$0x1FFF0] =	vst v62  }
0x10c: {  	s2 =	sshrl.u32 s22, $0x3;
	s24 =	sadd.s32 s3, s10;
	v48 =	vsel vm14, $0x18D, v48;
	v40 =	vcombine.low v18, v19;
	[dreg:$0x5] =	wrdreg s23;
	v33 =	vsel vm15, $0xF0A, v42;
	[tilespmem:$0x1FE20] =	vst v27  }
0x10d: {  	s3 =	sadd.s32 s3, s12;
	s2 =	sadd.s32 s6, s2;
	v41 =	vsel vm13, $0xE07, v41;
	[dreg:$0x6] =	wrdreg s24;
	v8 =	vsel vm15, $0x1AE, v48;
	[tilespmem:$0x1FEB0] =	vst v33  }
0x10e: {  	s26 =	sadd.s32 $0xEE, s11;
	s25 =	sadd.s32 $0x200, s2;
	v2 =	vunpack.c.0.s8.s32 v6;
	[dreg:$0x7] =	wrdreg s3;
	v53 =	vlaneseq.u32;
	v51 =	vand.u32 $0xF, v40;
	[tilespmem:$0x1FF20] =	vst v8  }
0x10f: {  	s15 =	sshll.u32 s26, $0x7;
	s14 =	sadd.s32 $0x280, s2;
	v41 =	vsel vm14, $0xE88, v41;
	[dreg:$0x8] =	wrdreg s25;
	v48 =	vmul.u32 $0x80, v53;
	v38 =	vmov v11;
	[tilespmem:$0x1FFC0] =	vst v51  }
0x110: {  	s30 =	sadd.s32 $0x280, s6;
	s13 =	sadd.s32 s6, s15;
	v52 =	vunpack.c.0.s8.s32 v55;
	v23 =	vcombine.low v2, v22;
	v22 =	vcombine.low v22, v2;
	[dreg:$0x9] =	wrdreg s14;
	v55 =	vld [tilespmem:$0x1FD50];
	[tilespmem:$0x1FDD0] =	vst v38  }
0x111: {  	s31 =	sadd.s32 $0x300, s6;
	s17 =	sadd.s32 s15, s8;
	[dreg:$0xa] =	wrdreg s13;
	v58 =	vld [tilespmem:$0x1FD70];
	v24 =	vunpack.c.0.s8.s32 v56;
	[tilespmem:$0x1FF90] =	vst v48;
	v11 =	vmovc v45;
	v45 =	vsel vm15, $0xF09, v41;
	v41 =	vcombine.low v5, v47  }
0x112: {  	p0 =	sne.s32 s1, $0x4;
	s18 =	sadd.s32 s15, s10;
	[dreg:$0xb] =	wrdreg s17;
	v5 =	vcombine.low v47, v5;
	v47 =	vmul.u32 $0x21, v53;
	v53 =	vand.u32 $0xF, v21;
	[tilespmem:$0x1FEA0] =	vst v45  }
0x113: {  	s1 =	sor.u32 $0x1E80, s1;
	s19 =	sadd.s32 s15, s12;
	[dreg:$0xc] =	wrdreg s18;
	[tilespmem:$0x1FF10] =	vst v53  }
0x114: {  	s22 =	sshll.u32 s1, $0x7;
	s20 =	sadd.s32 $0x300, s2;
	[dreg:$0xd] =	wrdreg s19;
	v61 =	vld [tilespmem:$0x1FD90];
	v26 =	vcombine.low v24, v52;
	v19 =	vcombine.low v52, v24;
	v52 =	vand.u32 $0xF, v22;
	[tilespmem:$0x1FEF0] =	vst v47  }
0x115: {  	s1 =	sshll.u32 s1, $0x9;
	s2 =	sadd.s32 $0x7980, s2;
	[dreg:$0xf] =	wrdreg s20;
	v57 =	vand.u32 $0xF, v55;
	[tilespmem:$0x1FF60] =	vst v52  }
0x116: {  	s0 =	smax.u32 s0, $0x1;
	s1 =	sadd.s32 s7, s1;
	[dreg:$0x10] =	wrdreg s2;
	v59 =	vand.u32 $0xF, v58;
	[tilespmem:$0x1FD60] =	vst v57  }
0x117: {  	s21 =	sshll.u32 s26, $0x9;
	s26 =	sadd.s32 $0xE, s11;
	[dreg:$0x13] =	wrdreg s1;
	v5 =	vand.u32 $0xF, v5;
	[tilespmem:$0x1FD80] =	vst v59  }
0x118: {  	s4 =	sadd.s32 s15, s16;
	s2 =	sadd.s32 s7, s21;
	[dreg:$0x14] =	wrdreg s0;
	v36 =	vand.u32 $0xF, v41;
	[tilespmem:$0x1FDA0] =	vst v5  }
0x119: {  	s23 =	sadd.s32 s6, s22;
	s24 =	sadd.s32 $0x7, s11;
	[dreg:$0x17] =	wrdreg s26;
	v24 =	vand.u32 $0xF, v61;
	[tilespmem:$0x1FFA0] =	vst v36  }
.Ltmp0:
0x11a: {  	s25 =	sadd.s32 $0x3D0800, s7;
	[dreg:$0xe] =	wrdreg s4;
	v57 =	vand.u32 $0xF, v23;
	[tilespmem:$0x1FFE0] =	vst v24;
	(pc) =	sbr.rel .LBB2_1-.Ltmp0, $4  }
0x11b: {  	s3 =	smov.u32 s11;
	s1 =	simm.s32 $0x400;
	[dreg:$0x11] =	wrdreg s2;
	v59 =	vand.u32 $0xF, v25;
	[tilespmem:$0x1FF00] =	vst v57  }
0x11c: {  	s26 =	simm.s32 $0x1000;
	s14 =	simm.s32 $0x1;
	[dreg:$0x12] =	wrdreg s23;
	v58 =	vand.u32 $0xF, v19;
	[tilespmem:$0x1FF70] =	vst v59  }
0x11d: {  	s11 =	simm.s32 $0xE000;
	s13 =	simm.s32 $0x2;
	[dreg:$0x15] =	wrdreg s24;
	v34 =	vand.u32 $0xF, v26;
	[tilespmem:$0x1FF80] =	vst v58  }
0x11e: {  	s7 =	simm.s32 $0x0;
	[dreg:$0x16] =	wrdreg s25;
	s25 =	simm.s32 $0x7A1400;
	v56 =	vmov v7;
	[tilespmem:$0x1FFB0] =	vst v34  }
.LBB2_13:
0x11f: {  	s0 =	simm.s32 @!p0 $0x0;
	s2 =	simm.s32 @!p0 $0xE000;
	s4 =	rddreg [dreg:$0x1]  }
0x120: {  	[tilespmem:s2], [sflag:$0x5] =	stream.linear.gather @!p0 [hbm4b:s4+s0], $0x800, $0x38;
	[tilespmem:$0x1C000] =	vst v63  }
0x121: {  	s4 =	simm.s32 @!p0 $0x5  }
0x122: {  	_ =	swait.ge @!p0 [sflag:s4], $0x800  }
0x123: {  	[sflag:s4] =	ssyncset.done @!p0 $0x0  }
0x124: {  	s6 =	rddreg [dreg:$0x16];
	[sflag:s4] =	ssyncadd.s32 @!p0 $0xFFFFF800  }
0x125: {  	[hbm4b:s6+s0] =	stream.linear.scatter @!p0 [tilespmem:s2], [sflag:$0x5], $0x800, $0x38;
	[tilespmem:$0x1C000] =	vst v63  }
0x126: {  	_ =	swait.ge @!p0 [sflag:s4], $0x800  }
0x127: {  	s7 =	sadd.s32 $0x1, s7;
	s24 =	rddreg [dreg:$0x14];
	v47 =	vld [tilespmem:$0x1FEF0]  }
0x128: {  	v48 =	vld [tilespmem:$0x1FF90];
	p2 =	sne.s32 s7, s24  }
.Ltmp1:
0x129: {  	v34 =	vld [tilespmem:$0x1FFB0];
	(pc) =	sbr.rel @!p2 .LBB2_14-.Ltmp1, $4  }
0x12a: {  	v44 =	vld [tilespmem:$0x1FF40]  }
0x12b: {  	v51 =	vld [tilespmem:$0x1FFC0]  }
0x12c: {  	[sflag:s4] =	ssyncset.done @!p0 $0x0;
	v59 =	vld [tilespmem:$0x1FF70]  }
0x12d: {  	v53 =	vld [tilespmem:$0x1FF10];
	[sflag:s4] =	ssyncadd.s32 @!p0 $0xFFFFF800  }
.LBB2_1:
0x12e: {  	[dreg:$0x18] =	wrdreg s7  }
0x12f: {  	s0 =	rddreg [dreg:$0x4]  }
0x130: {  	[tilespmem:s5], [sflag:$0x1] =	stream.strided.gather [hbm4b:s0+s1], $0x1000, s25, s1, $0x38;
	[tilespmem:$0x1C000] =	vst v63  }
0x131: {  	s19 =	rddreg [dreg:$0x5]  }
0x132: {  	[tilespmem:s26], [sflag:$0x1] =	stream.strided.gather [hbm4b:s19+s1], $0x1000, s25, s1, $0x38;
	[tilespmem:$0x1C000] =	vst v63  }
0x133: {  	s20 =	rddreg [dreg:$0x6]  }
0x134: {  	[tilespmem:s28], [sflag:$0x1] =	stream.strided.gather [hbm4b:s20+s1], $0x1000, s25, s1, $0x38;
	[tilespmem:$0x1C000] =	vst v63  }
0x135: {  	s21 =	rddreg [dreg:$0x7]  }
0x136: {  	[tilespmem:s29], [sflag:$0x1] =	stream.strided.gather [hbm4b:s21+s1], $0x1000, s25, s1, $0x38;
	[tilespmem:$0x1C000] =	vst v63  }
0x137: {  	s22 =	rddreg [dreg:$0x8];
	s2 =	simm.s32 $0x4000  }
0x138: {  	[tilespmem:s2], [sflag:$0x1] =	stream.strided.gather [hbm4b:s22+s1], $0x1000, s25, s1, $0x38;
	[tilespmem:$0x1C000] =	vst v63  }
0x139: {  	s23 =	rddreg [dreg:$0x9];
	s24 =	simm.s32 $0x5000  }
0x13a: {  	v60 =	vld [tilespmem:$0x1FD60];
	[tilespmem:s24], [sflag:$0x1] =	stream.strided.gather [hbm4b:s23+s1], $0x1000, s25, s1, $0x38  }
0x13b: {  	v61 =	vld [tilespmem:$0x1FDA0];
	s26 =	rddreg [dreg:$0xf];
	s28 =	simm.s32 $0x0;
	s29 =	simm.s32 $0x6000  }
0x13c: {  	v8 =	vld [tilespmem:$0x1FC80];
	[tilespmem:s29], [sflag:$0x1] =	stream.strided.gather [hbm4b:s26+s1], $0x1000, s25, s1, $0x38  }
.LBB2_2:
0x13d: {  	_ =	swait.ge [sflag:s14], $0x1000  }
0x13e: {  	[sflag:s14] =	ssyncset.done $0x0  }
0x13f: {  	[sflag:s14] =	ssyncadd.s32 $0xFFFFF000  }
0x140: {  	_ =	swait.ge [sflag:s14], $0x1000  }
0x141: {  	[sflag:s14] =	ssyncset.done $0x0  }
0x142: {  	[sflag:s14] =	ssyncadd.s32 $0xFFFFF000  }
0x143: {  	_ =	swait.ge [sflag:s14], $0x1000  }
0x144: {  	[sflag:s14] =	ssyncset.done $0x0  }
0x145: {  	[sflag:s14] =	ssyncadd.s32 $0xFFFFF000  }
0x146: {  	_ =	swait.ge [sflag:s14], $0x1000  }
0x147: {  	[sflag:s14] =	ssyncset.done $0x0  }
0x148: {  	[sflag:s14] =	ssyncadd.s32 $0xFFFFF000  }
0x149: {  	_ =	swait.ge [sflag:s14], $0x1000  }
0x14a: {  	[sflag:s14] =	ssyncset.done $0x0  }
0x14b: {  	[sflag:s14] =	ssyncadd.s32 $0xFFFFF000  }
0x14c: {  	_ =	swait.ge [sflag:s14], $0x1000  }
0x14d: {  	[sflag:s14] =	ssyncset.done $0x0  }
0x14e: {  	s21 =	smul.u32 $0xE, s28;
	[sflag:s14] =	ssyncadd.s32 $0xFFFFF000  }
0x14f: {  	s0 =	rddreg [dreg:$0x15];
	_ =	swait.ge [sflag:s14], $0x1000  }
0x150: {  	s4 =	sadd.s32 s21, s0;
	[sflag:s14] =	ssyncset.done $0x0  }
0x151: {  	s0 =	sshll.u32 s4, $0x7;
	[sflag:s14] =	ssyncadd.s32 $0xFFFFF000  }
0x152: {  	s2 =	sand.u32 $0x1FFFFF80, s0;
	s6 =	rddreg [dreg:$0x0]  }
0x153: {  	s17 =	simm.s32 $0x7000;
	s2 =	sadd.s32 s6, s2  }
0x154: {  	[tilespmem:s17], [sflag:$0x2] =	stream.strided.gather [hbm4b:s2+s1], $0x1000, s25, s1, $0x38;
	[tilespmem:$0x1C000] =	vst v63  }
0x155: {  	s19 =	simm.s32 $0x8000;
	s18 =	sadd.s32 s0, s8  }
0x156: {  	[tilespmem:s19], [sflag:$0x2] =	stream.strided.gather [hbm4b:s18+s1], $0x1000, s25, s1, $0x38;
	[tilespmem:$0x1C000] =	vst v63  }
0x157: {  	s22 =	simm.s32 $0x9000;
	s20 =	sadd.s32 s0, s10  }
0x158: {  	[tilespmem:s22], [sflag:$0x2] =	stream.strided.gather [hbm4b:s20+s1], $0x1000, s25, s1, $0x38;
	[tilespmem:$0x1C000] =	vst v63  }
0x159: {  	s24 =	simm.s32 $0xA000;
	s29 =	simm.s32 $0xB000;
	s23 =	sadd.s32 s0, s12  }
0x15a: {  	[tilespmem:s24], [sflag:$0x2] =	stream.strided.gather [hbm4b:s23+s1], $0x1000, s25, s1, $0x38;
	[tilespmem:$0x1C000] =	vst v63  }
0x15b: {  	s15 =	simm.s32 $0x0;
	s26 =	sadd.s32 s0, s16;
	s17 =	simm.s32 $0x0  }
0x15c: {  	[tilespmem:s29], [sflag:$0x2] =	stream.strided.gather [hbm4b:s26+s1], $0x1000, s25, s1, $0x38;
	[tilespmem:$0x1C000] =	vst v63  }
0x15d: {  	s9 =	simm.s32 $0xC000;
	v5 =	vmov s15;
	s7 =	sadd.s32 s0, s30;
	s19 =	sand.u32 $0x70, s17  }
0x15e: {  	v13 =	vlaneseq.u32;
	v5 =	vshll.u32 v5, $0x7;
	[tilespmem:s9], [sflag:$0x2] =	stream.strided.gather [hbm4b:s7+s1], $0x1000, s25, s1, $0x38;
	[tilespmem:$0x1C000] =	vst v63  }
0x15f: {  	p2 =	seq.s32 s28, $0x0;
	v27 =	vor.u32 v48, v5;
	s0 =	sadd.s32 s0, s31;
	s18 =	simm.s32 $0xD000;
	v16 =	vor.u32 s19, v13  }
0x160: {  	v5 =	vor.u32 v16, v27;
	[tilespmem:s18], [sflag:$0x2] =	stream.strided.gather [hbm4b:s0+s1], $0x1000, s25, s1, $0x38;
	[tilespmem:$0x1C000] =	vst v63  }
0x161: {  	s0 =	simm.s32 @!p2 $0x3  }
0x162: {  	_ =	swait.ge @!p2 [sflag:s0], $0x7000  }
0x163: {  	s20 =	simm.s32 $0x0;
	s7 =	sshll.u32 s19, $0x5;
	[sflag:s0] =	ssyncset.done @!p2 $0x0  }
0x164: {  	[sflag:s0] =	ssyncadd.s32 @!p2 $0xFFFF9000;
	s0 =	sor.u32 s20, s7  }
0x165: {  	v5 =	vld.idx.msk [tilespmem:v5+s5+$0x0], $0xffff;
	v17 =	vor.u32 s0, v47;
	_ =	sdelay $0x3  }
0x166: {  	v18 =	vor.u32 s19, v60  }
0x167: {  	v20 =	vor.u32 v18, v27;
	[tilespmem:v17+s11+$0x0] =	vst.idx.msk $0xffff, v5  }
0x168: {  	v2 =	vld [tilespmem:$0x1FC20];
	_ =	sdelay $0x3  }
0x169: {  	v5 =	vld.idx.msk [tilespmem:v20+s5+$0x0], $0xffff  }
0x16a: {  	v7 =	vld [tilespmem:$0x1FD80];
	v17 =	vor.u32 s0, v2  }
0x16b: {  	s2 =	sor.u32 $0x10, s15  }
0x16c: {  	v19 =	vmov s2  }
0x16d: {  	v19 =	vshll.u32 v19, $0x7  }
0x16e: {  	v29 =	vor.u32 v48, v19  }
0x16f: {  	v16 =	vor.u32 v16, v29;
	s2 =	sor.u32 $0x10, s0;
	v19 =	vor.u32 s19, v7;
	[tilespmem:v17+s11+$0x0] =	vst.idx.msk $0xffff, v5  }
0x170: {  	v55 =	vmov v47;
	v21 =	vor.u32 s2, v47;
	v20 =	vor.u32 v19, v27;
	v47 =	vld [tilespmem:$0x1FC60];
	_ =	sdelay $0x3  }
0x171: {  	v16 =	vld.idx.msk [tilespmem:v16+s5+$0x0], $0xffff  }
0x172: {  	v5 =	vld.idx.msk [tilespmem:v20+s5+$0x0], $0xffff;
	v17 =	vor.u32 s0, v47;
	_ =	sdelay $0x3  }
0x173: {  	[tilespmem:v21+s11+$0x0] =	vst.idx.msk $0xffff, v16  }
0x174: {  	v18 =	vor.u32 v18, v29;
	v20 =	vor.u32 s19, v24;
	[tilespmem:v17+s11+$0x0] =	vst.idx.msk $0xffff, v5  }
0x175: {  	v22 =	vor.u32 v20, v27;
	v3 =	vld [tilespmem:$0x1FC40];
	_ =	sdelay $0x3  }
0x176: {  	v16 =	vld.idx.msk [tilespmem:v18+s5+$0x0], $0xffff;
	v18 =	vor.u32 s2, v2  }
0x177: {  	v5 =	vld.idx.msk [tilespmem:v22+s5+$0x0], $0xffff;
	v17 =	vor.u32 s0, v3;
	_ =	sdelay $0x3  }
0x178: {  	[tilespmem:v18+s11+$0x0] =	vst.idx.msk $0xffff, v16  }
0x179: {  	v19 =	vor.u32 v19, v29;
	v21 =	vor.u32 s19, v57;
	[tilespmem:v17+s11+$0x0] =	vst.idx.msk $0xffff, v5  }
0x17a: {  	v23 =	vor.u32 v21, v27;
	v4 =	vld [tilespmem:$0x1FC50]  }
0x17b: {  	s22 =	simm.s32 $0x0  }
0x17c: {  	s26 =	simm.s32 $0x10;
	v22 =	vmov s22  }
0x17d: {  	s24 =	sand.u32 $0x70, s26;
	v22 =	vshll.u32 v22, $0x7  }
0x17e: {  	v18 =	vor.u32 s24, v13;
	v16 =	vld.idx.msk [tilespmem:v19+s5+$0x0], $0xffff;
	v19 =	vor.u32 s2, v47;
	v63 =	vor.u32 v48, v22  }
0x17f: {  	v22 =	vor.u32 v18, v63;
	v5 =	vld.idx.msk [tilespmem:v23+s5+$0x0], $0xffff;
	v17 =	vor.u32 s0, v4;
	_ =	sdelay $0x1  }
0x180: {  	v20 =	vor.u32 v20, v29;
	_ =	sdelay $0x1  }
0x181: {  	s29 =	simm.s32 $0x0;
	s9 =	sshll.u32 s24, $0x5;
	[tilespmem:v19+s11+$0x0] =	vst.idx.msk $0xffff, v16  }
0x182: {  	s23 =	sor.u32 s29, s9;
	v23 =	vor.u32 s19, v53;
	v19 =	vld.idx.msk [tilespmem:v22+s5+$0x0], $0xffff;
	[tilespmem:v17+s11+$0x0] =	vst.idx.msk $0xffff, v5  }
0x183: {  	v1 =	vmovc v24;
	v25 =	vor.u32 s24, v60;
	v22 =	vor.u32 s23, v55;
	v24 =	vor.u32 v23, v27;
	v0 =	vld [tilespmem:$0x1FC00]  }
0x184: {  	s6 =	sor.u32 $0x10, s22;
	v28 =	vor.u32 v25, v63;
	v26 =	vor.u32 s2, v3;
	v20 =	vld.idx.msk [tilespmem:v20+s5+$0x0], $0xffff  }
0x185: {  	v16 =	vmov s6  }
0x186: {  	v21 =	vor.u32 v21, v29;
	v5 =	vshll.u32 v16, $0x7  }
0x187: {  	v16 =	vor.u32 v48, v5  }
0x188: {  	v30 =	vor.u32 s19, v36;
	v17 =	vld.idx.msk [tilespmem:v24+s5+$0x0], $0xffff;
	[tilespmem:v22+s11+$0x0] =	vst.idx.msk $0xffff, v19;
	v18 =	vor.u32 v18, v16;
	v24 =	vor.u32 s0, v0  }
0x189: {  	v5 =	vor.u32 v30, v27;
	[tilespmem:v26+s11+$0x0] =	vst.idx.msk $0xffff, v20;
	v20 =	vor.u32 s23, v2;
	v19 =	vld.idx.msk [tilespmem:v28+s5+$0x0], $0xffff  }
0x18a: {  	v22 =	vor.u32 s24, v7  }
0x18b: {  	v26 =	vor.u32 v22, v63;
	v21 =	vld.idx.msk [tilespmem:v21+s5+$0x0], $0xffff;
	v28 =	vor.u32 s2, v4  }
0x18c: {  	s15 =	sor.u32 $0x10, s23;
	v23 =	vor.u32 v23, v29  }
0x18d: {  	v31 =	vor.u32 s15, v55;
	v18 =	vld.idx.msk [tilespmem:v18+s5+$0x0], $0xffff;
	[tilespmem:v24+s11+$0x0] =	vst.idx.msk $0xffff, v17  }
0x18e: {  	[tilespmem:v20+s11+$0x0] =	vst.idx.msk $0xffff, v19;
	v20 =	vor.u32 v25, v16;
	v17 =	vor.u32 s0, v8;
	v24 =	vor.u32 s19, v34;
	v5 =	vld.idx.msk [tilespmem:v5+s5+$0x0], $0xffff  }
0x18f: {  	v19 =	vor.u32 v24, v27  }
0x190: {  	v33 =	vor.u32 s23, v47;
	[tilespmem:v28+s11+$0x0] =	vst.idx.msk $0xffff, v21;
	v32 =	vld.idx.msk [tilespmem:v26+s5+$0x0], $0xffff  }
0x191: {  	v12 =	vmov v34;
	v35 =	vor.u32 s2, v0;
	v23 =	vld.idx.msk [tilespmem:v23+s5+$0x0], $0xffff;
	v34 =	vor.u32 s24, v1  }
0x192: {  	v43 =	vor.u32 v30, v29;
	v21 =	vor.u32 v34, v63;
	[tilespmem:v31+s11+$0x0] =	vst.idx.msk $0xffff, v18  }
0x193: {  	v22 =	vor.u32 v22, v16;
	v26 =	vor.u32 s19, v59;
	v31 =	vor.u32 s15, v2;
	v20 =	vld.idx.msk [tilespmem:v20+s5+$0x0], $0xffff;
	[tilespmem:v17+s11+$0x0] =	vst.idx.msk $0xffff, v5  }
0x194: {  	v25 =	vor.u32 v26, v27;
	v18 =	vor.u32 s19, v62;
	v17 =	vor.u32 s0, v56;
	v5 =	vld.idx.msk [tilespmem:v19+s5+$0x0], $0xffff  }
0x195: {  	v28 =	vor.u32 v26, v29;
	v26 =	vor.u32 s19, v61;
	[tilespmem:v33+s11+$0x0] =	vst.idx.msk $0xffff, v32;
	v45 =	vor.u32 v18, v27  }
0x196: {  	v54 =	vor.u32 v26, v29;
	[tilespmem:v35+s11+$0x0] =	vst.idx.msk $0xffff, v23  }
0x197: {  	v50 =	vor.u32 s23, v3;
	v21 =	vld.idx.msk [tilespmem:v21+s5+$0x0], $0xffff;
	[tilespmem:$0x1FBF0] =	vst v54  }
0x198: {  	v37 =	vor.u32 s2, v8;
	v35 =	vld.idx.msk [tilespmem:v43+s5+$0x0], $0xffff;
	[tilespmem:v31+s11+$0x0] =	vst.idx.msk $0xffff, v20  }
0x199: {  	v38 =	vor.u32 s24, v57;
	v41 =	vor.u32 s15, v47;
	v40 =	vld.idx.msk [tilespmem:v22+s5+$0x0], $0xffff;
	[tilespmem:v17+s11+$0x0] =	vst.idx.msk $0xffff, v5  }
0x19a: {  	s9 =	simm.s32 $0x0;
	v23 =	vor.u32 v38, v63;
	v31 =	vor.u32 s0, v49;
	v20 =	vld.idx.msk [tilespmem:v45+s5+$0x0], $0xffff  }
0x19b: {  	s17 =	simm.s32 $0x20;
	v19 =	vmov s9  }
0x19c: {  	v9 =	vmov v1;
	s7 =	sand.u32 $0x70, s17;
	v1 =	vor.u32 s24, v59;
	v39 =	vshll.u32 v19, $0x7;
	[tilespmem:v50+s11+$0x0] =	vst.idx.msk $0xffff, v21  }
0x19d: {  	v24 =	vor.u32 v24, v29;
	v5 =	vor.u32 s7, v13;
	v17 =	vor.u32 v48, v39;
	[tilespmem:v37+s11+$0x0] =	vst.idx.msk $0xffff, v35  }
0x19e: {  	s6 =	sor.u32 $0x10, s9;
	v32 =	vor.u32 s19, v46;
	v33 =	vor.u32 v34, v16;
	v39 =	vor.u32 v5, v17;
	[tilespmem:v41+s11+$0x0] =	vst.idx.msk $0xffff, v40  }
0x19f: {  	v34 =	vor.u32 s23, v4;
	v19 =	vor.u32 v1, v63;
	v22 =	vmov s6;
	v23 =	vld.idx.msk [tilespmem:v23+s5+$0x0], $0xffff;
	[tilespmem:v31+s11+$0x0] =	vst.idx.msk $0xffff, v20  }
0x1a0: {  	v21 =	vor.u32 v32, v27;
	v45 =	vshll.u32 v22, $0x7;
	v22 =	vor.u32 v1, v16;
	v1 =	vld [tilespmem:$0x1FC10]  }
0x1a1: {  	s18 =	simm.s32 $0x0;
	s20 =	sshll.u32 s7, $0x5  }
0x1a2: {  	v42 =	vor.u32 s2, v56;
	s9 =	sor.u32 s18, s20;
	v24 =	vld.idx.msk [tilespmem:v24+s5+$0x0], $0xffff  }
0x1a3: {  	v35 =	vor.u32 s24, v53;
	v37 =	vor.u32 s9, v55;
	v31 =	vld.idx.msk [tilespmem:v39+s5+$0x0], $0xffff  }
0x1a4: {  	v43 =	vor.u32 v35, v63;
	[tilespmem:v34+s11+$0x0] =	vst.idx.msk $0xffff, v23;
	v23 =	vld.idx.msk [tilespmem:v33+s5+$0x0], $0xffff;
	v33 =	vor.u32 s15, v3  }
0x1a5: {  	v50 =	vor.u32 v18, v29;
	v40 =	vld.idx.msk [tilespmem:v21+s5+$0x0], $0xffff;
	v41 =	vor.u32 s0, v1  }
0x1a6: {  	v18 =	vor.u32 v48, v45  }
0x1a7: {  	v15 =	vmov v36;
	v5 =	vor.u32 v5, v18;
	v39 =	vor.u32 s7, v60;
	[tilespmem:v42+s11+$0x0] =	vst.idx.msk $0xffff, v24  }
0x1a8: {  	v14 =	vmovc v46;
	v6 =	vmov v49;
	v46 =	vor.u32 s2, v49;
	v45 =	vor.u32 v39, v17;
	[tilespmem:v37+s11+$0x0] =	vst.idx.msk $0xffff, v31  }
0x1a9: {  	v38 =	vor.u32 v38, v16;
	v42 =	vor.u32 s23, v0;
	v24 =	vld.idx.msk [tilespmem:v43+s5+$0x0], $0xffff;
	v43 =	vor.u32 s24, v15;
	[tilespmem:v33+s11+$0x0] =	vst.idx.msk $0xffff, v23  }
0x1aa: {  	v54 =	vmov v44;
	v44 =	vor.u32 s19, v44;
	v36 =	vld.idx.msk [tilespmem:v50+s5+$0x0], $0xffff;
	v49 =	vor.u32 v43, v63;
	[tilespmem:v41+s11+$0x0] =	vst.idx.msk $0xffff, v40  }
0x1ab: {  	s26 =	sor.u32 $0x10, s9;
	v34 =	vor.u32 v44, v27;
	v10 =	vld [tilespmem:$0x1FF30]  }
0x1ac: {  	v5 =	vld.idx.msk [tilespmem:v5+s5+$0x0], $0xffff;
	v50 =	vor.u32 s26, v55  }
0x1ad: {  	v32 =	vor.u32 v32, v29;
	v31 =	vor.u32 v39, v18;
	v39 =	vor.u32 s9, v2;
	v37 =	vld.idx.msk [tilespmem:v45+s5+$0x0], $0xffff  }
0x1ae: {  	v38 =	vld.idx.msk [tilespmem:v38+s5+$0x0], $0xffff;
	[tilespmem:v42+s11+$0x0] =	vst.idx.msk $0xffff, v24;
	v24 =	vor.u32 s15, v4  }
0x1af: {  	v35 =	vor.u32 v35, v16;
	v45 =	vor.u32 s23, v8;
	v40 =	vor.u32 s7, v7;
	[tilespmem:v46+s11+$0x0] =	vst.idx.msk $0xffff, v36;
	v36 =	vld.idx.msk [tilespmem:v49+s5+$0x0], $0xffff  }
0x1b0: {  	v41 =	vor.u32 s19, v51;
	v23 =	vld.idx.msk [tilespmem:v34+s5+$0x0], $0xffff;
	v34 =	vor.u32 v40, v17;
	v33 =	vor.u32 s0, v10  }
0x1b1: {  	v42 =	vor.u32 v41, v27;
	[tilespmem:v50+s11+$0x0] =	vst.idx.msk $0xffff, v5  }
0x1b2: {  	v5 =	vor.u32 s2, v1;
	[tilespmem:v39+s11+$0x0] =	vst.idx.msk $0xffff, v37;
	v32 =	vld.idx.msk [tilespmem:v32+s5+$0x0], $0xffff  }
0x1b3: {  	v50 =	vor.u32 s26, v2;
	v31 =	vld.idx.msk [tilespmem:v31+s5+$0x0], $0xffff;
	[tilespmem:v24+s11+$0x0] =	vst.idx.msk $0xffff, v38  }
0x1b4: {  	v35 =	vld.idx.msk [tilespmem:v35+s5+$0x0], $0xffff;
	[tilespmem:v45+s11+$0x0] =	vst.idx.msk $0xffff, v36;
	v36 =	vor.u32 s15, v0  }
0x1b5: {  	[tilespmem:v33+s11+$0x0] =	vst.idx.msk $0xffff, v23;
	v23 =	vld.idx.msk [tilespmem:v34+s5+$0x0], $0xffff;
	v33 =	vor.u32 s9, v47  }
0x1b6: {  	v37 =	vor.u32 v40, v18;
	v40 =	vor.u32 s0, v11;
	v38 =	vld.idx.msk [tilespmem:v42+s5+$0x0], $0xffff  }
0x1b7: {  	[tilespmem:v5+s11+$0x0] =	vst.idx.msk $0xffff, v32  }
0x1b8: {  	v46 =	vor.u32 s24, v12;
	[tilespmem:v50+s11+$0x0] =	vst.idx.msk $0xffff, v31  }
0x1b9: {  	v49 =	vor.u32 v46, v63;
	[tilespmem:v36+s11+$0x0] =	vst.idx.msk $0xffff, v35  }
0x1ba: {  	v44 =	vor.u32 v44, v29;
	v34 =	vor.u32 s7, v9;
	[tilespmem:v33+s11+$0x0] =	vst.idx.msk $0xffff, v23  }
0x1bb: {  	v39 =	vor.u32 s19, v52;
	v42 =	vor.u32 v34, v17;
	[tilespmem:v40+s11+$0x0] =	vst.idx.msk $0xffff, v38  }
0x1bc: {  	v45 =	vor.u32 v39, v27;
	v12 =	vld [tilespmem:$0x1FFD0];
	_ =	sdelay $0x1  }
0x1bd: {  	v5 =	vor.u32 s23, v56;
	v49 =	vld.idx.msk [tilespmem:v49+s5+$0x0], $0xffff  }
0x1be: {  	v43 =	vor.u32 v43, v16;
	v31 =	vor.u32 s2, v10;
	v44 =	vld.idx.msk [tilespmem:v44+s5+$0x0], $0xffff  }
0x1bf: {  	v32 =	vor.u32 s24, v62;
	v33 =	vor.u32 s9, v3;
	v23 =	vld.idx.msk [tilespmem:v42+s5+$0x0], $0xffff  }
0x1c0: {  	v50 =	vor.u32 v32, v63;
	v35 =	vld.idx.msk [tilespmem:v45+s5+$0x0], $0xffff;
	v36 =	vor.u32 s0, v12;
	_ =	sdelay $0x1  }
0x1c1: {  	v41 =	vor.u32 v41, v29;
	[tilespmem:v5+s11+$0x0] =	vst.idx.msk $0xffff, v49  }
0x1c2: {  	v43 =	vld.idx.msk [tilespmem:v43+s5+$0x0], $0xffff;
	v38 =	vor.u32 s7, v57;
	[tilespmem:v31+s11+$0x0] =	vst.idx.msk $0xffff, v44  }
0x1c3: {  	s20 =	simm.s32 $0x30;
	v42 =	vor.u32 s15, v8;
	v40 =	vor.u32 v38, v17;
	v45 =	vor.u32 v46, v16;
	[tilespmem:v33+s11+$0x0] =	vst.idx.msk $0xffff, v23  }
0x1c4: {  	s17 =	sand.u32 $0x70, s20;
	v5 =	vor.u32 v34, v18;
	v31 =	vor.u32 s23, v6;
	v34 =	vld.idx.msk [tilespmem:v50+s5+$0x0], $0xffff;
	[tilespmem:v36+s11+$0x0] =	vst.idx.msk $0xffff, v35  }
0x1c5: {  	v35 =	vor.u32 s17, v13;
	v13 =	vld [tilespmem:$0x1FC90]  }
0x1c6: {  	v49 =	vor.u32 s2, v11;
	v41 =	vld.idx.msk [tilespmem:v41+s5+$0x0], $0xffff  }
0x1c7: {  	v37 =	vld.idx.msk [tilespmem:v37+s5+$0x0], $0xffff;
	v46 =	vor.u32 s26, v47  }
0x1c8: {  	v33 =	vld.idx.msk [tilespmem:v40+s5+$0x0], $0xffff;
	v40 =	vor.u32 s9, v4;
	[tilespmem:v42+s11+$0x0] =	vst.idx.msk $0xffff, v43  }
0x1c9: {  	v44 =	vor.u32 s24, v14;
	[tilespmem:v31+s11+$0x0] =	vst.idx.msk $0xffff, v34;
	v31 =	vor.u32 s15, v56;
	v45 =	vld.idx.msk [tilespmem:v45+s5+$0x0], $0xffff  }
0x1ca: {  	s22 =	simm.s32 $0x0;
	v52 =	vor.u32 v44, v63;
	v42 =	vld.idx.msk [tilespmem:v25+s5+$0x0], $0xffff;
	v36 =	vor.u32 s0, v13  }
0x1cb: {  	v50 =	vmov s22;
	[tilespmem:v49+s11+$0x0] =	vst.idx.msk $0xffff, v41  }
0x1cc: {  	v39 =	vor.u32 v39, v29;
	v23 =	vshll.u32 v50, $0x7;
	[tilespmem:v46+s11+$0x0] =	vst.idx.msk $0xffff, v37  }
0x1cd: {  	v23 =	vor.u32 v48, v23;
	[tilespmem:v40+s11+$0x0] =	vst.idx.msk $0xffff, v33  }
0x1ce: {  	v43 =	vor.u32 v35, v23;
	[tilespmem:v31+s11+$0x0] =	vst.idx.msk $0xffff, v45  }
0x1cf: {  	s6 =	sor.u32 $0x10, s22;
	v32 =	vor.u32 v32, v16;
	v41 =	vor.u32 s23, v1;
	v34 =	vld.idx.msk [tilespmem:v52+s5+$0x0], $0xffff;
	[tilespmem:v36+s11+$0x0] =	vst.idx.msk $0xffff, v42  }
0x1d0: {  	v9 =	vmov v53;
	v53 =	vor.u32 v26, v27;
	v50 =	vmov s6;
	v14 =	vld [tilespmem:$0x1FCA0]  }
0x1d1: {  	s29 =	simm.s32 $0x0;
	s18 =	sshll.u32 s17, $0x5;
	v25 =	vshll.u32 v50, $0x7;
	v37 =	vor.u32 s7, v9;
	v46 =	vor.u32 s2, v12;
	v39 =	vld.idx.msk [tilespmem:v39+s5+$0x0], $0xffff  }
0x1d2: {  	s18 =	sor.u32 s29, s18;
	v40 =	vor.u32 s26, v3;
	v25 =	vor.u32 v48, v25;
	v33 =	vor.u32 v37, v17;
	v5 =	vld.idx.msk [tilespmem:v5+s5+$0x0], $0xffff  }
0x1d3: {  	v35 =	vor.u32 v35, v25;
	v43 =	vld.idx.msk [tilespmem:v43+s5+$0x0], $0xffff;
	v36 =	vor.u32 s18, v55  }
0x1d4: {  	v49 =	vor.u32 s24, v54;
	v32 =	vld.idx.msk [tilespmem:v32+s5+$0x0], $0xffff;
	[tilespmem:v41+s11+$0x0] =	vst.idx.msk $0xffff, v34;
	v34 =	vor.u32 s15, v6  }
0x1d5: {  	v30 =	vmovc v7;
	v7 =	vmovc v51;
	v51 =	vor.u32 s7, v59;
	v50 =	vor.u32 v49, v63;
	v31 =	vld.idx.msk [tilespmem:v53+s5+$0x0], $0xffff;
	v45 =	vor.u32 s0, v14  }
0x1d6: {  	v24 =	vor.u32 v51, v17;
	v26 =	vor.u32 v51, v18;
	v42 =	vor.u32 s17, v60;
	[tilespmem:v46+s11+$0x0] =	vst.idx.msk $0xffff, v39  }
0x1d7: {  	v51 =	vor.u32 s19, v58;
	s19 =	sor.u32 $0x10, s18;
	v33 =	vld.idx.msk [tilespmem:v33+s5+$0x0], $0xffff;
	v52 =	vor.u32 v42, v23;
	[tilespmem:v40+s11+$0x0] =	vst.idx.msk $0xffff, v5  }
0x1d8: {  	v38 =	vor.u32 v38, v18;
	v35 =	vld.idx.msk [tilespmem:v35+s5+$0x0], $0xffff;
	v53 =	vor.u32 s19, v55;
	[tilespmem:v36+s11+$0x0] =	vst.idx.msk $0xffff, v43  }
0x1d9: {  	v41 =	vor.u32 v51, v27;
	v39 =	vor.u32 s9, v0;
	v46 =	vld.idx.msk [tilespmem:v28+s5+$0x0], $0xffff;
	[tilespmem:v34+s11+$0x0] =	vst.idx.msk $0xffff, v32  }
0x1da: {  	v5 =	vor.u32 v42, v25;
	v40 =	vor.u32 s2, v13;
	v43 =	vld.idx.msk [tilespmem:v50+s5+$0x0], $0xffff;
	[tilespmem:v45+s11+$0x0] =	vst.idx.msk $0xffff, v31  }
0x1db: {  	v58 =	vor.u32 s7, v15;
	v44 =	vor.u32 v44, v16;
	v50 =	vor.u32 s23, v10;
	v15 =	vld [tilespmem:$0x1FF20]  }
0x1dc: {  	v36 =	vor.u32 v58, v17;
	v45 =	vld.idx.msk [tilespmem:v52+s5+$0x0], $0xffff;
	v52 =	vor.u32 s18, v2  }
0x1dd: {  	v38 =	vld.idx.msk [tilespmem:v38+s5+$0x0], $0xffff;
	[tilespmem:v53+s11+$0x0] =	vst.idx.msk $0xffff, v35  }
0x1de: {  	v34 =	vld.idx.msk [tilespmem:v41+s5+$0x0], $0xffff;
	v35 =	vor.u32 s17, v30;
	[tilespmem:v39+s11+$0x0] =	vst.idx.msk $0xffff, v33;
	v33 =	vor.u32 s26, v4  }
0x1df: {  	v41 =	vor.u32 s24, v7;
	v53 =	vor.u32 s19, v2;
	[tilespmem:v40+s11+$0x0] =	vst.idx.msk $0xffff, v46;
	v39 =	vor.u32 v35, v23;
	v5 =	vld.idx.msk [tilespmem:v5+s5+$0x0], $0xffff  }
0x1e0: {  	v9 =	vmov v56;
	v44 =	vld.idx.msk [tilespmem:v44+s5+$0x0], $0xffff;
	[tilespmem:v50+s11+$0x0] =	vst.idx.msk $0xffff, v43;
	v56 =	vor.u32 v41, v63;
	v42 =	vor.u32 s0, v15  }
0x1e1: {  	v54 =	vor.u32 s17, v59;
	v59 =	vor.u32 s9, v8;
	v36 =	vld.idx.msk [tilespmem:v36+s5+$0x0], $0xffff;
	[tilespmem:v52+s11+$0x0] =	vst.idx.msk $0xffff, v45  }
0x1e2: {  	v52 =	vld [tilespmem:$0x1FBF0]  }
0x1e3: {  	v35 =	vor.u32 v35, v25;
	v50 =	vld [tilespmem:$0x1FFB0];
	[tilespmem:v33+s11+$0x0] =	vst.idx.msk $0xffff, v38  }
0x1e4: {  	v21 =	vor.u32 s24, v61;
	v37 =	vor.u32 v37, v18;
	v7 =	vld.idx.msk [tilespmem:v39+s5+$0x0], $0xffff;
	[tilespmem:v53+s11+$0x0] =	vst.idx.msk $0xffff, v5  }
0x1e5: {  	v20 =	vor.u32 v21, v16;
	v28 =	vor.u32 s7, v61;
	[tilespmem:v42+s11+$0x0] =	vst.idx.msk $0xffff, v34;
	v42 =	vld.idx.msk [tilespmem:v56+s5+$0x0], $0xffff  }
0x1e6: {  	v32 =	vor.u32 s15, v1;
	v31 =	vor.u32 v54, v23;
	v30 =	vor.u32 v54, v25;
	v54 =	vld [tilespmem:$0x1FFE0];
	[tilespmem:v59+s11+$0x0] =	vst.idx.msk $0xffff, v36  }
0x1e7: {  	v27 =	vor.u32 v28, v18;
	v43 =	vor.u32 v49, v16;
	v49 =	vor.u32 s18, v47;
	v56 =	vld [tilespmem:$0x1FF60]  }
0x1e8: {  	v4 =	vor.u32 v51, v29;
	v51 =	vor.u32 s19, v47;
	v1 =	vld.idx.msk [tilespmem:v35+s5+$0x0], $0xffff;
	v50 =	vor.u32 s7, v50  }
0x1e9: {  	v2 =	vor.u32 s2, v14;
	v39 =	vor.u32 s26, v0;
	v45 =	vor.u32 v50, v17;
	v59 =	vld.idx.msk [tilespmem:v37+s5+$0x0], $0xffff  }
0x1ea: {  	v33 =	vor.u32 s19, v8;
	v38 =	vor.u32 s23, v11;
	v0 =	vor.u32 v58, v18;
	v52 =	vld.idx.msk [tilespmem:v52+s5+$0x0], $0xffff  }
0x1eb: {  	v58 =	vor.u32 s7, v62;
	v34 =	vor.u32 s26, v8;
	[tilespmem:v32+s11+$0x0] =	vst.idx.msk $0xffff, v44;
	v53 =	vor.u32 s17, v54  }
0x1ec: {  	v36 =	vor.u32 v41, v16;
	[tilespmem:v49+s11+$0x0] =	vst.idx.msk $0xffff, v7;
	v40 =	vor.u32 s24, v56;
	v56 =	vor.u32 v53, v23  }
0x1ed: {  	v41 =	vor.u32 v50, v18;
	[tilespmem:v51+s11+$0x0] =	vst.idx.msk $0xffff, v1;
	v43 =	vld.idx.msk [tilespmem:v43+s5+$0x0], $0xffff;
	v54 =	vor.u32 v40, v63  }
0x1ee: {  	v37 =	vor.u32 s2, v15;
	v50 =	vor.u32 v58, v17;
	v44 =	vor.u32 s15, v10;
	v5 =	vld.idx.msk [tilespmem:v45+s5+$0x0], $0xffff;
	[tilespmem:v39+s11+$0x0] =	vst.idx.msk $0xffff, v59  }
0x1ef: {  	v32 =	vor.u32 s17, v61;
	v49 =	vor.u32 s9, v9;
	v61 =	vor.u32 s17, v57;
	v51 =	vld.idx.msk [tilespmem:v0+s5+$0x0], $0xffff;
	[tilespmem:v2+s11+$0x0] =	vst.idx.msk $0xffff, v52  }
0x1f0: {  	v29 =	vor.u32 v32, v25;
	[tilespmem:v38+s11+$0x0] =	vst.idx.msk $0xffff, v42;
	v35 =	vor.u32 v40, v16;
	v40 =	vld.idx.msk [tilespmem:v4+s5+$0x0], $0xffff  }
0x1f1: {  	v7 =	vmovc v47;
	v42 =	vor.u32 v58, v18;
	v46 =	vor.u32 v53, v25;
	v53 =	vor.u32 s18, v3;
	v52 =	vld.idx.msk [tilespmem:v56+s5+$0x0], $0xffff  }
0x1f2: {  	s0 =	simm.s32 $0x6;
	v47 =	vmovc v55;
	v39 =	vor.u32 s23, v12;
	v45 =	vor.u32 v61, v25;
	v38 =	vld.idx.msk [tilespmem:v54+s5+$0x0], $0xffff;
	v54 =	vor.u32 v61, v23  }
.LBB2_3:
0x1f3: {  	v56 =	vld [tilespmem:$0x1FF50]  }
0x1f4: {  	s0 =	sadd.s32 $0x2, s0;
	[tilespmem:v49+s11+$0x0] =	vst.idx.msk $0xffff, v5;
	v4 =	vld [tilespmem:$0x1FC50]  }
0x1f5: {  	[tilespmem:v44+s11+$0x0] =	vst.idx.msk $0xffff, v43;
	v55 =	vor.u32 s9, v6;
	s2 =	sshrl.u32 s0, $0x4;
	v5 =	vld.idx.msk [tilespmem:v50+s5+$0x0], $0xffff  }
0x1f6: {  	v36 =	vld.idx.msk [tilespmem:v36+s5+$0x0], $0xffff;
	s29 =	sshll.u32 s2, $0x5;
	[tilespmem:v53+s11+$0x0] =	vst.idx.msk $0xffff, v52  }
0x1f7: {  	v57 =	vmov s29;
	v53 =	vld.idx.msk [tilespmem:v54+s5+$0x0], $0xffff;
	[tilespmem:v39+s11+$0x0] =	vst.idx.msk $0xffff, v38  }
0x1f8: {  	[tilespmem:v37+s11+$0x0] =	vst.idx.msk $0xffff, v40;
	v58 =	vshll.u32 v57, $0x7;
	v37 =	vld.idx.msk [tilespmem:v19+s5+$0x0], $0xffff  }
0x1f9: {  	s29 =	sor.u32 $0x10, s29;
	v39 =	vor.u32 v48, v58;
	v58 =	vld [tilespmem:$0x1FF80]  }
0x1fa: {  	v59 =	vmov s29;
	v56 =	vor.u32 s7, v56;
	[tilespmem:v55+s11+$0x0] =	vst.idx.msk $0xffff, v5;
	v55 =	vld [tilespmem:$0x1FDA0]  }
0x1fb: {  	s20 =	sadd.s32 $0x10, s20;
	v43 =	vor.u32 s15, v11;
	v2 =	vshll.u32 v59, $0x7;
	v59 =	vld [tilespmem:$0x1FF10];
	v40 =	vor.u32 v56, v17  }
0x1fc: {  	v0 =	vld [tilespmem:$0x1FF70];
	v61 =	vlaneseq.u32;
	s22 =	sand.u32 $0x70, s20;
	v54 =	vor.u32 s18, v4  }
0x1fd: {  	v3 =	vld [tilespmem:$0x1FC40];
	v50 =	vor.u32 v21, v63;
	v1 =	vor.u32 s22, v61;
	[tilespmem:v34+s11+$0x0] =	vst.idx.msk $0xffff, v51;
	v52 =	vor.u32 v56, v18  }
0x1fe: {  	v41 =	vld.idx.msk [tilespmem:v41+s5+$0x0], $0xffff;
	v51 =	vor.u32 v1, v39;
	v56 =	vor.u32 v48, v2;
	v5 =	vor.u32 s26, v9  }
0x1ff: {  	v21 =	vmovc v28;
	v28 =	vmovc v32;
	v38 =	vor.u32 v1, v56;
	v1 =	vld [tilespmem:$0x1FC10];
	v32 =	vor.u32 s22, v55;
	v55 =	vor.u32 s24, v58;
	s24 =	smov.u32 s7;
	s7 =	smov.u32 s17  }
0x200: {  	v49 =	vor.u32 s23, v13;
	[tilespmem:v43+s11+$0x0] =	vst.idx.msk $0xffff, v36;
	v40 =	vld.idx.msk [tilespmem:v40+s5+$0x0], $0xffff;
	v61 =	vor.u32 s7, v59  }
0x201: {  	[tilespmem:v54+s11+$0x0] =	vst.idx.msk $0xffff, v53;
	v53 =	vor.u32 v61, v23;
	v54 =	vor.u32 v61, v25;
	v61 =	vld [tilespmem:$0x1FF40]  }
0x202: {  	v35 =	vld.idx.msk [tilespmem:v35+s5+$0x0], $0xffff  }
0x203: {  	s2 =	sshll.u32 s2, $0xC;
	s6 =	sshll.u32 s22, $0x5;
	v46 =	vld.idx.msk [tilespmem:v46+s5+$0x0], $0xffff  }
0x204: {  	s6 =	sor.u32 s2, s6;
	s17 =	smov.u32 s22;
	[tilespmem:v5+s11+$0x0] =	vst.idx.msk $0xffff, v41;
	v43 =	vor.u32 s9, v1;
	v36 =	vld.idx.msk [tilespmem:v51+s5+$0x0], $0xffff  }
0x205: {  	[tilespmem:v49+s11+$0x0] =	vst.idx.msk $0xffff, v37;
	v37 =	vor.u32 s6, v47;
	v2 =	vor.u32 s17, v60;
	v42 =	vld.idx.msk [tilespmem:v42+s5+$0x0], $0xffff  }
0x206: {  	v44 =	vor.u32 s22, v0;
	v5 =	vld.idx.msk [tilespmem:v50+s5+$0x0], $0xffff;
	v41 =	vor.u32 v2, v39;
	v0 =	vor.u32 s24, v61  }
0x207: {  	v49 =	vor.u32 v2, v56;
	v2 =	vld [tilespmem:$0x1FFA0];
	v60 =	vor.u32 v0, v17  }
0x208: {  	v58 =	vor.u32 s15, v12;
	v50 =	vor.u32 v0, v18;
	v0 =	vld [tilespmem:$0x1FC00]  }
0x209: {  	v38 =	vld.idx.msk [tilespmem:v38+s5+$0x0], $0xffff;
	[tilespmem:v43+s11+$0x0] =	vst.idx.msk $0xffff, v40;
	v61 =	vor.u32 s23, v14  }
0x20a: {  	v59 =	vor.u32 s19, v3;
	v53 =	vld.idx.msk [tilespmem:v53+s5+$0x0], $0xffff;
	[tilespmem:v37+s11+$0x0] =	vst.idx.msk $0xffff, v36  }
0x20b: {  	s29 =	sor.u32 $0x10, s6;
	v57 =	vor.u32 v44, v39;
	v40 =	vor.u32 s26, v6;
	v41 =	vld.idx.msk [tilespmem:v41+s5+$0x0], $0xffff  }
0x20c: {  	v19 =	vmovc v24;
	v24 =	vmov v31;
	v31 =	vmov v57;
	v57 =	vor.u32 s29, v47;
	v37 =	vld.idx.msk [tilespmem:v60+s5+$0x0], $0xffff  }
0x20d: {  	[tilespmem:v58+s11+$0x0] =	vst.idx.msk $0xffff, v35;
	v43 =	vor.u32 v55, v63;
	v2 =	vor.u32 s7, v2;
	v58 =	vor.u32 s18, v0;
	v60 =	vld [tilespmem:$0x1FC20]  }
0x20e: {  	v36 =	vor.u32 v2, v23;
	[tilespmem:v61+s11+$0x0] =	vst.idx.msk $0xffff, v5;
	v61 =	vld [tilespmem:$0x1FFC0]  }
0x20f: {  	[tilespmem:v59+s11+$0x0] =	vst.idx.msk $0xffff, v46;
	v55 =	vor.u32 v55, v16;
	v16 =	vmov v18;
	v18 =	vld [tilespmem:$0x1FD80]  }
0x210: {  	v22 =	vld.idx.msk [tilespmem:v22+s5+$0x0], $0xffff;
	[tilespmem:v40+s11+$0x0] =	vst.idx.msk $0xffff, v42  }
0x211: {  	v44 =	vor.u32 v44, v56;
	v51 =	vor.u32 v32, v56;
	v35 =	vor.u32 s15, v13;
	[tilespmem:v57+s11+$0x0] =	vst.idx.msk $0xffff, v38  }
0x212: {  	v63 =	vmov v17;
	v46 =	vor.u32 s9, v10;
	v59 =	vor.u32 v2, v25;
	v40 =	vld.idx.msk [tilespmem:v43+s5+$0x0], $0xffff;
	[tilespmem:v58+s11+$0x0] =	vst.idx.msk $0xffff, v53  }
0x213: {  	v17 =	vmovc v23;
	v23 =	vmovc v39;
	v5 =	vor.u32 s6, v60;
	v43 =	vor.u32 s24, v61;
	v58 =	vor.u32 s29, v60;
	v60 =	vld.idx.msk [tilespmem:v36+s5+$0x0], $0xffff  }
0x214: {  	v39 =	vor.u32 s17, v18;
	v18 =	vmovc v25;
	v25 =	vmovc v56;
	v56 =	vor.u32 v43, v63;
	v36 =	vor.u32 v43, v16;
	v43 =	vld [tilespmem:$0x1FFB0]  }
0x215: {  	v38 =	vld.idx.msk [tilespmem:v45+s5+$0x0], $0xffff;
	v45 =	vor.u32 s23, v15;
	v42 =	vor.u32 v39, v23  }
0x216: {  	v49 =	vld.idx.msk [tilespmem:v49+s5+$0x0], $0xffff;
	v53 =	vor.u32 s19, v4  }
0x217: {  	[tilespmem:v46+s11+$0x0] =	vst.idx.msk $0xffff, v37;
	v37 =	vld [tilespmem:$0x1FF60]  }
0x218: {  	s23 =	smov.u32 s9;
	s9 =	smov.u32 s18;
	[tilespmem:v35+s11+$0x0] =	vst.idx.msk $0xffff, v22;
	v46 =	vld [tilespmem:$0x1FFE0]  }
0x219: {  	v35 =	vor.u32 v39, v25;
	v39 =	vor.u32 s9, v8;
	[tilespmem:v5+s11+$0x0] =	vst.idx.msk $0xffff, v41;
	v4 =	vor.u32 s7, v43;
	v43 =	vld.idx.msk [tilespmem:v52+s5+$0x0], $0xffff  }
0x21a: {  	v61 =	vor.u32 s26, v1;
	v42 =	vld.idx.msk [tilespmem:v42+s5+$0x0], $0xffff;
	[tilespmem:v45+s11+$0x0] =	vst.idx.msk $0xffff, v40;
	v5 =	vor.u32 v4, v17  }
0x21b: {  	v57 =	vor.u32 s15, v14;
	s18 =	smov.u32 s6;
	v52 =	vld.idx.msk [tilespmem:v20+s5+$0x0], $0xffff;
	[tilespmem:v53+s11+$0x0] =	vst.idx.msk $0xffff, v38  }
0x21c: {  	v40 =	vor.u32 s18, v7;
	v38 =	vld.idx.msk [tilespmem:v56+s5+$0x0], $0xffff;
	[tilespmem:v58+s11+$0x0] =	vst.idx.msk $0xffff, v49  }
0x21d: {  	v54 =	vld.idx.msk [tilespmem:v54+s5+$0x0], $0xffff  }
0x21e: {  	[tilespmem:v39+s11+$0x0] =	vst.idx.msk $0xffff, v60;
	v56 =	vld.idx.msk [tilespmem:v35+s5+$0x0], $0xffff  }
0x21f: {  	v1 =	vmov v62;
	v2 =	vor.u32 s17, v46;
	[tilespmem:v61+s11+$0x0] =	vst.idx.msk $0xffff, v43;
	v5 =	vld.idx.msk [tilespmem:v5+s5+$0x0], $0xffff  }
0x220: {  	v62 =	vor.u32 s24, v37;
	v45 =	vor.u32 s23, v11;
	v53 =	vor.u32 v2, v23;
	v43 =	vld.idx.msk [tilespmem:v50+s5+$0x0], $0xffff;
	[tilespmem:v57+s11+$0x0] =	vst.idx.msk $0xffff, v52  }
0x221: {  	v37 =	vor.u32 s15, v15;
	s15 =	smov.u32 s26;
	s26 =	smov.u32 s19;
	v39 =	vor.u32 s19, v0;
	v58 =	vor.u32 v62, v63;
	s19 =	smov.u32 s29;
	[tilespmem:v40+s11+$0x0] =	vst.idx.msk $0xffff, v42;
	v40 =	vld.idx.msk [tilespmem:v55+s5+$0x0], $0xffff  }
0x222: {  	v60 =	vor.u32 s19, v7;
	v55 =	vld [tilespmem:$0x1FF00]  }
0x223: {  	p2 =	slt.u32 s0, $0x6E;
	v34 =	vmovc v33;
	v33 =	vor.u32 s29, v8;
	v22 =	vmov v26;
	v26 =	vmov v30  }
.Ltmp2:
0x224: {  	v30 =	vmovc v44;
	v20 =	vmovc v27;
	v27 =	vmov v29;
	v41 =	vor.u32 v4, v18;
	v44 =	vor.u32 s15, v10;
	(pc) =	sbr.rel @p2 .LBB2_3-.Ltmp2, $4  }
0x225: {  	v46 =	vor.u32 v2, v25;
	v49 =	vor.u32 s9, v9;
	v2 =	vor.u32 s7, v1;
	v52 =	vld.idx.msk [tilespmem:v53+s5+$0x0], $0xffff;
	[tilespmem:v45+s11+$0x0] =	vst.idx.msk $0xffff, v38  }
0x226: {  	v35 =	vor.u32 v62, v16;
	v50 =	vor.u32 v2, v17;
	[tilespmem:v39+s11+$0x0] =	vst.idx.msk $0xffff, v54;
	v38 =	vld.idx.msk [tilespmem:v58+s5+$0x0], $0xffff  }
0x227: {  	v29 =	vmovc v51;
	v42 =	vor.u32 v2, v18;
	v53 =	vor.u32 s18, v3;
	[tilespmem:v60+s11+$0x0] =	vst.idx.msk $0xffff, v56;
	v60 =	vld [tilespmem:$0x1FD60];
	v57 =	vor.u32 s17, v55  }
0x228: {  	v62 =	vmovc v1;
	v39 =	vor.u32 s23, v12;
	v51 =	vld.idx.msk [tilespmem:v59+s5+$0x0], $0xffff;
	v54 =	vor.u32 v57, v23;
	v45 =	vor.u32 v57, v25  }
0x229: {  	v1 =	vld [tilespmem:$0x1FC40];
	_ =	sdelay $0x2  }
0x22a: {  	v58 =	vld [tilespmem:$0x1FFE0]  }
0x22b: {  	v57 =	vld [tilespmem:$0x1FD80];
	[tilespmem:v53+s11+$0x0] =	vst.idx.msk $0xffff, v52  }
0x22c: {  	v55 =	vor.u32 s19, v1;
	v1 =	vld [tilespmem:$0x1FC50];
	_ =	sdelay $0x2  }
0x22d: {  	v46 =	vld.idx.msk [tilespmem:v46+s5+$0x0], $0xffff  }
0x22e: {  	v52 =	vld.idx.msk [tilespmem:v54+s5+$0x0], $0xffff  }
0x22f: {  	v0 =	vld [tilespmem:$0x1FF10];
	v53 =	vor.u32 s18, v1;
	_ =	sdelay $0x3  }
0x230: {  	[tilespmem:v55+s11+$0x0] =	vst.idx.msk $0xffff, v46  }
0x231: {  	v54 =	vor.u32 s17, v0;
	v45 =	vld.idx.msk [tilespmem:v45+s5+$0x0], $0xffff;
	[tilespmem:v53+s11+$0x0] =	vst.idx.msk $0xffff, v52  }
0x232: {  	v59 =	vor.u32 v54, v23;
	v61 =	vor.u32 s19, v1;
	v0 =	vld [tilespmem:$0x1FC00]  }
0x233: {  	v54 =	vor.u32 v54, v25;
	_ =	sdelay $0x2  }
0x234: {  	v1 =	vld [tilespmem:$0x1FFA0]  }
0x235: {  	v46 =	vld.idx.msk [tilespmem:v59+s5+$0x0], $0xffff;
	[tilespmem:v61+s11+$0x0] =	vst.idx.msk $0xffff, v45;
	v52 =	vor.u32 s18, v0  }
0x236: {  	v54 =	vld.idx.msk [tilespmem:v54+s5+$0x0], $0xffff;
	v61 =	vor.u32 s19, v0;
	_ =	sdelay $0x2  }
0x237: {  	v53 =	vor.u32 s17, v1  }
0x238: {  	v45 =	vor.u32 v53, v23;
	[tilespmem:v52+s11+$0x0] =	vst.idx.msk $0xffff, v46  }
0x239: {  	v53 =	vor.u32 v53, v25;
	[tilespmem:v61+s11+$0x0] =	vst.idx.msk $0xffff, v54  }
0x23a: {  	v0 =	vld [tilespmem:$0x1FFB0];
	_ =	sdelay $0x2  }
0x23b: {  	v46 =	vor.u32 s18, v8;
	v45 =	vld.idx.msk [tilespmem:v45+s5+$0x0], $0xffff  }
0x23c: {  	v53 =	vld.idx.msk [tilespmem:v53+s5+$0x0], $0xffff  }
0x23d: {  	v52 =	vor.u32 s17, v0  }
0x23e: {  	[tilespmem:v34+s11+$0x0] =	vst.idx.msk $0xffff, v51;
	v47 =	vor.u32 v52, v23  }
0x23f: {  	[tilespmem:v49+s11+$0x0] =	vst.idx.msk $0xffff, v5;
	v52 =	vor.u32 v52, v25  }
0x240: {  	v34 =	vld.idx.msk [tilespmem:v41+s5+$0x0], $0xffff;
	[tilespmem:v46+s11+$0x0] =	vst.idx.msk $0xffff, v45  }
0x241: {  	v41 =	vor.u32 s26, v9;
	v5 =	vld.idx.msk [tilespmem:v50+s5+$0x0], $0xffff;
	[tilespmem:v33+s11+$0x0] =	vst.idx.msk $0xffff, v53  }
0x242: {  	v49 =	vor.u32 s9, v6;
	v61 =	vmov v0;
	v0 =	vld [tilespmem:$0x1FF50]  }
0x243: {  	v46 =	vor.u32 s18, v9;
	v45 =	vld.idx.msk [tilespmem:v47+s5+$0x0], $0xffff  }
0x244: {  	v53 =	vor.u32 s19, v9;
	v52 =	vld.idx.msk [tilespmem:v52+s5+$0x0], $0xffff;
	_ =	sdelay $0x1  }
0x245: {  	[tilespmem:v41+s11+$0x0] =	vst.idx.msk $0xffff, v34  }
0x246: {  	[tilespmem:v49+s11+$0x0] =	vst.idx.msk $0xffff, v5;
	v47 =	vor.u32 s17, v62  }
0x247: {  	v33 =	vor.u32 v47, v23;
	[tilespmem:v46+s11+$0x0] =	vst.idx.msk $0xffff, v45  }
0x248: {  	v55 =	vor.u32 s7, v0;
	v51 =	vor.u32 v47, v25;
	[tilespmem:v53+s11+$0x0] =	vst.idx.msk $0xffff, v52  }
0x249: {  	v59 =	vmov v1;
	v34 =	vor.u32 v55, v17;
	v1 =	vld [tilespmem:$0x1FC10]  }
0x24a: {  	v41 =	vld.idx.msk [tilespmem:v42+s5+$0x0], $0xffff  }
0x24b: {  	v42 =	vor.u32 s26, v6;
	v47 =	vor.u32 s17, v0;
	v0 =	vld [tilespmem:$0x1FF40]  }
0x24c: {  	v45 =	vor.u32 v55, v18;
	v46 =	vor.u32 s18, v6;
	v33 =	vld.idx.msk [tilespmem:v33+s5+$0x0], $0xffff  }
0x24d: {  	v52 =	vor.u32 v47, v23;
	v53 =	vor.u32 s19, v6;
	v51 =	vld.idx.msk [tilespmem:v51+s5+$0x0], $0xffff  }
0x24e: {  	v50 =	vor.u32 v47, v25;
	v5 =	vld.idx.msk [tilespmem:v34+s5+$0x0], $0xffff;
	v34 =	vor.u32 s9, v1;
	_ =	sdelay $0x1  }
0x24f: {  	[tilespmem:v42+s11+$0x0] =	vst.idx.msk $0xffff, v41;
	v55 =	vor.u32 s7, v0  }
0x250: {  	v45 =	vld.idx.msk [tilespmem:v45+s5+$0x0], $0xffff;
	[tilespmem:v46+s11+$0x0] =	vst.idx.msk $0xffff, v33;
	v41 =	vor.u32 v55, v17  }
0x251: {  	v42 =	vor.u32 s26, v1;
	[tilespmem:v53+s11+$0x0] =	vst.idx.msk $0xffff, v51;
	v46 =	vld.idx.msk [tilespmem:v52+s5+$0x0], $0xffff  }
0x252: {  	v49 =	vor.u32 s18, v1;
	v50 =	vld.idx.msk [tilespmem:v50+s5+$0x0], $0xffff;
	[tilespmem:v34+s11+$0x0] =	vst.idx.msk $0xffff, v5  }
0x253: {  	v47 =	vor.u32 s17, v0;
	v53 =	vor.u32 s19, v1;
	v33 =	vor.u32 v55, v18;
	v0 =	vld [tilespmem:$0x1FFC0]  }
0x254: {  	v51 =	vor.u32 v47, v23  }
0x255: {  	v52 =	vor.u32 v47, v25;
	v34 =	vor.u32 s9, v10;
	v5 =	vld.idx.msk [tilespmem:v41+s5+$0x0], $0xffff  }
0x256: {  	[tilespmem:v42+s11+$0x0] =	vst.idx.msk $0xffff, v45  }
0x257: {  	[tilespmem:v49+s11+$0x0] =	vst.idx.msk $0xffff, v46  }
0x258: {  	[tilespmem:v53+s11+$0x0] =	vst.idx.msk $0xffff, v50;
	v33 =	vld.idx.msk [tilespmem:v33+s5+$0x0], $0xffff;
	v55 =	vor.u32 s7, v0  }
0x259: {  	v45 =	vor.u32 s26, v10;
	[tilespmem:v44+s11+$0x0] =	vst.idx.msk $0xffff, v43;
	v46 =	vld.idx.msk [tilespmem:v51+s5+$0x0], $0xffff  }
0x25a: {  	v49 =	vor.u32 s18, v10;
	v52 =	vld.idx.msk [tilespmem:v52+s5+$0x0], $0xffff;
	[tilespmem:v34+s11+$0x0] =	vst.idx.msk $0xffff, v5;
	v42 =	vor.u32 v55, v17  }
0x25b: {  	v53 =	vor.u32 s19, v10;
	v47 =	vor.u32 s17, v0;
	v41 =	vor.u32 v55, v18;
	v55 =	vmovc v0;
	v0 =	vld [tilespmem:$0x1FF60];
	_ =	sdelay $0x1  }
0x25c: {  	v44 =	vor.u32 s15, v11;
	v36 =	vld.idx.msk [tilespmem:v36+s5+$0x0], $0xffff;
	v50 =	vor.u32 v47, v23  }
0x25d: {  	v43 =	vor.u32 v47, v25;
	[tilespmem:v45+s11+$0x0] =	vst.idx.msk $0xffff, v33  }
0x25e: {  	[tilespmem:v49+s11+$0x0] =	vst.idx.msk $0xffff, v46;
	v34 =	vld.idx.msk [tilespmem:v42+s5+$0x0], $0xffff;
	v42 =	vor.u32 s9, v11  }
0x25f: {  	v45 =	vor.u32 s26, v11;
	[tilespmem:v53+s11+$0x0] =	vst.idx.msk $0xffff, v52;
	v41 =	vld.idx.msk [tilespmem:v41+s5+$0x0], $0xffff;
	v5 =	vor.u32 s7, v0  }
0x260: {  	[tilespmem:v37+s11+$0x0] =	vst.idx.msk $0xffff, v40;
	v33 =	vor.u32 v5, v17  }
0x261: {  	[tilespmem:v44+s11+$0x0] =	vst.idx.msk $0xffff, v36;
	v49 =	vld.idx.msk [tilespmem:v50+s5+$0x0], $0xffff;
	v50 =	vor.u32 s18, v11;
	v46 =	vor.u32 s17, v0;
	v5 =	vor.u32 v5, v18  }
0x262: {  	v40 =	vor.u32 s19, v11;
	[tilespmem:v39+s11+$0x0] =	vst.idx.msk $0xffff, v38;
	v43 =	vld.idx.msk [tilespmem:v43+s5+$0x0], $0xffff;
	v37 =	vor.u32 v46, v23  }
0x263: {  	v44 =	vor.u32 s15, v12;
	v35 =	vld.idx.msk [tilespmem:v35+s5+$0x0], $0xffff;
	v36 =	vor.u32 v46, v25;
	[tilespmem:v42+s11+$0x0] =	vst.idx.msk $0xffff, v34  }
0x264: {  	v19 =	vld.idx.msk [tilespmem:v19+s5+$0x0], $0xffff;
	[tilespmem:v45+s11+$0x0] =	vst.idx.msk $0xffff, v41;
	v45 =	vor.u32 s23, v13  }
0x265: {  	v47 =	vor.u32 s9, v12;
	v33 =	vld.idx.msk [tilespmem:v33+s5+$0x0], $0xffff  }
0x266: {  	v51 =	vor.u32 s26, v12;
	[tilespmem:v50+s11+$0x0] =	vst.idx.msk $0xffff, v49;
	v5 =	vld.idx.msk [tilespmem:v5+s5+$0x0], $0xffff  }
0x267: {  	v53 =	vor.u32 s18, v12;
	[tilespmem:v40+s11+$0x0] =	vst.idx.msk $0xffff, v43;
	v37 =	vld.idx.msk [tilespmem:v37+s5+$0x0], $0xffff  }
0x268: {  	[tilespmem:v44+s11+$0x0] =	vst.idx.msk $0xffff, v35;
	v43 =	vor.u32 s19, v12;
	v36 =	vld.idx.msk [tilespmem:v36+s5+$0x0], $0xffff  }
0x269: {  	[tilespmem:v45+s11+$0x0] =	vst.idx.msk $0xffff, v19  }
0x26a: {  	[tilespmem:v47+s11+$0x0] =	vst.idx.msk $0xffff, v33  }
0x26b: {  	[tilespmem:v51+s11+$0x0] =	vst.idx.msk $0xffff, v5  }
0x26c: {  	[tilespmem:v53+s11+$0x0] =	vst.idx.msk $0xffff, v37  }
0x26d: {  	v22 =	vld.idx.msk [tilespmem:v22+s5+$0x0], $0xffff;
	[tilespmem:v43+s11+$0x0] =	vst.idx.msk $0xffff, v36  }
0x26e: {  	v21 =	vor.u32 v21, v63;
	v46 =	vor.u32 s15, v13;
	v0 =	vld [tilespmem:$0x1FF80]  }
0x26f: {  	v47 =	vor.u32 s9, v13;
	v24 =	vld.idx.msk [tilespmem:v24+s5+$0x0], $0xffff  }
0x270: {  	v5 =	vor.u32 v28, v17;
	v28 =	vor.u32 s26, v13;
	v26 =	vld.idx.msk [tilespmem:v26+s5+$0x0], $0xffff  }
0x271: {  	v49 =	vor.u32 s18, v13;
	v31 =	vld.idx.msk [tilespmem:v31+s5+$0x0], $0xffff  }
0x272: {  	v50 =	vor.u32 s19, v13;
	v19 =	vor.u32 v32, v23;
	v30 =	vld.idx.msk [tilespmem:v30+s5+$0x0], $0xffff  }
0x273: {  	v21 =	vld.idx.msk [tilespmem:v21+s5+$0x0], $0xffff;
	v53 =	vor.u32 s23, v14;
	[tilespmem:v46+s11+$0x0] =	vst.idx.msk $0xffff, v22;
	v51 =	vor.u32 s24, v0  }
0x274: {  	v39 =	vor.u32 s15, v14;
	v20 =	vld.idx.msk [tilespmem:v20+s5+$0x0], $0xffff;
	[tilespmem:v47+s11+$0x0] =	vst.idx.msk $0xffff, v24;
	v22 =	vor.u32 v51, v63  }
0x275: {  	v40 =	vor.u32 s9, v14;
	v24 =	vor.u32 s7, v0;
	[tilespmem:v28+s11+$0x0] =	vst.idx.msk $0xffff, v26;
	v16 =	vor.u32 v51, v16;
	v5 =	vld.idx.msk [tilespmem:v5+s5+$0x0], $0xffff  }
0x276: {  	v26 =	vor.u32 s26, v14;
	[tilespmem:v49+s11+$0x0] =	vst.idx.msk $0xffff, v31;
	v17 =	vor.u32 v24, v17;
	v27 =	vld.idx.msk [tilespmem:v27+s5+$0x0], $0xffff  }
0x277: {  	v28 =	vor.u32 s18, v14;
	[tilespmem:v50+s11+$0x0] =	vst.idx.msk $0xffff, v30;
	v18 =	vor.u32 v24, v18;
	v24 =	vor.u32 s17, v0;
	v19 =	vld.idx.msk [tilespmem:v19+s5+$0x0], $0xffff  }
0x278: {  	[tilespmem:v53+s11+$0x0] =	vst.idx.msk $0xffff, v21;
	v29 =	vld.idx.msk [tilespmem:v29+s5+$0x0], $0xffff;
	v21 =	vor.u32 v24, v23;
	v23 =	vor.u32 s19, v14  }
0x279: {  	v30 =	vor.u32 s23, v15;
	[tilespmem:v39+s11+$0x0] =	vst.idx.msk $0xffff, v20;
	v20 =	vor.u32 v24, v25;
	v22 =	vld.idx.msk [tilespmem:v22+s5+$0x0], $0xffff  }
0x27a: {  	v24 =	vor.u32 s15, v15;
	v16 =	vld.idx.msk [tilespmem:v16+s5+$0x0], $0xffff;
	[tilespmem:v40+s11+$0x0] =	vst.idx.msk $0xffff, v5  }
0x27b: {  	[tilespmem:v26+s11+$0x0] =	vst.idx.msk $0xffff, v27;
	v5 =	vld.idx.msk [tilespmem:v17+s5+$0x0], $0xffff;
	v17 =	vor.u32 s9, v15  }
0x27c: {  	v25 =	vor.u32 s26, v15;
	[tilespmem:v28+s11+$0x0] =	vst.idx.msk $0xffff, v19;
	v18 =	vld.idx.msk [tilespmem:v18+s5+$0x0], $0xffff  }
0x27d: {  	v19 =	vld.idx.msk [tilespmem:v21+s5+$0x0], $0xffff;
	v21 =	vor.u32 s18, v15;
	[tilespmem:v23+s11+$0x0] =	vst.idx.msk $0xffff, v29  }
0x27e: {  	v20 =	vld.idx.msk [tilespmem:v20+s5+$0x0], $0xffff;
	[tilespmem:v30+s11+$0x0] =	vst.idx.msk $0xffff, v22;
	v22 =	vor.u32 s19, v15  }
0x27f: {  	[tilespmem:v24+s11+$0x0] =	vst.idx.msk $0xffff, v16  }
0x280: {  	[tilespmem:v17+s11+$0x0] =	vst.idx.msk $0xffff, v5  }
0x281: {  	s0 =	sadd.s32 s3, s21;
	[tilespmem:v25+s11+$0x0] =	vst.idx.msk $0xffff, v18  }
0x282: {  	s2 =	rddreg [dreg:$0x2];
	s0 =	sshll.u32 s0, $0x9;
	[tilespmem:v21+s11+$0x0] =	vst.idx.msk $0xffff, v19  }
0x283: {  	s0 =	sadd.s32 s2, s0;
	[tilespmem:v22+s11+$0x0] =	vst.idx.msk $0xffff, v20  }
0x284: {  	[hbm4b:s0+s5] =	stream.linear.scatter [tilespmem:s11], [sflag:$0x3], $0x7000, $0x38;
	[tilespmem:$0x1C000] =	vst v63  }
0x285: {  	_ =	swait.ge [sflag:s13], $0x1000  }
0x286: {  	[sflag:s13] =	ssyncset.done $0x0  }
0x287: {  	[sflag:s13] =	ssyncadd.s32 $0xFFFFF000  }
0x288: {  	_ =	swait.ge [sflag:s13], $0x1000  }
0x289: {  	[sflag:s13] =	ssyncset.done $0x0  }
0x28a: {  	[sflag:s13] =	ssyncadd.s32 $0xFFFFF000  }
0x28b: {  	_ =	swait.ge [sflag:s13], $0x1000  }
0x28c: {  	[sflag:s13] =	ssyncset.done $0x0  }
0x28d: {  	[sflag:s13] =	ssyncadd.s32 $0xFFFFF000  }
0x28e: {  	_ =	swait.ge [sflag:s13], $0x1000  }
0x28f: {  	[sflag:s13] =	ssyncset.done $0x0  }
0x290: {  	[sflag:s13] =	ssyncadd.s32 $0xFFFFF000  }
0x291: {  	_ =	swait.ge [sflag:s13], $0x1000  }
0x292: {  	[sflag:s13] =	ssyncset.done $0x0  }
0x293: {  	[sflag:s13] =	ssyncadd.s32 $0xFFFFF000  }
0x294: {  	_ =	swait.ge [sflag:s13], $0x1000  }
0x295: {  	[sflag:s13] =	ssyncset.done $0x0  }
0x296: {  	[sflag:s13] =	ssyncadd.s32 $0xFFFFF000  }
0x297: {  	p2 =	seq.s32 s28, $0x10;
	s0 =	rddreg [dreg:$0x17];
	_ =	swait.ge [sflag:s13], $0x1000  }
0x298: {  	s0 =	sadd.s32 @!p2 s21, s0;
	[sflag:s13] =	ssyncset.done $0x0  }
0x299: {  	s0 =	sshll.u32 @!p2 s0, $0x7;
	[sflag:s13] =	ssyncadd.s32 $0xFFFFF000  }
0x29a: {  	s7 =	simm.s32 @!p2 $0x400;
	s2 =	sand.u32 @!p2 $0x1FFFFF00, s0;
	s6 =	rddreg [dreg:$0x0]  }
0x29b: {  	s15 =	simm.s32 @!p2 $0x0;
	s9 =	simm.s32 @!p2 $0x7A1400;
	s6 =	sadd.s32 @!p2 s6, s2  }
0x29c: {  	[tilespmem:s15], [sflag:$0x1] =	stream.strided.gather @!p2 [hbm4b:s6+s7], $0x1000, s9, s7, $0x38;
	[tilespmem:$0x1C000] =	vst v63  }
0x29d: {  	s2 =	sadd.s32 @!p2 s2, s8;
	s6 =	simm.s32 @!p2 $0x1000  }
0x29e: {  	[tilespmem:s6], [sflag:$0x1] =	stream.strided.gather @!p2 [hbm4b:s2+s7], $0x1000, s9, s7, $0x38;
	[tilespmem:$0x1C000] =	vst v63  }
0x29f: {  	s2 =	sadd.s32 @!p2 s0, s10;
	s6 =	simm.s32 @!p2 $0x2000  }
0x2a0: {  	[tilespmem:s6], [sflag:$0x1] =	stream.strided.gather @!p2 [hbm4b:s2+s7], $0x1000, s9, s7, $0x38;
	[tilespmem:$0x1C000] =	vst v63  }
0x2a1: {  	s2 =	sadd.s32 @!p2 s0, s12;
	s6 =	simm.s32 @!p2 $0x3000  }
0x2a2: {  	[tilespmem:s6], [sflag:$0x1] =	stream.strided.gather @!p2 [hbm4b:s2+s7], $0x1000, s9, s7, $0x38;
	[tilespmem:$0x1C000] =	vst v63  }
0x2a3: {  	s2 =	sadd.s32 @!p2 s0, s16;
	s6 =	simm.s32 @!p2 $0x4000  }
0x2a4: {  	[tilespmem:s6], [sflag:$0x1] =	stream.strided.gather @!p2 [hbm4b:s2+s7], $0x1000, s9, s7, $0x38;
	[tilespmem:$0x1C000] =	vst v63  }
0x2a5: {  	p3 =	seq.s32 @!p2 s28, $0x0;
	s2 =	sadd.s32 @!p2 s0, s30;
	s6 =	simm.s32 @!p2 $0x5000  }
0x2a6: {  	[tilespmem:s6], [sflag:$0x1] =	stream.strided.gather @!p2 [hbm4b:s2+s7], $0x1000, s9, s7, $0x38;
	[tilespmem:$0x1C000] =	vst v63  }
0x2a7: {  	s0 =	sadd.s32 @!p2 s0, s31;
	s2 =	simm.s32 @!p2 $0x6000;
	s6 =	simm.s32 $0xE0  }
0x2a8: {  	[tilespmem:s2], [sflag:$0x1] =	stream.strided.gather @!p2 [hbm4b:s0+s7], $0x1000, s9, s7, $0x38;
	[tilespmem:$0x1C000] =	vst v63  }
0x2a9: {  	v5 =	vmov s6;
	p2 =	por p2, !p3;
	s7 =	simm.s32 $0x0  }
0x2aa: {  	v0 =	vlaneseq.u32;
	s9 =	simm.s32 $0xF0;
	v5 =	vshll.u32 v5, $0x7;
	s0 =	simm.s32 @p2 $0x4;
	s2 =	sand.u32 $0x70, s7  }
0x2ab: {  	v17 =	vmov s9;
	v19 =	vor.u32 v48, v5;
	_ =	swait.ge @p2 [sflag:s0], $0x7000;
	v16 =	vor.u32 s2, v0  }
0x2ac: {  	v5 =	vshll.u32 v17, $0x7;
	v17 =	vor.u32 v16, v19;
	v47 =	vld [tilespmem:$0x1FEF0];
	_ =	sdelay $0x1  }
0x2ad: {  	s15 =	simm.s32 $0x0;
	s17 =	sshll.u32 s2, $0x5;
	[sflag:s0] =	ssyncset.done @p2 $0x0  }
0x2ae: {  	[sflag:s0] =	ssyncadd.s32 @p2 $0xFFFF9000;
	s0 =	sor.u32 s15, s17  }
0x2af: {  	v20 =	vor.u32 v48, v5;
	s9 =	sadd.s32 $0x7000, s0  }
0x2b0: {  	v5 =	vor.u32 v16, v20;
	v16 =	vld.idx.msk [tilespmem:v17+s5+$0x0], $0xffff;
	v18 =	vor.u32 s9, v47;
	_ =	sdelay $0x4  }
0x2b1: {  	v17 =	vor.u32 s2, v60;
	[tilespmem:v18+s11+$0x0] =	vst.idx.msk $0xffff, v16  }
0x2b2: {  	v12 =	vmov v14;
	s20 =	sadd.s32 $0x7010, s0;
	v21 =	vor.u32 v17, v19;
	v14 =	vld [tilespmem:$0x1FC20]  }
0x2b3: {  	v22 =	vor.u32 s20, v47;
	v5 =	vld.idx.msk [tilespmem:v5+s5+$0x0], $0xffff;
	_ =	sdelay $0x3  }
0x2b4: {  	v17 =	vor.u32 v17, v20;
	v16 =	vld.idx.msk [tilespmem:v21+s5+$0x0], $0xffff;
	v21 =	vor.u32 s2, v57;
	v18 =	vor.u32 s9, v14  }
0x2b5: {  	[tilespmem:v22+s11+$0x0] =	vst.idx.msk $0xffff, v5;
	v5 =	vor.u32 v21, v19;
	_ =	sdelay $0x3  }
0x2b6: {  	v17 =	vld.idx.msk [tilespmem:v17+s5+$0x0], $0xffff;
	v22 =	vor.u32 s20, v14;
	[tilespmem:v18+s11+$0x0] =	vst.idx.msk $0xffff, v16  }
0x2b7: {  	v18 =	vor.u32 s9, v7;
	v5 =	vld.idx.msk [tilespmem:v5+s5+$0x0], $0xffff;
	_ =	sdelay $0x3  }
0x2b8: {  	v21 =	vor.u32 v21, v20;
	[tilespmem:v22+s11+$0x0] =	vst.idx.msk $0xffff, v17  }
0x2b9: {  	v16 =	vor.u32 s2, v58;
	[tilespmem:v18+s11+$0x0] =	vst.idx.msk $0xffff, v5  }
0x2ba: {  	v17 =	vor.u32 v16, v19;
	v2 =	vld [tilespmem:$0x1FC40];
	_ =	sdelay $0x2  }
0x2bb: {  	v21 =	vld.idx.msk [tilespmem:v21+s5+$0x0], $0xffff  }
0x2bc: {  	v56 =	vmov v8;
	v22 =	vor.u32 s20, v7;
	v8 =	vld [tilespmem:$0x1FF00]  }
0x2bd: {  	v17 =	vld.idx.msk [tilespmem:v17+s5+$0x0], $0xffff;
	v18 =	vor.u32 s9, v2;
	_ =	sdelay $0x2  }
0x2be: {  	v16 =	vor.u32 v16, v20  }
0x2bf: {  	[tilespmem:v22+s11+$0x0] =	vst.idx.msk $0xffff, v21;
	v5 =	vor.u32 s2, v8  }
0x2c0: {  	v24 =	vor.u32 v5, v19;
	[tilespmem:v18+s11+$0x0] =	vst.idx.msk $0xffff, v17  }
0x2c1: {  	s19 =	simm.s32 $0xF0;
	v44 =	vld [tilespmem:$0x1FC50]  }
0x2c2: {  	s18 =	simm.s32 $0x10;
	v23 =	vmov s19;
	s21 =	simm.s32 $0xE0  }
0x2c3: {  	s23 =	sand.u32 $0x70, s18;
	v23 =	vshll.u32 v23, $0x7;
	v25 =	vld.idx.msk [tilespmem:v16+s5+$0x0], $0xffff;
	v16 =	vmov s21  }
0x2c4: {  	v63 =	vor.u32 v48, v23;
	v21 =	vor.u32 s23, v0;
	v16 =	vshll.u32 v16, $0x7  }
0x2c5: {  	v23 =	vor.u32 v21, v63;
	v16 =	vor.u32 v48, v16;
	v22 =	vor.u32 s20, v2;
	v18 =	vld.idx.msk [tilespmem:v24+s5+$0x0], $0xffff  }
0x2c6: {  	v5 =	vor.u32 v5, v20;
	v17 =	vor.u32 v21, v16;
	v3 =	vld [tilespmem:$0x1FF10];
	v21 =	vor.u32 s9, v44;
	_ =	sdelay $0x3  }
0x2c7: {  	s22 =	simm.s32 $0x0;
	s24 =	sshll.u32 s23, $0x5;
	[tilespmem:v22+s11+$0x0] =	vst.idx.msk $0xffff, v25  }
0x2c8: {  	s0 =	sor.u32 s22, s24;
	v5 =	vld.idx.msk [tilespmem:v5+s5+$0x0], $0xffff;
	v24 =	vor.u32 s2, v3;
	[tilespmem:v21+s11+$0x0] =	vst.idx.msk $0xffff, v18  }
0x2c9: {  	s21 =	sadd.s32 $0x7010, s0;
	v25 =	vor.u32 s20, v44;
	v22 =	vor.u32 v24, v19;
	v51 =	vld [tilespmem:$0x1FC00]  }
0x2ca: {  	v26 =	vor.u32 s23, v60;
	v27 =	vor.u32 s21, v47;
	v23 =	vld.idx.msk [tilespmem:v23+s5+$0x0], $0xffff;
	v24 =	vor.u32 v24, v20  }
0x2cb: {  	v28 =	vor.u32 v26, v63;
	s15 =	sadd.s32 $0x7000, s0  }
0x2cc: {  	v29 =	vor.u32 s15, v47;
	v17 =	vld.idx.msk [tilespmem:v17+s5+$0x0], $0xffff;
	_ =	sdelay $0x1  }
0x2cd: {  	v18 =	vor.u32 v26, v16;
	v21 =	vld.idx.msk [tilespmem:v22+s5+$0x0], $0xffff;
	[tilespmem:v25+s11+$0x0] =	vst.idx.msk $0xffff, v5;
	v26 =	vor.u32 s9, v51  }
0x2ce: {  	v22 =	vor.u32 s2, v59;
	[tilespmem:v27+s11+$0x0] =	vst.idx.msk $0xffff, v23;
	v24 =	vld.idx.msk [tilespmem:v24+s5+$0x0], $0xffff;
	v25 =	vor.u32 s20, v51  }
0x2cf: {  	v23 =	vor.u32 s23, v57;
	v5 =	vor.u32 v22, v19;
	v27 =	vld.idx.msk [tilespmem:v28+s5+$0x0], $0xffff;
	v28 =	vor.u32 s21, v14  }
0x2d0: {  	s26 =	simm.s32 $0xE0;
	[tilespmem:v29+s11+$0x0] =	vst.idx.msk $0xffff, v17;
	v29 =	vor.u32 v23, v63  }
0x2d1: {  	s29 =	simm.s32 $0x20;
	v17 =	vmov s26;
	v22 =	vor.u32 v22, v20  }
0x2d2: {  	v30 =	vor.u32 s23, v58;
	s24 =	sand.u32 $0x70, s29;
	v31 =	vor.u32 s15, v14;
	v17 =	vshll.u32 v17, $0x7;
	v18 =	vld.idx.msk [tilespmem:v18+s5+$0x0], $0xffff;
	[tilespmem:v26+s11+$0x0] =	vst.idx.msk $0xffff, v21  }
0x2d3: {  	v23 =	vor.u32 v23, v16;
	v17 =	vor.u32 v48, v17;
	[tilespmem:v25+s11+$0x0] =	vst.idx.msk $0xffff, v24;
	v24 =	vor.u32 s24, v0  }
0x2d4: {  	s6 =	simm.s32 $0xF0;
	[tilespmem:v28+s11+$0x0] =	vst.idx.msk $0xffff, v27;
	v21 =	vor.u32 s9, v56;
	v26 =	vor.u32 s2, v61;
	v5 =	vld.idx.msk [tilespmem:v5+s5+$0x0], $0xffff;
	v28 =	vor.u32 v24, v17  }
0x2d5: {  	v42 =	vor.u32 s21, v7;
	v27 =	vmov s6;
	v29 =	vld.idx.msk [tilespmem:v29+s5+$0x0], $0xffff;
	v25 =	vor.u32 v26, v19  }
0x2d6: {  	v43 =	vor.u32 v30, v63;
	s7 =	simm.s32 $0x0;
	v41 =	vor.u32 s20, v56;
	s6 =	sshll.u32 s24, $0x5;
	v27 =	vshll.u32 v27, $0x7;
	v22 =	vld.idx.msk [tilespmem:v22+s5+$0x0], $0xffff  }
0x2d7: {  	s0 =	sor.u32 s7, s6;
	[tilespmem:v31+s11+$0x0] =	vst.idx.msk $0xffff, v18;
	v18 =	vor.u32 v48, v27;
	v26 =	vor.u32 v26, v20  }
0x2d8: {  	v54 =	vmov v9;
	s26 =	sadd.s32 $0x7000, s0;
	v27 =	vor.u32 s15, v7;
	v23 =	vld.idx.msk [tilespmem:v23+s5+$0x0], $0xffff;
	v24 =	vor.u32 v24, v18  }
0x2d9: {  	v31 =	vor.u32 s24, v60;
	v45 =	vor.u32 s26, v47;
	[tilespmem:v21+s11+$0x0] =	vst.idx.msk $0xffff, v5;
	v5 =	vor.u32 v30, v16;
	v28 =	vld.idx.msk [tilespmem:v28+s5+$0x0], $0xffff  }
0x2da: {  	[tilespmem:v42+s11+$0x0] =	vst.idx.msk $0xffff, v29;
	v29 =	vor.u32 v31, v17;
	v30 =	vor.u32 s2, v62;
	v21 =	vld.idx.msk [tilespmem:v25+s5+$0x0], $0xffff;
	v25 =	vor.u32 s9, v54  }
0x2db: {  	v34 =	vld.idx.msk [tilespmem:v43+s5+$0x0], $0xffff;
	[tilespmem:v41+s11+$0x0] =	vst.idx.msk $0xffff, v22;
	v22 =	vor.u32 v30, v19  }
0x2dc: {  	v46 =	vor.u32 s20, v54;
	v26 =	vld.idx.msk [tilespmem:v26+s5+$0x0], $0xffff  }
0x2dd: {  	v50 =	vor.u32 s21, v2;
	s7 =	sadd.s32 $0x7010, s0;
	[tilespmem:v27+s11+$0x0] =	vst.idx.msk $0xffff, v23;
	v24 =	vld.idx.msk [tilespmem:v24+s5+$0x0], $0xffff  }
0x2de: {  	v27 =	vor.u32 s7, v47;
	v5 =	vld.idx.msk [tilespmem:v5+s5+$0x0], $0xffff;
	[tilespmem:v45+s11+$0x0] =	vst.idx.msk $0xffff, v28  }
0x2df: {  	v9 =	vmov v61;
	v61 =	vor.u32 s15, v2;
	[tilespmem:v25+s11+$0x0] =	vst.idx.msk $0xffff, v21;
	v29 =	vld.idx.msk [tilespmem:v29+s5+$0x0], $0xffff  }
0x2e0: {  	v49 =	vor.u32 s23, v8;
	v30 =	vor.u32 v30, v20;
	v28 =	vor.u32 s9, v6;
	v22 =	vld.idx.msk [tilespmem:v22+s5+$0x0], $0xffff  }
0x2e1: {  	v23 =	vor.u32 v49, v63;
	v53 =	vld [tilespmem:$0x1FF50];
	[tilespmem:v46+s11+$0x0] =	vst.idx.msk $0xffff, v26;
	v26 =	vor.u32 s26, v14  }
0x2e2: {  	[tilespmem:v50+s11+$0x0] =	vst.idx.msk $0xffff, v34  }
0x2e3: {  	v21 =	vor.u32 v49, v16;
	[tilespmem:v27+s11+$0x0] =	vst.idx.msk $0xffff, v24  }
0x2e4: {  	v31 =	vor.u32 v31, v18;
	[tilespmem:v61+s11+$0x0] =	vst.idx.msk $0xffff, v5  }
0x2e5: {  	v40 =	vor.u32 s24, v57;
	v30 =	vld.idx.msk [tilespmem:v30+s5+$0x0], $0xffff;
	[tilespmem:v28+s11+$0x0] =	vst.idx.msk $0xffff, v22  }
0x2e6: {  	v42 =	vor.u32 v40, v17;
	v43 =	vor.u32 s20, v6;
	v23 =	vld.idx.msk [tilespmem:v23+s5+$0x0], $0xffff;
	v25 =	vor.u32 s2, v53;
	[tilespmem:v26+s11+$0x0] =	vst.idx.msk $0xffff, v29  }
0x2e7: {  	v41 =	vor.u32 v25, v19;
	v61 =	vld [tilespmem:$0x1FC10]  }
0x2e8: {  	v46 =	vor.u32 s21, v44;
	v21 =	vld.idx.msk [tilespmem:v21+s5+$0x0], $0xffff  }
0x2e9: {  	v27 =	vor.u32 s7, v14;
	v24 =	vor.u32 v25, v20;
	v25 =	vld.idx.msk [tilespmem:v31+s5+$0x0], $0xffff  }
0x2ea: {  	v31 =	vor.u32 s15, v44;
	v1 =	vld [tilespmem:$0x1FF40]  }
0x2eb: {  	v34 =	vld.idx.msk [tilespmem:v42+s5+$0x0], $0xffff;
	[tilespmem:v43+s11+$0x0] =	vst.idx.msk $0xffff, v30;
	v30 =	vor.u32 s26, v7  }
0x2ec: {  	v26 =	vld.idx.msk [tilespmem:v41+s5+$0x0], $0xffff;
	v28 =	vor.u32 s9, v61  }
0x2ed: {  	v45 =	vor.u32 s23, v3;
	[tilespmem:v46+s11+$0x0] =	vst.idx.msk $0xffff, v23  }
0x2ee: {  	v5 =	vor.u32 v45, v63;
	[tilespmem:v27+s11+$0x0] =	vst.idx.msk $0xffff, v25  }
0x2ef: {  	v32 =	vor.u32 v40, v18;
	[tilespmem:v31+s11+$0x0] =	vst.idx.msk $0xffff, v21  }
0x2f0: {  	v49 =	vor.u32 s24, v58;
	v22 =	vor.u32 v45, v16;
	[tilespmem:v30+s11+$0x0] =	vst.idx.msk $0xffff, v34  }
0x2f1: {  	v29 =	vor.u32 s2, v1;
	v23 =	vld.idx.msk [tilespmem:v24+s5+$0x0], $0xffff;
	v24 =	vor.u32 v49, v17;
	[tilespmem:v28+s11+$0x0] =	vst.idx.msk $0xffff, v26  }
0x2f2: {  	v37 =	vor.u32 s20, v61;
	v1 =	vmovc v8;
	v30 =	vor.u32 s24, v8;
	v50 =	vor.u32 v29, v19;
	v8 =	vld [tilespmem:$0x1FF30]  }
0x2f3: {  	v39 =	vor.u32 s21, v51;
	v45 =	vor.u32 s23, v59;
	v5 =	vld.idx.msk [tilespmem:v5+s5+$0x0], $0xffff;
	v25 =	vor.u32 v29, v20  }
0x2f4: {  	v21 =	vor.u32 v45, v63;
	v31 =	vor.u32 s7, v7;
	v27 =	vld.idx.msk [tilespmem:v32+s5+$0x0], $0xffff  }
0x2f5: {  	v46 =	vor.u32 v49, v18;
	v33 =	vld.idx.msk [tilespmem:v22+s5+$0x0], $0xffff;
	v26 =	vor.u32 s15, v51  }
0x2f6: {  	v49 =	vor.u32 s26, v2;
	v28 =	vor.u32 v45, v16;
	v24 =	vld.idx.msk [tilespmem:v24+s5+$0x0], $0xffff  }
0x2f7: {  	v36 =	vor.u32 s2, v55;
	v34 =	vld.idx.msk [tilespmem:v50+s5+$0x0], $0xffff;
	[tilespmem:v37+s11+$0x0] =	vst.idx.msk $0xffff, v23;
	v23 =	vor.u32 v30, v17;
	v50 =	vor.u32 s9, v8  }
0x2f8: {  	v45 =	vor.u32 v36, v19;
	[tilespmem:v39+s11+$0x0] =	vst.idx.msk $0xffff, v5;
	v25 =	vld.idx.msk [tilespmem:v25+s5+$0x0], $0xffff;
	v5 =	vor.u32 s20, v8  }
0x2f9: {  	v36 =	vor.u32 v36, v20;
	[tilespmem:v31+s11+$0x0] =	vst.idx.msk $0xffff, v27;
	v37 =	vld.idx.msk [tilespmem:v21+s5+$0x0], $0xffff  }
0x2fa: {  	v27 =	vor.u32 s7, v2;
	v31 =	vld.idx.msk [tilespmem:v46+s5+$0x0], $0xffff;
	[tilespmem:v26+s11+$0x0] =	vst.idx.msk $0xffff, v33  }
0x2fb: {  	s18 =	simm.s32 $0xE0;
	s17 =	simm.s32 $0x30;
	v26 =	vor.u32 v30, v18;
	v30 =	vor.u32 s15, v56;
	[tilespmem:v49+s11+$0x0] =	vst.idx.msk $0xffff, v24;
	v28 =	vld.idx.msk [tilespmem:v28+s5+$0x0], $0xffff  }
0x2fc: {  	v15 =	vmov v56;
	s17 =	sand.u32 $0x70, s17;
	v22 =	vmov s18;
	v56 =	vor.u32 s21, v56;
	v23 =	vld.idx.msk [tilespmem:v23+s5+$0x0], $0xffff;
	[tilespmem:v50+s11+$0x0] =	vst.idx.msk $0xffff, v34  }
0x2fd: {  	v52 =	vmovc v11;
	v40 =	vor.u32 s17, v0;
	v22 =	vshll.u32 v22, $0x7;
	[tilespmem:v5+s11+$0x0] =	vst.idx.msk $0xffff, v25;
	v5 =	vor.u32 s26, v44;
	v24 =	vld.idx.msk [tilespmem:v45+s5+$0x0], $0xffff  }
0x2fe: {  	s19 =	simm.s32 $0xF0;
	v42 =	vor.u32 s9, v52;
	v43 =	vor.u32 s20, v52;
	v22 =	vor.u32 v48, v22;
	v25 =	vld.idx.msk [tilespmem:v36+s5+$0x0], $0xffff  }
0x2ff: {  	v21 =	vmov s19;
	v46 =	vor.u32 v40, v22;
	v49 =	vor.u32 s24, v3;
	v8 =	vmovc v3;
	v3 =	vld [tilespmem:$0x1FF60];
	[tilespmem:v27+s11+$0x0] =	vst.idx.msk $0xffff, v31  }
0x300: {  	v13 =	vmov v52;
	v52 =	vor.u32 s7, v44;
	v21 =	vshll.u32 v21, $0x7;
	[tilespmem:v30+s11+$0x0] =	vst.idx.msk $0xffff, v28;
	v26 =	vld.idx.msk [tilespmem:v26+s5+$0x0], $0xffff  }
0x301: {  	v21 =	vor.u32 v48, v21;
	[tilespmem:v56+s11+$0x0] =	vst.idx.msk $0xffff, v37  }
0x302: {  	v38 =	vor.u32 v40, v21;
	v50 =	vor.u32 s23, v9;
	[tilespmem:v5+s11+$0x0] =	vst.idx.msk $0xffff, v23  }
0x303: {  	v35 =	vor.u32 v50, v16;
	[tilespmem:v42+s11+$0x0] =	vst.idx.msk $0xffff, v24  }
0x304: {  	s22 =	simm.s32 $0x0;
	s29 =	sshll.u32 s17, $0x5;
	v40 =	vor.u32 v50, v63;
	v27 =	vld.idx.msk [tilespmem:v46+s5+$0x0], $0xffff;
	v45 =	vor.u32 s17, v58;
	v58 =	vor.u32 s17, v60;
	[tilespmem:v43+s11+$0x0] =	vst.idx.msk $0xffff, v25  }
0x305: {  	s0 =	sor.u32 s22, s29;
	v50 =	vor.u32 s2, v3;
	v42 =	vor.u32 v58, v21;
	v2 =	vld [tilespmem:$0x1FF70];
	[tilespmem:v52+s11+$0x0] =	vst.idx.msk $0xffff, v26  }
0x306: {  	s18 =	sadd.s32 $0x7000, s0;
	v28 =	vor.u32 v50, v19;
	v30 =	vor.u32 v50, v20;
	v50 =	vor.u32 v58, v22;
	v58 =	vld [tilespmem:$0x1FFD0]  }
0x307: {  	v32 =	vor.u32 v49, v17;
	v37 =	vld.idx.msk [tilespmem:v38+s5+$0x0], $0xffff;
	v36 =	vor.u32 v49, v18;
	v49 =	vor.u32 s18, v47  }
0x308: {  	v38 =	vor.u32 s15, v54;
	v44 =	vld.idx.msk [tilespmem:v35+s5+$0x0], $0xffff  }
0x309: {  	s19 =	sadd.s32 $0x7010, s0;
	v56 =	vor.u32 s23, v62;
	v60 =	vor.u32 s21, v54;
	v40 =	vld.idx.msk [tilespmem:v40+s5+$0x0], $0xffff  }
0x30a: {  	v5 =	vor.u32 v56, v16;
	v25 =	vor.u32 s19, v47  }
0x30b: {  	v28 =	vld.idx.msk [tilespmem:v28+s5+$0x0], $0xffff;
	v26 =	vor.u32 s9, v58  }
0x30c: {  	v39 =	vor.u32 v56, v63;
	[tilespmem:v49+s11+$0x0] =	vst.idx.msk $0xffff, v27;
	v30 =	vld.idx.msk [tilespmem:v30+s5+$0x0], $0xffff;
	v41 =	vor.u32 s20, v58  }
0x30d: {  	v36 =	vld.idx.msk [tilespmem:v36+s5+$0x0], $0xffff;
	[tilespmem:v38+s11+$0x0] =	vst.idx.msk $0xffff, v44;
	v44 =	vor.u32 s7, v51  }
0x30e: {  	v35 =	vld.idx.msk [tilespmem:v32+s5+$0x0], $0xffff;
	[tilespmem:v60+s11+$0x0] =	vst.idx.msk $0xffff, v40  }
0x30f: {  	[tilespmem:v25+s11+$0x0] =	vst.idx.msk $0xffff, v37;
	v5 =	vld.idx.msk [tilespmem:v5+s5+$0x0], $0xffff  }
0x310: {  	v31 =	vor.u32 s23, v55;
	v50 =	vld.idx.msk [tilespmem:v50+s5+$0x0], $0xffff;
	[tilespmem:v26+s11+$0x0] =	vst.idx.msk $0xffff, v28  }
0x311: {  	v32 =	vor.u32 s24, v55;
	v49 =	vor.u32 s15, v6;
	v39 =	vld.idx.msk [tilespmem:v39+s5+$0x0], $0xffff;
	[tilespmem:v41+s11+$0x0] =	vst.idx.msk $0xffff, v30  }
0x312: {  	v11 =	vmovc v55;
	v55 =	vor.u32 s21, v6;
	v40 =	vor.u32 s18, v14;
	v56 =	vor.u32 s2, v2;
	v2 =	vld [tilespmem:$0x1FDA0];
	[tilespmem:v44+s11+$0x0] =	vst.idx.msk $0xffff, v36  }
0x313: {  	v38 =	vor.u32 v56, v19;
	v27 =	vor.u32 v56, v20;
	v56 =	vor.u32 s19, v14;
	v14 =	vld [tilespmem:$0x1FC90];
	_ =	sdelay $0x2  }
0x314: {  	v46 =	vor.u32 s23, v53;
	[tilespmem:v49+s11+$0x0] =	vst.idx.msk $0xffff, v5  }
0x315: {  	v43 =	vor.u32 s24, v59;
	v3 =	vmov v53;
	v53 =	vor.u32 v46, v16;
	v42 =	vld.idx.msk [tilespmem:v42+s5+$0x0], $0xffff;
	[tilespmem:v40+s11+$0x0] =	vst.idx.msk $0xffff, v50  }
0x316: {  	v60 =	vor.u32 s17, v57;
	v57 =	vor.u32 v46, v63;
	v58 =	vld.idx.msk [tilespmem:v38+s5+$0x0], $0xffff;
	[tilespmem:v55+s11+$0x0] =	vst.idx.msk $0xffff, v39;
	v36 =	vor.u32 s9, v14  }
0x317: {  	v4 =	vmovc v9;
	v10 =	vmovc v54;
	v54 =	vor.u32 v60, v22;
	v30 =	vor.u32 s17, v11;
	v11 =	vld [tilespmem:$0x1FF40];
	v46 =	vor.u32 s2, v2  }
0x318: {  	v9 =	vmovc v59;
	v52 =	vor.u32 v60, v21;
	v59 =	vld.idx.msk [tilespmem:v27+s5+$0x0], $0xffff;
	v60 =	vor.u32 s20, v14;
	v5 =	vor.u32 v46, v19;
	_ =	sdelay $0x1  }
0x319: {  	v51 =	vor.u32 v43, v18;
	[tilespmem:v56+s11+$0x0] =	vst.idx.msk $0xffff, v42  }
0x31a: {  	[tilespmem:v36+s11+$0x0] =	vst.idx.msk $0xffff, v58  }
0x31b: {  	v0 =	vmov v2;
	v2 =	vmov v11;
	v39 =	vor.u32 s23, v11;
	v11 =	vld [tilespmem:$0x1FF20]  }
0x31c: {  	v29 =	vor.u32 s9, v12;
	v33 =	vor.u32 s20, v12;
	[tilespmem:v60+s11+$0x0] =	vst.idx.msk $0xffff, v59;
	v41 =	vld.idx.msk [tilespmem:v5+s5+$0x0], $0xffff  }
0x31d: {  	v34 =	vor.u32 v45, v21;
	v23 =	vor.u32 s15, v12;
	v24 =	vor.u32 s21, v12;
	v5 =	vld [tilespmem:$0x1FF80]  }
0x31e: {  	v25 =	vor.u32 s26, v12;
	v26 =	vor.u32 s7, v12;
	v28 =	vor.u32 s19, v12;
	v37 =	vld.idx.msk [tilespmem:v51+s5+$0x0], $0xffff  }
0x31f: {  	v27 =	vor.u32 s18, v12;
	v38 =	vor.u32 v43, v17;
	v51 =	vor.u32 v45, v22;
	v43 =	vld.idx.msk [tilespmem:v53+s5+$0x0], $0xffff  }
0x320: {  	v45 =	vor.u32 s21, v61;
	v53 =	vor.u32 s18, v7;
	v49 =	vld.idx.msk [tilespmem:v52+s5+$0x0], $0xffff;
	v52 =	vor.u32 s19, v7  }
0x321: {  	v50 =	vld.idx.msk [tilespmem:v54+s5+$0x0], $0xffff;
	v44 =	vor.u32 v46, v20;
	v46 =	vor.u32 s15, v61;
	v40 =	vor.u32 v39, v16  }
0x322: {  	s0 =	simm.s32 $0x6;
	v42 =	vld.idx.msk [tilespmem:v57+s5+$0x0], $0xffff;
	v39 =	vor.u32 v39, v63;
	v36 =	vor.u32 s20, v11;
	s20 =	simm.s32 $0x40;
	v5 =	vor.u32 s2, v5  }
.LBB2_5:
0x323: {  	v11 =	vld [tilespmem:$0x1FF20]  }
0x324: {  	v54 =	vor.u32 v5, v19;
	v5 =	vor.u32 v5, v20;
	v20 =	vld [tilespmem:$0x1FF30];
	_ =	sdelay $0x2  }
0x325: {  	v61 =	vld [tilespmem:$0x1FC00]  }
0x326: {  	v44 =	vld.idx.msk [tilespmem:v44+s5+$0x0], $0xffff;
	s2 =	smov.u32 s17;
	s17 =	sand.u32 $0x70, s20;
	v57 =	vlaneseq.u32;
	v55 =	vor.u32 s9, v11;
	s9 =	smov.u32 s15  }
0x327: {  	v56 =	vor.u32 s17, v57;
	[tilespmem:v46+s11+$0x0] =	vst.idx.msk $0xffff, v43;
	v43 =	vor.u32 s21, v20;
	v57 =	vor.u32 s9, v20;
	v20 =	vld [tilespmem:$0x1FC40]  }
0x328: {  	v60 =	vld [tilespmem:$0x1FC50];
	[tilespmem:v53+s11+$0x0] =	vst.idx.msk $0xffff, v50  }
0x329: {  	s0 =	sadd.s32 $0x2, s0;
	[tilespmem:v45+s11+$0x0] =	vst.idx.msk $0xffff, v42;
	v40 =	vld.idx.msk [tilespmem:v40+s5+$0x0], $0xffff  }
0x32a: {  	s6 =	sshrl.u32 s0, $0x4;
	[tilespmem:v52+s11+$0x0] =	vst.idx.msk $0xffff, v49;
	v53 =	vor.u32 s26, v61;
	v51 =	vld.idx.msk [tilespmem:v51+s5+$0x0], $0xffff  }
0x32b: {  	s15 =	sshll.u32 s6, $0x5;
	v49 =	vld.idx.msk [tilespmem:v39+s5+$0x0], $0xffff  }
0x32c: {  	v46 =	vor.u32 v31, v63;
	s29 =	sadd.s32 $0xE0, s15;
	v58 =	vor.u32 s18, v20;
	v59 =	vor.u32 s19, v20;
	v20 =	vmovc v63;
	v63 =	vmovc v18;
	v18 =	vld [tilespmem:$0x1FFE0]  }
0x32d: {  	v19 =	vmovc v16;
	v16 =	vmov v17;
	v17 =	vmov v22;
	v52 =	vld.idx.msk [tilespmem:v34+s5+$0x0], $0xffff;
	[tilespmem:v29+s11+$0x0] =	vst.idx.msk $0xffff, v41;
	v22 =	vmov s29  }
0x32e: {  	v31 =	vor.u32 v31, v19;
	v50 =	vor.u32 s2, v1;
	[tilespmem:v33+s11+$0x0] =	vst.idx.msk $0xffff, v44;
	s15 =	sadd.s32 $0xF0, s15;
	v29 =	vld.idx.msk [tilespmem:v54+s5+$0x0], $0xffff;
	v22 =	vshll.u32 v22, $0x7  }
0x32f: {  	v45 =	vor.u32 v50, v17;
	v5 =	vld.idx.msk [tilespmem:v5+s5+$0x0], $0xffff;
	v42 =	vmov s15;
	v22 =	vor.u32 v48, v22;
	[tilespmem:v53+s11+$0x0] =	vst.idx.msk $0xffff, v35  }
0x330: {  	v42 =	vshll.u32 v42, $0x7;
	v33 =	vor.u32 v56, v22;
	v38 =	vld.idx.msk [tilespmem:v38+s5+$0x0], $0xffff;
	[tilespmem:v57+s11+$0x0] =	vst.idx.msk $0xffff, v40  }
0x331: {  	v39 =	vor.u32 s17, v18;
	v18 =	vmov v21;
	v21 =	vor.u32 v48, v42;
	[tilespmem:v58+s11+$0x0] =	vst.idx.msk $0xffff, v51;
	v58 =	vld [tilespmem:$0x1FF60]  }
0x332: {  	v41 =	vor.u32 v56, v21;
	v56 =	vld [tilespmem:$0x1FFC0]  }
0x333: {  	s15 =	smov.u32 s26;
	v35 =	vor.u32 v50, v18;
	v50 =	vld.idx.msk [tilespmem:v31+s5+$0x0], $0xffff  }
0x334: {  	v42 =	vor.u32 s15, v15;
	v31 =	vmov v32;
	v32 =	vld.idx.msk [tilespmem:v45+s5+$0x0], $0xffff  }
0x335: {  	v57 =	vor.u32 s24, v4;
	v33 =	vld.idx.msk [tilespmem:v33+s5+$0x0], $0xffff  }
0x336: {  	v51 =	vor.u32 s7, v15;
	v45 =	vor.u32 v57, v16;
	[tilespmem:v55+s11+$0x0] =	vst.idx.msk $0xffff, v29;
	v29 =	vld [tilespmem:$0x1FD60]  }
0x337: {  	s26 =	smov.u32 s18;
	[tilespmem:v43+s11+$0x0] =	vst.idx.msk $0xffff, v49  }
0x338: {  	s22 =	sshll.u32 s17, $0x5;
	s6 =	sshll.u32 s6, $0xC;
	v54 =	vor.u32 s2, v8;
	v49 =	vor.u32 s26, v60;
	v44 =	vor.u32 v57, v63;
	[tilespmem:v59+s11+$0x0] =	vst.idx.msk $0xffff, v52  }
0x339: {  	s6 =	sor.u32 s6, s22;
	v46 =	vld.idx.msk [tilespmem:v46+s5+$0x0], $0xffff;
	[tilespmem:v42+s11+$0x0] =	vst.idx.msk $0xffff, v38;
	v40 =	vor.u32 s17, v56;
	v56 =	vor.u32 s21, v13  }
0x33a: {  	s22 =	sadd.s32 $0x7000, s6;
	v59 =	vor.u32 s19, v60;
	v53 =	vor.u32 s23, v58;
	v57 =	vld.idx.msk [tilespmem:v35+s5+$0x0], $0xffff;
	[tilespmem:v36+s11+$0x0] =	vst.idx.msk $0xffff, v5  }
0x33b: {  	s18 =	smov.u32 s22;
	v55 =	vor.u32 v54, v17;
	v58 =	vor.u32 s9, v13;
	v29 =	vor.u32 s17, v29;
	v45 =	vld.idx.msk [tilespmem:v45+s5+$0x0], $0xffff;
	[tilespmem:v51+s11+$0x0] =	vst.idx.msk $0xffff, v37  }
0x33c: {  	v5 =	vor.u32 s18, v47;
	v37 =	vld.idx.msk [tilespmem:v41+s5+$0x0], $0xffff  }
0x33d: {  	v38 =	vor.u32 v53, v19;
	[tilespmem:v49+s11+$0x0] =	vst.idx.msk $0xffff, v32;
	v36 =	vor.u32 v29, v21;
	v44 =	vld.idx.msk [tilespmem:v44+s5+$0x0], $0xffff  }
0x33e: {  	v42 =	vor.u32 v29, v22;
	v29 =	vmovc v23;
	v23 =	vmov v25;
	v25 =	vmov v27;
	v27 =	vld [tilespmem:$0x1FF70];
	[tilespmem:v56+s11+$0x0] =	vst.idx.msk $0xffff, v46  }
0x33f: {  	v60 =	vor.u32 s24, v62;
	v52 =	vor.u32 v53, v20;
	v49 =	vor.u32 s15, v10;
	[tilespmem:v59+s11+$0x0] =	vst.idx.msk $0xffff, v57;
	v59 =	vld [tilespmem:$0x1FFD0]  }
0x340: {  	v32 =	vmov v30;
	v30 =	vmov v40;
	v35 =	vld.idx.msk [tilespmem:v55+s5+$0x0], $0xffff;
	v41 =	vor.u32 v54, v18;
	[tilespmem:v58+s11+$0x0] =	vst.idx.msk $0xffff, v50  }
0x341: {  	s6 =	sadd.s32 $0x7010, s6;
	v40 =	vor.u32 s7, v10;
	v54 =	vor.u32 v60, v16;
	[tilespmem:v5+s11+$0x0] =	vst.idx.msk $0xffff, v33;
	v33 =	vmovc v24;
	v24 =	vmov v26;
	v26 =	vld [tilespmem:$0x1FD80]  }
0x342: {  	v5 =	vor.u32 s6, v47;
	v50 =	vld.idx.msk [tilespmem:v38+s5+$0x0], $0xffff  }
0x343: {  	v46 =	vor.u32 v60, v63;
	v57 =	vor.u32 s19, v61;
	v61 =	vld [tilespmem:$0x1FC20]  }
0x344: {  	v52 =	vld.idx.msk [tilespmem:v52+s5+$0x0], $0xffff;
	v60 =	vor.u32 s23, v27;
	v51 =	vor.u32 s9, v59  }
0x345: {  	[tilespmem:v49+s11+$0x0] =	vst.idx.msk $0xffff, v45;
	v41 =	vld.idx.msk [tilespmem:v41+s5+$0x0], $0xffff;
	v49 =	vor.u32 v60, v19;
	v55 =	vor.u32 s21, v59  }
0x346: {  	v58 =	vor.u32 s15, v6;
	v54 =	vld.idx.msk [tilespmem:v54+s5+$0x0], $0xffff;
	[tilespmem:v40+s11+$0x0] =	vst.idx.msk $0xffff, v44  }
0x347: {  	v43 =	vor.u32 s18, v12;
	v42 =	vld.idx.msk [tilespmem:v42+s5+$0x0], $0xffff;
	v56 =	vor.u32 v60, v20;
	v60 =	vor.u32 s2, v9;
	[tilespmem:v5+s11+$0x0] =	vst.idx.msk $0xffff, v37  }
0x348: {  	v45 =	vor.u32 s24, v3;
	v27 =	vmov v43;
	v38 =	vor.u32 v60, v17;
	v59 =	vld.idx.msk [tilespmem:v46+s5+$0x0], $0xffff  }
0x349: {  	v43 =	vor.u32 v60, v18;
	v44 =	vor.u32 s17, v26;
	v40 =	vor.u32 s18, v61;
	v36 =	vld.idx.msk [tilespmem:v36+s5+$0x0], $0xffff;
	[tilespmem:v51+s11+$0x0] =	vst.idx.msk $0xffff, v50  }
0x34a: {  	v5 =	vor.u32 v45, v16;
	v60 =	vor.u32 s7, v6;
	v51 =	vor.u32 s6, v61;
	[tilespmem:v55+s11+$0x0] =	vst.idx.msk $0xffff, v52;
	v61 =	vld.idx.msk [tilespmem:v49+s5+$0x0], $0xffff  }
0x34b: {  	v46 =	vor.u32 v44, v22;
	[tilespmem:v58+s11+$0x0] =	vst.idx.msk $0xffff, v54;
	v58 =	vld [tilespmem:$0x1FF80]  }
0x34c: {  	v45 =	vor.u32 v45, v63;
	[tilespmem:v57+s11+$0x0] =	vst.idx.msk $0xffff, v41;
	v57 =	vld [tilespmem:$0x1FC10]  }
0x34d: {  	v26 =	vmovc v28;
	v28 =	vor.u32 s23, v0;
	v49 =	vor.u32 v44, v21;
	v41 =	vor.u32 s9, v14;
	v55 =	vld.idx.msk [tilespmem:v56+s5+$0x0], $0xffff  }
0x34e: {  	p2 =	slt.u32 s0, $0x6E;
	v54 =	vor.u32 v28, v19;
	v56 =	vor.u32 s21, v14;
	v37 =	vld.idx.msk [tilespmem:v43+s5+$0x0], $0xffff;
	[tilespmem:v40+s11+$0x0] =	vst.idx.msk $0xffff, v42  }
.Ltmp3:
0x34f: {  	v34 =	vor.u32 v39, v21;
	[tilespmem:v60+s11+$0x0] =	vst.idx.msk $0xffff, v59;
	v43 =	vld.idx.msk [tilespmem:v5+s5+$0x0], $0xffff;
	(pc) =	sbr.rel @p2 .LBB2_5-.Ltmp3, $4  }
0x350: {  	v53 =	vor.u32 s6, v12;
	v44 =	vor.u32 v28, v20;
	v50 =	vld.idx.msk [tilespmem:v46+s5+$0x0], $0xffff;
	v5 =	vor.u32 s24, v2;
	[tilespmem:v51+s11+$0x0] =	vst.idx.msk $0xffff, v36  }
0x351: {  	v28 =	vmovc v53;
	v53 =	vor.u32 s18, v7;
	v40 =	vor.u32 v5, v16;
	v36 =	vor.u32 s21, v11;
	v42 =	vld.idx.msk [tilespmem:v45+s5+$0x0], $0xffff  }
0x352: {  	v51 =	vor.u32 v39, v22;
	s21 =	smov.u32 s7;
	v46 =	vor.u32 s15, v57;
	v49 =	vld.idx.msk [tilespmem:v49+s5+$0x0], $0xffff;
	v45 =	vor.u32 s7, v57;
	[tilespmem:v41+s11+$0x0] =	vst.idx.msk $0xffff, v61;
	s7 =	smov.u32 s19;
	s19 =	smov.u32 s6  }
0x353: {  	s20 =	sadd.s32 $0x10, s20;
	v39 =	vor.u32 v5, v63;
	v5 =	vor.u32 s23, v58;
	s23 =	smov.u32 s24;
	s24 =	smov.u32 s2;
	v52 =	vor.u32 s19, v7;
	v41 =	vld.idx.msk [tilespmem:v54+s5+$0x0], $0xffff;
	[tilespmem:v56+s11+$0x0] =	vst.idx.msk $0xffff, v55  }
0x354: {  	_ =	sdelay $0x3  }
0x355: {  	[tilespmem:v53+s11+$0x0] =	vst.idx.msk $0xffff, v50  }
0x356: {  	v61 =	vld [tilespmem:$0x1FC40];
	_ =	sdelay $0x4  }
0x357: {  	v51 =	vld.idx.msk [tilespmem:v51+s5+$0x0], $0xffff;
	v12 =	vor.u32 s18, v61;
	_ =	sdelay $0x3  }
0x358: {  	v60 =	vor.u32 s17, v1;
	[tilespmem:v52+s11+$0x0] =	vst.idx.msk $0xffff, v49  }
0x359: {  	v59 =	vor.u32 v60, v22;
	v34 =	vld.idx.msk [tilespmem:v34+s5+$0x0], $0xffff;
	v56 =	vor.u32 s19, v61;
	[tilespmem:v12+s11+$0x0] =	vst.idx.msk $0xffff, v51  }
0x35a: {  	v50 =	vor.u32 v60, v21;
	v60 =	vld [tilespmem:$0x1FC50];
	_ =	sdelay $0x3  }
0x35b: {  	v51 =	vld.idx.msk [tilespmem:v59+s5+$0x0], $0xffff;
	[tilespmem:v56+s11+$0x0] =	vst.idx.msk $0xffff, v34  }
0x35c: {  	v61 =	vor.u32 s17, v8;
	v52 =	vor.u32 s18, v60;
	v59 =	vor.u32 s19, v60;
	v60 =	vld [tilespmem:$0x1FC00]  }
0x35d: {  	v12 =	vor.u32 v61, v22;
	v50 =	vld.idx.msk [tilespmem:v50+s5+$0x0], $0xffff  }
0x35e: {  	v34 =	vor.u32 v61, v21;
	_ =	sdelay $0x2  }
0x35f: {  	v54 =	vor.u32 s26, v60;
	[tilespmem:v52+s11+$0x0] =	vst.idx.msk $0xffff, v51  }
0x360: {  	v61 =	vor.u32 s17, v9;
	[tilespmem:v59+s11+$0x0] =	vst.idx.msk $0xffff, v50;
	v51 =	vor.u32 s18, v60;
	v49 =	vld.idx.msk [tilespmem:v12+s5+$0x0], $0xffff  }
0x361: {  	v34 =	vld.idx.msk [tilespmem:v34+s5+$0x0], $0xffff;
	v12 =	vor.u32 s19, v60;
	v60 =	vor.u32 v61, v22  }
0x362: {  	v56 =	vor.u32 s7, v15;
	v50 =	vor.u32 v61, v21;
	_ =	sdelay $0x1  }
0x363: {  	v57 =	vmov v1;
	v61 =	vor.u32 s24, v4;
	[tilespmem:v54+s11+$0x0] =	vst.idx.msk $0xffff, v35  }
0x364: {  	v1 =	vor.u32 s18, v15;
	v35 =	vld.idx.msk [tilespmem:v38+s5+$0x0], $0xffff;
	v38 =	vor.u32 s26, v15;
	[tilespmem:v51+s11+$0x0] =	vst.idx.msk $0xffff, v49;
	v49 =	vor.u32 v61, v18  }
0x365: {  	v59 =	vmov v4;
	v4 =	vor.u32 s17, v4;
	v55 =	vor.u32 v61, v17;
	[tilespmem:v12+s11+$0x0] =	vst.idx.msk $0xffff, v34;
	v34 =	vld.idx.msk [tilespmem:v60+s5+$0x0], $0xffff  }
0x366: {  	[tilespmem:v56+s11+$0x0] =	vst.idx.msk $0xffff, v37;
	v12 =	vor.u32 v4, v22;
	v50 =	vld.idx.msk [tilespmem:v50+s5+$0x0], $0xffff;
	v60 =	vor.u32 s19, v15  }
0x367: {  	[tilespmem:v46+s11+$0x0] =	vst.idx.msk $0xffff, v43;
	v52 =	vor.u32 v4, v21  }
0x368: {  	[tilespmem:v45+s11+$0x0] =	vst.idx.msk $0xffff, v42  }
0x369: {  	v56 =	vor.u32 s7, v10;
	[tilespmem:v38+s11+$0x0] =	vst.idx.msk $0xffff, v35;
	v49 =	vld.idx.msk [tilespmem:v49+s5+$0x0], $0xffff  }
0x36a: {  	v61 =	vor.u32 s26, v10;
	v35 =	vld.idx.msk [tilespmem:v55+s5+$0x0], $0xffff;
	[tilespmem:v1+s11+$0x0] =	vst.idx.msk $0xffff, v34  }
0x36b: {  	v4 =	vor.u32 s24, v62;
	[tilespmem:v60+s11+$0x0] =	vst.idx.msk $0xffff, v50;
	v38 =	vld.idx.msk [tilespmem:v12+s5+$0x0], $0xffff;
	v12 =	vor.u32 s18, v10  }
0x36c: {  	v55 =	vor.u32 v4, v17;
	v34 =	vor.u32 v4, v18;
	v4 =	vor.u32 s19, v10;
	v46 =	vld.idx.msk [tilespmem:v52+s5+$0x0], $0xffff  }
0x36d: {  	[tilespmem:v29+s11+$0x0] =	vst.idx.msk $0xffff, v41  }
0x36e: {  	[tilespmem:v56+s11+$0x0] =	vst.idx.msk $0xffff, v49  }
0x36f: {  	v1 =	vor.u32 s17, v62;
	[tilespmem:v61+s11+$0x0] =	vst.idx.msk $0xffff, v35  }
0x370: {  	v44 =	vld.idx.msk [tilespmem:v44+s5+$0x0], $0xffff;
	v43 =	vor.u32 v1, v22;
	[tilespmem:v12+s11+$0x0] =	vst.idx.msk $0xffff, v38  }
0x371: {  	v60 =	vor.u32 v1, v21;
	v37 =	vld.idx.msk [tilespmem:v55+s5+$0x0], $0xffff;
	[tilespmem:v4+s11+$0x0] =	vst.idx.msk $0xffff, v46  }
0x372: {  	v45 =	vor.u32 s26, v6;
	v7 =	vld [tilespmem:$0x1FF30];
	_ =	sdelay $0x1  }
0x373: {  	v51 =	vor.u32 s7, v6;
	v34 =	vld.idx.msk [tilespmem:v34+s5+$0x0], $0xffff  }
0x374: {  	v53 =	vor.u32 s18, v6;
	v43 =	vld.idx.msk [tilespmem:v43+s5+$0x0], $0xffff  }
0x375: {  	v19 =	vor.u32 v5, v19;
	v61 =	vor.u32 s24, v3;
	v55 =	vor.u32 s19, v6;
	v41 =	vld.idx.msk [tilespmem:v60+s5+$0x0], $0xffff;
	[tilespmem:v33+s11+$0x0] =	vst.idx.msk $0xffff, v44  }
0x376: {  	v40 =	vld.idx.msk [tilespmem:v40+s5+$0x0], $0xffff;
	v1 =	vor.u32 v61, v17;
	[tilespmem:v45+s11+$0x0] =	vst.idx.msk $0xffff, v37;
	v56 =	vor.u32 s15, v7  }
0x377: {  	v4 =	vld [tilespmem:$0x1FC10]  }
0x378: {  	v35 =	vor.u32 v61, v18;
	v12 =	vor.u32 s17, v3;
	[tilespmem:v51+s11+$0x0] =	vst.idx.msk $0xffff, v34  }
0x379: {  	v39 =	vld.idx.msk [tilespmem:v39+s5+$0x0], $0xffff;
	v54 =	vor.u32 v12, v22;
	[tilespmem:v53+s11+$0x0] =	vst.idx.msk $0xffff, v43  }
0x37a: {  	v19 =	vld.idx.msk [tilespmem:v19+s5+$0x0], $0xffff;
	v60 =	vor.u32 v12, v21;
	[tilespmem:v55+s11+$0x0] =	vst.idx.msk $0xffff, v41  }
0x37b: {  	v5 =	vor.u32 v5, v20;
	v61 =	vor.u32 s21, v7;
	v20 =	vld.idx.msk [tilespmem:v1+s5+$0x0], $0xffff;
	[tilespmem:v56+s11+$0x0] =	vst.idx.msk $0xffff, v40  }
0x37c: {  	v49 =	vor.u32 s24, v2;
	v1 =	vor.u32 v31, v16;
	v12 =	vor.u32 s26, v4;
	v11 =	vld [tilespmem:$0x1FF20]  }
0x37d: {  	v34 =	vor.u32 v49, v17;
	v35 =	vld.idx.msk [tilespmem:v35+s5+$0x0], $0xffff;
	v45 =	vor.u32 s7, v4  }
0x37e: {  	v52 =	vor.u32 v49, v18;
	v29 =	vld.idx.msk [tilespmem:v54+s5+$0x0], $0xffff;
	v54 =	vor.u32 s17, v2;
	v53 =	vor.u32 s18, v4  }
0x37f: {  	v33 =	vld.idx.msk [tilespmem:v60+s5+$0x0], $0xffff;
	v55 =	vor.u32 v54, v22;
	v56 =	vor.u32 s19, v4  }
0x380: {  	v5 =	vld.idx.msk [tilespmem:v5+s5+$0x0], $0xffff;
	[tilespmem:v61+s11+$0x0] =	vst.idx.msk $0xffff, v39;
	v61 =	vor.u32 v54, v21  }
0x381: {  	v39 =	vld.idx.msk [tilespmem:v1+s5+$0x0], $0xffff;
	[tilespmem:v12+s11+$0x0] =	vst.idx.msk $0xffff, v20;
	v12 =	vor.u32 v31, v63;
	v60 =	vor.u32 s9, v11  }
0x382: {  	[tilespmem:v45+s11+$0x0] =	vst.idx.msk $0xffff, v35;
	v31 =	vld.idx.msk [tilespmem:v34+s5+$0x0], $0xffff  }
0x383: {  	v50 =	vor.u32 v32, v18;
	v46 =	vor.u32 s26, v7;
	[tilespmem:v53+s11+$0x0] =	vst.idx.msk $0xffff, v29;
	v43 =	vld.idx.msk [tilespmem:v52+s5+$0x0], $0xffff  }
0x384: {  	v49 =	vor.u32 v32, v17;
	v35 =	vor.u32 s7, v7;
	[tilespmem:v56+s11+$0x0] =	vst.idx.msk $0xffff, v33;
	v32 =	vld.idx.msk [tilespmem:v55+s5+$0x0], $0xffff  }
0x385: {  	v40 =	vor.u32 s18, v7;
	v38 =	vld.idx.msk [tilespmem:v61+s5+$0x0], $0xffff  }
0x386: {  	v1 =	vor.u32 s21, v13;
	v20 =	vld.idx.msk [tilespmem:v12+s5+$0x0], $0xffff;
	[tilespmem:v60+s11+$0x0] =	vst.idx.msk $0xffff, v19  }
0x387: {  	v19 =	vor.u32 s19, v7;
	v52 =	vld [tilespmem:$0x1FF60];
	[tilespmem:v36+s11+$0x0] =	vst.idx.msk $0xffff, v5  }
0x388: {  	v60 =	vor.u32 s15, v13;
	[tilespmem:v46+s11+$0x0] =	vst.idx.msk $0xffff, v31  }
0x389: {  	[tilespmem:v35+s11+$0x0] =	vst.idx.msk $0xffff, v43  }
0x38a: {  	[tilespmem:v40+s11+$0x0] =	vst.idx.msk $0xffff, v32  }
0x38b: {  	[tilespmem:v1+s11+$0x0] =	vst.idx.msk $0xffff, v20  }
0x38c: {  	[tilespmem:v19+s11+$0x0] =	vst.idx.msk $0xffff, v38  }
0x38d: {  	v33 =	vor.u32 v30, v22;
	[tilespmem:v60+s11+$0x0] =	vst.idx.msk $0xffff, v39  }
0x38e: {  	v61 =	vor.u32 v30, v21;
	v56 =	vor.u32 s23, v52;
	v4 =	vld [tilespmem:$0x1FF70]  }
0x38f: {  	v7 =	vld [tilespmem:$0x1FFD0];
	v12 =	vor.u32 v56, v16  }
0x390: {  	v34 =	vld.idx.msk [tilespmem:v49+s5+$0x0], $0xffff;
	v49 =	vor.u32 s26, v13;
	v46 =	vor.u32 s24, v52;
	v45 =	vor.u32 v56, v63  }
0x391: {  	v29 =	vld.idx.msk [tilespmem:v50+s5+$0x0], $0xffff;
	v50 =	vor.u32 s7, v13;
	v51 =	vor.u32 v46, v17  }
0x392: {  	v55 =	vor.u32 s18, v13;
	v33 =	vld.idx.msk [tilespmem:v33+s5+$0x0], $0xffff;
	v54 =	vor.u32 s17, v52;
	v53 =	vor.u32 v46, v18  }
0x393: {  	v5 =	vld.idx.msk [tilespmem:v61+s5+$0x0], $0xffff;
	v56 =	vor.u32 s19, v13;
	v60 =	vor.u32 v54, v22  }
0x394: {  	v37 =	vor.u32 v54, v21;
	v1 =	vor.u32 s23, v4;
	v61 =	vld.idx.msk [tilespmem:v12+s5+$0x0], $0xffff;
	v12 =	vor.u32 s15, v7  }
0x395: {  	[tilespmem:v49+s11+$0x0] =	vst.idx.msk $0xffff, v34;
	v31 =	vld.idx.msk [tilespmem:v45+s5+$0x0], $0xffff;
	v45 =	vor.u32 s21, v7;
	v46 =	vor.u32 v1, v16  }
0x396: {  	[tilespmem:v50+s11+$0x0] =	vst.idx.msk $0xffff, v29;
	v49 =	vor.u32 s24, v4;
	v50 =	vor.u32 s26, v7;
	v30 =	vor.u32 v1, v63;
	v29 =	vld.idx.msk [tilespmem:v51+s5+$0x0], $0xffff  }
0x397: {  	[tilespmem:v55+s11+$0x0] =	vst.idx.msk $0xffff, v33;
	v32 =	vld.idx.msk [tilespmem:v53+s5+$0x0], $0xffff;
	v51 =	vor.u32 s7, v7;
	v53 =	vor.u32 v49, v17  }
0x398: {  	v55 =	vor.u32 s17, v4;
	v54 =	vor.u32 v49, v18;
	[tilespmem:v56+s11+$0x0] =	vst.idx.msk $0xffff, v5;
	v5 =	vld.idx.msk [tilespmem:v60+s5+$0x0], $0xffff;
	v56 =	vor.u32 s18, v7  }
0x399: {  	v36 =	vor.u32 s19, v7;
	v60 =	vor.u32 v55, v22;
	v20 =	vld.idx.msk [tilespmem:v37+s5+$0x0], $0xffff;
	[tilespmem:v12+s11+$0x0] =	vst.idx.msk $0xffff, v61  }
0x39a: {  	v1 =	vor.u32 s23, v0;
	v33 =	vor.u32 v55, v21;
	[tilespmem:v45+s11+$0x0] =	vst.idx.msk $0xffff, v31;
	v12 =	vor.u32 s15, v14;
	v61 =	vld.idx.msk [tilespmem:v46+s5+$0x0], $0xffff  }
0x39b: {  	v45 =	vor.u32 s21, v14;
	[tilespmem:v50+s11+$0x0] =	vst.idx.msk $0xffff, v29;
	v30 =	vld.idx.msk [tilespmem:v30+s5+$0x0], $0xffff;
	v46 =	vor.u32 v1, v16  }
0x39c: {  	v49 =	vor.u32 v1, v63;
	v50 =	vor.u32 s24, v0;
	[tilespmem:v51+s11+$0x0] =	vst.idx.msk $0xffff, v32;
	v51 =	vor.u32 s26, v14;
	v35 =	vld.idx.msk [tilespmem:v53+s5+$0x0], $0xffff  }
0x39d: {  	[tilespmem:v56+s11+$0x0] =	vst.idx.msk $0xffff, v5;
	v19 =	vld.idx.msk [tilespmem:v54+s5+$0x0], $0xffff;
	v53 =	vor.u32 s7, v14;
	v54 =	vor.u32 v50, v17  }
0x39e: {  	v56 =	vor.u32 s17, v0;
	v55 =	vor.u32 v50, v18;
	v34 =	vld.idx.msk [tilespmem:v60+s5+$0x0], $0xffff;
	[tilespmem:v36+s11+$0x0] =	vst.idx.msk $0xffff, v20;
	v60 =	vor.u32 s18, v14  }
0x39f: {  	v1 =	vor.u32 s19, v14;
	[tilespmem:v12+s11+$0x0] =	vst.idx.msk $0xffff, v61;
	v61 =	vld.idx.msk [tilespmem:v33+s5+$0x0], $0xffff;
	v12 =	vor.u32 v56, v22  }
0x3a0: {  	v14 =	vor.u32 s23, v58;
	v40 =	vor.u32 v56, v21;
	[tilespmem:v45+s11+$0x0] =	vst.idx.msk $0xffff, v30;
	v38 =	vld.idx.msk [tilespmem:v46+s5+$0x0], $0xffff  }
0x3a1: {  	v42 =	vor.u32 v14, v16;
	[tilespmem:v51+s11+$0x0] =	vst.idx.msk $0xffff, v35;
	v29 =	vld.idx.msk [tilespmem:v49+s5+$0x0], $0xffff  }
0x3a2: {  	v44 =	vor.u32 v14, v63;
	v45 =	vor.u32 s24, v58;
	[tilespmem:v53+s11+$0x0] =	vst.idx.msk $0xffff, v19;
	v35 =	vld.idx.msk [tilespmem:v54+s5+$0x0], $0xffff  }
0x3a3: {  	[tilespmem:v60+s11+$0x0] =	vst.idx.msk $0xffff, v34;
	v46 =	vor.u32 v45, v17;
	v5 =	vld.idx.msk [tilespmem:v55+s5+$0x0], $0xffff  }
0x3a4: {  	v51 =	vor.u32 s17, v58;
	v49 =	vor.u32 v45, v18;
	v50 =	vld.idx.msk [tilespmem:v12+s5+$0x0], $0xffff;
	[tilespmem:v1+s11+$0x0] =	vst.idx.msk $0xffff, v61  }
0x3a5: {  	v53 =	vor.u32 v51, v22;
	[tilespmem:v23+s11+$0x0] =	vst.idx.msk $0xffff, v38;
	v54 =	vld.idx.msk [tilespmem:v40+s5+$0x0], $0xffff  }
0x3a6: {  	v55 =	vor.u32 s15, v11;
	v20 =	vor.u32 v51, v21;
	[tilespmem:v24+s11+$0x0] =	vst.idx.msk $0xffff, v29;
	v16 =	vld.idx.msk [tilespmem:v42+s5+$0x0], $0xffff  }
0x3a7: {  	v56 =	vor.u32 s21, v11;
	[tilespmem:v25+s11+$0x0] =	vst.idx.msk $0xffff, v35;
	v24 =	vld.idx.msk [tilespmem:v44+s5+$0x0], $0xffff  }
0x3a8: {  	v25 =	vor.u32 s26, v11;
	[tilespmem:v26+s11+$0x0] =	vst.idx.msk $0xffff, v5;
	v17 =	vld.idx.msk [tilespmem:v46+s5+$0x0], $0xffff  }
0x3a9: {  	v60 =	vor.u32 s7, v11;
	v18 =	vld.idx.msk [tilespmem:v49+s5+$0x0], $0xffff;
	[tilespmem:v27+s11+$0x0] =	vst.idx.msk $0xffff, v50  }
0x3aa: {  	v61 =	vor.u32 s18, v11;
	v22 =	vld.idx.msk [tilespmem:v53+s5+$0x0], $0xffff;
	[tilespmem:v28+s11+$0x0] =	vst.idx.msk $0xffff, v54  }
0x3ab: {  	v63 =	vor.u32 s19, v11;
	[tilespmem:v55+s11+$0x0] =	vst.idx.msk $0xffff, v16;
	v20 =	vld.idx.msk [tilespmem:v20+s5+$0x0], $0xffff  }
0x3ac: {  	[tilespmem:v56+s11+$0x0] =	vst.idx.msk $0xffff, v24  }
0x3ad: {  	s28 =	sadd.s32 $0x1, s28;
	[tilespmem:v25+s11+$0x0] =	vst.idx.msk $0xffff, v17  }
0x3ae: {  	p2 =	sne.s32 s28, $0x11;
	[tilespmem:v60+s11+$0x0] =	vst.idx.msk $0xffff, v18  }
.Ltmp4:
0x3af: {  	[tilespmem:v61+s11+$0x0] =	vst.idx.msk $0xffff, v22;
	(pc) =	sbr.rel @p2 .LBB2_2-.Ltmp4, $4  }
0x3b0: {  	s0 =	sshll.u32 s4, $0x9;
	[tilespmem:v63+s11+$0x0] =	vst.idx.msk $0xffff, v20  }
0x3b1: {  	s2 =	rddreg [dreg:$0x2];
	s0 =	sand.u32 $0x1FFFFE00, s0;
	v36 =	vmov v9;
	v60 =	vld [tilespmem:$0x1FD60]  }
0x3b2: {  	s29 =	simm.s32 $0x15000;
	s0 =	sadd.s32 s2, s0;
	v34 =	vmovc v59;
	v59 =	vmovc v4;
	v11 =	vmov v13;
	v46 =	vmov v3;
	v44 =	vmov v2;
	v24 =	vld [tilespmem:$0x1FFE0]  }
0x3b3: {  	v49 =	vmovc v6;
	v53 =	vmovc v8;
	v8 =	vmov v15;
	v56 =	vmov v10;
	v61 =	vmov v0;
	[hbm4b:s0+s5] =	stream.linear.scatter [tilespmem:s29], [sflag:$0x4], $0x7000, $0x38;
	v51 =	vld [tilespmem:$0x1FFC0]  }
0x3b4: {  	s0 =	simm.s32 $0x3  }
0x3b5: {  	_ =	swait.ge [sflag:s0], $0x7000  }
0x3b6: {  	[sflag:s0] =	ssyncset.done $0x0  }
0x3b7: {  	s15 =	simm.s32 $0x4;
	[sflag:s0] =	ssyncadd.s32 $0xFFFF9000  }
0x3b8: {  	_ =	swait.ge [sflag:s15], $0x7000  }
0x3b9: {  	[sflag:s15] =	ssyncset.done $0x0  }
0x3ba: {  	s17 =	simm.s32 $0x0;
	s2 =	rddreg [dreg:$0xa];
	[sflag:s15] =	ssyncadd.s32 $0xFFFF9000  }
0x3bb: {  	[tilespmem:s17], [sflag:$0x1] =	stream.strided.gather [hbm4b:s2+s1], $0x1000, s25, s1, $0x38;
	[tilespmem:$0x1C000] =	vst v63  }
0x3bc: {  	s26 =	simm.s32 $0x1000;
	s18 =	rddreg [dreg:$0xb]  }
0x3bd: {  	[tilespmem:s26], [sflag:$0x1] =	stream.strided.gather [hbm4b:s18+s1], $0x1000, s25, s1, $0x38;
	[tilespmem:$0x1C000] =	vst v63  }
0x3be: {  	s28 =	simm.s32 $0x2000;
	s19 =	rddreg [dreg:$0xc]  }
0x3bf: {  	[tilespmem:s28], [sflag:$0x1] =	stream.strided.gather [hbm4b:s19+s1], $0x1000, s25, s1, $0x38;
	[tilespmem:$0x1C000] =	vst v63  }
0x3c0: {  	s29 =	simm.s32 $0x3000;
	s20 =	rddreg [dreg:$0xd]  }
0x3c1: {  	[tilespmem:s29], [sflag:$0x1] =	stream.strided.gather [hbm4b:s20+s1], $0x1000, s25, s1, $0x38;
	[tilespmem:$0x1C000] =	vst v63  }
0x3c2: {  	s4 =	simm.s32 $0x4000;
	s21 =	rddreg [dreg:$0xe]  }
0x3c3: {  	[tilespmem:s4], [sflag:$0x1] =	stream.strided.gather [hbm4b:s21+s1], $0x1000, s25, s1, $0x38;
	[tilespmem:$0x1C000] =	vst v63  }
0x3c4: {  	s23 =	simm.s32 $0x5000;
	s22 =	rddreg [dreg:$0x10]  }
0x3c5: {  	[tilespmem:s23], [sflag:$0x1] =	stream.strided.gather [hbm4b:s22+s1], $0x1000, s25, s1, $0x38;
	[tilespmem:$0x1C000] =	vst v63  }
0x3c6: {  	_ =	swait.ge [sflag:s14], $0x1000  }
0x3c7: {  	[sflag:s14] =	ssyncset.done $0x0  }
0x3c8: {  	[sflag:s14] =	ssyncadd.s32 $0xFFFFF000  }
0x3c9: {  	_ =	swait.ge [sflag:s14], $0x1000  }
0x3ca: {  	[sflag:s14] =	ssyncset.done $0x0  }
0x3cb: {  	[sflag:s14] =	ssyncadd.s32 $0xFFFFF000  }
0x3cc: {  	_ =	swait.ge [sflag:s14], $0x1000  }
0x3cd: {  	[sflag:s14] =	ssyncset.done $0x0  }
0x3ce: {  	[sflag:s14] =	ssyncadd.s32 $0xFFFFF000  }
0x3cf: {  	s24 =	simm.s32 $0x0;
	_ =	swait.ge [sflag:s14], $0x1000  }
0x3d0: {  	v5 =	vmov s24;
	[sflag:s14] =	ssyncset.done $0x0  }
0x3d1: {  	v9 =	vlaneseq.u32;
	v5 =	vshll.u32 v5, $0x7;
	s19 =	sand.u32 $0x70, s17;
	[sflag:s14] =	ssyncadd.s32 $0xFFFFF000  }
0x3d2: {  	v27 =	vor.u32 v48, v5;
	v16 =	vor.u32 s19, v9;
	_ =	swait.ge [sflag:s14], $0x1000  }
0x3d3: {  	v5 =	vor.u32 v16, v27;
	[sflag:s14] =	ssyncset.done $0x0  }
0x3d4: {  	[sflag:s14] =	ssyncadd.s32 $0xFFFFF000  }
0x3d5: {  	_ =	swait.ge [sflag:s14], $0x1000  }
0x3d6: {  	s6 =	simm.s32 $0x0;
	s7 =	sshll.u32 s19, $0x5;
	[sflag:s14] =	ssyncset.done $0x0  }
0x3d7: {  	s0 =	sor.u32 s6, s7;
	[sflag:s14] =	ssyncadd.s32 $0xFFFFF000  }
0x3d8: {  	v17 =	vor.u32 s0, v47;
	v5 =	vld.idx.msk [tilespmem:v5+s5+$0x0], $0xffff;
	_ =	sdelay $0x3  }
0x3d9: {  	v18 =	vor.u32 s19, v60  }
0x3da: {  	v20 =	vor.u32 v18, v27;
	[tilespmem:v17+s11+$0x0] =	vst.idx.msk $0xffff, v5  }
0x3db: {  	v2 =	vld [tilespmem:$0x1FC20];
	_ =	sdelay $0x3  }
0x3dc: {  	v5 =	vld.idx.msk [tilespmem:v20+s5+$0x0], $0xffff  }
0x3dd: {  	v10 =	vld [tilespmem:$0x1FD80];
	v17 =	vor.u32 s0, v2  }
0x3de: {  	s2 =	sor.u32 $0x10, s24  }
0x3df: {  	v19 =	vmov s2  }
0x3e0: {  	v19 =	vshll.u32 v19, $0x7  }
0x3e1: {  	v29 =	vor.u32 v48, v19  }
0x3e2: {  	v16 =	vor.u32 v16, v29;
	v19 =	vor.u32 s19, v10;
	[tilespmem:v17+s11+$0x0] =	vst.idx.msk $0xffff, v5  }
0x3e3: {  	v20 =	vor.u32 v19, v27;
	v4 =	vld [tilespmem:$0x1FC60];
	_ =	sdelay $0x2  }
0x3e4: {  	s2 =	sor.u32 $0x10, s0  }
0x3e5: {  	v21 =	vor.u32 s2, v47;
	v16 =	vld.idx.msk [tilespmem:v16+s5+$0x0], $0xffff  }
0x3e6: {  	v5 =	vld.idx.msk [tilespmem:v20+s5+$0x0], $0xffff;
	v17 =	vor.u32 s0, v4;
	_ =	sdelay $0x3  }
0x3e7: {  	[tilespmem:v21+s11+$0x0] =	vst.idx.msk $0xffff, v16  }
0x3e8: {  	v18 =	vor.u32 v18, v29;
	v20 =	vor.u32 s19, v24;
	[tilespmem:v17+s11+$0x0] =	vst.idx.msk $0xffff, v5  }
0x3e9: {  	v22 =	vor.u32 v20, v27;
	v7 =	vld [tilespmem:$0x1FC40];
	_ =	sdelay $0x3  }
0x3ea: {  	v16 =	vld.idx.msk [tilespmem:v18+s5+$0x0], $0xffff;
	v18 =	vor.u32 s2, v2  }
0x3eb: {  	v5 =	vld.idx.msk [tilespmem:v22+s5+$0x0], $0xffff;
	v17 =	vor.u32 s0, v7;
	_ =	sdelay $0x3  }
0x3ec: {  	[tilespmem:v18+s11+$0x0] =	vst.idx.msk $0xffff, v16  }
0x3ed: {  	v19 =	vor.u32 v19, v29;
	v21 =	vor.u32 s19, v57;
	[tilespmem:v17+s11+$0x0] =	vst.idx.msk $0xffff, v5  }
0x3ee: {  	v23 =	vor.u32 v21, v27;
	v55 =	vld [tilespmem:$0x1FC50]  }
0x3ef: {  	s6 =	simm.s32 $0x0  }
0x3f0: {  	s9 =	simm.s32 $0x10;
	v22 =	vmov s6  }
0x3f1: {  	s21 =	sand.u32 $0x70, s9;
	v22 =	vshll.u32 v22, $0x7  }
0x3f2: {  	v18 =	vor.u32 s21, v9;
	v16 =	vld.idx.msk [tilespmem:v19+s5+$0x0], $0xffff;
	v19 =	vor.u32 s2, v4;
	v63 =	vor.u32 v48, v22  }
0x3f3: {  	v22 =	vor.u32 v18, v63;
	v5 =	vld.idx.msk [tilespmem:v23+s5+$0x0], $0xffff;
	v17 =	vor.u32 s0, v55;
	_ =	sdelay $0x1  }
0x3f4: {  	v20 =	vor.u32 v20, v29;
	_ =	sdelay $0x1  }
0x3f5: {  	s15 =	simm.s32 $0x0;
	s7 =	sshll.u32 s21, $0x5;
	[tilespmem:v19+s11+$0x0] =	vst.idx.msk $0xffff, v16  }
0x3f6: {  	s4 =	sor.u32 s15, s7;
	v23 =	vor.u32 s19, v53;
	v19 =	vld.idx.msk [tilespmem:v22+s5+$0x0], $0xffff;
	[tilespmem:v17+s11+$0x0] =	vst.idx.msk $0xffff, v5  }
0x3f7: {  	v1 =	vmovc v24;
	v25 =	vor.u32 s21, v60;
	v22 =	vor.u32 s4, v47;
	v24 =	vor.u32 v23, v27;
	v3 =	vld [tilespmem:$0x1FC00]  }
0x3f8: {  	s6 =	sor.u32 $0x10, s6;
	v28 =	vor.u32 v25, v63;
	v26 =	vor.u32 s2, v7;
	v20 =	vld.idx.msk [tilespmem:v20+s5+$0x0], $0xffff  }
0x3f9: {  	v16 =	vmov s6  }
0x3fa: {  	v21 =	vor.u32 v21, v29;
	v5 =	vshll.u32 v16, $0x7  }
0x3fb: {  	v16 =	vor.u32 v48, v5  }
0x3fc: {  	v30 =	vor.u32 s19, v36;
	v17 =	vld.idx.msk [tilespmem:v24+s5+$0x0], $0xffff;
	[tilespmem:v22+s11+$0x0] =	vst.idx.msk $0xffff, v19;
	v18 =	vor.u32 v18, v16;
	v24 =	vor.u32 s0, v3  }
0x3fd: {  	v5 =	vor.u32 v30, v27;
	[tilespmem:v26+s11+$0x0] =	vst.idx.msk $0xffff, v20;
	v20 =	vor.u32 s4, v2;
	v19 =	vld.idx.msk [tilespmem:v28+s5+$0x0], $0xffff  }
0x3fe: {  	v22 =	vor.u32 s21, v10  }
0x3ff: {  	v26 =	vor.u32 v22, v63;
	v21 =	vld.idx.msk [tilespmem:v21+s5+$0x0], $0xffff;
	v28 =	vor.u32 s2, v55  }
0x400: {  	s15 =	sor.u32 $0x10, s4;
	v23 =	vor.u32 v23, v29  }
0x401: {  	v31 =	vor.u32 s15, v47;
	v18 =	vld.idx.msk [tilespmem:v18+s5+$0x0], $0xffff;
	[tilespmem:v24+s11+$0x0] =	vst.idx.msk $0xffff, v17  }
0x402: {  	[tilespmem:v20+s11+$0x0] =	vst.idx.msk $0xffff, v19;
	v20 =	vor.u32 v25, v16;
	v17 =	vor.u32 s0, v8;
	v24 =	vor.u32 s19, v34;
	v5 =	vld.idx.msk [tilespmem:v5+s5+$0x0], $0xffff  }
0x403: {  	v19 =	vor.u32 v24, v27  }
0x404: {  	v33 =	vor.u32 s4, v4;
	[tilespmem:v28+s11+$0x0] =	vst.idx.msk $0xffff, v21;
	v32 =	vld.idx.msk [tilespmem:v26+s5+$0x0], $0xffff  }
0x405: {  	v14 =	vmov v34;
	v35 =	vor.u32 s2, v3;
	v23 =	vld.idx.msk [tilespmem:v23+s5+$0x0], $0xffff;
	v34 =	vor.u32 s21, v1  }
0x406: {  	v42 =	vor.u32 v30, v29;
	v21 =	vor.u32 v34, v63;
	[tilespmem:v31+s11+$0x0] =	vst.idx.msk $0xffff, v18  }
0x407: {  	v22 =	vor.u32 v22, v16;
	v26 =	vor.u32 s19, v59;
	v31 =	vor.u32 s15, v2;
	v20 =	vld.idx.msk [tilespmem:v20+s5+$0x0], $0xffff;
	[tilespmem:v17+s11+$0x0] =	vst.idx.msk $0xffff, v5  }
0x408: {  	v25 =	vor.u32 v26, v27;
	v18 =	vor.u32 s19, v62;
	v17 =	vor.u32 s0, v56;
	v5 =	vld.idx.msk [tilespmem:v19+s5+$0x0], $0xffff  }
0x409: {  	v28 =	vor.u32 v26, v29;
	v26 =	vor.u32 s19, v61;
	[tilespmem:v33+s11+$0x0] =	vst.idx.msk $0xffff, v32;
	v43 =	vor.u32 v18, v27  }
0x40a: {  	v50 =	vor.u32 v26, v29;
	[tilespmem:v35+s11+$0x0] =	vst.idx.msk $0xffff, v23  }
0x40b: {  	v45 =	vor.u32 s4, v7;
	v21 =	vld.idx.msk [tilespmem:v21+s5+$0x0], $0xffff;
	[tilespmem:$0x1FBE0] =	vst v50  }
0x40c: {  	v37 =	vor.u32 s2, v8;
	v35 =	vld.idx.msk [tilespmem:v42+s5+$0x0], $0xffff;
	[tilespmem:v31+s11+$0x0] =	vst.idx.msk $0xffff, v20  }
0x40d: {  	v38 =	vor.u32 s21, v57;
	v41 =	vor.u32 s15, v4;
	v40 =	vld.idx.msk [tilespmem:v22+s5+$0x0], $0xffff;
	[tilespmem:v17+s11+$0x0] =	vst.idx.msk $0xffff, v5  }
0x40e: {  	s17 =	simm.s32 $0x0;
	v23 =	vor.u32 v38, v63;
	v31 =	vor.u32 s0, v49;
	v20 =	vld.idx.msk [tilespmem:v43+s5+$0x0], $0xffff  }
0x40f: {  	s18 =	simm.s32 $0x20;
	v19 =	vmov s17  }
0x410: {  	v0 =	vmov v1;
	s7 =	sand.u32 $0x70, s18;
	v1 =	vor.u32 s21, v59;
	v39 =	vshll.u32 v19, $0x7;
	[tilespmem:v45+s11+$0x0] =	vst.idx.msk $0xffff, v21  }
0x411: {  	v24 =	vor.u32 v24, v29;
	v5 =	vor.u32 s7, v9;
	v17 =	vor.u32 v48, v39;
	[tilespmem:v37+s11+$0x0] =	vst.idx.msk $0xffff, v35  }
0x412: {  	s6 =	sor.u32 $0x10, s17;
	v32 =	vor.u32 s19, v46;
	v33 =	vor.u32 v34, v16;
	v39 =	vor.u32 v5, v17;
	[tilespmem:v41+s11+$0x0] =	vst.idx.msk $0xffff, v40  }
0x413: {  	v34 =	vor.u32 s4, v55;
	v19 =	vor.u32 v1, v63;
	v22 =	vmov s6;
	v23 =	vld.idx.msk [tilespmem:v23+s5+$0x0], $0xffff;
	[tilespmem:v31+s11+$0x0] =	vst.idx.msk $0xffff, v20  }
0x414: {  	v21 =	vor.u32 v32, v27;
	v45 =	vshll.u32 v22, $0x7;
	v22 =	vor.u32 v1, v16;
	v1 =	vld [tilespmem:$0x1FC10]  }
0x415: {  	s20 =	simm.s32 $0x0;
	s9 =	sshll.u32 s7, $0x5  }
0x416: {  	s9 =	sor.u32 s20, s9;
	v42 =	vor.u32 s2, v56;
	v24 =	vld.idx.msk [tilespmem:v24+s5+$0x0], $0xffff  }
0x417: {  	v35 =	vor.u32 s21, v53;
	v37 =	vor.u32 s9, v47;
	v31 =	vld.idx.msk [tilespmem:v39+s5+$0x0], $0xffff  }
0x418: {  	v43 =	vor.u32 v35, v63;
	[tilespmem:v34+s11+$0x0] =	vst.idx.msk $0xffff, v23;
	v23 =	vld.idx.msk [tilespmem:v33+s5+$0x0], $0xffff;
	v33 =	vor.u32 s15, v7  }
0x419: {  	v50 =	vor.u32 v18, v29;
	v40 =	vld.idx.msk [tilespmem:v21+s5+$0x0], $0xffff;
	v41 =	vor.u32 s0, v1  }
0x41a: {  	v18 =	vor.u32 v48, v45  }
0x41b: {  	v54 =	vmovc v36;
	v13 =	vmov v56;
	v5 =	vor.u32 v5, v18;
	v39 =	vor.u32 s7, v60;
	[tilespmem:v42+s11+$0x0] =	vst.idx.msk $0xffff, v24  }
0x41c: {  	v12 =	vmovc v46;
	v6 =	vmov v49;
	v46 =	vor.u32 s2, v49;
	v45 =	vor.u32 v39, v17;
	[tilespmem:v37+s11+$0x0] =	vst.idx.msk $0xffff, v31  }
0x41d: {  	v38 =	vor.u32 v38, v16;
	v42 =	vor.u32 s4, v3;
	v24 =	vld.idx.msk [tilespmem:v43+s5+$0x0], $0xffff;
	v43 =	vor.u32 s21, v54;
	[tilespmem:v33+s11+$0x0] =	vst.idx.msk $0xffff, v23  }
0x41e: {  	v56 =	vmov v44;
	v44 =	vor.u32 s19, v44;
	v36 =	vld.idx.msk [tilespmem:v50+s5+$0x0], $0xffff;
	v49 =	vor.u32 v43, v63;
	[tilespmem:v41+s11+$0x0] =	vst.idx.msk $0xffff, v40  }
0x41f: {  	s23 =	sor.u32 $0x10, s9;
	v30 =	vmov v10;
	v34 =	vor.u32 v44, v27;
	v40 =	vor.u32 s7, v10;
	v10 =	vld [tilespmem:$0x1FF30]  }
0x420: {  	v5 =	vld.idx.msk [tilespmem:v5+s5+$0x0], $0xffff;
	v50 =	vor.u32 s23, v47  }
0x421: {  	v32 =	vor.u32 v32, v29;
	v31 =	vor.u32 v39, v18;
	v39 =	vor.u32 s9, v2;
	v37 =	vld.idx.msk [tilespmem:v45+s5+$0x0], $0xffff  }
0x422: {  	v38 =	vld.idx.msk [tilespmem:v38+s5+$0x0], $0xffff;
	[tilespmem:v42+s11+$0x0] =	vst.idx.msk $0xffff, v24;
	v24 =	vor.u32 s15, v55  }
0x423: {  	v35 =	vor.u32 v35, v16;
	v45 =	vor.u32 s4, v8;
	[tilespmem:v46+s11+$0x0] =	vst.idx.msk $0xffff, v36;
	v36 =	vld.idx.msk [tilespmem:v49+s5+$0x0], $0xffff  }
0x424: {  	v41 =	vor.u32 s19, v51;
	v23 =	vld.idx.msk [tilespmem:v34+s5+$0x0], $0xffff;
	v34 =	vor.u32 v40, v17;
	v33 =	vor.u32 s0, v10  }
0x425: {  	v42 =	vor.u32 v41, v27;
	[tilespmem:v50+s11+$0x0] =	vst.idx.msk $0xffff, v5  }
0x426: {  	v5 =	vor.u32 s2, v1;
	[tilespmem:v39+s11+$0x0] =	vst.idx.msk $0xffff, v37;
	v32 =	vld.idx.msk [tilespmem:v32+s5+$0x0], $0xffff  }
0x427: {  	v50 =	vor.u32 s23, v2;
	v31 =	vld.idx.msk [tilespmem:v31+s5+$0x0], $0xffff;
	[tilespmem:v24+s11+$0x0] =	vst.idx.msk $0xffff, v38  }
0x428: {  	v35 =	vld.idx.msk [tilespmem:v35+s5+$0x0], $0xffff;
	[tilespmem:v45+s11+$0x0] =	vst.idx.msk $0xffff, v36;
	v36 =	vor.u32 s15, v3  }
0x429: {  	[tilespmem:v33+s11+$0x0] =	vst.idx.msk $0xffff, v23;
	v23 =	vld.idx.msk [tilespmem:v34+s5+$0x0], $0xffff;
	v33 =	vor.u32 s9, v4  }
0x42a: {  	v37 =	vor.u32 v40, v18;
	v40 =	vor.u32 s0, v11;
	v38 =	vld.idx.msk [tilespmem:v42+s5+$0x0], $0xffff  }
0x42b: {  	[tilespmem:v5+s11+$0x0] =	vst.idx.msk $0xffff, v32  }
0x42c: {  	v46 =	vor.u32 s21, v14;
	[tilespmem:v50+s11+$0x0] =	vst.idx.msk $0xffff, v31  }
0x42d: {  	v49 =	vor.u32 v46, v63;
	[tilespmem:v36+s11+$0x0] =	vst.idx.msk $0xffff, v35  }
0x42e: {  	v44 =	vor.u32 v44, v29;
	v34 =	vor.u32 s7, v0;
	[tilespmem:v33+s11+$0x0] =	vst.idx.msk $0xffff, v23  }
0x42f: {  	v39 =	vor.u32 s19, v52;
	v42 =	vor.u32 v34, v17;
	[tilespmem:v40+s11+$0x0] =	vst.idx.msk $0xffff, v38  }
0x430: {  	v45 =	vor.u32 v39, v27;
	v15 =	vld [tilespmem:$0x1FFD0];
	_ =	sdelay $0x1  }
0x431: {  	v5 =	vor.u32 s4, v13;
	v49 =	vld.idx.msk [tilespmem:v49+s5+$0x0], $0xffff  }
0x432: {  	v43 =	vor.u32 v43, v16;
	v31 =	vor.u32 s2, v10;
	v44 =	vld.idx.msk [tilespmem:v44+s5+$0x0], $0xffff  }
0x433: {  	v32 =	vor.u32 s21, v62;
	v33 =	vor.u32 s9, v7;
	v23 =	vld.idx.msk [tilespmem:v42+s5+$0x0], $0xffff  }
0x434: {  	v50 =	vor.u32 v32, v63;
	v35 =	vld.idx.msk [tilespmem:v45+s5+$0x0], $0xffff;
	v36 =	vor.u32 s0, v15;
	_ =	sdelay $0x1  }
0x435: {  	v41 =	vor.u32 v41, v29;
	[tilespmem:v5+s11+$0x0] =	vst.idx.msk $0xffff, v49  }
0x436: {  	v43 =	vld.idx.msk [tilespmem:v43+s5+$0x0], $0xffff;
	v38 =	vor.u32 s7, v57;
	[tilespmem:v31+s11+$0x0] =	vst.idx.msk $0xffff, v44  }
0x437: {  	v42 =	vor.u32 s15, v8;
	v40 =	vor.u32 v38, v17;
	v45 =	vor.u32 v46, v16;
	[tilespmem:v33+s11+$0x0] =	vst.idx.msk $0xffff, v23  }
0x438: {  	v5 =	vor.u32 v34, v18;
	v31 =	vor.u32 s4, v6;
	v34 =	vld.idx.msk [tilespmem:v50+s5+$0x0], $0xffff;
	[tilespmem:v36+s11+$0x0] =	vst.idx.msk $0xffff, v35  }
0x439: {  	v14 =	vld [tilespmem:$0x1FC90]  }
0x43a: {  	v49 =	vor.u32 s2, v11;
	v41 =	vld.idx.msk [tilespmem:v41+s5+$0x0], $0xffff  }
0x43b: {  	v37 =	vld.idx.msk [tilespmem:v37+s5+$0x0], $0xffff;
	v46 =	vor.u32 s23, v4  }
0x43c: {  	v33 =	vld.idx.msk [tilespmem:v40+s5+$0x0], $0xffff;
	v40 =	vor.u32 s9, v55;
	[tilespmem:v42+s11+$0x0] =	vst.idx.msk $0xffff, v43  }
0x43d: {  	v44 =	vor.u32 s21, v12;
	[tilespmem:v31+s11+$0x0] =	vst.idx.msk $0xffff, v34;
	v31 =	vor.u32 s15, v13;
	v45 =	vld.idx.msk [tilespmem:v45+s5+$0x0], $0xffff  }
0x43e: {  	v12 =	vmov v52;
	v52 =	vor.u32 v44, v63;
	v42 =	vld.idx.msk [tilespmem:v25+s5+$0x0], $0xffff;
	v36 =	vor.u32 s0, v14  }
0x43f: {  	s22 =	simm.s32 $0x0;
	[tilespmem:v49+s11+$0x0] =	vst.idx.msk $0xffff, v41  }
0x440: {  	s20 =	simm.s32 $0x30;
	s6 =	sor.u32 $0x10, s22;
	v39 =	vor.u32 v39, v29;
	v57 =	vmov s22;
	[tilespmem:v46+s11+$0x0] =	vst.idx.msk $0xffff, v37  }
0x441: {  	s17 =	sand.u32 $0x70, s20;
	v32 =	vor.u32 v32, v16;
	v50 =	vmov s6;
	v23 =	vshll.u32 v57, $0x7;
	[tilespmem:v40+s11+$0x0] =	vst.idx.msk $0xffff, v33  }
0x442: {  	v23 =	vor.u32 v48, v23;
	v35 =	vor.u32 s17, v9;
	v9 =	vor.u32 v26, v27;
	[tilespmem:v31+s11+$0x0] =	vst.idx.msk $0xffff, v45  }
0x443: {  	v57 =	vor.u32 v35, v23;
	v25 =	vshll.u32 v50, $0x7;
	v34 =	vld.idx.msk [tilespmem:v52+s5+$0x0], $0xffff;
	[tilespmem:v36+s11+$0x0] =	vst.idx.msk $0xffff, v42  }
0x444: {  	v41 =	vor.u32 s4, v1;
	v46 =	vor.u32 s2, v15;
	v25 =	vor.u32 v48, v25;
	v15 =	vld [tilespmem:$0x1FCA0]  }
0x445: {  	v0 =	vmovc v51;
	v51 =	vor.u32 s7, v59;
	v37 =	vor.u32 s7, v53;
	v39 =	vld.idx.msk [tilespmem:v39+s5+$0x0], $0xffff;
	v35 =	vor.u32 v35, v25  }
0x446: {  	s24 =	simm.s32 $0x0;
	s18 =	sshll.u32 s17, $0x5;
	v24 =	vor.u32 v51, v17;
	v40 =	vor.u32 s23, v7;
	v33 =	vor.u32 v37, v17;
	v5 =	vld.idx.msk [tilespmem:v5+s5+$0x0], $0xffff  }
0x447: {  	s18 =	sor.u32 s24, s18;
	v26 =	vor.u32 v51, v18;
	v49 =	vor.u32 s21, v56;
	v56 =	vor.u32 s15, v6;
	v32 =	vld.idx.msk [tilespmem:v32+s5+$0x0], $0xffff  }
0x448: {  	v50 =	vor.u32 v49, v63;
	v43 =	vld.idx.msk [tilespmem:v57+s5+$0x0], $0xffff;
	v57 =	vor.u32 s17, v60;
	v36 =	vor.u32 s18, v47  }
0x449: {  	v51 =	vor.u32 s19, v58;
	s19 =	sor.u32 $0x10, s18;
	v58 =	vor.u32 v57, v23;
	v31 =	vld.idx.msk [tilespmem:v9+s5+$0x0], $0xffff;
	[tilespmem:v41+s11+$0x0] =	vst.idx.msk $0xffff, v34;
	v45 =	vor.u32 s0, v15  }
0x44a: {  	v53 =	vor.u32 s19, v47;
	v35 =	vld.idx.msk [tilespmem:v35+s5+$0x0], $0xffff;
	[tilespmem:v46+s11+$0x0] =	vst.idx.msk $0xffff, v39  }
0x44b: {  	v60 =	vor.u32 s9, v3;
	v33 =	vld.idx.msk [tilespmem:v33+s5+$0x0], $0xffff;
	[tilespmem:v40+s11+$0x0] =	vst.idx.msk $0xffff, v5  }
0x44c: {  	v5 =	vor.u32 v57, v25;
	v57 =	vor.u32 s2, v14;
	v46 =	vld.idx.msk [tilespmem:v28+s5+$0x0], $0xffff;
	[tilespmem:v56+s11+$0x0] =	vst.idx.msk $0xffff, v32  }
0x44d: {  	v38 =	vor.u32 v38, v18;
	[tilespmem:v36+s11+$0x0] =	vst.idx.msk $0xffff, v43;
	v43 =	vld.idx.msk [tilespmem:v50+s5+$0x0], $0xffff;
	v50 =	vor.u32 s4, v10  }
0x44e: {  	v41 =	vor.u32 v51, v27;
	[tilespmem:v45+s11+$0x0] =	vst.idx.msk $0xffff, v31;
	v45 =	vld.idx.msk [tilespmem:v58+s5+$0x0], $0xffff;
	v58 =	vor.u32 s18, v2  }
0x44f: {  	v9 =	vld [tilespmem:$0x1FF20];
	[tilespmem:v53+s11+$0x0] =	vst.idx.msk $0xffff, v35  }
0x450: {  	v44 =	vor.u32 v44, v16;
	[tilespmem:v60+s11+$0x0] =	vst.idx.msk $0xffff, v33  }
0x451: {  	[tilespmem:v57+s11+$0x0] =	vst.idx.msk $0xffff, v46  }
0x452: {  	v42 =	vor.u32 s7, v54;
	v38 =	vld.idx.msk [tilespmem:v38+s5+$0x0], $0xffff;
	[tilespmem:v50+s11+$0x0] =	vst.idx.msk $0xffff, v43  }
0x453: {  	v54 =	vor.u32 s17, v59;
	v59 =	vor.u32 s17, v30;
	v36 =	vor.u32 v42, v17;
	v56 =	vld.idx.msk [tilespmem:v41+s5+$0x0], $0xffff;
	[tilespmem:v58+s11+$0x0] =	vst.idx.msk $0xffff, v45  }
0x454: {  	v39 =	vor.u32 v59, v23;
	v41 =	vor.u32 s21, v0;
	v35 =	vor.u32 v59, v25;
	v59 =	vld [tilespmem:$0x1FBE0]  }
0x455: {  	v44 =	vld.idx.msk [tilespmem:v44+s5+$0x0], $0xffff;
	v33 =	vor.u32 s23, v55;
	v57 =	vor.u32 v41, v63  }
0x456: {  	v37 =	vor.u32 v37, v18;
	v32 =	vor.u32 s0, v9;
	v58 =	vld [tilespmem:$0x1FFB0]  }
0x457: {  	v60 =	vor.u32 s19, v2;
	v5 =	vld.idx.msk [tilespmem:v5+s5+$0x0], $0xffff  }
0x458: {  	v46 =	vor.u32 s9, v8;
	v36 =	vld.idx.msk [tilespmem:v36+s5+$0x0], $0xffff  }
0x459: {  	v43 =	vor.u32 s15, v1;
	v39 =	vld.idx.msk [tilespmem:v39+s5+$0x0], $0xffff  }
0x45a: {  	[tilespmem:v33+s11+$0x0] =	vst.idx.msk $0xffff, v38;
	v38 =	vor.u32 v49, v16;
	v49 =	vor.u32 s18, v4;
	v55 =	vld.idx.msk [tilespmem:v57+s5+$0x0], $0xffff  }
0x45b: {  	v50 =	vor.u32 s7, v58;
	[tilespmem:v32+s11+$0x0] =	vst.idx.msk $0xffff, v56;
	v56 =	vor.u32 s4, v11;
	v58 =	vld.idx.msk [tilespmem:v37+s5+$0x0], $0xffff  }
0x45c: {  	v45 =	vor.u32 s2, v15;
	[tilespmem:v60+s11+$0x0] =	vst.idx.msk $0xffff, v5;
	v52 =	vld.idx.msk [tilespmem:v59+s5+$0x0], $0xffff  }
0x45d: {  	v60 =	vld [tilespmem:$0x1FFE0];
	[tilespmem:v46+s11+$0x0] =	vst.idx.msk $0xffff, v36;
	v59 =	vor.u32 s23, v3  }
0x45e: {  	[tilespmem:v43+s11+$0x0] =	vst.idx.msk $0xffff, v44  }
0x45f: {  	[tilespmem:v49+s11+$0x0] =	vst.idx.msk $0xffff, v39  }
0x460: {  	[tilespmem:v56+s11+$0x0] =	vst.idx.msk $0xffff, v55  }
0x461: {  	[tilespmem:v45+s11+$0x0] =	vst.idx.msk $0xffff, v52  }
0x462: {  	v53 =	vor.u32 s17, v60;
	v60 =	vld.idx.msk [tilespmem:v35+s5+$0x0], $0xffff;
	[tilespmem:v59+s11+$0x0] =	vst.idx.msk $0xffff, v58  }
0x463: {  	v0 =	vmov v62;
	v62 =	vor.u32 s19, v4;
	v37 =	vor.u32 s2, v9;
	v9 =	vld [tilespmem:$0x1FF00]  }
0x464: {  	v21 =	vor.u32 s21, v61;
	v30 =	vor.u32 v54, v25  }
0x465: {  	v40 =	vor.u32 s21, v12;
	v31 =	vor.u32 v54, v23;
	v54 =	vor.u32 v50, v17  }
0x466: {  	v28 =	vor.u32 s7, v61;
	v32 =	vor.u32 s17, v61;
	v61 =	vor.u32 v40, v63  }
0x467: {  	v51 =	vor.u32 v51, v29;
	v43 =	vld.idx.msk [tilespmem:v38+s5+$0x0], $0xffff  }
0x468: {  	v20 =	vor.u32 v21, v16;
	v1 =	vor.u32 v42, v18;
	v59 =	vor.u32 s17, v9;
	v9 =	vld [tilespmem:$0x1FF10];
	[tilespmem:v62+s11+$0x0] =	vst.idx.msk $0xffff, v60  }
0x469: {  	v34 =	vor.u32 s23, v8;
	v2 =	vor.u32 s7, v0;
	v57 =	vor.u32 v53, v23;
	v62 =	vld [tilespmem:$0x1FFD0]  }
0x46a: {  	v27 =	vor.u32 v28, v18;
	v42 =	vor.u32 v2, v18;
	v33 =	vor.u32 s19, v8;
	v5 =	vld.idx.msk [tilespmem:v54+s5+$0x0], $0xffff  }
0x46b: {  	v29 =	vor.u32 v32, v25;
	v36 =	vor.u32 v41, v16;
	v41 =	vor.u32 v50, v18;
	v38 =	vld.idx.msk [tilespmem:v61+s5+$0x0], $0xffff  }
0x46c: {  	v44 =	vor.u32 s15, v10;
	v49 =	vor.u32 s9, v13;
	v35 =	vor.u32 v40, v16;
	v40 =	vld.idx.msk [tilespmem:v51+s5+$0x0], $0xffff  }
0x46d: {  	v50 =	vor.u32 v2, v17;
	v46 =	vor.u32 v53, v25;
	v53 =	vor.u32 s18, v7;
	v51 =	vld.idx.msk [tilespmem:v1+s5+$0x0], $0xffff  }
0x46e: {  	s0 =	simm.s32 $0x6;
	v52 =	vld.idx.msk [tilespmem:v57+s5+$0x0], $0xffff;
	v54 =	vor.u32 v59, v23;
	v45 =	vor.u32 v59, v25;
	v39 =	vor.u32 s4, v62  }
.LBB2_8:
0x46f: {  	v0 =	vld [tilespmem:$0x1FF70]  }
0x470: {  	v62 =	vld [tilespmem:$0x1FF50]  }
0x471: {  	v4 =	vld [tilespmem:$0x1FC50]  }
0x472: {  	v1 =	vld [tilespmem:$0x1FC10]  }
0x473: {  	v7 =	vld [tilespmem:$0x1FFD0]  }
0x474: {  	v3 =	vld [tilespmem:$0x1FC40]  }
0x475: {  	s0 =	sadd.s32 $0x2, s0;
	v10 =	vld [tilespmem:$0x1FF30]  }
0x476: {  	[tilespmem:v44+s11+$0x0] =	vst.idx.msk $0xffff, v43;
	v12 =	vld [tilespmem:$0x1FD80];
	s2 =	sshrl.u32 s0, $0x4  }
0x477: {  	s20 =	sadd.s32 $0x10, s20;
	v36 =	vld.idx.msk [tilespmem:v36+s5+$0x0], $0xffff;
	[tilespmem:v49+s11+$0x0] =	vst.idx.msk $0xffff, v5;
	s24 =	sshll.u32 s2, $0x5  }
0x478: {  	v55 =	vor.u32 s9, v6;
	v59 =	vlaneseq.u32;
	s22 =	sand.u32 $0x70, s20;
	v5 =	vld.idx.msk [tilespmem:v50+s5+$0x0], $0xffff;
	v2 =	vmov s24;
	[tilespmem:v53+s11+$0x0] =	vst.idx.msk $0xffff, v52  }
0x479: {  	[tilespmem:v37+s11+$0x0] =	vst.idx.msk $0xffff, v40;
	v60 =	vor.u32 s22, v59;
	v57 =	vshll.u32 v2, $0x7;
	v53 =	vld.idx.msk [tilespmem:v54+s5+$0x0], $0xffff;
	v56 =	vor.u32 s7, v62  }
0x47a: {  	v59 =	vld [tilespmem:$0x1FF80];
	[tilespmem:v39+s11+$0x0] =	vst.idx.msk $0xffff, v38;
	v54 =	vor.u32 s18, v4;
	v39 =	vor.u32 v48, v57;
	v40 =	vor.u32 v56, v17  }
0x47b: {  	v43 =	vor.u32 s15, v11;
	s24 =	sor.u32 $0x10, s24;
	[tilespmem:v34+s11+$0x0] =	vst.idx.msk $0xffff, v51;
	v37 =	vld.idx.msk [tilespmem:v19+s5+$0x0], $0xffff;
	v62 =	vor.u32 v60, v39  }
0x47c: {  	v58 =	vmov s24;
	v41 =	vld.idx.msk [tilespmem:v41+s5+$0x0], $0xffff  }
0x47d: {  	v61 =	vshll.u32 v58, $0x7;
	v58 =	vld [tilespmem:$0x1FDA0]  }
0x47e: {  	v52 =	vor.u32 v56, v18;
	v56 =	vor.u32 v48, v61;
	v61 =	vld [tilespmem:$0x1FF40];
	[tilespmem:v55+s11+$0x0] =	vst.idx.msk $0xffff, v5;
	v5 =	vor.u32 s23, v13  }
0x47f: {  	v40 =	vld.idx.msk [tilespmem:v40+s5+$0x0], $0xffff;
	[tilespmem:v54+s11+$0x0] =	vst.idx.msk $0xffff, v53  }
0x480: {  	v49 =	vor.u32 s4, v14;
	[tilespmem:v43+s11+$0x0] =	vst.idx.msk $0xffff, v36;
	v38 =	vor.u32 v60, v56;
	v36 =	vld.idx.msk [tilespmem:v62+s5+$0x0], $0xffff  }
0x481: {  	v50 =	vor.u32 v21, v63;
	v62 =	vld [tilespmem:$0x1FD60]  }
0x482: {  	v21 =	vmovc v28;
	v28 =	vmovc v32;
	v35 =	vld.idx.msk [tilespmem:v35+s5+$0x0], $0xffff;
	v55 =	vor.u32 s21, v59;
	s21 =	smov.u32 s7;
	s7 =	smov.u32 s17;
	v32 =	vor.u32 s22, v58;
	v58 =	vor.u32 s15, v7  }
0x483: {  	s2 =	sshll.u32 s2, $0xC;
	s6 =	sshll.u32 s22, $0x5;
	v43 =	vor.u32 s9, v1;
	v46 =	vld.idx.msk [tilespmem:v46+s5+$0x0], $0xffff;
	v60 =	vor.u32 s7, v9;
	[tilespmem:v5+s11+$0x0] =	vst.idx.msk $0xffff, v41  }
0x484: {  	s6 =	sor.u32 s2, s6;
	v44 =	vor.u32 s22, v0;
	v59 =	vor.u32 s19, v3;
	v53 =	vor.u32 v60, v23;
	v42 =	vld.idx.msk [tilespmem:v42+s5+$0x0], $0xffff  }
0x485: {  	s17 =	smov.u32 s22;
	v2 =	vor.u32 s21, v61;
	[tilespmem:v49+s11+$0x0] =	vst.idx.msk $0xffff, v37;
	v37 =	vor.u32 s6, v47;
	v38 =	vld.idx.msk [tilespmem:v38+s5+$0x0], $0xffff  }
0x486: {  	v54 =	vor.u32 v60, v25;
	v60 =	vor.u32 v2, v17;
	v0 =	vor.u32 s17, v62;
	v62 =	vld [tilespmem:$0x1FFA0]  }
0x487: {  	[tilespmem:v58+s11+$0x0] =	vst.idx.msk $0xffff, v35;
	v41 =	vor.u32 v0, v39;
	v49 =	vor.u32 v0, v56;
	v0 =	vld [tilespmem:$0x1FC00]  }
0x488: {  	s24 =	sor.u32 $0x10, s6;
	v57 =	vor.u32 v44, v39;
	v5 =	vld.idx.msk [tilespmem:v50+s5+$0x0], $0xffff;
	[tilespmem:v43+s11+$0x0] =	vst.idx.msk $0xffff, v40;
	v40 =	vor.u32 s23, v6  }
0x489: {  	v19 =	vmovc v24;
	v24 =	vmov v31;
	v31 =	vmov v57;
	v57 =	vor.u32 s24, v47;
	[tilespmem:v59+s11+$0x0] =	vst.idx.msk $0xffff, v46;
	v53 =	vld.idx.msk [tilespmem:v53+s5+$0x0], $0xffff  }
0x48a: {  	v61 =	vor.u32 s4, v15;
	v22 =	vld.idx.msk [tilespmem:v22+s5+$0x0], $0xffff;
	[tilespmem:v37+s11+$0x0] =	vst.idx.msk $0xffff, v36  }
0x48b: {  	v50 =	vor.u32 v2, v18;
	v43 =	vor.u32 v55, v63;
	v63 =	vmovc v17;
	v37 =	vld.idx.msk [tilespmem:v60+s5+$0x0], $0xffff;
	v2 =	vor.u32 s7, v62  }
0x48c: {  	v17 =	vmovc v23;
	v58 =	vor.u32 s18, v0;
	v36 =	vor.u32 v2, v23;
	v23 =	vmovc v39;
	v39 =	vor.u32 s17, v12;
	v12 =	vld [tilespmem:$0x1FFC0]  }
0x48d: {  	[tilespmem:v40+s11+$0x0] =	vst.idx.msk $0xffff, v42;
	v62 =	vld [tilespmem:$0x1FC20]  }
0x48e: {  	[tilespmem:v57+s11+$0x0] =	vst.idx.msk $0xffff, v38;
	v41 =	vld.idx.msk [tilespmem:v41+s5+$0x0], $0xffff  }
0x48f: {  	[tilespmem:v61+s11+$0x0] =	vst.idx.msk $0xffff, v5;
	v38 =	vld.idx.msk [tilespmem:v45+s5+$0x0], $0xffff  }
0x490: {  	v44 =	vor.u32 v44, v56;
	v40 =	vld.idx.msk [tilespmem:v43+s5+$0x0], $0xffff  }
0x491: {  	v51 =	vor.u32 v32, v56;
	v46 =	vor.u32 s9, v10;
	v43 =	vor.u32 s21, v12;
	v12 =	vld [tilespmem:$0x1FF20];
	[tilespmem:v58+s11+$0x0] =	vst.idx.msk $0xffff, v53  }
0x492: {  	v35 =	vor.u32 s15, v14;
	v55 =	vor.u32 v55, v16;
	v16 =	vmovc v18;
	v59 =	vor.u32 v2, v25;
	v60 =	vld.idx.msk [tilespmem:v36+s5+$0x0], $0xffff  }
0x493: {  	v18 =	vmovc v25;
	v25 =	vmovc v56;
	v5 =	vor.u32 s6, v62;
	v56 =	vor.u32 v43, v63;
	v36 =	vor.u32 v43, v16;
	v43 =	vld [tilespmem:$0x1FFB0]  }
0x494: {  	v49 =	vld.idx.msk [tilespmem:v49+s5+$0x0], $0xffff;
	v53 =	vor.u32 s19, v4  }
0x495: {  	v61 =	vor.u32 s23, v1;
	v1 =	vld [tilespmem:$0x1FC60];
	v42 =	vor.u32 v39, v23;
	v58 =	vor.u32 s24, v62  }
0x496: {  	[tilespmem:v46+s11+$0x0] =	vst.idx.msk $0xffff, v37;
	v37 =	vld [tilespmem:$0x1FF60];
	v45 =	vor.u32 s4, v12  }
0x497: {  	[tilespmem:v35+s11+$0x0] =	vst.idx.msk $0xffff, v22;
	v46 =	vld [tilespmem:$0x1FFE0]  }
0x498: {  	v35 =	vor.u32 v39, v25;
	[tilespmem:v5+s11+$0x0] =	vst.idx.msk $0xffff, v41;
	v62 =	vor.u32 s7, v43;
	v43 =	vld.idx.msk [tilespmem:v52+s5+$0x0], $0xffff  }
0x499: {  	s4 =	smov.u32 s9;
	s9 =	smov.u32 s18;
	v52 =	vld.idx.msk [tilespmem:v20+s5+$0x0], $0xffff;
	[tilespmem:v53+s11+$0x0] =	vst.idx.msk $0xffff, v38  }
0x49a: {  	v42 =	vld.idx.msk [tilespmem:v42+s5+$0x0], $0xffff;
	v39 =	vor.u32 s9, v8;
	[tilespmem:v58+s11+$0x0] =	vst.idx.msk $0xffff, v49  }
0x49b: {  	v57 =	vor.u32 s15, v15;
	v54 =	vld.idx.msk [tilespmem:v54+s5+$0x0], $0xffff;
	[tilespmem:v45+s11+$0x0] =	vst.idx.msk $0xffff, v40  }
0x49c: {  	s18 =	smov.u32 s6;
	v2 =	vor.u32 s17, v46;
	v5 =	vor.u32 v62, v17;
	v41 =	vor.u32 v62, v18;
	v38 =	vld.idx.msk [tilespmem:v56+s5+$0x0], $0xffff  }
0x49d: {  	v62 =	vor.u32 s21, v37;
	v53 =	vor.u32 v2, v23;
	v40 =	vor.u32 s18, v1;
	v56 =	vld.idx.msk [tilespmem:v35+s5+$0x0], $0xffff  }
0x49e: {  	v58 =	vor.u32 v62, v63;
	v45 =	vor.u32 s4, v11;
	[tilespmem:v61+s11+$0x0] =	vst.idx.msk $0xffff, v43;
	v35 =	vor.u32 v62, v16;
	v62 =	vld [tilespmem:$0x1FFF0]  }
0x49f: {  	v37 =	vor.u32 s15, v12;
	s15 =	smov.u32 s23;
	s23 =	smov.u32 s19;
	[tilespmem:v39+s11+$0x0] =	vst.idx.msk $0xffff, v60;
	v39 =	vor.u32 s19, v0;
	s19 =	smov.u32 s24;
	v43 =	vld.idx.msk [tilespmem:v50+s5+$0x0], $0xffff  }
0x4a0: {  	v60 =	vor.u32 s19, v1;
	[tilespmem:v57+s11+$0x0] =	vst.idx.msk $0xffff, v52;
	v57 =	vld [tilespmem:$0x1FF00]  }
0x4a1: {  	p2 =	slt.u32 s0, $0x5E;
	v34 =	vmov v33;
	v33 =	vor.u32 s24, v8  }
.Ltmp5:
0x4a2: {  	v22 =	vmovc v26;
	v26 =	vmov v30;
	v30 =	vmov v44;
	v20 =	vmov v27;
	v5 =	vld.idx.msk [tilespmem:v5+s5+$0x0], $0xffff;
	[tilespmem:v40+s11+$0x0] =	vst.idx.msk $0xffff, v42;
	(pc) =	sbr.rel @p2 .LBB2_8-.Ltmp5, $4  }
0x4a3: {  	v27 =	vmovc v29;
	v29 =	vmov v51;
	v49 =	vor.u32 s9, v13;
	v44 =	vor.u32 s15, v10;
	v52 =	vld.idx.msk [tilespmem:v53+s5+$0x0], $0xffff;
	[tilespmem:v45+s11+$0x0] =	vst.idx.msk $0xffff, v38  }
0x4a4: {  	v46 =	vor.u32 v2, v25;
	v40 =	vld.idx.msk [tilespmem:v55+s5+$0x0], $0xffff;
	v2 =	vor.u32 s7, v62;
	v53 =	vor.u32 s18, v3;
	[tilespmem:v39+s11+$0x0] =	vst.idx.msk $0xffff, v54  }
0x4a5: {  	v39 =	vor.u32 s4, v7;
	v50 =	vor.u32 v2, v17;
	v62 =	vor.u32 s17, v57;
	v38 =	vld.idx.msk [tilespmem:v58+s5+$0x0], $0xffff;
	[tilespmem:v60+s11+$0x0] =	vst.idx.msk $0xffff, v56  }
0x4a6: {  	v42 =	vor.u32 v2, v18;
	v54 =	vor.u32 v62, v23;
	v45 =	vor.u32 v62, v25;
	v51 =	vld.idx.msk [tilespmem:v59+s5+$0x0], $0xffff  }
0x4a7: {  	_ =	sdelay $0x3  }
0x4a8: {  	v1 =	vld [tilespmem:$0x1FC40];
	[tilespmem:v53+s11+$0x0] =	vst.idx.msk $0xffff, v52  }
0x4a9: {  	v7 =	vld [tilespmem:$0x1FC50];
	_ =	sdelay $0x3  }
0x4aa: {  	v46 =	vld.idx.msk [tilespmem:v46+s5+$0x0], $0xffff;
	v55 =	vor.u32 s19, v1  }
0x4ab: {  	v52 =	vld.idx.msk [tilespmem:v54+s5+$0x0], $0xffff;
	v48 =	vor.u32 s18, v7;
	_ =	sdelay $0x3  }
0x4ac: {  	[tilespmem:v55+s11+$0x0] =	vst.idx.msk $0xffff, v46  }
0x4ad: {  	v58 =	vor.u32 s17, v9;
	v45 =	vld.idx.msk [tilespmem:v45+s5+$0x0], $0xffff;
	[tilespmem:v48+s11+$0x0] =	vst.idx.msk $0xffff, v52  }
0x4ae: {  	v59 =	vor.u32 v58, v23;
	v60 =	vor.u32 s19, v7;
	v0 =	vld [tilespmem:$0x1FC00]  }
0x4af: {  	v54 =	vor.u32 v58, v25;
	_ =	sdelay $0x1  }
0x4b0: {  	v3 =	vld [tilespmem:$0x1FFA0];
	_ =	sdelay $0x1  }
0x4b1: {  	v46 =	vld.idx.msk [tilespmem:v59+s5+$0x0], $0xffff;
	[tilespmem:v60+s11+$0x0] =	vst.idx.msk $0xffff, v45;
	v61 =	vor.u32 s18, v0  }
0x4b2: {  	v54 =	vld.idx.msk [tilespmem:v54+s5+$0x0], $0xffff;
	v2 =	vor.u32 s19, v0;
	_ =	sdelay $0x1  }
0x4b3: {  	v62 =	vor.u32 s17, v3  }
0x4b4: {  	v1 =	vor.u32 v62, v23  }
0x4b5: {  	[tilespmem:v61+s11+$0x0] =	vst.idx.msk $0xffff, v46  }
0x4b6: {  	v53 =	vor.u32 v62, v25;
	[tilespmem:v2+s11+$0x0] =	vst.idx.msk $0xffff, v54  }
0x4b7: {  	v7 =	vld [tilespmem:$0x1FFB0];
	_ =	sdelay $0x1  }
0x4b8: {  	v4 =	vor.u32 s18, v8;
	v45 =	vld.idx.msk [tilespmem:v1+s5+$0x0], $0xffff;
	_ =	sdelay $0x1  }
0x4b9: {  	v53 =	vld.idx.msk [tilespmem:v53+s5+$0x0], $0xffff  }
0x4ba: {  	v47 =	vor.u32 s17, v7  }
0x4bb: {  	[tilespmem:v34+s11+$0x0] =	vst.idx.msk $0xffff, v51;
	v48 =	vor.u32 v47, v23  }
0x4bc: {  	v34 =	vld.idx.msk [tilespmem:v41+s5+$0x0], $0xffff;
	[tilespmem:v4+s11+$0x0] =	vst.idx.msk $0xffff, v45;
	v52 =	vor.u32 v47, v25  }
0x4bd: {  	v62 =	vld [tilespmem:$0x1FFF0];
	[tilespmem:v49+s11+$0x0] =	vst.idx.msk $0xffff, v5  }
0x4be: {  	v58 =	vor.u32 s23, v13;
	[tilespmem:v33+s11+$0x0] =	vst.idx.msk $0xffff, v53;
	v5 =	vld.idx.msk [tilespmem:v50+s5+$0x0], $0xffff  }
0x4bf: {  	v7 =	vor.u32 s9, v6;
	v2 =	vld [tilespmem:$0x1FF50]  }
0x4c0: {  	v46 =	vor.u32 s18, v13;
	v45 =	vld.idx.msk [tilespmem:v48+s5+$0x0], $0xffff  }
0x4c1: {  	v61 =	vor.u32 s19, v13;
	v52 =	vld.idx.msk [tilespmem:v52+s5+$0x0], $0xffff;
	_ =	sdelay $0x1  }
0x4c2: {  	[tilespmem:v58+s11+$0x0] =	vst.idx.msk $0xffff, v34;
	v59 =	vor.u32 s17, v62  }
0x4c3: {  	v60 =	vor.u32 v59, v23;
	[tilespmem:v7+s11+$0x0] =	vst.idx.msk $0xffff, v5  }
0x4c4: {  	v51 =	vor.u32 v59, v25;
	[tilespmem:v46+s11+$0x0] =	vst.idx.msk $0xffff, v45  }
0x4c5: {  	v55 =	vor.u32 s7, v2;
	[tilespmem:v61+s11+$0x0] =	vst.idx.msk $0xffff, v52  }
0x4c6: {  	v56 =	vor.u32 v55, v17;
	v4 =	vld [tilespmem:$0x1FC10]  }
0x4c7: {  	v41 =	vld.idx.msk [tilespmem:v42+s5+$0x0], $0xffff  }
0x4c8: {  	v58 =	vor.u32 s23, v6;
	v33 =	vld.idx.msk [tilespmem:v60+s5+$0x0], $0xffff  }
0x4c9: {  	v46 =	vor.u32 s18, v6;
	v51 =	vld.idx.msk [tilespmem:v51+s5+$0x0], $0xffff  }
0x4ca: {  	v45 =	vor.u32 v55, v18;
	v61 =	vor.u32 s19, v6;
	v55 =	vld [tilespmem:$0x1FF40]  }
0x4cb: {  	v5 =	vld.idx.msk [tilespmem:v56+s5+$0x0], $0xffff;
	v7 =	vor.u32 s9, v4  }
0x4cc: {  	v59 =	vor.u32 s17, v2  }
0x4cd: {  	v60 =	vor.u32 v59, v23;
	[tilespmem:v58+s11+$0x0] =	vst.idx.msk $0xffff, v41  }
0x4ce: {  	v50 =	vor.u32 v59, v25;
	[tilespmem:v46+s11+$0x0] =	vst.idx.msk $0xffff, v33  }
0x4cf: {  	v56 =	vor.u32 s7, v55;
	[tilespmem:v61+s11+$0x0] =	vst.idx.msk $0xffff, v51  }
0x4d0: {  	v45 =	vld.idx.msk [tilespmem:v45+s5+$0x0], $0xffff;
	v58 =	vor.u32 v56, v17;
	[tilespmem:v7+s11+$0x0] =	vst.idx.msk $0xffff, v5  }
0x4d1: {  	v59 =	vor.u32 s23, v4;
	v49 =	vor.u32 s18, v4;
	v53 =	vor.u32 s19, v4;
	v4 =	vld [tilespmem:$0x1FF30]  }
0x4d2: {  	v33 =	vor.u32 v56, v18;
	v46 =	vld.idx.msk [tilespmem:v60+s5+$0x0], $0xffff;
	v60 =	vor.u32 s17, v55  }
0x4d3: {  	v50 =	vld.idx.msk [tilespmem:v50+s5+$0x0], $0xffff;
	v61 =	vor.u32 v60, v23  }
0x4d4: {  	v52 =	vor.u32 v60, v25  }
0x4d5: {  	v5 =	vld.idx.msk [tilespmem:v58+s5+$0x0], $0xffff  }
0x4d6: {  	v56 =	vld [tilespmem:$0x1FFC0];
	[tilespmem:v59+s11+$0x0] =	vst.idx.msk $0xffff, v45;
	v7 =	vor.u32 s9, v4  }
0x4d7: {  	[tilespmem:v49+s11+$0x0] =	vst.idx.msk $0xffff, v46;
	v33 =	vld.idx.msk [tilespmem:v33+s5+$0x0], $0xffff;
	v60 =	vor.u32 s23, v4  }
0x4d8: {  	[tilespmem:v53+s11+$0x0] =	vst.idx.msk $0xffff, v50;
	v46 =	vld.idx.msk [tilespmem:v61+s5+$0x0], $0xffff;
	v61 =	vor.u32 s18, v4  }
0x4d9: {  	v52 =	vld.idx.msk [tilespmem:v52+s5+$0x0], $0xffff;
	v53 =	vor.u32 s19, v4  }
0x4da: {  	[tilespmem:v44+s11+$0x0] =	vst.idx.msk $0xffff, v43  }
0x4db: {  	v55 =	vor.u32 s15, v11;
	v36 =	vld.idx.msk [tilespmem:v36+s5+$0x0], $0xffff;
	[tilespmem:v7+s11+$0x0] =	vst.idx.msk $0xffff, v5  }
0x4dc: {  	v58 =	vor.u32 s7, v56;
	v0 =	vld [tilespmem:$0x1FF60];
	[tilespmem:v60+s11+$0x0] =	vst.idx.msk $0xffff, v33  }
0x4dd: {  	v59 =	vor.u32 v58, v17;
	[tilespmem:v61+s11+$0x0] =	vst.idx.msk $0xffff, v46  }
0x4de: {  	v47 =	vor.u32 s17, v56;
	v41 =	vor.u32 v58, v18;
	[tilespmem:v53+s11+$0x0] =	vst.idx.msk $0xffff, v52  }
0x4df: {  	v50 =	vor.u32 v47, v23;
	[tilespmem:v37+s11+$0x0] =	vst.idx.msk $0xffff, v40  }
0x4e0: {  	v54 =	vor.u32 v47, v25;
	[tilespmem:v55+s11+$0x0] =	vst.idx.msk $0xffff, v36  }
0x4e1: {  	v9 =	vld [tilespmem:$0x1FFD0]  }
0x4e2: {  	v58 =	vor.u32 s9, v11;
	v34 =	vld.idx.msk [tilespmem:v59+s5+$0x0], $0xffff;
	v56 =	vor.u32 s7, v0  }
0x4e3: {  	v60 =	vor.u32 s23, v11;
	v41 =	vld.idx.msk [tilespmem:v41+s5+$0x0], $0xffff;
	v59 =	vor.u32 v56, v17  }
0x4e4: {  	v1 =	vor.u32 s18, v11;
	v49 =	vld.idx.msk [tilespmem:v50+s5+$0x0], $0xffff;
	v61 =	vor.u32 s17, v0;
	v5 =	vor.u32 v56, v18  }
0x4e5: {  	v53 =	vor.u32 s19, v11;
	v43 =	vld.idx.msk [tilespmem:v54+s5+$0x0], $0xffff;
	v52 =	vor.u32 v61, v23  }
0x4e6: {  	v35 =	vld.idx.msk [tilespmem:v35+s5+$0x0], $0xffff;
	[tilespmem:v39+s11+$0x0] =	vst.idx.msk $0xffff, v38;
	v54 =	vor.u32 v61, v25;
	v55 =	vor.u32 s15, v9  }
0x4e7: {  	v19 =	vld.idx.msk [tilespmem:v19+s5+$0x0], $0xffff;
	[tilespmem:v58+s11+$0x0] =	vst.idx.msk $0xffff, v34;
	v61 =	vor.u32 s4, v14  }
0x4e8: {  	v21 =	vor.u32 v21, v63;
	v56 =	vor.u32 s9, v9;
	[tilespmem:v60+s11+$0x0] =	vst.idx.msk $0xffff, v41;
	v33 =	vld.idx.msk [tilespmem:v59+s5+$0x0], $0xffff  }
0x4e9: {  	v58 =	vor.u32 s23, v9;
	[tilespmem:v1+s11+$0x0] =	vst.idx.msk $0xffff, v49;
	v5 =	vld.idx.msk [tilespmem:v5+s5+$0x0], $0xffff  }
0x4ea: {  	[tilespmem:v53+s11+$0x0] =	vst.idx.msk $0xffff, v43;
	v37 =	vld.idx.msk [tilespmem:v52+s5+$0x0], $0xffff;
	v59 =	vor.u32 s18, v9  }
0x4eb: {  	v60 =	vor.u32 s19, v9;
	v36 =	vld.idx.msk [tilespmem:v54+s5+$0x0], $0xffff;
	[tilespmem:v55+s11+$0x0] =	vst.idx.msk $0xffff, v35  }
0x4ec: {  	[tilespmem:v61+s11+$0x0] =	vst.idx.msk $0xffff, v19;
	v22 =	vld.idx.msk [tilespmem:v22+s5+$0x0], $0xffff  }
0x4ed: {  	v1 =	vor.u32 s15, v14;
	v21 =	vld.idx.msk [tilespmem:v21+s5+$0x0], $0xffff;
	[tilespmem:v56+s11+$0x0] =	vst.idx.msk $0xffff, v33  }
0x4ee: {  	v48 =	vor.u32 s4, v15;
	[tilespmem:v58+s11+$0x0] =	vst.idx.msk $0xffff, v5;
	v24 =	vld.idx.msk [tilespmem:v24+s5+$0x0], $0xffff  }
0x4ef: {  	v40 =	vor.u32 s9, v14;
	[tilespmem:v59+s11+$0x0] =	vst.idx.msk $0xffff, v37;
	v26 =	vld.idx.msk [tilespmem:v26+s5+$0x0], $0xffff  }
0x4f0: {  	v43 =	vor.u32 v28, v17;
	v28 =	vor.u32 s23, v14;
	[tilespmem:v60+s11+$0x0] =	vst.idx.msk $0xffff, v36;
	v31 =	vld.idx.msk [tilespmem:v31+s5+$0x0], $0xffff  }
0x4f1: {  	v44 =	vor.u32 s18, v14;
	v30 =	vld.idx.msk [tilespmem:v30+s5+$0x0], $0xffff  }
0x4f2: {  	v46 =	vor.u32 s19, v14;
	v58 =	vld [tilespmem:$0x1FF80];
	[tilespmem:v1+s11+$0x0] =	vst.idx.msk $0xffff, v22  }
0x4f3: {  	[tilespmem:v48+s11+$0x0] =	vst.idx.msk $0xffff, v21  }
0x4f4: {  	[tilespmem:v40+s11+$0x0] =	vst.idx.msk $0xffff, v24  }
0x4f5: {  	[tilespmem:v28+s11+$0x0] =	vst.idx.msk $0xffff, v26  }
0x4f6: {  	v45 =	vor.u32 v32, v23;
	[tilespmem:v44+s11+$0x0] =	vst.idx.msk $0xffff, v31  }
0x4f7: {  	v20 =	vld.idx.msk [tilespmem:v20+s5+$0x0], $0xffff;
	v47 =	vor.u32 s21, v58;
	[tilespmem:v46+s11+$0x0] =	vst.idx.msk $0xffff, v30  }
0x4f8: {  	v50 =	vor.u32 s15, v15;
	v49 =	vor.u32 v47, v63;
	v56 =	vld [tilespmem:$0x1FF20]  }
0x4f9: {  	v51 =	vor.u32 s9, v15;
	v24 =	vor.u32 s7, v58;
	v16 =	vor.u32 v47, v16;
	v5 =	vld.idx.msk [tilespmem:v43+s5+$0x0], $0xffff  }
0x4fa: {  	v26 =	vor.u32 s23, v15;
	v52 =	vor.u32 v24, v17;
	v27 =	vld.idx.msk [tilespmem:v27+s5+$0x0], $0xffff  }
0x4fb: {  	v28 =	vor.u32 s18, v15;
	v53 =	vor.u32 v24, v18;
	v24 =	vor.u32 s17, v58;
	v19 =	vld.idx.msk [tilespmem:v45+s5+$0x0], $0xffff  }
0x4fc: {  	v55 =	vor.u32 s19, v15;
	v29 =	vld.idx.msk [tilespmem:v29+s5+$0x0], $0xffff;
	v54 =	vor.u32 v24, v23  }
0x4fd: {  	[tilespmem:v50+s11+$0x0] =	vst.idx.msk $0xffff, v20;
	v59 =	vor.u32 v24, v25;
	v22 =	vld.idx.msk [tilespmem:v49+s5+$0x0], $0xffff;
	v30 =	vor.u32 s4, v56  }
0x4fe: {  	v24 =	vor.u32 s15, v56;
	v16 =	vld.idx.msk [tilespmem:v16+s5+$0x0], $0xffff;
	[tilespmem:v51+s11+$0x0] =	vst.idx.msk $0xffff, v5  }
0x4ff: {  	v60 =	vor.u32 s9, v56;
	[tilespmem:v26+s11+$0x0] =	vst.idx.msk $0xffff, v27;
	v5 =	vld.idx.msk [tilespmem:v52+s5+$0x0], $0xffff  }
0x500: {  	v25 =	vor.u32 s23, v56;
	[tilespmem:v28+s11+$0x0] =	vst.idx.msk $0xffff, v19;
	v18 =	vld.idx.msk [tilespmem:v53+s5+$0x0], $0xffff  }
0x501: {  	v61 =	vor.u32 s18, v56;
	[tilespmem:v55+s11+$0x0] =	vst.idx.msk $0xffff, v29;
	v19 =	vld.idx.msk [tilespmem:v54+s5+$0x0], $0xffff  }
0x502: {  	v63 =	vor.u32 s19, v56;
	v20 =	vld.idx.msk [tilespmem:v59+s5+$0x0], $0xffff;
	[tilespmem:v30+s11+$0x0] =	vst.idx.msk $0xffff, v22  }
0x503: {  	[tilespmem:v24+s11+$0x0] =	vst.idx.msk $0xffff, v16  }
0x504: {  	[tilespmem:v60+s11+$0x0] =	vst.idx.msk $0xffff, v5  }
0x505: {  	[tilespmem:v25+s11+$0x0] =	vst.idx.msk $0xffff, v18  }
0x506: {  	[tilespmem:v61+s11+$0x0] =	vst.idx.msk $0xffff, v19  }
0x507: {  	[tilespmem:v63+s11+$0x0] =	vst.idx.msk $0xffff, v20  }
0x508: {  	s6 =	simm.s32 $0x5;
	s0 =	rddreg [dreg:$0x11]  }
0x509: {  	[hbm4b:s0+s5] =	stream.linear.scatter [tilespmem:s11], [sflag:$0x5], $0x6000, $0x38;
	[tilespmem:$0x1C000] =	vst v63  }
0x50a: {  	_ =	swait.ge [sflag:s6], $0x6000  }
0x50b: {  	v63 =	vld [tilespmem:$0x1FDB0]  }
0x50c: {  	v41 =	vld [tilespmem:$0x1FDC0]  }
0x50d: {  	v38 =	vld [tilespmem:$0x1FDD0]  }
0x50e: {  	v60 =	vld [tilespmem:$0x1FDE0]  }
0x50f: {  	v50 =	vld [tilespmem:$0x1FDF0]  }
0x510: {  	v54 =	vld [tilespmem:$0x1FE10]  }
0x511: {  	v30 =	vld [tilespmem:$0x1FE40]  }
0x512: {  	v32 =	vld [tilespmem:$0x1FE50]  }
0x513: {  	v31 =	vld [tilespmem:$0x1FE60]  }
0x514: {  	v29 =	vld [tilespmem:$0x1FE70]  }
0x515: {  	v39 =	vld [tilespmem:$0x1FE80]  }
.Ltmp6:
0x516: {  	v43 =	vld [tilespmem:$0x1FE90];
	(pc) =	sbr.rel @p1 .LBB2_13-.Ltmp6, $4  }
0x517: {  	v45 =	vld [tilespmem:$0x1FEA0]  }
0x518: {  	v37 =	vld [tilespmem:$0x1FEC0]  }
0x519: {  	v12 =	vlaneseq.u32;
	[sflag:s6] =	ssyncset.done $0x0;
	v35 =	vld [tilespmem:$0x1FED0]  }
0x51a: {  	v36 =	vmovc v3;
	v46 =	vmovc v2;
	v49 =	vmov v6;
	v56 =	vmov v13;
	v52 =	vmov v0;
	v24 =	vld [tilespmem:$0x1FFE0];
	s7 =	rddreg [dreg:$0x18];
	[sflag:s6] =	ssyncadd.s32 $0xFFFFA000  }
0x51b: {  	s2 =	simm.s32 $0x0;
	s0 =	rddreg [dreg:$0x12]  }
0x51c: {  	v10 =	vmul.u32 $0x81, v12;
	[tilespmem:s2], [sflag:$0x5] =	stream.strided.gather [hbm4b:s0+s1], $0x1000, s25, s1, $0x38;
	[tilespmem:$0x1C000] =	vst v63  }
0x51d: {  	_ =	swait.ge [sflag:s6], $0x1000  }
0x51e: {  	v5 =	vor.u32 s2, v10;
	v17 =	vld [tilespmem:$0x1FEF0];
	_ =	sdelay $0x2  }
0x51f: {  	[sflag:s6] =	ssyncset.done $0x0  }
0x520: {  	s22 =	simm.s32 $0x0;
	[sflag:s6] =	ssyncadd.s32 $0xFFFFF000  }
0x521: {  	v5 =	vld.idx.msk [tilespmem:v5+s5+$0x0], $0xffff;
	v18 =	vor.u32 s22, v17  }
0x522: {  	v34 =	vld [tilespmem:$0x1FCB0];
	_ =	sdelay $0x3  }
0x523: {  	[tilespmem:v18+s11+$0x0] =	vst.idx.msk $0xffff, v5  }
0x524: {  	v19 =	vor.u32 s2, v34;
	v2 =	vld [tilespmem:$0x1FC20];
	_ =	sdelay $0x4  }
0x525: {  	v5 =	vld.idx.msk [tilespmem:v19+s5+$0x0], $0xffff;
	v18 =	vor.u32 s22, v2  }
0x526: {  	v44 =	vld [tilespmem:$0x1FCC0];
	_ =	sdelay $0x2  }
0x527: {  	v7 =	vor.u32 $0x800, v10  }
0x528: {  	v20 =	vor.u32 s2, v7;
	[tilespmem:v18+s11+$0x0] =	vst.idx.msk $0xffff, v5  }
0x529: {  	v19 =	vor.u32 s2, v44;
	v8 =	vld [tilespmem:$0x1FC60];
	_ =	sdelay $0x2  }
0x52a: {  	s19 =	simm.s32 $0x10  }
0x52b: {  	v20 =	vld.idx.msk [tilespmem:v20+s5+$0x0], $0xffff;
	v21 =	vor.u32 s19, v17  }
0x52c: {  	v5 =	vld.idx.msk [tilespmem:v19+s5+$0x0], $0xffff;
	v18 =	vor.u32 s22, v8  }
0x52d: {  	v6 =	vld [tilespmem:$0x1FCD0];
	_ =	sdelay $0x2  }
0x52e: {  	[tilespmem:v21+s11+$0x0] =	vst.idx.msk $0xffff, v20  }
0x52f: {  	v22 =	vor.u32 s2, v54;
	v47 =	vld [tilespmem:$0x1FD40];
	[tilespmem:v18+s11+$0x0] =	vst.idx.msk $0xffff, v5  }
0x530: {  	v19 =	vor.u32 s2, v6;
	v3 =	vld [tilespmem:$0x1FC40];
	_ =	sdelay $0x3  }
0x531: {  	v21 =	vor.u32 s19, v2;
	v20 =	vld.idx.msk [tilespmem:v22+s5+$0x0], $0xffff  }
0x532: {  	v5 =	vld.idx.msk [tilespmem:v19+s5+$0x0], $0xffff;
	v18 =	vor.u32 s22, v3  }
0x533: {  	v16 =	vld [tilespmem:$0x1FCE0];
	_ =	sdelay $0x2  }
0x534: {  	[tilespmem:v21+s11+$0x0] =	vst.idx.msk $0xffff, v20  }
0x535: {  	v22 =	vor.u32 s2, v47;
	v42 =	vld [tilespmem:$0x1FE20];
	[tilespmem:v18+s11+$0x0] =	vst.idx.msk $0xffff, v5  }
0x536: {  	v19 =	vor.u32 s2, v16;
	v4 =	vld [tilespmem:$0x1FC50];
	_ =	sdelay $0x3  }
0x537: {  	v21 =	vor.u32 s19, v8;
	v20 =	vld.idx.msk [tilespmem:v22+s5+$0x0], $0xffff  }
0x538: {  	v18 =	vld.idx.msk [tilespmem:v19+s5+$0x0], $0xffff;
	v19 =	vor.u32 s22, v4  }
0x539: {  	v46 =	vld [tilespmem:$0x1FCF0];
	_ =	sdelay $0x1  }
0x53a: {  	s9 =	simm.s32 $0x10;
	v22 =	vor.u32 s2, v42  }
0x53b: {  	v23 =	vor.u32 s9, v10;
	[tilespmem:v21+s11+$0x0] =	vst.idx.msk $0xffff, v20  }
0x53c: {  	v5 =	vor.u32 s9, v7;
	v53 =	vld [tilespmem:$0x1FE30];
	[tilespmem:v19+s11+$0x0] =	vst.idx.msk $0xffff, v18  }
0x53d: {  	v24 =	vor.u32 s2, v46;
	v0 =	vld [tilespmem:$0x1FC00];
	_ =	sdelay $0x1  }
0x53e: {  	s4 =	simm.s32 $0x200;
	v21 =	vor.u32 s19, v3;
	v20 =	vld.idx.msk [tilespmem:v22+s5+$0x0], $0xffff  }
0x53f: {  	s7 =	simm.s32 $0x210;
	v23 =	vld.idx.msk [tilespmem:v23+s5+$0x0], $0xffff;
	v25 =	vor.u32 s4, v17  }
0x540: {  	v27 =	vor.u32 s7, v17;
	v5 =	vld.idx.msk [tilespmem:v5+s5+$0x0], $0xffff  }
0x541: {  	v19 =	vld.idx.msk [tilespmem:v24+s5+$0x0], $0xffff;
	v24 =	vor.u32 s22, v0  }
0x542: {  	v51 =	vld [tilespmem:$0x1FD00]  }
0x543: {  	v22 =	vor.u32 s2, v53;
	[tilespmem:v21+s11+$0x0] =	vst.idx.msk $0xffff, v20  }
0x544: {  	v26 =	vor.u32 s9, v34;
	[tilespmem:v25+s11+$0x0] =	vst.idx.msk $0xffff, v23  }
0x545: {  	v18 =	vor.u32 s9, v54;
	[tilespmem:v27+s11+$0x0] =	vst.idx.msk $0xffff, v5  }
0x546: {  	[tilespmem:v24+s11+$0x0] =	vst.idx.msk $0xffff, v19  }
0x547: {  	v28 =	vor.u32 s2, v51;
	v12 =	vld [tilespmem:$0x1FC80]  }
0x548: {  	v20 =	vld.idx.msk [tilespmem:v22+s5+$0x0], $0xffff  }
0x549: {  	v21 =	vor.u32 s19, v4;
	v23 =	vld.idx.msk [tilespmem:v26+s5+$0x0], $0xffff  }
0x54a: {  	v5 =	vor.u32 s4, v2;
	v18 =	vld.idx.msk [tilespmem:v18+s5+$0x0], $0xffff  }
0x54b: {  	v26 =	vor.u32 s7, v2;
	v58 =	vld [tilespmem:$0x1FD10]  }
0x54c: {  	v22 =	vor.u32 s2, v30;
	v24 =	vld.idx.msk [tilespmem:v28+s5+$0x0], $0xffff;
	v27 =	vor.u32 s22, v12;
	_ =	sdelay $0x1  }
0x54d: {  	v25 =	vor.u32 s9, v44;
	[tilespmem:v21+s11+$0x0] =	vst.idx.msk $0xffff, v20  }
0x54e: {  	v19 =	vor.u32 s9, v47;
	[tilespmem:v5+s11+$0x0] =	vst.idx.msk $0xffff, v23  }
0x54f: {  	[tilespmem:v26+s11+$0x0] =	vst.idx.msk $0xffff, v18;
	v28 =	vor.u32 s2, v58  }
0x550: {  	v20 =	vld.idx.msk [tilespmem:v22+s5+$0x0], $0xffff;
	[tilespmem:v27+s11+$0x0] =	vst.idx.msk $0xffff, v24  }
0x551: {  	v21 =	vor.u32 s19, v0;
	v14 =	vld [tilespmem:$0x1FD20]  }
0x552: {  	v5 =	vor.u32 s2, v32;
	v18 =	vor.u32 s4, v8;
	v22 =	vld.idx.msk [tilespmem:v25+s5+$0x0], $0xffff  }
0x553: {  	v23 =	vor.u32 s9, v6;
	v25 =	vor.u32 s7, v8;
	v19 =	vld.idx.msk [tilespmem:v19+s5+$0x0], $0xffff  }
0x554: {  	v24 =	vor.u32 s9, v42;
	v27 =	vor.u32 s22, v56;
	v26 =	vld.idx.msk [tilespmem:v28+s5+$0x0], $0xffff;
	_ =	sdelay $0x1  }
0x555: {  	[tilespmem:v21+s11+$0x0] =	vst.idx.msk $0xffff, v20;
	v28 =	vor.u32 s2, v14  }
0x556: {  	v20 =	vor.u32 s19, v12;
	[tilespmem:v18+s11+$0x0] =	vst.idx.msk $0xffff, v22;
	v5 =	vld.idx.msk [tilespmem:v5+s5+$0x0], $0xffff  }
0x557: {  	[tilespmem:v25+s11+$0x0] =	vst.idx.msk $0xffff, v19;
	v21 =	vld.idx.msk [tilespmem:v23+s5+$0x0], $0xffff  }
0x558: {  	v19 =	vor.u32 s4, v3;
	v22 =	vld.idx.msk [tilespmem:v24+s5+$0x0], $0xffff;
	[tilespmem:v27+s11+$0x0] =	vst.idx.msk $0xffff, v26  }
0x559: {  	v24 =	vor.u32 s7, v3;
	v13 =	vld [tilespmem:$0x1FD30]  }
0x55a: {  	v18 =	vor.u32 s2, v31;
	v25 =	vor.u32 s22, v49;
	v27 =	vld.idx.msk [tilespmem:v28+s5+$0x0], $0xffff  }
0x55b: {  	s15 =	simm.s32 $0x20;
	[tilespmem:v20+s11+$0x0] =	vst.idx.msk $0xffff, v5  }
0x55c: {  	v5 =	vor.u32 s15, v10;
	[tilespmem:$0x1FBD0] =	vst v10  }
0x55d: {  	v23 =	vor.u32 s9, v16;
	[tilespmem:v19+s11+$0x0] =	vst.idx.msk $0xffff, v21  }
0x55e: {  	v26 =	vor.u32 s9, v53;
	[tilespmem:v24+s11+$0x0] =	vst.idx.msk $0xffff, v22  }
0x55f: {  	v28 =	vor.u32 s2, v13;
	v18 =	vld.idx.msk [tilespmem:v18+s5+$0x0], $0xffff;
	[tilespmem:v25+s11+$0x0] =	vst.idx.msk $0xffff, v27  }
0x560: {  	v20 =	vor.u32 s19, v56;
	v19 =	vor.u32 s15, v7;
	v1 =	vld [tilespmem:$0x1FC10]  }
0x561: {  	v5 =	vld.idx.msk [tilespmem:v5+s5+$0x0], $0xffff  }
0x562: {  	v21 =	vor.u32 s2, v29;
	v22 =	vor.u32 s4, v4;
	v23 =	vld.idx.msk [tilespmem:v23+s5+$0x0], $0xffff  }
0x563: {  	s17 =	simm.s32 $0x400;
	v57 =	vmovc v10;
	v10 =	vmov v29;
	v29 =	vor.u32 s7, v4;
	v24 =	vld.idx.msk [tilespmem:v26+s5+$0x0], $0xffff;
	v26 =	vor.u32 s9, v46  }
0x564: {  	v15 =	vmov v30;
	v25 =	vor.u32 s9, v30;
	v30 =	vor.u32 s17, v17;
	v27 =	vld.idx.msk [tilespmem:v28+s5+$0x0], $0xffff  }
0x565: {  	[tilespmem:v20+s11+$0x0] =	vst.idx.msk $0xffff, v18;
	v18 =	vld.idx.msk [tilespmem:v19+s5+$0x0], $0xffff;
	v19 =	vor.u32 s15, v34;
	v28 =	vor.u32 s22, v1  }
0x566: {  	s21 =	simm.s32 $0x410  }
0x567: {  	v36 =	vmov v31;
	v31 =	vor.u32 s2, v63;
	v20 =	vor.u32 s21, v17;
	v21 =	vld.idx.msk [tilespmem:v21+s5+$0x0], $0xffff;
	[tilespmem:v22+s11+$0x0] =	vst.idx.msk $0xffff, v23  }
0x568: {  	v52 =	vor.u32 s19, v49;
	v22 =	vor.u32 s15, v54;
	[tilespmem:v29+s11+$0x0] =	vst.idx.msk $0xffff, v24;
	v26 =	vld.idx.msk [tilespmem:v26+s5+$0x0], $0xffff  }
0x569: {  	v23 =	vor.u32 s2, v39;
	v25 =	vld.idx.msk [tilespmem:v25+s5+$0x0], $0xffff;
	[tilespmem:v30+s11+$0x0] =	vst.idx.msk $0xffff, v5  }
0x56a: {  	v24 =	vor.u32 s4, v0;
	v19 =	vld.idx.msk [tilespmem:v19+s5+$0x0], $0xffff;
	[tilespmem:v28+s11+$0x0] =	vst.idx.msk $0xffff, v27  }
0x56b: {  	v33 =	vor.u32 s7, v0;
	v48 =	vld [tilespmem:$0x1FF30]  }
0x56c: {  	v61 =	vmov v32;
	v29 =	vor.u32 s9, v51;
	v27 =	vld.idx.msk [tilespmem:v31+s5+$0x0], $0xffff;
	[tilespmem:v20+s11+$0x0] =	vst.idx.msk $0xffff, v18;
	v18 =	vor.u32 s17, v2  }
0x56d: {  	v5 =	vor.u32 s9, v61;
	v30 =	vor.u32 s21, v2;
	[tilespmem:v52+s11+$0x0] =	vst.idx.msk $0xffff, v21;
	v21 =	vld.idx.msk [tilespmem:v22+s5+$0x0], $0xffff  }
0x56e: {  	v31 =	vor.u32 s19, v1;
	v22 =	vor.u32 s15, v44;
	v23 =	vld.idx.msk [tilespmem:v23+s5+$0x0], $0xffff  }
0x56f: {  	[tilespmem:v24+s11+$0x0] =	vst.idx.msk $0xffff, v26;
	v26 =	vor.u32 s2, v43  }
0x570: {  	v24 =	vor.u32 s15, v47;
	[tilespmem:v33+s11+$0x0] =	vst.idx.msk $0xffff, v25;
	v28 =	vor.u32 s22, v48  }
0x571: {  	v20 =	vor.u32 s2, v41;
	v25 =	vor.u32 s4, v12;
	v29 =	vld.idx.msk [tilespmem:v29+s5+$0x0], $0xffff;
	[tilespmem:v18+s11+$0x0] =	vst.idx.msk $0xffff, v19  }
0x572: {  	v59 =	vor.u32 s9, v58;
	v40 =	vor.u32 s7, v12;
	v5 =	vld.idx.msk [tilespmem:v5+s5+$0x0], $0xffff;
	[tilespmem:v30+s11+$0x0] =	vst.idx.msk $0xffff, v21  }
0x573: {  	v22 =	vld.idx.msk [tilespmem:v22+s5+$0x0], $0xffff;
	v21 =	vor.u32 s17, v8;
	[tilespmem:v31+s11+$0x0] =	vst.idx.msk $0xffff, v23  }
0x574: {  	v18 =	vor.u32 s9, v36;
	v30 =	vor.u32 s19, v48;
	v26 =	vld.idx.msk [tilespmem:v26+s5+$0x0], $0xffff  }
0x575: {  	v23 =	vld.idx.msk [tilespmem:v24+s5+$0x0], $0xffff;
	v24 =	vor.u32 s15, v6;
	[tilespmem:v28+s11+$0x0] =	vst.idx.msk $0xffff, v27;
	v28 =	vor.u32 s21, v8  }
0x576: {  	[tilespmem:v25+s11+$0x0] =	vst.idx.msk $0xffff, v29;
	v25 =	vor.u32 s15, v42;
	v19 =	vld.idx.msk [tilespmem:v20+s5+$0x0], $0xffff;
	v20 =	vor.u32 s22, v11  }
0x577: {  	[tilespmem:v40+s11+$0x0] =	vst.idx.msk $0xffff, v5;
	v5 =	vor.u32 s4, v56;
	v31 =	vld.idx.msk [tilespmem:v59+s5+$0x0], $0xffff;
	v27 =	vor.u32 s2, v38  }
0x578: {  	[tilespmem:v21+s11+$0x0] =	vst.idx.msk $0xffff, v22  }
0x579: {  	v18 =	vld.idx.msk [tilespmem:v18+s5+$0x0], $0xffff;
	[tilespmem:v30+s11+$0x0] =	vst.idx.msk $0xffff, v26  }
0x57a: {  	v29 =	vor.u32 s2, v45;
	v59 =	vor.u32 s7, v56;
	v22 =	vld.idx.msk [tilespmem:v24+s5+$0x0], $0xffff;
	[tilespmem:v28+s11+$0x0] =	vst.idx.msk $0xffff, v23  }
0x57b: {  	v52 =	vor.u32 s9, v14;
	v23 =	vor.u32 s17, v3;
	[tilespmem:v20+s11+$0x0] =	vst.idx.msk $0xffff, v19;
	v25 =	vld.idx.msk [tilespmem:v25+s5+$0x0], $0xffff  }
0x57c: {  	v21 =	vor.u32 s22, v9;
	[tilespmem:v5+s11+$0x0] =	vst.idx.msk $0xffff, v31;
	v20 =	vor.u32 s9, v10;
	v19 =	vld.idx.msk [tilespmem:v27+s5+$0x0], $0xffff  }
0x57d: {  	v24 =	vor.u32 s2, v60;
	v26 =	vor.u32 s15, v16;
	v27 =	vor.u32 s21, v3;
	v16 =	vld [tilespmem:$0x1FEB0];
	_ =	sdelay $0x1  }
0x57e: {  	v28 =	vld.idx.msk [tilespmem:v29+s5+$0x0], $0xffff;
	v29 =	vor.u32 s19, v11;
	[tilespmem:v59+s11+$0x0] =	vst.idx.msk $0xffff, v18  }
0x57f: {  	v5 =	vor.u32 s15, v53;
	v31 =	vor.u32 s4, v49;
	v32 =	vld.idx.msk [tilespmem:v52+s5+$0x0], $0xffff;
	[tilespmem:v23+s11+$0x0] =	vst.idx.msk $0xffff, v22  }
0x580: {  	v18 =	vor.u32 s9, v13;
	v20 =	vld.idx.msk [tilespmem:v20+s5+$0x0], $0xffff;
	[tilespmem:v21+s11+$0x0] =	vst.idx.msk $0xffff, v19  }
0x581: {  	v30 =	vor.u32 s2, v16;
	[tilespmem:v27+s11+$0x0] =	vst.idx.msk $0xffff, v25;
	v22 =	vld.idx.msk [tilespmem:v24+s5+$0x0], $0xffff  }
0x582: {  	s20 =	simm.s32 $0x30;
	v21 =	vor.u32 s7, v49;
	v59 =	vld [tilespmem:$0x1FC90]  }
0x583: {  	v19 =	vor.u32 s20, v57;
	v24 =	vld.idx.msk [tilespmem:v26+s5+$0x0], $0xffff;
	[tilespmem:v29+s11+$0x0] =	vst.idx.msk $0xffff, v28;
	v26 =	vor.u32 s17, v4  }
0x584: {  	v27 =	vor.u32 s9, v39;
	v5 =	vld.idx.msk [tilespmem:v5+s5+$0x0], $0xffff;
	v29 =	vor.u32 s21, v4;
	[tilespmem:v31+s11+$0x0] =	vst.idx.msk $0xffff, v32  }
0x585: {  	v40 =	vor.u32 s4, v1;
	v28 =	vor.u32 s15, v46;
	v18 =	vld.idx.msk [tilespmem:v18+s5+$0x0], $0xffff  }
0x586: {  	v55 =	vmovc v56;
	v56 =	vmov v60;
	v60 =	vor.u32 s19, v9;
	v31 =	vor.u32 s15, v15;
	v30 =	vld.idx.msk [tilespmem:v30+s5+$0x0], $0xffff  }
0x587: {  	s18 =	simm.s32 $0x600;
	v23 =	vor.u32 s20, v7;
	[tilespmem:v21+s11+$0x0] =	vst.idx.msk $0xffff, v20;
	v25 =	vor.u32 s22, v59  }
0x588: {  	v19 =	vld.idx.msk [tilespmem:v19+s5+$0x0], $0xffff;
	v21 =	vor.u32 s18, v17;
	[tilespmem:v26+s11+$0x0] =	vst.idx.msk $0xffff, v24  }
0x589: {  	v13 =	vmov v46;
	v46 =	vor.u32 s9, v63;
	v24 =	vld.idx.msk [tilespmem:v27+s5+$0x0], $0xffff;
	[tilespmem:v29+s11+$0x0] =	vst.idx.msk $0xffff, v5;
	v5 =	vor.u32 s7, v1  }
0x58a: {  	v20 =	vor.u32 s2, v37;
	v27 =	vld.idx.msk [tilespmem:v28+s5+$0x0], $0xffff;
	v28 =	vor.u32 s17, v0;
	[tilespmem:v40+s11+$0x0] =	vst.idx.msk $0xffff, v18  }
0x58b: {  	s23 =	simm.s32 $0x610;
	v29 =	vld.idx.msk [tilespmem:v31+s5+$0x0], $0xffff;
	v31 =	vor.u32 s2, v50;
	v50 =	vor.u32 s21, v0;
	[tilespmem:v60+s11+$0x0] =	vst.idx.msk $0xffff, v30  }
0x58c: {  	v23 =	vld.idx.msk [tilespmem:v23+s5+$0x0], $0xffff;
	v30 =	vor.u32 s15, v51;
	[tilespmem:v25+s11+$0x0] =	vst.idx.msk $0xffff, v22;
	v25 =	vor.u32 s23, v17  }
0x58d: {  	[tilespmem:v21+s11+$0x0] =	vst.idx.msk $0xffff, v19  }
0x58e: {  	v4 =	vmov v34;
	v19 =	vor.u32 s15, v61;
	[tilespmem:v5+s11+$0x0] =	vst.idx.msk $0xffff, v24  }
0x58f: {  	v22 =	vor.u32 s20, v4;
	v18 =	vld.idx.msk [tilespmem:v20+s5+$0x0], $0xffff;
	[tilespmem:v28+s11+$0x0] =	vst.idx.msk $0xffff, v27  }
0x590: {  	v26 =	vor.u32 s20, v54;
	v21 =	vor.u32 s19, v59;
	v20 =	vld.idx.msk [tilespmem:v46+s5+$0x0], $0xffff;
	[tilespmem:v50+s11+$0x0] =	vst.idx.msk $0xffff, v29  }
0x591: {  	v30 =	vld.idx.msk [tilespmem:v30+s5+$0x0], $0xffff;
	[tilespmem:v25+s11+$0x0] =	vst.idx.msk $0xffff, v23;
	v23 =	vor.u32 s4, v48;
	v25 =	vor.u32 s9, v43  }
0x592: {  	v54 =	vor.u32 s17, v12;
	v0 =	vld [tilespmem:$0x1FCA0]  }
0x593: {  	v60 =	vor.u32 s21, v12;
	v19 =	vld.idx.msk [tilespmem:v19+s5+$0x0], $0xffff  }
0x594: {  	v53 =	vmov v7;
	v7 =	vmov v51;
	v51 =	vor.u32 s18, v2;
	v22 =	vld.idx.msk [tilespmem:v22+s5+$0x0], $0xffff  }
0x595: {  	v24 =	vor.u32 s23, v2;
	v26 =	vld.idx.msk [tilespmem:v26+s5+$0x0], $0xffff;
	[tilespmem:v21+s11+$0x0] =	vst.idx.msk $0xffff, v18  }
0x596: {  	[tilespmem:v23+s11+$0x0] =	vst.idx.msk $0xffff, v20;
	v20 =	vld.idx.msk [tilespmem:v25+s5+$0x0], $0xffff;
	v25 =	vor.u32 s7, v48  }
0x597: {  	v27 =	vld.idx.msk [tilespmem:v31+s5+$0x0], $0xffff;
	[tilespmem:v54+s11+$0x0] =	vst.idx.msk $0xffff, v30;
	v29 =	vor.u32 s22, v0  }
0x598: {  	[tilespmem:v60+s11+$0x0] =	vst.idx.msk $0xffff, v19  }
0x599: {  	[tilespmem:v51+s11+$0x0] =	vst.idx.msk $0xffff, v22  }
0x59a: {  	v52 =	vor.u32 s9, v41;
	[tilespmem:v24+s11+$0x0] =	vst.idx.msk $0xffff, v26  }
0x59b: {  	v5 =	vor.u32 s20, v44;
	[tilespmem:v25+s11+$0x0] =	vst.idx.msk $0xffff, v20  }
0x59c: {  	v28 =	vor.u32 s20, v47;
	[tilespmem:v29+s11+$0x0] =	vst.idx.msk $0xffff, v27  }
0x59d: {  	v1 =	vld [tilespmem:$0x1FEE0]  }
0x59e: {  	v31 =	vor.u32 s2, v35  }
0x59f: {  	v21 =	vor.u32 s15, v58;
	v23 =	vld.idx.msk [tilespmem:v52+s5+$0x0], $0xffff  }
0x5a0: {  	v5 =	vld.idx.msk [tilespmem:v5+s5+$0x0], $0xffff;
	v24 =	vor.u32 s4, v11  }
0x5a1: {  	v33 =	vor.u32 s18, v8;
	v34 =	vld.idx.msk [tilespmem:v28+s5+$0x0], $0xffff  }
0x5a2: {  	v10 =	vmovc v43;
	v37 =	vor.u32 s23, v8;
	v59 =	vmov v58;
	v43 =	vor.u32 s2, v1;
	v1 =	vld [tilespmem:$0x1FE00]  }
0x5a3: {  	v50 =	vmovc v38;
	v58 =	vmovc v36;
	v30 =	vld.idx.msk [tilespmem:v31+s5+$0x0], $0xffff;
	v22 =	vor.u32 s15, v36;
	v36 =	vor.u32 s9, v38;
	v38 =	vor.u32 s19, v0  }
0x5a4: {  	v60 =	vmov v41;
	v41 =	vor.u32 s17, v55;
	v40 =	vld.idx.msk [tilespmem:v21+s5+$0x0], $0xffff  }
0x5a5: {  	[tilespmem:v24+s11+$0x0] =	vst.idx.msk $0xffff, v23  }
0x5a6: {  	[tilespmem:v33+s11+$0x0] =	vst.idx.msk $0xffff, v5  }
0x5a7: {  	v24 =	vor.u32 s2, v1;
	v1 =	vld [tilespmem:$0x1FF20];
	[tilespmem:v37+s11+$0x0] =	vst.idx.msk $0xffff, v34  }
0x5a8: {  	v54 =	vmov v39;
	v39 =	vor.u32 s20, v42;
	v5 =	vld [tilespmem:$0x1FE70];
	[tilespmem:v38+s11+$0x0] =	vst.idx.msk $0xffff, v30  }
0x5a9: {  	v51 =	vmovc v42;
	v48 =	vmov v45;
	v26 =	vor.u32 s9, v45;
	v45 =	vor.u32 s21, v55;
	v42 =	vld.idx.msk [tilespmem:v22+s5+$0x0], $0xffff;
	[tilespmem:v41+s11+$0x0] =	vst.idx.msk $0xffff, v40  }
0x5aa: {  	v0 =	vld [tilespmem:$0x1FCE0];
	_ =	sdelay $0x1  }
0x5ab: {  	v29 =	vor.u32 s20, v6  }
0x5ac: {  	v57 =	vmov v61;
	v61 =	vmov v44;
	v27 =	vld.idx.msk [tilespmem:v36+s5+$0x0], $0xffff  }
0x5ad: {  	v2 =	vmovc v47;
	v44 =	vor.u32 s15, v14;
	v47 =	vmovc v6;
	v35 =	vor.u32 s18, v3;
	v37 =	vor.u32 s23, v3;
	v3 =	vld [tilespmem:$0x1FBD0];
	[tilespmem:v45+s11+$0x0] =	vst.idx.msk $0xffff, v42  }
0x5ae: {  	v21 =	vor.u32 s17, v49;
	v22 =	vor.u32 s18, v49;
	v6 =	vmovc v49;
	v49 =	vmovc v0;
	v36 =	vor.u32 s20, v0;
	v0 =	vld [tilespmem:$0x1FE30]  }
0x5af: {  	v28 =	vld.idx.msk [tilespmem:v26+s5+$0x0], $0xffff  }
0x5b0: {  	v18 =	vor.u32 s20, v16;
	v33 =	vld.idx.msk [tilespmem:v29+s5+$0x0], $0xffff  }
0x5b1: {  	v31 =	vor.u32 s7, v11;
	v19 =	vor.u32 s15, v16;
	v20 =	vor.u32 s9, v16;
	v34 =	vld.idx.msk [tilespmem:v39+s5+$0x0], $0xffff  }
0x5b2: {  	v46 =	vmovc v15;
	v52 =	vmovc v14;
	v25 =	vor.u32 s9, v56;
	v29 =	vor.u32 s4, v9;
	v30 =	vld.idx.msk [tilespmem:v43+s5+$0x0], $0xffff;
	v23 =	vor.u32 s19, v1  }
0x5b3: {  	s24 =	simm.s32 $0x6;
	s2 =	simm.s32 $0x610;
	v26 =	vor.u32 s22, v1;
	s19 =	simm.s32 $0x30;
	v14 =	vmovc v5;
	v32 =	vor.u32 s15, v5;
	v5 =	vld.idx.msk [tilespmem:v44+s5+$0x0], $0xffff;
	v15 =	vmovc v0;
	v38 =	vor.u32 s20, v0  }
.LBB2_11:
0x5b4: {  	v24 =	vld.idx.msk [tilespmem:v24+s5+$0x0], $0xffff  }
0x5b5: {  	v0 =	vld [tilespmem:$0x1FD30]  }
0x5b6: {  	v41 =	vld [tilespmem:$0x1FC90];
	[tilespmem:v31+s11+$0x0] =	vst.idx.msk $0xffff, v28  }
0x5b7: {  	v1 =	vld [tilespmem:$0x1FC50];
	[tilespmem:v29+s11+$0x0] =	vst.idx.msk $0xffff, v27  }
0x5b8: {  	v31 =	vld.idx.msk [tilespmem:v32+s5+$0x0], $0xffff;
	[tilespmem:v37+s11+$0x0] =	vst.idx.msk $0xffff, v34  }
0x5b9: {  	[tilespmem:v35+s11+$0x0] =	vst.idx.msk $0xffff, v33;
	v37 =	vld.idx.msk [tilespmem:v38+s5+$0x0], $0xffff  }
0x5ba: {  	s20 =	sadd.s32 $0x10, s20;
	v28 =	vor.u32 s15, v0;
	v25 =	vld.idx.msk [tilespmem:v25+s5+$0x0], $0xffff  }
0x5bb: {  	v27 =	vor.u32 s20, v3;
	v35 =	vld.idx.msk [tilespmem:v36+s5+$0x0], $0xffff  }
0x5bc: {  	v29 =	vor.u32 s21, v6;
	[tilespmem:v23+s11+$0x0] =	vst.idx.msk $0xffff, v30;
	v0 =	vld [tilespmem:$0x1FEC0]  }
0x5bd: {  	v45 =	vor.u32 s15, v54;
	v32 =	vor.u32 s20, v53;
	[tilespmem:v21+s11+$0x0] =	vst.idx.msk $0xffff, v5;
	v5 =	vld.idx.msk [tilespmem:v20+s5+$0x0], $0xffff  }
0x5be: {  	v34 =	vor.u32 s4, v41;
	v44 =	vor.u32 s18, v1;
	v30 =	vor.u32 s23, v1;
	v1 =	vld [tilespmem:$0x1FC10]  }
0x5bf: {  	v28 =	vld.idx.msk [tilespmem:v28+s5+$0x0], $0xffff;
	[tilespmem:v26+s11+$0x0] =	vst.idx.msk $0xffff, v24  }
0x5c0: {  	v39 =	vor.u32 s19, v46;
	v24 =	vld.idx.msk [tilespmem:v27+s5+$0x0], $0xffff  }
0x5c1: {  	[tilespmem:v29+s11+$0x0] =	vst.idx.msk $0xffff, v31;
	v27 =	vor.u32 s9, v0;
	v0 =	vld [tilespmem:$0x1FE10]  }
0x5c2: {  	v40 =	vor.u32 s7, v9;
	v31 =	vld.idx.msk [tilespmem:v32+s5+$0x0], $0xffff  }
0x5c3: {  	v23 =	vor.u32 s19, v13;
	[tilespmem:v34+s11+$0x0] =	vst.idx.msk $0xffff, v25;
	v34 =	vld.idx.msk [tilespmem:v45+s5+$0x0], $0xffff  }
0x5c4: {  	s23 =	sadd.s32 $0x200, s23;
	v26 =	vor.u32 s17, v1;
	[tilespmem:v30+s11+$0x0] =	vst.idx.msk $0xffff, v37;
	v30 =	vor.u32 s21, v1;
	v1 =	vld [tilespmem:$0x1FDF0]  }
0x5c5: {  	s0 =	sadd.s32 $0xFFFFFFF0, s23;
	v37 =	vld.idx.msk [tilespmem:v39+s5+$0x0], $0xffff  }
0x5c6: {  	v29 =	vor.u32 s0, v17;
	[tilespmem:v44+s11+$0x0] =	vst.idx.msk $0xffff, v35;
	v35 =	vor.u32 s20, v0;
	v0 =	vld [tilespmem:$0x1FC00]  }
0x5c7: {  	v42 =	vor.u32 s15, v63;
	[tilespmem:v40+s11+$0x0] =	vst.idx.msk $0xffff, v5;
	v40 =	vld [tilespmem:$0x1FCA0]  }
0x5c8: {  	v25 =	vor.u32 s20, v4;
	v23 =	vld.idx.msk [tilespmem:v23+s5+$0x0], $0xffff  }
0x5c9: {  	v43 =	vor.u32 s23, v17;
	[tilespmem:v26+s11+$0x0] =	vst.idx.msk $0xffff, v28;
	v28 =	vor.u32 s7, v41;
	v41 =	vld [tilespmem:$0x1FF30]  }
0x5ca: {  	v26 =	vld.idx.msk [tilespmem:v27+s5+$0x0], $0xffff  }
0x5cb: {  	v44 =	vor.u32 s9, v1;
	[tilespmem:v29+s11+$0x0] =	vst.idx.msk $0xffff, v24;
	v1 =	vld [tilespmem:$0x1FC20];
	v36 =	vor.u32 s18, v0  }
0x5cc: {  	v27 =	vld.idx.msk [tilespmem:v42+s5+$0x0], $0xffff;
	v45 =	vor.u32 s2, v0  }
0x5cd: {  	v24 =	vor.u32 s19, v57;
	v25 =	vld.idx.msk [tilespmem:v25+s5+$0x0], $0xffff  }
0x5ce: {  	v33 =	vor.u32 s20, v16;
	v20 =	vmov v19;
	[tilespmem:v43+s11+$0x0] =	vst.idx.msk $0xffff, v31;
	v0 =	vld [tilespmem:$0x1FED0]  }
0x5cf: {  	v19 =	vmovc v18;
	v18 =	vmov v33;
	v5 =	vor.u32 s19, v7;
	v29 =	vor.u32 s17, v41;
	v33 =	vld.idx.msk [tilespmem:v35+s5+$0x0], $0xffff;
	[tilespmem:v30+s11+$0x0] =	vst.idx.msk $0xffff, v34  }
0x5d0: {  	v31 =	vor.u32 s15, v10;
	v32 =	vor.u32 s0, v1;
	v34 =	vor.u32 s23, v1;
	v1 =	vld [tilespmem:$0x1FC40];
	[tilespmem:v36+s11+$0x0] =	vst.idx.msk $0xffff, v23  }
0x5d1: {  	v35 =	vor.u32 s15, v60;
	[tilespmem:v45+s11+$0x0] =	vst.idx.msk $0xffff, v37;
	v23 =	vld.idx.msk [tilespmem:v44+s5+$0x0], $0xffff  }
0x5d2: {  	v30 =	vor.u32 s20, v61;
	v24 =	vld.idx.msk [tilespmem:v24+s5+$0x0], $0xffff  }
0x5d3: {  	v44 =	vor.u32 s9, v0;
	[tilespmem:v28+s11+$0x0] =	vst.idx.msk $0xffff, v26;
	v0 =	vld [tilespmem:$0x1FEE0]  }
0x5d4: {  	v36 =	vor.u32 s20, v2;
	v37 =	vor.u32 s4, v40;
	v5 =	vld.idx.msk [tilespmem:v5+s5+$0x0], $0xffff;
	[tilespmem:v29+s11+$0x0] =	vst.idx.msk $0xffff, v27  }
0x5d5: {  	v45 =	vor.u32 s18, v12;
	v27 =	vld.idx.msk [tilespmem:v31+s5+$0x0], $0xffff;
	[tilespmem:v32+s11+$0x0] =	vst.idx.msk $0xffff, v25  }
0x5d6: {  	v26 =	vor.u32 s19, v59;
	v28 =	vor.u32 s2, v12;
	v29 =	vld.idx.msk [tilespmem:v35+s5+$0x0], $0xffff  }
0x5d7: {  	v25 =	vor.u32 s19, v58;
	v31 =	vor.u32 s21, v41;
	v30 =	vld.idx.msk [tilespmem:v30+s5+$0x0], $0xffff  }
0x5d8: {  	[tilespmem:v34+s11+$0x0] =	vst.idx.msk $0xffff, v33;
	v32 =	vor.u32 s17, v11;
	v43 =	vor.u32 s9, v0;
	v0 =	vld [tilespmem:$0x1FE00]  }
0x5d9: {  	v33 =	vor.u32 s15, v48;
	v34 =	vor.u32 s0, v8;
	v35 =	vld.idx.msk [tilespmem:v36+s5+$0x0], $0xffff;
	[tilespmem:v37+s11+$0x0] =	vst.idx.msk $0xffff, v23  }
0x5da: {  	v36 =	vor.u32 s15, v50;
	[tilespmem:v45+s11+$0x0] =	vst.idx.msk $0xffff, v5;
	v5 =	vld.idx.msk [tilespmem:v44+s5+$0x0], $0xffff  }
0x5db: {  	v41 =	vor.u32 s23, v8;
	v37 =	vor.u32 s20, v47;
	[tilespmem:v28+s11+$0x0] =	vst.idx.msk $0xffff, v24;
	v26 =	vld.idx.msk [tilespmem:v26+s5+$0x0], $0xffff  }
0x5dc: {  	v38 =	vor.u32 s20, v51;
	v40 =	vor.u32 s7, v40;
	v42 =	vld.idx.msk [tilespmem:v25+s5+$0x0], $0xffff;
	[tilespmem:v31+s11+$0x0] =	vst.idx.msk $0xffff, v27  }
0x5dd: {  	s24 =	sadd.s32 $0x2, s24;
	v39 =	vor.u32 s18, v55;
	[tilespmem:v32+s11+$0x0] =	vst.idx.msk $0xffff, v29;
	v24 =	vor.u32 s9, v0;
	v0 =	vld [tilespmem:$0x1FF20]  }
0x5de: {  	p2 =	slt.u32 s24, $0xE;
	v44 =	vor.u32 s19, v52;
	v45 =	vor.u32 s2, v55;
	v28 =	vld.idx.msk [tilespmem:v33+s5+$0x0], $0xffff;
	[tilespmem:v34+s11+$0x0] =	vst.idx.msk $0xffff, v30  }
.Ltmp7:
0x5df: {  	v31 =	vor.u32 s21, v11;
	v27 =	vld.idx.msk [tilespmem:v36+s5+$0x0], $0xffff;
	(pc) =	sbr.rel @p2 .LBB2_11-.Ltmp7, $4  }
0x5e0: {  	v21 =	vmovc v22;
	v22 =	vor.u32 s0, v6;
	v29 =	vor.u32 s17, v9;
	[tilespmem:v41+s11+$0x0] =	vst.idx.msk $0xffff, v35;
	v35 =	vor.u32 s0, v1;
	v33 =	vld.idx.msk [tilespmem:v37+s5+$0x0], $0xffff  }
0x5e1: {  	v36 =	vor.u32 s20, v49;
	s9 =	smov.u32 s15;
	s15 =	smov.u32 s19;
	s19 =	smov.u32 s20;
	v34 =	vld.idx.msk [tilespmem:v38+s5+$0x0], $0xffff;
	v37 =	vor.u32 s23, v1;
	v38 =	vor.u32 s20, v15;
	[tilespmem:v40+s11+$0x0] =	vst.idx.msk $0xffff, v5  }
0x5e2: {  	v32 =	vor.u32 s15, v14;
	[tilespmem:v39+s11+$0x0] =	vst.idx.msk $0xffff, v26;
	v30 =	vld.idx.msk [tilespmem:v43+s5+$0x0], $0xffff;
	v23 =	vor.u32 s7, v0;
	s7 =	smov.u32 s21;
	s21 =	smov.u32 s2;
	s2 =	smov.u32 s23  }
0x5e3: {  	v25 =	vor.u32 s9, v56;
	[tilespmem:v45+s11+$0x0] =	vst.idx.msk $0xffff, v42;
	v5 =	vld.idx.msk [tilespmem:v44+s5+$0x0], $0xffff;
	v26 =	vor.u32 s4, v0;
	s4 =	smov.u32 s17;
	s17 =	smov.u32 s18;
	s18 =	smov.u32 s0  }
0x5e4: {  	_ =	sdelay $0x3  }
0x5e5: {  	[tilespmem:v35+s11+$0x0] =	vst.idx.msk $0xffff, v33  }
0x5e6: {  	[tilespmem:v37+s11+$0x0] =	vst.idx.msk $0xffff, v34  }
0x5e7: {  	v1 =	vld [tilespmem:$0x1FC50];
	_ =	sdelay $0x4  }
0x5e8: {  	v16 =	vld.idx.msk [tilespmem:v38+s5+$0x0], $0xffff;
	v17 =	vor.u32 s23, v1  }
0x5e9: {  	v33 =	vld.idx.msk [tilespmem:v36+s5+$0x0], $0xffff;
	v45 =	vor.u32 s18, v1;
	_ =	sdelay $0x3  }
0x5ea: {  	[tilespmem:v17+s11+$0x0] =	vst.idx.msk $0xffff, v16  }
0x5eb: {  	[tilespmem:v45+s11+$0x0] =	vst.idx.msk $0xffff, v33  }
0x5ec: {  	v47 =	vor.u32 s19, v46;
	v0 =	vld [tilespmem:$0x1FC00];
	_ =	sdelay $0x1  }
0x5ed: {  	v49 =	vor.u32 s19, v13;
	_ =	sdelay $0x2  }
0x5ee: {  	v16 =	vld.idx.msk [tilespmem:v47+s5+$0x0], $0xffff;
	v51 =	vor.u32 s2, v0  }
0x5ef: {  	v61 =	vor.u32 s19, v57  }
0x5f0: {  	v33 =	vld.idx.msk [tilespmem:v49+s5+$0x0], $0xffff;
	v53 =	vor.u32 s18, v0  }
0x5f1: {  	v0 =	vor.u32 s19, v7;
	_ =	sdelay $0x1  }
0x5f2: {  	[tilespmem:v51+s11+$0x0] =	vst.idx.msk $0xffff, v16  }
0x5f3: {  	v1 =	vor.u32 s2, v12;
	v16 =	vld.idx.msk [tilespmem:v61+s5+$0x0], $0xffff  }
0x5f4: {  	v3 =	vor.u32 s19, v58;
	[tilespmem:v53+s11+$0x0] =	vst.idx.msk $0xffff, v33  }
0x5f5: {  	v2 =	vor.u32 s18, v12;
	v33 =	vld.idx.msk [tilespmem:v0+s5+$0x0], $0xffff  }
0x5f6: {  	v4 =	vor.u32 s19, v59;
	_ =	sdelay $0x1  }
0x5f7: {  	[tilespmem:v1+s11+$0x0] =	vst.idx.msk $0xffff, v16  }
0x5f8: {  	v7 =	vor.u32 s2, v55;
	v16 =	vld.idx.msk [tilespmem:v3+s5+$0x0], $0xffff  }
0x5f9: {  	[tilespmem:v2+s11+$0x0] =	vst.idx.msk $0xffff, v33  }
0x5fa: {  	v12 =	vor.u32 s18, v55;
	v33 =	vld.idx.msk [tilespmem:v4+s5+$0x0], $0xffff  }
0x5fb: {  	v32 =	vld.idx.msk [tilespmem:v32+s5+$0x0], $0xffff;
	v40 =	vor.u32 s21, v6;
	_ =	sdelay $0x1  }
0x5fc: {  	[tilespmem:v7+s11+$0x0] =	vst.idx.msk $0xffff, v16  }
0x5fd: {  	v42 =	vld [tilespmem:$0x1FD30]  }
0x5fe: {  	[tilespmem:v12+s11+$0x0] =	vst.idx.msk $0xffff, v33  }
0x5ff: {  	v13 =	vor.u32 s19, v14;
	[tilespmem:v40+s11+$0x0] =	vst.idx.msk $0xffff, v32  }
0x600: {  	v14 =	vor.u32 s19, v52;
	[tilespmem:v21+s11+$0x0] =	vst.idx.msk $0xffff, v5  }
0x601: {  	v41 =	vor.u32 s15, v54;
	v49 =	vld [tilespmem:$0x1FC10]  }
0x602: {  	v43 =	vor.u32 s15, v42;
	_ =	sdelay $0x1  }
0x603: {  	v44 =	vor.u32 s2, v6;
	v17 =	vld.idx.msk [tilespmem:v13+s5+$0x0], $0xffff  }
0x604: {  	v34 =	vld.idx.msk [tilespmem:v14+s5+$0x0], $0xffff  }
0x605: {  	v47 =	vld.idx.msk [tilespmem:v41+s5+$0x0], $0xffff;
	v51 =	vor.u32 s21, v49  }
0x606: {  	v52 =	vor.u32 s17, v49;
	v16 =	vld.idx.msk [tilespmem:v43+s5+$0x0], $0xffff;
	_ =	sdelay $0x1  }
0x607: {  	v45 =	vor.u32 s19, v54;
	[tilespmem:v44+s11+$0x0] =	vst.idx.msk $0xffff, v17  }
0x608: {  	v46 =	vor.u32 s19, v42;
	[tilespmem:v22+s11+$0x0] =	vst.idx.msk $0xffff, v34  }
0x609: {  	[tilespmem:v51+s11+$0x0] =	vst.idx.msk $0xffff, v47  }
0x60a: {  	[tilespmem:v52+s11+$0x0] =	vst.idx.msk $0xffff, v16  }
0x60b: {  	v53 =	vor.u32 s15, v10;
	v12 =	vld [tilespmem:$0x1FF30]  }
0x60c: {  	v54 =	vor.u32 s15, v63;
	v57 =	vld.idx.msk [tilespmem:v45+s5+$0x0], $0xffff;
	v58 =	vor.u32 s2, v49  }
0x60d: {  	v61 =	vor.u32 s19, v10;
	v59 =	vor.u32 s18, v49;
	v34 =	vld.idx.msk [tilespmem:v46+s5+$0x0], $0xffff  }
0x60e: {  	v63 =	vor.u32 s19, v63;
	_ =	sdelay $0x1  }
0x60f: {  	v5 =	vld.idx.msk [tilespmem:v53+s5+$0x0], $0xffff;
	v13 =	vor.u32 s21, v12  }
0x610: {  	v15 =	vor.u32 s15, v48;
	v17 =	vld.idx.msk [tilespmem:v54+s5+$0x0], $0xffff;
	[tilespmem:v58+s11+$0x0] =	vst.idx.msk $0xffff, v57;
	v14 =	vor.u32 s17, v12  }
0x611: {  	v40 =	vor.u32 s15, v60;
	[tilespmem:v59+s11+$0x0] =	vst.idx.msk $0xffff, v34;
	v33 =	vld.idx.msk [tilespmem:v61+s5+$0x0], $0xffff;
	v41 =	vor.u32 s2, v12  }
0x612: {  	v43 =	vor.u32 s19, v48;
	[tilespmem:v31+s11+$0x0] =	vst.idx.msk $0xffff, v28;
	v35 =	vld.idx.msk [tilespmem:v63+s5+$0x0], $0xffff;
	v42 =	vor.u32 s18, v12  }
0x613: {  	v24 =	vld.idx.msk [tilespmem:v24+s5+$0x0], $0xffff;
	v44 =	vor.u32 s19, v60;
	[tilespmem:v29+s11+$0x0] =	vst.idx.msk $0xffff, v27  }
0x614: {  	v52 =	vor.u32 s7, v9;
	v20 =	vld.idx.msk [tilespmem:v20+s5+$0x0], $0xffff;
	[tilespmem:v13+s11+$0x0] =	vst.idx.msk $0xffff, v5  }
0x615: {  	[tilespmem:v14+s11+$0x0] =	vst.idx.msk $0xffff, v17;
	v5 =	vld.idx.msk [tilespmem:v15+s5+$0x0], $0xffff  }
0x616: {  	v45 =	vor.u32 s21, v11;
	[tilespmem:v41+s11+$0x0] =	vst.idx.msk $0xffff, v33;
	v17 =	vld.idx.msk [tilespmem:v40+s5+$0x0], $0xffff  }
0x617: {  	v46 =	vor.u32 s17, v11;
	[tilespmem:v42+s11+$0x0] =	vst.idx.msk $0xffff, v35;
	v48 =	vld.idx.msk [tilespmem:v43+s5+$0x0], $0xffff  }
0x618: {  	v49 =	vor.u32 s2, v11;
	[tilespmem:v23+s11+$0x0] =	vst.idx.msk $0xffff, v30;
	v27 =	vld.idx.msk [tilespmem:v44+s5+$0x0], $0xffff  }
0x619: {  	v51 =	vor.u32 s18, v11;
	v54 =	vld [tilespmem:$0x1FEC0];
	[tilespmem:v52+s11+$0x0] =	vst.idx.msk $0xffff, v20  }
0x61a: {  	[tilespmem:v26+s11+$0x0] =	vst.idx.msk $0xffff, v24  }
0x61b: {  	[tilespmem:v45+s11+$0x0] =	vst.idx.msk $0xffff, v5  }
0x61c: {  	v47 =	vor.u32 s15, v50;
	[tilespmem:v46+s11+$0x0] =	vst.idx.msk $0xffff, v17  }
0x61d: {  	[tilespmem:v49+s11+$0x0] =	vst.idx.msk $0xffff, v48  }
0x61e: {  	v53 =	vor.u32 s19, v50;
	v25 =	vld.idx.msk [tilespmem:v25+s5+$0x0], $0xffff;
	[tilespmem:v51+s11+$0x0] =	vst.idx.msk $0xffff, v27  }
0x61f: {  	v57 =	vor.u32 s9, v54;
	v8 =	vld [tilespmem:$0x1FC90]  }
0x620: {  	v58 =	vor.u32 s21, v9;
	v5 =	vld.idx.msk [tilespmem:v19+s5+$0x0], $0xffff  }
0x621: {  	v59 =	vor.u32 s17, v9;
	v17 =	vld.idx.msk [tilespmem:v47+s5+$0x0], $0xffff  }
0x622: {  	v27 =	vor.u32 s2, v9;
	v18 =	vld.idx.msk [tilespmem:v18+s5+$0x0], $0xffff  }
0x623: {  	v0 =	vor.u32 s18, v9;
	v63 =	vld.idx.msk [tilespmem:v53+s5+$0x0], $0xffff  }
0x624: {  	v24 =	vld.idx.msk [tilespmem:v57+s5+$0x0], $0xffff;
	v26 =	vor.u32 s7, v8  }
0x625: {  	v60 =	vor.u32 s15, v54;
	v35 =	vld [tilespmem:$0x1FED0];
	v12 =	vor.u32 s4, v8;
	[tilespmem:v58+s11+$0x0] =	vst.idx.msk $0xffff, v5  }
0x626: {  	v14 =	vld [tilespmem:$0x1FDF0];
	[tilespmem:v59+s11+$0x0] =	vst.idx.msk $0xffff, v17  }
0x627: {  	v61 =	vor.u32 s15, v56;
	[tilespmem:v27+s11+$0x0] =	vst.idx.msk $0xffff, v18  }
0x628: {  	v1 =	vor.u32 s19, v54;
	[tilespmem:v0+s11+$0x0] =	vst.idx.msk $0xffff, v63  }
0x629: {  	v2 =	vor.u32 s19, v56;
	[tilespmem:v26+s11+$0x0] =	vst.idx.msk $0xffff, v24  }
0x62a: {  	v13 =	vor.u32 s9, v35;
	v33 =	vor.u32 s21, v8;
	v16 =	vld.idx.msk [tilespmem:v60+s5+$0x0], $0xffff;
	[tilespmem:v12+s11+$0x0] =	vst.idx.msk $0xffff, v25  }
0x62b: {  	v34 =	vor.u32 s17, v8;
	v39 =	vor.u32 s2, v8;
	v26 =	vor.u32 s18, v8;
	v8 =	vld [tilespmem:$0x1FCA0]  }
0x62c: {  	v19 =	vld.idx.msk [tilespmem:v61+s5+$0x0], $0xffff;
	v32 =	vor.u32 s9, v14  }
0x62d: {  	v38 =	vld.idx.msk [tilespmem:v1+s5+$0x0], $0xffff  }
0x62e: {  	v24 =	vld.idx.msk [tilespmem:v2+s5+$0x0], $0xffff  }
0x62f: {  	v40 =	vld.idx.msk [tilespmem:v13+s5+$0x0], $0xffff  }
0x630: {  	v4 =	vld [tilespmem:$0x1FEE0];
	v25 =	vor.u32 s7, v8  }
0x631: {  	[tilespmem:v33+s11+$0x0] =	vst.idx.msk $0xffff, v16;
	v5 =	vld.idx.msk [tilespmem:v32+s5+$0x0], $0xffff;
	v42 =	vor.u32 s4, v8  }
0x632: {  	v2 =	vld [tilespmem:$0x1FE00];
	[tilespmem:v34+s11+$0x0] =	vst.idx.msk $0xffff, v19  }
0x633: {  	v36 =	vor.u32 s15, v35;
	[tilespmem:v39+s11+$0x0] =	vst.idx.msk $0xffff, v38  }
0x634: {  	v37 =	vor.u32 s15, v14;
	[tilespmem:v26+s11+$0x0] =	vst.idx.msk $0xffff, v24  }
0x635: {  	v27 =	vor.u32 s19, v35;
	[tilespmem:v25+s11+$0x0] =	vst.idx.msk $0xffff, v40  }
0x636: {  	v41 =	vor.u32 s19, v14;
	[tilespmem:v42+s11+$0x0] =	vst.idx.msk $0xffff, v5  }
0x637: {  	v43 =	vor.u32 s9, v4;
	v51 =	vld [tilespmem:$0x1FF20]  }
0x638: {  	v46 =	vld.idx.msk [tilespmem:v36+s5+$0x0], $0xffff;
	v45 =	vor.u32 s21, v8;
	v44 =	vor.u32 s9, v2  }
0x639: {  	v18 =	vld.idx.msk [tilespmem:v37+s5+$0x0], $0xffff;
	v47 =	vor.u32 s17, v8;
	v48 =	vor.u32 s15, v4  }
0x63a: {  	v24 =	vld.idx.msk [tilespmem:v27+s5+$0x0], $0xffff;
	v50 =	vor.u32 s2, v8;
	v49 =	vor.u32 s15, v2  }
0x63b: {  	v26 =	vor.u32 s18, v8;
	v27 =	vor.u32 s19, v4;
	v25 =	vld.idx.msk [tilespmem:v41+s5+$0x0], $0xffff  }
0x63c: {  	v53 =	vor.u32 s19, v2;
	v28 =	vld.idx.msk [tilespmem:v43+s5+$0x0], $0xffff;
	v52 =	vor.u32 s7, v51  }
0x63d: {  	v16 =	vld.idx.msk [tilespmem:v44+s5+$0x0], $0xffff;
	[tilespmem:v45+s11+$0x0] =	vst.idx.msk $0xffff, v46;
	v54 =	vor.u32 s4, v51  }
0x63e: {  	[tilespmem:v47+s11+$0x0] =	vst.idx.msk $0xffff, v18;
	v57 =	vld.idx.msk [tilespmem:v48+s5+$0x0], $0xffff;
	v56 =	vor.u32 s21, v51  }
0x63f: {  	[tilespmem:v50+s11+$0x0] =	vst.idx.msk $0xffff, v24;
	v20 =	vld.idx.msk [tilespmem:v49+s5+$0x0], $0xffff;
	v58 =	vor.u32 s17, v51  }
0x640: {  	v60 =	vld.idx.msk [tilespmem:v27+s5+$0x0], $0xffff;
	[tilespmem:v26+s11+$0x0] =	vst.idx.msk $0xffff, v25;
	v59 =	vor.u32 s2, v51  }
0x641: {  	v61 =	vor.u32 s18, v51;
	v63 =	vld.idx.msk [tilespmem:v53+s5+$0x0], $0xffff;
	[tilespmem:v52+s11+$0x0] =	vst.idx.msk $0xffff, v28  }
0x642: {  	[tilespmem:v54+s11+$0x0] =	vst.idx.msk $0xffff, v16  }
0x643: {  	[tilespmem:v56+s11+$0x0] =	vst.idx.msk $0xffff, v57  }
0x644: {  	[tilespmem:v58+s11+$0x0] =	vst.idx.msk $0xffff, v20  }
0x645: {  	[tilespmem:v59+s11+$0x0] =	vst.idx.msk $0xffff, v60  }
0x646: {  	[tilespmem:v61+s11+$0x0] =	vst.idx.msk $0xffff, v63  }
0x647: {  	s0 =	rddreg [dreg:$0x13]  }
0x648: {  	[hbm4b:s0+s5] =	stream.linear.scatter [tilespmem:s11], [sflag:$0x5], $0x1000, $0x38;
	[tilespmem:$0x1C000] =	vst v63  }
0x649: {  	_ =	swait.ge [sflag:s6], $0x1000  }
0x64a: {  	v57 =	vld [tilespmem:$0x1FF00]  }
.Ltmp8:
0x64b: {  	v58 =	vld [tilespmem:$0x1FF80];
	(pc) =	sbr.rel .LBB2_13-.Ltmp8, $4  }
0x64c: {  	v36 =	vld [tilespmem:$0x1FFA0]  }
0x64d: {  	v46 =	vld [tilespmem:$0x1FF50]  }
0x64e: {  	[sflag:s6] =	ssyncset.done $0x0;
	v24 =	vld [tilespmem:$0x1FFE0]  }
0x64f: {  	v49 =	vmov v6;
	v56 =	vmov v55;
	s7 =	rddreg [dreg:$0x18];
	v52 =	vld [tilespmem:$0x1FF60];
	[sflag:s6] =	ssyncadd.s32 $0xFFFFF000  }
.LBB2_14:
0x650: {  	_ =	sfence.sel $0x180000  }
0x651: {  	[bflag:$0x0] =	sbarrier.arrive $0xFFFF  }
0x652: {  	_ =	strace $0x90000047  }
0x653: {  	s0 =	stileid.u32;
	[bflag:$0x2] =	sbarrier.arrive $0xFFFF  }
0x654: {  	p0 =	sne.s32 s0, $0x0;
	s0 =	rddreg [dreg:$0x3]  }
0x655: {  	s0 =	sadd.s32 @!p0 $0x100000, s0  }
0x656: {  	[sflag:s0] =	ssyncadd.tile.s32 @!p0 $0x1;
	_ =	shalt  }
.Lfunc_end2:
_tile_overlayer_lowered:
.L_overlay_start_2:
0x657: {  	(tag) =	ssettag $0x2  }
0x658: {  	s0 =	rddreg [dreg:$0x0];
	s2 =	stileid.u32  }
0x659: {  	s1 =	rddreg [dreg:$0x1];
	p0 =	sne.s32 s2, $0x0  }
0x65a: {  	s3 =	rddreg [dreg:$0x2];
	[bflag:$0x3] =	sbarrier.arrive $0xFFFF;
	s2 =	simm.s32 @!p0 $0x1C05  }
0x65b: {  	[timem:s3], [sflag:s2] =	dma.local @!p0 [hbm:s0], s1  }
0x65c: {  	s0 =	simm.s32 @!p0 $0x5  }
0x65d: {  	_ =	swait.ge @!p0 [sflag:s0], s1  }
0x65e: {  	s1 =	ssub.s32 @!p0 $0x0, s1;
	[sflag:s0] =	ssyncset.done @!p0 $0x0  }
0x65f: {  	[sflag:s0] =	ssyncadd.s32 @!p0 s1  }
0x660: {  	[bflag:$0x3] =	sbarrier.arrive $0xFFFF  }
0x661: {  	_ =	shalt  }

</sc_bundles>
